<compile_context>
chip_gen: v7x
topology: tpu7x:2x2x1
jax: 0.10.2.dev20260603
libtpu: 0.0.44.dev20260713+nightly
codegen_flags: <defaults>
</compile_context>

<pallas_src>
import jax
import jax.numpy as jnp
from jax import lax
from jax.experimental import pallas as pl
from jax.experimental.pallas import tpu as pltpu
from jax.experimental.pallas import tpu_sc as plsc

NUM_EXPERTS = 64
TOPK = 2
TOKENS = 16384
HIDDEN = 2048
BLOCK_T = 1024

_INFO = plsc.get_sparse_core_info()
_NC = _INFO.num_cores
_NS = _INFO.num_subcores
_NW = _NC * _NS
_L = _INFO.num_lanes
TOK_PER_W = TOKENS // _NW


def _matmul_body(x_ref, w_ref, lt_ref):
    lt_ref[...] = lax.dot_general(
        w_ref[...], x_ref[...],
        dimension_numbers=(((1,), (1,)), ((), ())),
        preferred_element_type=jnp.float32,
    )


def _tc_logits_t(x, W):
    n_tok = x.shape[0]
    return pl.pallas_call(
        _matmul_body,
        grid=(n_tok // BLOCK_T,),
        in_specs=[
            pl.BlockSpec((BLOCK_T, HIDDEN), lambda i: (i, 0)),
            pl.BlockSpec((NUM_EXPERTS, HIDDEN), lambda i: (0, 0)),
        ],
        out_specs=pl.BlockSpec((NUM_EXPERTS, BLOCK_T), lambda i: (0, i)),
        out_shape=jax.ShapeDtypeStruct((NUM_EXPERTS, n_tok), jnp.float32),
    )(x, W)


_Q1 = TOK_PER_W // 4
_Q2 = TOK_PER_W - _Q1


def _sc_router_body(lt_hbm, s_hbm, i_hbm, lg0_v, lg1_v, s_v, i_v, sem0, sem1):
    wid = lax.axis_index("s") * _NC + lax.axis_index("c")
    base = wid * TOK_PER_W
    cp0 = pltpu.async_copy(lt_hbm.at[:, pl.ds(base, _Q1)], lg0_v, sem0)
    cp1 = pltpu.async_copy(lt_hbm.at[:, pl.ds(base + _Q1, _Q2)], lg1_v, sem1)

    def make_group(lg_v, off):
        def _group(g):
            col = pl.ds(g * _L, _L)
            ocol = pl.ds(off + g * _L, _L)
            m1 = lg_v[0, col]
            i1 = jnp.zeros((_L,), jnp.int32)
            m2 = jnp.full((_L,), -jnp.inf, jnp.float32)
            i2 = jnp.zeros((_L,), jnp.int32)
            for e in range(1, NUM_EXPERTS):
                v = lg_v[e, col]
                ev = jnp.full((_L,), e, jnp.int32)
                gt1 = v > m1
                gt2 = v > m2
                i2 = jnp.where(gt1, i1, jnp.where(gt2, ev, i2))
                m2 = jnp.where(gt1, m1, jnp.where(gt2, v, m2))
                i1 = jnp.where(gt1, ev, i1)
                m1 = jnp.where(gt1, v, m1)
            e2 = jnp.exp(m2 - m1)
            rden = 1.0 / (1.0 + e2)
            s_v[0, ocol] = rden
            s_v[1, ocol] = e2 * rden
            i_v[0, ocol] = i1
            i_v[1, ocol] = i2
        return _group

    cp0.wait()
    plsc.parallel_loop(0, _Q1 // _L, 1, unroll=2)(make_group(lg0_v, 0))
    cp1.wait()
    plsc.parallel_loop(0, _Q2 // _L, 1, unroll=2)(make_group(lg1_v, _Q1))

    pltpu.sync_copy(s_v, s_hbm.at[:, pl.ds(base, TOK_PER_W)])
    pltpu.sync_copy(i_v, i_hbm.at[:, pl.ds(base, TOK_PER_W)])


def _sc_router(lt):
    n_tok = lt.shape[1]
    run = pl.kernel(
        _sc_router_body,
        mesh=plsc.VectorSubcoreMesh(core_axis_name="c", subcore_axis_name="s"),
        out_type=[
            jax.ShapeDtypeStruct((TOPK, n_tok), jnp.float32),
            jax.ShapeDtypeStruct((TOPK, n_tok), jnp.int32),
        ],
        scratch_types=[
            pltpu.VMEM((NUM_EXPERTS, _Q1), jnp.float32),
            pltpu.VMEM((NUM_EXPERTS, _Q2), jnp.float32),
            pltpu.VMEM((TOPK, TOK_PER_W), jnp.float32),
            pltpu.VMEM((TOPK, TOK_PER_W), jnp.int32),
            pltpu.SemaphoreType.DMA,
            pltpu.SemaphoreType.DMA,
        ],
    )
    return run(lt)


@jax.jit
def kernel(input, W):
    lt = _tc_logits_t(input, W)
    s, i = _sc_router(lt)
    return s.T, i.T

# --- scband reference (transcript-rebuilt; emitter-appended) ---
"""Pipeline reference for scband-top-krouter-29600914604180 (READ-ONLY COPY).

The authoritative reference and input builder live on the scoring server;
editing this copy changes nothing except your own understanding.
"""

import jax, jax.numpy as jnp
import numpy as np

NUM_EXPERTS = 64
TOPK = 2
HIDDEN = 2048
TOKENS = 16384


def setup_inputs(seed: int = 0) -> dict:
    key = jax.random.key(seed)
    k1, k2 = jax.random.split(key)
    x = jax.random.normal(k1, (TOKENS, HIDDEN), dtype=jnp.float32)
    # router linear weight, bias=False, shape [num_experts, hidden] (torch nn.Linear layout)
    W = jax.random.normal(k2, (NUM_EXPERTS, HIDDEN), dtype=jnp.float32) * (1.0 / np.sqrt(HIDDEN))
    return {"input": x, "W": W}


def reference(input, W):
    # gating: logits = Linear(input)  (no bias)
    logits = input @ W.T
    logits = logits.reshape(-1, NUM_EXPERTS)
    # aux_loss load balancing: topk then softmax over the top-k logits (in fp32)
    top_logits, indices = jax.lax.top_k(logits, TOPK)
    scores = jax.nn.softmax(top_logits.astype(jnp.float32), axis=-1).astype(logits.dtype)
    return (scores, indices)

if __name__ == "__main__":
    import jax
    _d = setup_inputs()
    print(jax.jit(kernel)(*tuple(_d.values())))

</pallas_src>

<mosaic_0001>
#map = affine_map<(d0, d1) -> (0, 0)>
module attributes {stable_mosaic.version = 14 : i64} {
  func.func @_sc_router_body(%arg0: i32, %arg1: i32, %arg2: memref<64x16384xf32, #tpu.memory_space<hbm>>, %arg3: memref<2x16384xf32, #tpu.memory_space<hbm>>, %arg4: memref<2x16384xi32, #tpu.memory_space<hbm>>, %arg5: memref<64x128xf32, #tpu.memory_space<vmem>>, %arg6: memref<64x384xf32, #tpu.memory_space<vmem>>, %arg7: memref<2x512xf32, #tpu.memory_space<vmem>>, %arg8: memref<2x512xi32, #tpu.memory_space<vmem>>, %arg9: memref<!tpu.dma_semaphore, #tpu.memory_space<semaphore_mem>>, %arg10: memref<!tpu.dma_semaphore, #tpu.memory_space<semaphore_mem>>) attributes {dimension_semantics = [#tpu.dimension_semantics<core_parallel>, #tpu.dimension_semantics<subcore_parallel>], iteration_bounds = array<i64: 2, 16>, scalar_prefetch = 0 : i64, scratch_operands = 6 : i64, tpu.core_type = #tpu.core_type<sc_vector_subcore>, window_params = [{transform_indices = #map}, {transform_indices = #map}, {transform_indices = #map}]} {
    %mul3A = arith.constant 2 : i32
    %mul3A_0 = arith.muli %arg1, %mul3A : i32
    %add3A = arith.addi %mul3A_0, %arg0 : i32
    %mul3A_1 = arith.constant 512 : i32
    %mul3A_2 = arith.muli %add3A, %mul3A_1 : i32
    %dma_start3A = arith.constant 0 : i32
    %dma_start3A_3 = tpu.memref_slice %arg2[%dma_start3A, %mul3A_2] : memref<64x16384xf32, #tpu.memory_space<hbm>> -> memref<64x128xf32, #tpu.memory_space<hbm>>
    %dma_start3A_4 = arith.constant 0 : i32
    %dma_start3A_5 = tpu.memref_slice %arg2[%dma_start3A_4, %mul3A_2] : memref<64x16384xf32, #tpu.memory_space<hbm>> -> memref<64x128xf32, #tpu.memory_space<hbm>>
    tpu.enqueue_dma source(%dma_start3A_5 : memref<64x128xf32, #tpu.memory_space<hbm>>) target(%arg5 : memref<64x128xf32, #tpu.memory_space<vmem>>) target_semaphore(%arg9 : memref<!tpu.dma_semaphore, #tpu.memory_space<semaphore_mem>>)
    %add3A_6 = arith.constant 128 : i32
    %add3A_7 = arith.addi %mul3A_2, %add3A_6 : i32
    %dma_start3A_8 = arith.constant 0 : i32
    %dma_start3A_9 = tpu.memref_slice %arg2[%dma_start3A_8, %add3A_7] : memref<64x16384xf32, #tpu.memory_space<hbm>> -> memref<64x384xf32, #tpu.memory_space<hbm>>
    %dma_start3A_10 = arith.constant 0 : i32
    %dma_start3A_11 = tpu.memref_slice %arg2[%dma_start3A_10, %add3A_7] : memref<64x16384xf32, #tpu.memory_space<hbm>> -> memref<64x384xf32, #tpu.memory_space<hbm>>
    tpu.enqueue_dma source(%dma_start3A_11 : memref<64x384xf32, #tpu.memory_space<hbm>>) target(%arg6 : memref<64x384xf32, #tpu.memory_space<vmem>>) target_semaphore(%arg10 : memref<!tpu.dma_semaphore, #tpu.memory_space<semaphore_mem>>)
    %dma_wait3A = arith.constant 0 : i32
    %dma_wait3A_12 = tpu.memref_slice %arg2[%dma_wait3A, %mul3A_2] : memref<64x16384xf32, #tpu.memory_space<hbm>> -> memref<64x128xf32, #tpu.memory_space<hbm>>
    %dma_wait3A_13 = arith.constant 0 : i32
    %dma_wait3A_14 = tpu.memref_slice %arg2[%dma_wait3A_13, %mul3A_2] : memref<64x16384xf32, #tpu.memory_space<hbm>> -> memref<64x128xf32, #tpu.memory_space<hbm>>
    tpu.wait_dma2 semaphore(%arg9 : memref<!tpu.dma_semaphore, #tpu.memory_space<semaphore_mem>>) src(%dma_wait3A_14 : memref<64x128xf32, #tpu.memory_space<hbm>>) dst(%arg5 : memref<64x128xf32, #tpu.memory_space<vmem>>)
    %parallel_loop3A = arith.constant 0 : i32
    %parallel_loop3A_15 = arith.constant 8 : i32
    %parallel_loop3A_16 = arith.constant 1 : i32
    scf.for %parallel_loop3A_24 = %parallel_loop3A to %parallel_loop3A_15 step %parallel_loop3A_16  : i32 {
      %parallel_loop3A_25 = arith.constant 16 : i32
      %parallel_loop3A_26 = arith.muli %parallel_loop3A_24, %parallel_loop3A_25 : i32
      %parallel_loop3A_27 = arith.constant 16 : i32
      %parallel_loop3A_28 = arith.muli %parallel_loop3A_24, %parallel_loop3A_27 : i32
      %parallel_loop3A_29 = arith.constant 0 : i32
      %parallel_loop3A_30 = arith.addi %parallel_loop3A_29, %parallel_loop3A_28 : i32
      %parallel_loop3A_31 = arith.constant 0 : i32
      %parallel_loop3A_32 = arith.index_cast %parallel_loop3A_31 : i32 to index
      %parallel_loop3A_33 = arith.index_cast %parallel_loop3A_26 : i32 to index
      %parallel_loop3A_34 = tpu.vector_load %arg5[%parallel_loop3A_32, %parallel_loop3A_33] {strides = array<i32>} : memref<64x128xf32, #tpu.memory_space<vmem>>, vector<1x16xf32>,
      %parallel_loop3A_35 = vector.shape_cast %parallel_loop3A_34 : vector<1x16xf32> to vector<16xf32>
      %parallel_loop3A_36 = arith.constant 0 : i32
      %parallel_loop3A_37 = vector.broadcast %parallel_loop3A_36 : i32 to vector<16xi32>
      %parallel_loop3A_38 = arith.constant 0xFF800000 : f32
      %parallel_loop3A_39 = vector.broadcast %parallel_loop3A_38 : f32 to vector<16xf32>
      %parallel_loop3A_40 = arith.constant 0 : i32
      %parallel_loop3A_41 = vector.broadcast %parallel_loop3A_40 : i32 to vector<16xi32>
      %parallel_loop3A_42 = arith.constant 1 : i32
      %parallel_loop3A_43 = arith.index_cast %parallel_loop3A_42 : i32 to index
      %parallel_loop3A_44 = arith.index_cast %parallel_loop3A_26 : i32 to index
      %parallel_loop3A_45 = tpu.vector_load %arg5[%parallel_loop3A_43, %parallel_loop3A_44] {strides = array<i32>} : memref<64x128xf32, #tpu.memory_space<vmem>>, vector<1x16xf32>,
      %parallel_loop3A_46 = vector.shape_cast %parallel_loop3A_45 : vector<1x16xf32> to vector<16xf32>
      %parallel_loop3A_47 = arith.constant 1 : i32
      %parallel_loop3A_48 = vector.broadcast %parallel_loop3A_47 : i32 to vector<16xi32>
      %parallel_loop3A_49 = arith.cmpf ogt, %parallel_loop3A_46, %parallel_loop3A_35 : vector<16xf32>
      %parallel_loop3A_50 = arith.cmpf ogt, %parallel_loop3A_46, %parallel_loop3A_39 : vector<16xf32>
      %parallel_loop3A_51 = arith.select %parallel_loop3A_50, %parallel_loop3A_48, %parallel_loop3A_41 : vector<16xi1>, vector<16xi32>
      %parallel_loop3A_52 = arith.select %parallel_loop3A_49, %parallel_loop3A_37, %parallel_loop3A_51 : vector<16xi1>, vector<16xi32>
      %parallel_loop3A_53 = arith.select %parallel_loop3A_50, %parallel_loop3A_46, %parallel_loop3A_39 : vector<16xi1>, vector<16xf32>
      %parallel_loop3A_54 = arith.select %parallel_loop3A_49, %parallel_loop3A_35, %parallel_loop3A_53 : vector<16xi1>, vector<16xf32>
      %parallel_loop3A_55 = arith.select %parallel_loop3A_49, %parallel_loop3A_48, %parallel_loop3A_37 : vector<16xi1>, vector<16xi32>
      %parallel_loop3A_56 = arith.select %parallel_loop3A_49, %parallel_loop3A_46, %parallel_loop3A_35 : vector<16xi1>, vector<16xf32>
      %parallel_loop3A_57 = arith.constant 2 : i32
      %parallel_loop3A_58 = arith.index_cast %parallel_loop3A_57 : i32 to index
      %parallel_loop3A_59 = arith.index_cast %parallel_loop3A_26 : i32 to index
      %parallel_loop3A_60 = tpu.vector_load %arg5[%parallel_loop3A_58, %parallel_loop3A_59] {strides = array<i32>} : memref<64x128xf32, #tpu.memory_space<vmem>>, vector<1x16xf32>,
      %parallel_loop3A_61 = vector.shape_cast %parallel_loop3A_60 : vector<1x16xf32> to vector<16xf32>
      %parallel_loop3A_62 = arith.constant 2 : i32
      %parallel_loop3A_63 = vector.broadcast %parallel_loop3A_62 : i32 to vector<16xi32>
      %parallel_loop3A_64 = arith.cmpf ogt, %parallel_loop3A_61, %parallel_loop3A_56 : vector<16xf32>
      %parallel_loop3A_65 = arith.cmpf ogt, %parallel_loop3A_61, %parallel_loop3A_54 : vector<16xf32>
      %parallel_loop3A_66 = arith.select %parallel_loop3A_65, %parallel_loop3A_63, %parallel_loop3A_52 : vector<16xi1>, vector<16xi32>
      %parallel_loop3A_67 = arith.select %parallel_loop3A_64, %parallel_loop3A_55, %parallel_loop3A_66 : vector<16xi1>, vector<16xi32>
      %parallel_loop3A_68 = arith.select %parallel_loop3A_65, %parallel_loop3A_61, %parallel_loop3A_54 : vector<16xi1>, vector<16xf32>
      %parallel_loop3A_69 = arith.select %parallel_loop3A_64, %parallel_loop3A_56, %parallel_loop3A_68 : vector<16xi1>, vector<16xf32>
      %parallel_loop3A_70 = arith.select %parallel_loop3A_64, %parallel_loop3A_63, %parallel_loop3A_55 : vector<16xi1>, vector<16xi32>
      %parallel_loop3A_71 = arith.select %parallel_loop3A_64, %parallel_loop3A_61, %parallel_loop3A_56 : vector<16xi1>, vector<16xf32>
      %parallel_loop3A_72 = arith.constant 3 : i32
      %parallel_loop3A_73 = arith.index_cast %parallel_loop3A_72 : i32 to index
      %parallel_loop3A_74 = arith.index_cast %parallel_loop3A_26 : i32 to index
      %parallel_loop3A_75 = tpu.vector_load %arg5[%parallel_loop3A_73, %parallel_loop3A_74] {strides = array<i32>} : memref<64x128xf32, #tpu.memory_space<vmem>>, vector<1x16xf32>,
      %parallel_loop3A_76 = vector.shape_cast %parallel_loop3A_75 : vector<1x16xf32> to vector<16xf32>
      %parallel_loop3A_77 = arith.constant 3 : i32
      %parallel_loop3A_78 = vector.broadcast %parallel_loop3A_77 : i32 to vector<16xi32>
      %parallel_loop3A_79 = arith.cmpf ogt, %parallel_loop3A_76, %parallel_loop3A_71 : vector<16xf32>
      %parallel_loop3A_80 = arith.cmpf ogt, %parallel_loop3A_76, %parallel_loop3A_69 : vector<16xf32>
      %parallel_loop3A_81 = arith.select %parallel_loop3A_80, %parallel_loop3A_78, %parallel_loop3A_67 : vector<16xi1>, vector<16xi32>
      %parallel_loop3A_82 = arith.select %parallel_loop3A_79, %parallel_loop3A_70, %parallel_loop3A_81 : vector<16xi1>, vector<16xi32>
      %parallel_loop3A_83 = arith.select %parallel_loop3A_80, %parallel_loop3A_76, %parallel_loop3A_69 : vector<16xi1>, vector<16xf32>
      %parallel_loop3A_84 = arith.select %parallel_loop3A_79, %parallel_loop3A_71, %parallel_loop3A_83 : vector<16xi1>, vector<16xf32>
      %parallel_loop3A_85 = arith.select %parallel_loop3A_79, %parallel_loop3A_78, %parallel_loop3A_70 : vector<16xi1>, vector<16xi32>
      %parallel_loop3A_86 = arith.select %parallel_loop3A_79, %parallel_loop3A_76, %parallel_loop3A_71 : vector<16xi1>, vector<16xf32>
      %parallel_loop3A_87 = arith.constant 4 : i32
      %parallel_loop3A_88 = arith.index_cast %parallel_loop3A_87 : i32 to index
      %parallel_loop3A_89 = arith.index_cast %parallel_loop3A_26 : i32 to index
      %parallel_loop3A_90 = tpu.vector_load %arg5[%parallel_loop3A_88, %parallel_loop3A_89] {strides = array<i32>} : memref<64x128xf32, #tpu.memory_space<vmem>>, vector<1x16xf32>,
      %parallel_loop3A_91 = vector.shape_cast %parallel_loop3A_90 : vector<1x16xf32> to vector<16xf32>
      %parallel_loop3A_92 = arith.constant 4 : i32
      %parallel_loop3A_93 = vector.broadcast %parallel_loop3A_92 : i32 to vector<16xi32>
      %parallel_loop3A_94 = arith.cmpf ogt, %parallel_loop3A_91, %parallel_loop3A_86 : vector<16xf32>
      %parallel_loop3A_95 = arith.cmpf ogt, %parallel_loop3A_91, %parallel_loop3A_84 : vector<16xf32>
      %parallel_loop3A_96 = arith.select %parallel_loop3A_95, %parallel_loop3A_93, %parallel_loop3A_82 : vector<16xi1>, vector<16xi32>
      %parallel_loop3A_97 = arith.select %parallel_loop3A_94, %parallel_loop3A_85, %parallel_loop3A_96 : vector<16xi1>, vector<16xi32>
      %parallel_loop3A_98 = arith.select %parallel_loop3A_95, %parallel_loop3A_91, %parallel_loop3A_84 : vector<16xi1>, vector<16xf32>
      %parallel_loop3A_99 = arith.select %parallel_loop3A_94, %parallel_loop3A_86, %parallel_loop3A_98 : vector<16xi1>, vector<16xf32>
      %parallel_loop3A_100 = arith.select %parallel_loop3A_94, %parallel_loop3A_93, %parallel_loop3A_85 : vector<16xi1>, vector<16xi32>
      %parallel_loop3A_101 = arith.select %parallel_loop3A_94, %parallel_loop3A_91, %parallel_loop3A_86 : vector<16xi1>, vector<16xf32>
      %parallel_loop3A_102 = arith.constant 5 : i32
      %parallel_loop3A_103 = arith.index_cast %parallel_loop3A_102 : i32 to index
      %parallel_loop3A_104 = arith.index_cast %parallel_loop3A_26 : i32 to index
      %parallel_loop3A_105 = tpu.vector_load %arg5[%parallel_loop3A_103, %parallel_loop3A_104] {strides = array<i32>} : memref<64x128xf32, #tpu.memory_space<vmem>>, vector<1x16xf32>,
      %parallel_loop3A_106 = vector.shape_cast %parallel_loop3A_105 : vector<1x16xf32> to vector<16xf32>
      %parallel_loop3A_107 = arith.constant 5 : i32
      %parallel_loop3A_108 = vector.broadcast %parallel_loop3A_107 : i32 to vector<16xi32>
      %parallel_loop3A_109 = arith.cmpf ogt, %parallel_loop3A_106, %parallel_loop3A_101 : vector<16xf32>
      %parallel_loop3A_110 = arith.cmpf ogt, %parallel_loop3A_106, %parallel_loop3A_99 : vector<16xf32>
      %parallel_loop3A_111 = arith.select %parallel_loop3A_110, %parallel_loop3A_108, %parallel_loop3A_97 : vector<16xi1>, vector<16xi32>
      %parallel_loop3A_112 = arith.select %parallel_loop3A_109, %parallel_loop3A_100, %parallel_loop3A_111 : vector<16xi1>, vector<16xi32>
      %parallel_loop3A_113 = arith.select %parallel_loop3A_110, %parallel_loop3A_106, %parallel_loop3A_99 : vector<16xi1>, vector<16xf32>
      %parallel_loop3A_114 = arith.select %parallel_loop3A_109, %parallel_loop3A_101, %parallel_loop3A_113 : vector<16xi1>, vector<16xf32>
      %parallel_loop3A_115 = arith.select %parallel_loop3A_109, %parallel_loop3A_108, %parallel_loop3A_100 : vector<16xi1>, vector<16xi32>
      %parallel_loop3A_116 = arith.select %parallel_loop3A_109, %parallel_loop3A_106, %parallel_loop3A_101 : vector<16xi1>, vector<16xf32>
      %parallel_loop3A_117 = arith.constant 6 : i32
      %parallel_loop3A_118 = arith.index_cast %parallel_loop3A_117 : i32 to index
      %parallel_loop3A_119 = arith.index_cast %parallel_loop3A_26 : i32 to index
      %parallel_loop3A_120 = tpu.vector_load %arg5[%parallel_loop3A_118, %parallel_loop3A_119] {strides = array<i32>} : memref<64x128xf32, #tpu.memory_space<vmem>>, vector<1x16xf32>,
      %parallel_loop3A_121 = vector.shape_cast %parallel_loop3A_120 : vector<1x16xf32> to vector<16xf32>
      %parallel_loop3A_122 = arith.constant 6 : i32
      %parallel_loop3A_123 = vector.broadcast %parallel_loop3A_122 : i32 to vector<16xi32>
      %parallel_loop3A_124 = arith.cmpf ogt, %parallel_loop3A_121, %parallel_loop3A_116 : vector<16xf32>
      %parallel_loop3A_125 = arith.cmpf ogt, %parallel_loop3A_121, %parallel_loop3A_114 : vector<16xf32>
      %parallel_loop3A_126 = arith.select %parallel_loop3A_125, %parallel_loop3A_123, %parallel_loop3A_112 : vector<16xi1>, vector<16xi32>
      %parallel_loop3A_127 = arith.select %parallel_loop3A_124, %parallel_loop3A_115, %parallel_loop3A_126 : vector<16xi1>, vector<16xi32>
      %parallel_loop3A_128 = arith.select %parallel_loop3A_125, %parallel_loop3A_121, %parallel_loop3A_114 : vector<16xi1>, vector<16xf32>
      %parallel_loop3A_129 = arith.select %parallel_loop3A_124, %parallel_loop3A_116, %parallel_loop3A_128 : vector<16xi1>, vector<16xf32>
      %parallel_loop3A_130 = arith.select %parallel_loop3A_124, %parallel_loop3A_123, %parallel_loop3A_115 : vector<16xi1>, vector<16xi32>
      %parallel_loop3A_131 = arith.select %parallel_loop3A_124, %parallel_loop3A_121, %parallel_loop3A_116 : vector<16xi1>, vector<16xf32>
      %parallel_loop3A_132 = arith.constant 7 : i32
      %parallel_loop3A_133 = arith.index_cast %parallel_loop3A_132 : i32 to index
      %parallel_loop3A_134 = arith.index_cast %parallel_loop3A_26 : i32 to index
      %parallel_loop3A_135 = tpu.vector_load %arg5[%parallel_loop3A_133, %parallel_loop3A_134] {strides = array<i32>} : memref<64x128xf32, #tpu.memory_space<vmem>>, vector<1x16xf32>,
      %parallel_loop3A_136 = vector.shape_cast %parallel_loop3A_135 : vector<1x16xf32> to vector<16xf32>
      %parallel_loop3A_137 = arith.constant 7 : i32
      %parallel_loop3A_138 = vector.broadcast %parallel_loop3A_137 : i32 to vector<16xi32>
      %parallel_loop3A_139 = arith.cmpf ogt, %parallel_loop3A_136, %parallel_loop3A_131 : vector<16xf32>
      %parallel_loop3A_140 = arith.cmpf ogt, %parallel_loop3A_136, %parallel_loop3A_129 : vector<16xf32>
      %parallel_loop3A_141 = arith.select %parallel_loop3A_140, %parallel_loop3A_138, %parallel_loop3A_127 : vector<16xi1>, vector<16xi32>
      %parallel_loop3A_142 = arith.select %parallel_loop3A_139, %parallel_loop3A_130, %parallel_loop3A_141 : vector<16xi1>, vector<16xi32>
      %parallel_loop3A_143 = arith.select %parallel_loop3A_140, %parallel_loop3A_136, %parallel_loop3A_129 : vector<16xi1>, vector<16xf32>
      %parallel_loop3A_144 = arith.select %parallel_loop3A_139, %parallel_loop3A_131, %parallel_loop3A_143 : vector<16xi1>, vector<16xf32>
      %parallel_loop3A_145 = arith.select %parallel_loop3A_139, %parallel_loop3A_138, %parallel_loop3A_130 : vector<16xi1>, vector<16xi32>
      %parallel_loop3A_146 = arith.select %parallel_loop3A_139, %parallel_loop3A_136, %parallel_loop3A_131 : vector<16xi1>, vector<16xf32>
      %parallel_loop3A_147 = arith.constant 8 : i32
      %parallel_loop3A_148 = arith.index_cast %parallel_loop3A_147 : i32 to index
      %parallel_loop3A_149 = arith.index_cast %parallel_loop3A_26 : i32 to index
      %parallel_loop3A_150 = tpu.vector_load %arg5[%parallel_loop3A_148, %parallel_loop3A_149] {strides = array<i32>} : memref<64x128xf32, #tpu.memory_space<vmem>>, vector<1x16xf32>,
      %parallel_loop3A_151 = vector.shape_cast %parallel_loop3A_150 : vector<1x16xf32> to vector<16xf32>
      %parallel_loop3A_152 = arith.constant 8 : i32
      %parallel_loop3A_153 = vector.broadcast %parallel_loop3A_152 : i32 to vector<16xi32>
      %parallel_loop3A_154 = arith.cmpf ogt, %parallel_loop3A_151, %parallel_loop3A_146 : vector<16xf32>
      %parallel_loop3A_155 = arith.cmpf ogt, %parallel_loop3A_151, %parallel_loop3A_144 : vector<16xf32>
      %parallel_loop3A_156 = arith.select %parallel_loop3A_155, %parallel_loop3A_153, %parallel_loop3A_142 : vector<16xi1>, vector<16xi32>
      %parallel_loop3A_157 = arith.select %parallel_loop3A_154, %parallel_loop3A_145, %parallel_loop3A_156 : vector<16xi1>, vector<16xi32>
      %parallel_loop3A_158 = arith.select %parallel_loop3A_155, %parallel_loop3A_151, %parallel_loop3A_144 : vector<16xi1>, vector<16xf32>
      %parallel_loop3A_159 = arith.select %parallel_loop3A_154, %parallel_loop3A_146, %parallel_loop3A_158 : vector<16xi1>, vector<16xf32>
      %parallel_loop3A_160 = arith.select %parallel_loop3A_154, %parallel_loop3A_153, %parallel_loop3A_145 : vector<16xi1>, vector<16xi32>
      %parallel_loop3A_161 = arith.select %parallel_loop3A_154, %parallel_loop3A_151, %parallel_loop3A_146 : vector<16xi1>, vector<16xf32>
      %parallel_loop3A_162 = arith.constant 9 : i32
      %parallel_loop3A_163 = arith.index_cast %parallel_loop3A_162 : i32 to index
      %parallel_loop3A_164 = arith.index_cast %parallel_loop3A_26 : i32 to index
      %parallel_loop3A_165 = tpu.vector_load %arg5[%parallel_loop3A_163, %parallel_loop3A_164] {strides = array<i32>} : memref<64x128xf32, #tpu.memory_space<vmem>>, vector<1x16xf32>,
      %parallel_loop3A_166 = vector.shape_cast %parallel_loop3A_165 : vector<1x16xf32> to vector<16xf32>
      %parallel_loop3A_167 = arith.constant 9 : i32
      %parallel_loop3A_168 = vector.broadcast %parallel_loop3A_167 : i32 to vector<16xi32>
      %parallel_loop3A_169 = arith.cmpf ogt, %parallel_loop3A_166, %parallel_loop3A_161 : vector<16xf32>
      %parallel_loop3A_170 = arith.cmpf ogt, %parallel_loop3A_166, %parallel_loop3A_159 : vector<16xf32>
      %parallel_loop3A_171 = arith.select %parallel_loop3A_170, %parallel_loop3A_168, %parallel_loop3A_157 : vector<16xi1>, vector<16xi32>
      %parallel_loop3A_172 = arith.select %parallel_loop3A_169, %parallel_loop3A_160, %parallel_loop3A_171 : vector<16xi1>, vector<16xi32>
      %parallel_loop3A_173 = arith.select %parallel_loop3A_170, %parallel_loop3A_166, %parallel_loop3A_159 : vector<16xi1>, vector<16xf32>
      %parallel_loop3A_174 = arith.select %parallel_loop3A_169, %parallel_loop3A_161, %parallel_loop3A_173 : vector<16xi1>, vector<16xf32>
      %parallel_loop3A_175 = arith.select %parallel_loop3A_169, %parallel_loop3A_168, %parallel_loop3A_160 : vector<16xi1>, vector<16xi32>
      %parallel_loop3A_176 = arith.select %parallel_loop3A_169, %parallel_loop3A_166, %parallel_loop3A_161 : vector<16xi1>, vector<16xf32>
      %parallel_loop3A_177 = arith.constant 10 : i32
      %parallel_loop3A_178 = arith.index_cast %parallel_loop3A_177 : i32 to index
      %parallel_loop3A_179 = arith.index_cast %parallel_loop3A_26 : i32 to index
      %parallel_loop3A_180 = tpu.vector_load %arg5[%parallel_loop3A_178, %parallel_loop3A_179] {strides = array<i32>} : memref<64x128xf32, #tpu.memory_space<vmem>>, vector<1x16xf32>,
      %parallel_loop3A_181 = vector.shape_cast %parallel_loop3A_180 : vector<1x16xf32> to vector<16xf32>
      %parallel_loop3A_182 = arith.constant 10 : i32
      %parallel_loop3A_183 = vector.broadcast %parallel_loop3A_182 : i32 to vector<16xi32>
      %parallel_loop3A_184 = arith.cmpf ogt, %parallel_loop3A_181, %parallel_loop3A_176 : vector<16xf32>
      %parallel_loop3A_185 = arith.cmpf ogt, %parallel_loop3A_181, %parallel_loop3A_174 : vector<16xf32>
      %parallel_loop3A_186 = arith.select %parallel_loop3A_185, %parallel_loop3A_183, %parallel_loop3A_172 : vector<16xi1>, vector<16xi32>
      %parallel_loop3A_187 = arith.select %parallel_loop3A_184, %parallel_loop3A_175, %parallel_loop3A_186 : vector<16xi1>, vector<16xi32>
      %parallel_loop3A_188 = arith.select %parallel_loop3A_185, %parallel_loop3A_181, %parallel_loop3A_174 : vector<16xi1>, vector<16xf32>
      %parallel_loop3A_189 = arith.select %parallel_loop3A_184, %parallel_loop3A_176, %parallel_loop3A_188 : vector<16xi1>, vector<16xf32>
      %parallel_loop3A_190 = arith.select %parallel_loop3A_184, %parallel_loop3A_183, %parallel_loop3A_175 : vector<16xi1>, vector<16xi32>
      %parallel_loop3A_191 = arith.select %parallel_loop3A_184, %parallel_loop3A_181, %parallel_loop3A_176 : vector<16xi1>, vector<16xf32>
      %parallel_loop3A_192 = arith.constant 11 : i32
      %parallel_loop3A_193 = arith.index_cast %parallel_loop3A_192 : i32 to index
      %parallel_loop3A_194 = arith.index_cast %parallel_loop3A_26 : i32 to index
      %parallel_loop3A_195 = tpu.vector_load %arg5[%parallel_loop3A_193, %parallel_loop3A_194] {strides = array<i32>} : memref<64x128xf32, #tpu.memory_space<vmem>>, vector<1x16xf32>,
      %parallel_loop3A_196 = vector.shape_cast %parallel_loop3A_195 : vector<1x16xf32> to vector<16xf32>
      %parallel_loop3A_197 = arith.constant 11 : i32
      %parallel_loop3A_198 = vector.broadcast %parallel_loop3A_197 : i32 to vector<16xi32>
      %parallel_loop3A_199 = arith.cmpf ogt, %parallel_loop3A_196, %parallel_loop3A_191 : vector<16xf32>
      %parallel_loop3A_200 = arith.cmpf ogt, %parallel_loop3A_196, %parallel_loop3A_189 : vector<16xf32>
      %parallel_loop3A_201 = arith.select %parallel_loop3A_200, %parallel_loop3A_198, %parallel_loop3A_187 : vector<16xi1>, vector<16xi32>
      %parallel_loop3A_202 = arith.select %parallel_loop3A_199, %parallel_loop3A_190, %parallel_loop3A_201 : vector<16xi1>, vector<16xi32>
      %parallel_loop3A_203 = arith.select %parallel_loop3A_200, %parallel_loop3A_196, %parallel_loop3A_189 : vector<16xi1>, vector<16xf32>
      %parallel_loop3A_204 = arith.select %parallel_loop3A_199, %parallel_loop3A_191, %parallel_loop3A_203 : vector<16xi1>, vector<16xf32>
      %parallel_loop3A_205 = arith.select %parallel_loop3A_199, %parallel_loop3A_198, %parallel_loop3A_190 : vector<16xi1>, vector<16xi32>
      %parallel_loop3A_206 = arith.select %parallel_loop3A_199, %parallel_loop3A_196, %parallel_loop3A_191 : vector<16xi1>, vector<16xf32>
      %parallel_loop3A_207 = arith.constant 12 : i32
      %parallel_loop3A_208 = arith.index_cast %parallel_loop3A_207 : i32 to index
      %parallel_loop3A_209 = arith.index_cast %parallel_loop3A_26 : i32 to index
      %parallel_loop3A_210 = tpu.vector_load %arg5[%parallel_loop3A_208, %parallel_loop3A_209] {strides = array<i32>} : memref<64x128xf32, #tpu.memory_space<vmem>>, vector<1x16xf32>,
      %parallel_loop3A_211 = vector.shape_cast %parallel_loop3A_210 : vector<1x16xf32> to vector<16xf32>
      %parallel_loop3A_212 = arith.constant 12 : i32
      %parallel_loop3A_213 = vector.broadcast %parallel_loop3A_212 : i32 to vector<16xi32>
      %parallel_loop3A_214 = arith.cmpf ogt, %parallel_loop3A_211, %parallel_loop3A_206 : vector<16xf32>
      %parallel_loop3A_215 = arith.cmpf ogt, %parallel_loop3A_211, %parallel_loop3A_204 : vector<16xf32>
      %parallel_loop3A_216 = arith.select %parallel_loop3A_215, %parallel_loop3A_213, %parallel_loop3A_202 : vector<16xi1>, vector<16xi32>
      %parallel_loop3A_217 = arith.select %parallel_loop3A_214, %parallel_loop3A_205, %parallel_loop3A_216 : vector<16xi1>, vector<16xi32>
      %parallel_loop3A_218 = arith.select %parallel_loop3A_215, %parallel_loop3A_211, %parallel_loop3A_204 : vector<16xi1>, vector<16xf32>
      %parallel_loop3A_219 = arith.select %parallel_loop3A_214, %parallel_loop3A_206, %parallel_loop3A_218 : vector<16xi1>, vector<16xf32>
      %parallel_loop3A_220 = arith.select %parallel_loop3A_214, %parallel_loop3A_213, %parallel_loop3A_205 : vector<16xi1>, vector<16xi32>
      %parallel_loop3A_221 = arith.select %parallel_loop3A_214, %parallel_loop3A_211, %parallel_loop3A_206 : vector<16xi1>, vector<16xf32>
      %parallel_loop3A_222 = arith.constant 13 : i32
      %parallel_loop3A_223 = arith.index_cast %parallel_loop3A_222 : i32 to index
      %parallel_loop3A_224 = arith.index_cast %parallel_loop3A_26 : i32 to index
      %parallel_loop3A_225 = tpu.vector_load %arg5[%parallel_loop3A_223, %parallel_loop3A_224] {strides = array<i32>} : memref<64x128xf32, #tpu.memory_space<vmem>>, vector<1x16xf32>,
      %parallel_loop3A_226 = vector.shape_cast %parallel_loop3A_225 : vector<1x16xf32> to vector<16xf32>
      %parallel_loop3A_227 = arith.constant 13 : i32
      %parallel_loop3A_228 = vector.broadcast %parallel_loop3A_227 : i32 to vector<16xi32>
      %parallel_loop3A_229 = arith.cmpf ogt, %parallel_loop3A_226, %parallel_loop3A_221 : vector<16xf32>
      %parallel_loop3A_230 = arith.cmpf ogt, %parallel_loop3A_226, %parallel_loop3A_219 : vector<16xf32>
      %parallel_loop3A_231 = arith.select %parallel_loop3A_230, %parallel_loop3A_228, %parallel_loop3A_217 : vector<16xi1>, vector<16xi32>
      %parallel_loop3A_232 = arith.select %parallel_loop3A_229, %parallel_loop3A_220, %parallel_loop3A_231 : vector<16xi1>, vector<16xi32>
      %parallel_loop3A_233 = arith.select %parallel_loop3A_230, %parallel_loop3A_226, %parallel_loop3A_219 : vector<16xi1>, vector<16xf32>
      %parallel_loop3A_234 = arith.select %parallel_loop3A_229, %parallel_loop3A_221, %parallel_loop3A_233 : vector<16xi1>, vector<16xf32>
      %parallel_loop3A_235 = arith.select %parallel_loop3A_229, %parallel_loop3A_228, %parallel_loop3A_220 : vector<16xi1>, vector<16xi32>
      %parallel_loop3A_236 = arith.select %parallel_loop3A_229, %parallel_loop3A_226, %parallel_loop3A_221 : vector<16xi1>, vector<16xf32>
      %parallel_loop3A_237 = arith.constant 14 : i32
      %parallel_loop3A_238 = arith.index_cast %parallel_loop3A_237 : i32 to index
      %parallel_loop3A_239 = arith.index_cast %parallel_loop3A_26 : i32 to index
      %parallel_loop3A_240 = tpu.vector_load %arg5[%parallel_loop3A_238, %parallel_loop3A_239] {strides = array<i32>} : memref<64x128xf32, #tpu.memory_space<vmem>>, vector<1x16xf32>,
      %parallel_loop3A_241 = vector.shape_cast %parallel_loop3A_240 : vector<1x16xf32> to vector<16xf32>
      %parallel_loop3A_242 = arith.constant 14 : i32
      %parallel_loop3A_243 = vector.broadcast %parallel_loop3A_242 : i32 to vector<16xi32>
      %parallel_loop3A_244 = arith.cmpf ogt, %parallel_loop3A_241, %parallel_loop3A_236 : vector<16xf32>
      %parallel_loop3A_245 = arith.cmpf ogt, %parallel_loop3A_241, %parallel_loop3A_234 : vector<16xf32>
      %parallel_loop3A_246 = arith.select %parallel_loop3A_245, %parallel_loop3A_243, %parallel_loop3A_232 : vector<16xi1>, vector<16xi32>
      %parallel_loop3A_247 = arith.select %parallel_loop3A_244, %parallel_loop3A_235, %parallel_loop3A_246 : vector<16xi1>, vector<16xi32>
      %parallel_loop3A_248 = arith.select %parallel_loop3A_245, %parallel_loop3A_241, %parallel_loop3A_234 : vector<16xi1>, vector<16xf32>
      %parallel_loop3A_249 = arith.select %parallel_loop3A_244, %parallel_loop3A_236, %parallel_loop3A_248 : vector<16xi1>, vector<16xf32>
      %parallel_loop3A_250 = arith.select %parallel_loop3A_244, %parallel_loop3A_243, %parallel_loop3A_235 : vector<16xi1>, vector<16xi32>
      %parallel_loop3A_251 = arith.select %parallel_loop3A_244, %parallel_loop3A_241, %parallel_loop3A_236 : vector<16xi1>, vector<16xf32>
      %parallel_loop3A_252 = arith.constant 15 : i32
      %parallel_loop3A_253 = arith.index_cast %parallel_loop3A_252 : i32 to index
      %parallel_loop3A_254 = arith.index_cast %parallel_loop3A_26 : i32 to index
      %parallel_loop3A_255 = tpu.vector_load %arg5[%parallel_loop3A_253, %parallel_loop3A_254] {strides = array<i32>} : memref<64x128xf32, #tpu.memory_space<vmem>>, vector<1x16xf32>,
      %parallel_loop3A_256 = vector.shape_cast %parallel_loop3A_255 : vector<1x16xf32> to vector<16xf32>
      %parallel_loop3A_257 = arith.constant 15 : i32
      %parallel_loop3A_258 = vector.broadcast %parallel_loop3A_257 : i32 to vector<16xi32>
      %parallel_loop3A_259 = arith.cmpf ogt, %parallel_loop3A_256, %parallel_loop3A_251 : vector<16xf32>
      %parallel_loop3A_260 = arith.cmpf ogt, %parallel_loop3A_256, %parallel_loop3A_249 : vector<16xf32>
      %parallel_loop3A_261 = arith.select %parallel_loop3A_260, %parallel_loop3A_258, %parallel_loop3A_247 : vector<16xi1>, vector<16xi32>
      %parallel_loop3A_262 = arith.select %parallel_loop3A_259, %parallel_loop3A_250, %parallel_loop3A_261 : vector<16xi1>, vector<16xi32>
      %parallel_loop3A_263 = arith.select %parallel_loop3A_260, %parallel_loop3A_256, %parallel_loop3A_249 : vector<16xi1>, vector<16xf32>
      %parallel_loop3A_264 = arith.select %parallel_loop3A_259, %parallel_loop3A_251, %parallel_loop3A_263 : vector<16xi1>, vector<16xf32>
      %parallel_loop3A_265 = arith.select %parallel_loop3A_259, %parallel_loop3A_258, %parallel_loop3A_250 : vector<16xi1>, vector<16xi32>
      %parallel_loop3A_266 = arith.select %parallel_loop3A_259, %parallel_loop3A_256, %parallel_loop3A_251 : vector<16xi1>, vector<16xf32>
      %parallel_loop3A_267 = arith.constant 16 : i32
      %parallel_loop3A_268 = arith.index_cast %parallel_loop3A_267 : i32 to index
      %parallel_loop3A_269 = arith.index_cast %parallel_loop3A_26 : i32 to index
      %parallel_loop3A_270 = tpu.vector_load %arg5[%parallel_loop3A_268, %parallel_loop3A_269] {strides = array<i32>} : memref<64x128xf32, #tpu.memory_space<vmem>>, vector<1x16xf32>,
      %parallel_loop3A_271 = vector.shape_cast %parallel_loop3A_270 : vector<1x16xf32> to vector<16xf32>
      %parallel_loop3A_272 = arith.constant 16 : i32
      %parallel_loop3A_273 = vector.broadcast %parallel_loop3A_272 : i32 to vector<16xi32>
      %parallel_loop3A_274 = arith.cmpf ogt, %parallel_loop3A_271, %parallel_loop3A_266 : vector<16xf32>
      %parallel_loop3A_275 = arith.cmpf ogt, %parallel_loop3A_271, %parallel_loop3A_264 : vector<16xf32>
      %parallel_loop3A_276 = arith.select %parallel_loop3A_275, %parallel_loop3A_273, %parallel_loop3A_262 : vector<16xi1>, vector<16xi32>
      %parallel_loop3A_277 = arith.select %parallel_loop3A_274, %parallel_loop3A_265, %parallel_loop3A_276 : vector<16xi1>, vector<16xi32>
      %parallel_loop3A_278 = arith.select %parallel_loop3A_275, %parallel_loop3A_271, %parallel_loop3A_264 : vector<16xi1>, vector<16xf32>
      %parallel_loop3A_279 = arith.select %parallel_loop3A_274, %parallel_loop3A_266, %parallel_loop3A_278 : vector<16xi1>, vector<16xf32>
      %parallel_loop3A_280 = arith.select %parallel_loop3A_274, %parallel_loop3A_273, %parallel_loop3A_265 : vector<16xi1>, vector<16xi32>
      %parallel_loop3A_281 = arith.select %parallel_loop3A_274, %parallel_loop3A_271, %parallel_loop3A_266 : vector<16xi1>, vector<16xf32>
      %parallel_loop3A_282 = arith.constant 17 : i32
      %parallel_loop3A_283 = arith.index_cast %parallel_loop3A_282 : i32 to index
      %parallel_loop3A_284 = arith.index_cast %parallel_loop3A_26 : i32 to index
      %parallel_loop3A_285 = tpu.vector_load %arg5[%parallel_loop3A_283, %parallel_loop3A_284] {strides = array<i32>} : memref<64x128xf32, #tpu.memory_space<vmem>>, vector<1x16xf32>,
      %parallel_loop3A_286 = vector.shape_cast %parallel_loop3A_285 : vector<1x16xf32> to vector<16xf32>
      %parallel_loop3A_287 = arith.constant 17 : i32
      %parallel_loop3A_288 = vector.broadcast %parallel_loop3A_287 : i32 to vector<16xi32>
      %parallel_loop3A_289 = arith.cmpf ogt, %parallel_loop3A_286, %parallel_loop3A_281 : vector<16xf32>
      %parallel_loop3A_290 = arith.cmpf ogt, %parallel_loop3A_286, %parallel_loop3A_279 : vector<16xf32>
      %parallel_loop3A_291 = arith.select %parallel_loop3A_290, %parallel_loop3A_288, %parallel_loop3A_277 : vector<16xi1>, vector<16xi32>
      %parallel_loop3A_292 = arith.select %parallel_loop3A_289, %parallel_loop3A_280, %parallel_loop3A_291 : vector<16xi1>, vector<16xi32>
      %parallel_loop3A_293 = arith.select %parallel_loop3A_290, %parallel_loop3A_286, %parallel_loop3A_279 : vector<16xi1>, vector<16xf32>
      %parallel_loop3A_294 = arith.select %parallel_loop3A_289, %parallel_loop3A_281, %parallel_loop3A_293 : vector<16xi1>, vector<16xf32>
      %parallel_loop3A_295 = arith.select %parallel_loop3A_289, %parallel_loop3A_288, %parallel_loop3A_280 : vector<16xi1>, vector<16xi32>
      %parallel_loop3A_296 = arith.select %parallel_loop3A_289, %parallel_loop3A_286, %parallel_loop3A_281 : vector<16xi1>, vector<16xf32>
      %parallel_loop3A_297 = arith.constant 18 : i32
      %parallel_loop3A_298 = arith.index_cast %parallel_loop3A_297 : i32 to index
      %parallel_loop3A_299 = arith.index_cast %parallel_loop3A_26 : i32 to index
      %parallel_loop3A_300 = tpu.vector_load %arg5[%parallel_loop3A_298, %parallel_loop3A_299] {strides = array<i32>} : memref<64x128xf32, #tpu.memory_space<vmem>>, vector<1x16xf32>,
      %parallel_loop3A_301 = vector.shape_cast %parallel_loop3A_300 : vector<1x16xf32> to vector<16xf32>
      %parallel_loop3A_302 = arith.constant 18 : i32
      %parallel_loop3A_303 = vector.broadcast %parallel_loop3A_302 : i32 to vector<16xi32>
      %parallel_loop3A_304 = arith.cmpf ogt, %parallel_loop3A_301, %parallel_loop3A_296 : vector<16xf32>
      %parallel_loop3A_305 = arith.cmpf ogt, %parallel_loop3A_301, %parallel_loop3A_294 : vector<16xf32>
      %parallel_loop3A_306 = arith.select %parallel_loop3A_305, %parallel_loop3A_303, %parallel_loop3A_292 : vector<16xi1>, vector<16xi32>
      %parallel_loop3A_307 = arith.select %parallel_loop3A_304, %parallel_loop3A_295, %parallel_loop3A_306 : vector<16xi1>, vector<16xi32>
      %parallel_loop3A_308 = arith.select %parallel_loop3A_305, %parallel_loop3A_301, %parallel_loop3A_294 : vector<16xi1>, vector<16xf32>
      %parallel_loop3A_309 = arith.select %parallel_loop3A_304, %parallel_loop3A_296, %parallel_loop3A_308 : vector<16xi1>, vector<16xf32>
      %parallel_loop3A_310 = arith.select %parallel_loop3A_304, %parallel_loop3A_303, %parallel_loop3A_295 : vector<16xi1>, vector<16xi32>
      %parallel_loop3A_311 = arith.select %parallel_loop3A_304, %parallel_loop3A_301, %parallel_loop3A_296 : vector<16xi1>, vector<16xf32>
      %parallel_loop3A_312 = arith.constant 19 : i32
      %parallel_loop3A_313 = arith.index_cast %parallel_loop3A_312 : i32 to index
      %parallel_loop3A_314 = arith.index_cast %parallel_loop3A_26 : i32 to index
      %parallel_loop3A_315 = tpu.vector_load %arg5[%parallel_loop3A_313, %parallel_loop3A_314] {strides = array<i32>} : memref<64x128xf32, #tpu.memory_space<vmem>>, vector<1x16xf32>,
      %parallel_loop3A_316 = vector.shape_cast %parallel_loop3A_315 : vector<1x16xf32> to vector<16xf32>
      %parallel_loop3A_317 = arith.constant 19 : i32
      %parallel_loop3A_318 = vector.broadcast %parallel_loop3A_317 : i32 to vector<16xi32>
      %parallel_loop3A_319 = arith.cmpf ogt, %parallel_loop3A_316, %parallel_loop3A_311 : vector<16xf32>
      %parallel_loop3A_320 = arith.cmpf ogt, %parallel_loop3A_316, %parallel_loop3A_309 : vector<16xf32>
      %parallel_loop3A_321 = arith.select %parallel_loop3A_320, %parallel_loop3A_318, %parallel_loop3A_307 : vector<16xi1>, vector<16xi32>
      %parallel_loop3A_322 = arith.select %parallel_loop3A_319, %parallel_loop3A_310, %parallel_loop3A_321 : vector<16xi1>, vector<16xi32>
      %parallel_loop3A_323 = arith.select %parallel_loop3A_320, %parallel_loop3A_316, %parallel_loop3A_309 : vector<16xi1>, vector<16xf32>
      %parallel_loop3A_324 = arith.select %parallel_loop3A_319, %parallel_loop3A_311, %parallel_loop3A_323 : vector<16xi1>, vector<16xf32>
      %parallel_loop3A_325 = arith.select %parallel_loop3A_319, %parallel_loop3A_318, %parallel_loop3A_310 : vector<16xi1>, vector<16xi32>
      %parallel_loop3A_326 = arith.select %parallel_loop3A_319, %parallel_loop3A_316, %parallel_loop3A_311 : vector<16xi1>, vector<16xf32>
      %parallel_loop3A_327 = arith.constant 20 : i32
      %parallel_loop3A_328 = arith.index_cast %parallel_loop3A_327 : i32 to index
      %parallel_loop3A_329 = arith.index_cast %parallel_loop3A_26 : i32 to index
      %parallel_loop3A_330 = tpu.vector_load %arg5[%parallel_loop3A_328, %parallel_loop3A_329] {strides = array<i32>} : memref<64x128xf32, #tpu.memory_space<vmem>>, vector<1x16xf32>,
      %parallel_loop3A_331 = vector.shape_cast %parallel_loop3A_330 : vector<1x16xf32> to vector<16xf32>
      %parallel_loop3A_332 = arith.constant 20 : i32
      %parallel_loop3A_333 = vector.broadcast %parallel_loop3A_332 : i32 to vector<16xi32>
      %parallel_loop3A_334 = arith.cmpf ogt, %parallel_loop3A_331, %parallel_loop3A_326 : vector<16xf32>
      %parallel_loop3A_335 = arith.cmpf ogt, %parallel_loop3A_331, %parallel_loop3A_324 : vector<16xf32>
      %parallel_loop3A_336 = arith.select %parallel_loop3A_335, %parallel_loop3A_333, %parallel_loop3A_322 : vector<16xi1>, vector<16xi32>
      %parallel_loop3A_337 = arith.select %parallel_loop3A_334, %parallel_loop3A_325, %parallel_loop3A_336 : vector<16xi1>, vector<16xi32>
      %parallel_loop3A_338 = arith.select %parallel_loop3A_335, %parallel_loop3A_331, %parallel_loop3A_324 : vector<16xi1>, vector<16xf32>
      %parallel_loop3A_339 = arith.select %parallel_loop3A_334, %parallel_loop3A_326, %parallel_loop3A_338 : vector<16xi1>, vector<16xf32>
      %parallel_loop3A_340 = arith.select %parallel_loop3A_334, %parallel_loop3A_333, %parallel_loop3A_325 : vector<16xi1>, vector<16xi32>
      %parallel_loop3A_341 = arith.select %parallel_loop3A_334, %parallel_loop3A_331, %parallel_loop3A_326 : vector<16xi1>, vector<16xf32>
      %parallel_loop3A_342 = arith.constant 21 : i32
      %parallel_loop3A_343 = arith.index_cast %parallel_loop3A_342 : i32 to index
      %parallel_loop3A_344 = arith.index_cast %parallel_loop3A_26 : i32 to index
      %parallel_loop3A_345 = tpu.vector_load %arg5[%parallel_loop3A_343, %parallel_loop3A_344] {strides = array<i32>} : memref<64x128xf32, #tpu.memory_space<vmem>>, vector<1x16xf32>,
      %parallel_loop3A_346 = vector.shape_cast %parallel_loop3A_345 : vector<1x16xf32> to vector<16xf32>
      %parallel_loop3A_347 = arith.constant 21 : i32
      %parallel_loop3A_348 = vector.broadcast %parallel_loop3A_347 : i32 to vector<16xi32>
      %parallel_loop3A_349 = arith.cmpf ogt, %parallel_loop3A_346, %parallel_loop3A_341 : vector<16xf32>
      %parallel_loop3A_350 = arith.cmpf ogt, %parallel_loop3A_346, %parallel_loop3A_339 : vector<16xf32>
      %parallel_loop3A_351 = arith.select %parallel_loop3A_350, %parallel_loop3A_348, %parallel_loop3A_337 : vector<16xi1>, vector<16xi32>
      %parallel_loop3A_352 = arith.select %parallel_loop3A_349, %parallel_loop3A_340, %parallel_loop3A_351 : vector<16xi1>, vector<16xi32>
      %parallel_loop3A_353 = arith.select %parallel_loop3A_350, %parallel_loop3A_346, %parallel_loop3A_339 : vector<16xi1>, vector<16xf32>
      %parallel_loop3A_354 = arith.select %parallel_loop3A_349, %parallel_loop3A_341, %parallel_loop3A_353 : vector<16xi1>, vector<16xf32>
      %parallel_loop3A_355 = arith.select %parallel_loop3A_349, %parallel_loop3A_348, %parallel_loop3A_340 : vector<16xi1>, vector<16xi32>
      %parallel_loop3A_356 = arith.select %parallel_loop3A_349, %parallel_loop3A_346, %parallel_loop3A_341 : vector<16xi1>, vector<16xf32>
      %parallel_loop3A_357 = arith.constant 22 : i32
      %parallel_loop3A_358 = arith.index_cast %parallel_loop3A_357 : i32 to index
      %parallel_loop3A_359 = arith.index_cast %parallel_loop3A_26 : i32 to index
      %parallel_loop3A_360 = tpu.vector_load %arg5[%parallel_loop3A_358, %parallel_loop3A_359] {strides = array<i32>} : memref<64x128xf32, #tpu.memory_space<vmem>>, vector<1x16xf32>,
      %parallel_loop3A_361 = vector.shape_cast %parallel_loop3A_360 : vector<1x16xf32> to vector<16xf32>
      %parallel_loop3A_362 = arith.constant 22 : i32
      %parallel_loop3A_363 = vector.broadcast %parallel_loop3A_362 : i32 to vector<16xi32>
      %parallel_loop3A_364 = arith.cmpf ogt, %parallel_loop3A_361, %parallel_loop3A_356 : vector<16xf32>
      %parallel_loop3A_365 = arith.cmpf ogt, %parallel_loop3A_361, %parallel_loop3A_354 : vector<16xf32>
      %parallel_loop3A_366 = arith.select %parallel_loop3A_365, %parallel_loop3A_363, %parallel_loop3A_352 : vector<16xi1>, vector<16xi32>
      %parallel_loop3A_367 = arith.select %parallel_loop3A_364, %parallel_loop3A_355, %parallel_loop3A_366 : vector<16xi1>, vector<16xi32>
      %parallel_loop3A_368 = arith.select %parallel_loop3A_365, %parallel_loop3A_361, %parallel_loop3A_354 : vector<16xi1>, vector<16xf32>
      %parallel_loop3A_369 = arith.select %parallel_loop3A_364, %parallel_loop3A_356, %parallel_loop3A_368 : vector<16xi1>, vector<16xf32>
      %parallel_loop3A_370 = arith.select %parallel_loop3A_364, %parallel_loop3A_363, %parallel_loop3A_355 : vector<16xi1>, vector<16xi32>
      %parallel_loop3A_371 = arith.select %parallel_loop3A_364, %parallel_loop3A_361, %parallel_loop3A_356 : vector<16xi1>, vector<16xf32>
      %parallel_loop3A_372 = arith.constant 23 : i32
      %parallel_loop3A_373 = arith.index_cast %parallel_loop3A_372 : i32 to index
      %parallel_loop3A_374 = arith.index_cast %parallel_loop3A_26 : i32 to index
      %parallel_loop3A_375 = tpu.vector_load %arg5[%parallel_loop3A_373, %parallel_loop3A_374] {strides = array<i32>} : memref<64x128xf32, #tpu.memory_space<vmem>>, vector<1x16xf32>,
      %parallel_loop3A_376 = vector.shape_cast %parallel_loop3A_375 : vector<1x16xf32> to vector<16xf32>
      %parallel_loop3A_377 = arith.constant 23 : i32
      %parallel_loop3A_378 = vector.broadcast %parallel_loop3A_377 : i32 to vector<16xi32>
      %parallel_loop3A_379 = arith.cmpf ogt, %parallel_loop3A_376, %parallel_loop3A_371 : vector<16xf32>
      %parallel_loop3A_380 = arith.cmpf ogt, %parallel_loop3A_376, %parallel_loop3A_369 : vector<16xf32>
      %parallel_loop3A_381 = arith.select %parallel_loop3A_380, %parallel_loop3A_378, %parallel_loop3A_367 : vector<16xi1>, vector<16xi32>
      %parallel_loop3A_382 = arith.select %parallel_loop3A_379, %parallel_loop3A_370, %parallel_loop3A_381 : vector<16xi1>, vector<16xi32>
      %parallel_loop3A_383 = arith.select %parallel_loop3A_380, %parallel_loop3A_376, %parallel_loop3A_369 : vector<16xi1>, vector<16xf32>
      %parallel_loop3A_384 = arith.select %parallel_loop3A_379, %parallel_loop3A_371, %parallel_loop3A_383 : vector<16xi1>, vector<16xf32>
      %parallel_loop3A_385 = arith.select %parallel_loop3A_379, %parallel_loop3A_378, %parallel_loop3A_370 : vector<16xi1>, vector<16xi32>
      %parallel_loop3A_386 = arith.select %parallel_loop3A_379, %parallel_loop3A_376, %parallel_loop3A_371 : vector<16xi1>, vector<16xf32>
      %parallel_loop3A_387 = arith.constant 24 : i32
      %parallel_loop3A_388 = arith.index_cast %parallel_loop3A_387 : i32 to index
      %parallel_loop3A_389 = arith.index_cast %parallel_loop3A_26 : i32 to index
      %parallel_loop3A_390 = tpu.vector_load %arg5[%parallel_loop3A_388, %parallel_loop3A_389] {strides = array<i32>} : memref<64x128xf32, #tpu.memory_space<vmem>>, vector<1x16xf32>,
      %parallel_loop3A_391 = vector.shape_cast %parallel_loop3A_390 : vector<1x16xf32> to vector<16xf32>
      %parallel_loop3A_392 = arith.constant 24 : i32
      %parallel_loop3A_393 = vector.broadcast %parallel_loop3A_392 : i32 to vector<16xi32>
      %parallel_loop3A_394 = arith.cmpf ogt, %parallel_loop3A_391, %parallel_loop3A_386 : vector<16xf32>
      %parallel_loop3A_395 = arith.cmpf ogt, %parallel_loop3A_391, %parallel_loop3A_384 : vector<16xf32>
      %parallel_loop3A_396 = arith.select %parallel_loop3A_395, %parallel_loop3A_393, %parallel_loop3A_382 : vector<16xi1>, vector<16xi32>
      %parallel_loop3A_397 = arith.select %parallel_loop3A_394, %parallel_loop3A_385, %parallel_loop3A_396 : vector<16xi1>, vector<16xi32>
      %parallel_loop3A_398 = arith.select %parallel_loop3A_395, %parallel_loop3A_391, %parallel_loop3A_384 : vector<16xi1>, vector<16xf32>
      %parallel_loop3A_399 = arith.select %parallel_loop3A_394, %parallel_loop3A_386, %parallel_loop3A_398 : vector<16xi1>, vector<16xf32>
      %parallel_loop3A_400 = arith.select %parallel_loop3A_394, %parallel_loop3A_393, %parallel_loop3A_385 : vector<16xi1>, vector<16xi32>
      %parallel_loop3A_401 = arith.select %parallel_loop3A_394, %parallel_loop3A_391, %parallel_loop3A_386 : vector<16xi1>, vector<16xf32>
      %parallel_loop3A_402 = arith.constant 25 : i32
      %parallel_loop3A_403 = arith.index_cast %parallel_loop3A_402 : i32 to index
      %parallel_loop3A_404 = arith.index_cast %parallel_loop3A_26 : i32 to index
      %parallel_loop3A_405 = tpu.vector_load %arg5[%parallel_loop3A_403, %parallel_loop3A_404] {strides = array<i32>} : memref<64x128xf32, #tpu.memory_space<vmem>>, vector<1x16xf32>,
      %parallel_loop3A_406 = vector.shape_cast %parallel_loop3A_405 : vector<1x16xf32> to vector<16xf32>
      %parallel_loop3A_407 = arith.constant 25 : i32
      %parallel_loop3A_408 = vector.broadcast %parallel_loop3A_407 : i32 to vector<16xi32>
      %parallel_loop3A_409 = arith.cmpf ogt, %parallel_loop3A_406, %parallel_loop3A_401 : vector<16xf32>
      %parallel_loop3A_410 = arith.cmpf ogt, %parallel_loop3A_406, %parallel_loop3A_399 : vector<16xf32>
      %parallel_loop3A_411 = arith.select %parallel_loop3A_410, %parallel_loop3A_408, %parallel_loop3A_397 : vector<16xi1>, vector<16xi32>
      %parallel_loop3A_412 = arith.select %parallel_loop3A_409, %parallel_loop3A_400, %parallel_loop3A_411 : vector<16xi1>, vector<16xi32>
      %parallel_loop3A_413 = arith.select %parallel_loop3A_410, %parallel_loop3A_406, %parallel_loop3A_399 : vector<16xi1>, vector<16xf32>
      %parallel_loop3A_414 = arith.select %parallel_loop3A_409, %parallel_loop3A_401, %parallel_loop3A_413 : vector<16xi1>, vector<16xf32>
      %parallel_loop3A_415 = arith.select %parallel_loop3A_409, %parallel_loop3A_408, %parallel_loop3A_400 : vector<16xi1>, vector<16xi32>
      %parallel_loop3A_416 = arith.select %parallel_loop3A_409, %parallel_loop3A_406, %parallel_loop3A_401 : vector<16xi1>, vector<16xf32>
      %parallel_loop3A_417 = arith.constant 26 : i32
      %parallel_loop3A_418 = arith.index_cast %parallel_loop3A_417 : i32 to index
      %parallel_loop3A_419 = arith.index_cast %parallel_loop3A_26 : i32 to index
      %parallel_loop3A_420 = tpu.vector_load %arg5[%parallel_loop3A_418, %parallel_loop3A_419] {strides = array<i32>} : memref<64x128xf32, #tpu.memory_space<vmem>>, vector<1x16xf32>,
      %parallel_loop3A_421 = vector.shape_cast %parallel_loop3A_420 : vector<1x16xf32> to vector<16xf32>
      %parallel_loop3A_422 = arith.constant 26 : i32
      %parallel_loop3A_423 = vector.broadcast %parallel_loop3A_422 : i32 to vector<16xi32>
      %parallel_loop3A_424 = arith.cmpf ogt, %parallel_loop3A_421, %parallel_loop3A_416 : vector<16xf32>
      %parallel_loop3A_425 = arith.cmpf ogt, %parallel_loop3A_421, %parallel_loop3A_414 : vector<16xf32>
      %parallel_loop3A_426 = arith.select %parallel_loop3A_425, %parallel_loop3A_423, %parallel_loop3A_412 : vector<16xi1>, vector<16xi32>
      %parallel_loop3A_427 = arith.select %parallel_loop3A_424, %parallel_loop3A_415, %parallel_loop3A_426 : vector<16xi1>, vector<16xi32>
      %parallel_loop3A_428 = arith.select %parallel_loop3A_425, %parallel_loop3A_421, %parallel_loop3A_414 : vector<16xi1>, vector<16xf32>
      %parallel_loop3A_429 = arith.select %parallel_loop3A_424, %parallel_loop3A_416, %parallel_loop3A_428 : vector<16xi1>, vector<16xf32>
      %parallel_loop3A_430 = arith.select %parallel_loop3A_424, %parallel_loop3A_423, %parallel_loop3A_415 : vector<16xi1>, vector<16xi32>
      %parallel_loop3A_431 = arith.select %parallel_loop3A_424, %parallel_loop3A_421, %parallel_loop3A_416 : vector<16xi1>, vector<16xf32>
      %parallel_loop3A_432 = arith.constant 27 : i32
      %parallel_loop3A_433 = arith.index_cast %parallel_loop3A_432 : i32 to index
      %parallel_loop3A_434 = arith.index_cast %parallel_loop3A_26 : i32 to index
      %parallel_loop3A_435 = tpu.vector_load %arg5[%parallel_loop3A_433, %parallel_loop3A_434] {strides = array<i32>} : memref<64x128xf32, #tpu.memory_space<vmem>>, vector<1x16xf32>,
      %parallel_loop3A_436 = vector.shape_cast %parallel_loop3A_435 : vector<1x16xf32> to vector<16xf32>
      %parallel_loop3A_437 = arith.constant 27 : i32
      %parallel_loop3A_438 = vector.broadcast %parallel_loop3A_437 : i32 to vector<16xi32>
      %parallel_loop3A_439 = arith.cmpf ogt, %parallel_loop3A_436, %parallel_loop3A_431 : vector<16xf32>
      %parallel_loop3A_440 = arith.cmpf ogt, %parallel_loop3A_436, %parallel_loop3A_429 : vector<16xf32>
      %parallel_loop3A_441 = arith.select %parallel_loop3A_440, %parallel_loop3A_438, %parallel_loop3A_427 : vector<16xi1>, vector<16xi32>
      %parallel_loop3A_442 = arith.select %parallel_loop3A_439, %parallel_loop3A_430, %parallel_loop3A_441 : vector<16xi1>, vector<16xi32>
      %parallel_loop3A_443 = arith.select %parallel_loop3A_440, %parallel_loop3A_436, %parallel_loop3A_429 : vector<16xi1>, vector<16xf32>
      %parallel_loop3A_444 = arith.select %parallel_loop3A_439, %parallel_loop3A_431, %parallel_loop3A_443 : vector<16xi1>, vector<16xf32>
      %parallel_loop3A_445 = arith.select %parallel_loop3A_439, %parallel_loop3A_438, %parallel_loop3A_430 : vector<16xi1>, vector<16xi32>
      %parallel_loop3A_446 = arith.select %parallel_loop3A_439, %parallel_loop3A_436, %parallel_loop3A_431 : vector<16xi1>, vector<16xf32>
      %parallel_loop3A_447 = arith.constant 28 : i32
      %parallel_loop3A_448 = arith.index_cast %parallel_loop3A_447 : i32 to index
      %parallel_loop3A_449 = arith.index_cast %parallel_loop3A_26 : i32 to index
      %parallel_loop3A_450 = tpu.vector_load %arg5[%parallel_loop3A_448, %parallel_loop3A_449] {strides = array<i32>} : memref<64x128xf32, #tpu.memory_space<vmem>>, vector<1x16xf32>,
      %parallel_loop3A_451 = vector.shape_cast %parallel_loop3A_450 : vector<1x16xf32> to vector<16xf32>
      %parallel_loop3A_452 = arith.constant 28 : i32
      %parallel_loop3A_453 = vector.broadcast %parallel_loop3A_452 : i32 to vector<16xi32>
      %parallel_loop3A_454 = arith.cmpf ogt, %parallel_loop3A_451, %parallel_loop3A_446 : vector<16xf32>
      %parallel_loop3A_455 = arith.cmpf ogt, %parallel_loop3A_451, %parallel_loop3A_444 : vector<16xf32>
      %parallel_loop3A_456 = arith.select %parallel_loop3A_455, %parallel_loop3A_453, %parallel_loop3A_442 : vector<16xi1>, vector<16xi32>
      %parallel_loop3A_457 = arith.select %parallel_loop3A_454, %parallel_loop3A_445, %parallel_loop3A_456 : vector<16xi1>, vector<16xi32>
      %parallel_loop3A_458 = arith.select %parallel_loop3A_455, %parallel_loop3A_451, %parallel_loop3A_444 : vector<16xi1>, vector<16xf32>
      %parallel_loop3A_459 = arith.select %parallel_loop3A_454, %parallel_loop3A_446, %parallel_loop3A_458 : vector<16xi1>, vector<16xf32>
      %parallel_loop3A_460 = arith.select %parallel_loop3A_454, %parallel_loop3A_453, %parallel_loop3A_445 : vector<16xi1>, vector<16xi32>
      %parallel_loop3A_461 = arith.select %parallel_loop3A_454, %parallel_loop3A_451, %parallel_loop3A_446 : vector<16xi1>, vector<16xf32>
      %parallel_loop3A_462 = arith.constant 29 : i32
      %parallel_loop3A_463 = arith.index_cast %parallel_loop3A_462 : i32 to index
      %parallel_loop3A_464 = arith.index_cast %parallel_loop3A_26 : i32 to index
      %parallel_loop3A_465 = tpu.vector_load %arg5[%parallel_loop3A_463, %parallel_loop3A_464] {strides = array<i32>} : memref<64x128xf32, #tpu.memory_space<vmem>>, vector<1x16xf32>,
      %parallel_loop3A_466 = vector.shape_cast %parallel_loop3A_465 : vector<1x16xf32> to vector<16xf32>
      %parallel_loop3A_467 = arith.constant 29 : i32
      %parallel_loop3A_468 = vector.broadcast %parallel_loop3A_467 : i32 to vector<16xi32>
      %parallel_loop3A_469 = arith.cmpf ogt, %parallel_loop3A_466, %parallel_loop3A_461 : vector<16xf32>
      %parallel_loop3A_470 = arith.cmpf ogt, %parallel_loop3A_466, %parallel_loop3A_459 : vector<16xf32>
      %parallel_loop3A_471 = arith.select %parallel_loop3A_470, %parallel_loop3A_468, %parallel_loop3A_457 : vector<16xi1>, vector<16xi32>
      %parallel_loop3A_472 = arith.select %parallel_loop3A_469, %parallel_loop3A_460, %parallel_loop3A_471 : vector<16xi1>, vector<16xi32>
      %parallel_loop3A_473 = arith.select %parallel_loop3A_470, %parallel_loop3A_466, %parallel_loop3A_459 : vector<16xi1>, vector<16xf32>
      %parallel_loop3A_474 = arith.select %parallel_loop3A_469, %parallel_loop3A_461, %parallel_loop3A_473 : vector<16xi1>, vector<16xf32>
      %parallel_loop3A_475 = arith.select %parallel_loop3A_469, %parallel_loop3A_468, %parallel_loop3A_460 : vector<16xi1>, vector<16xi32>
      %parallel_loop3A_476 = arith.select %parallel_loop3A_469, %parallel_loop3A_466, %parallel_loop3A_461 : vector<16xi1>, vector<16xf32>
      %parallel_loop3A_477 = arith.constant 30 : i32
      %parallel_loop3A_478 = arith.index_cast %parallel_loop3A_477 : i32 to index
      %parallel_loop3A_479 = arith.index_cast %parallel_loop3A_26 : i32 to index
      %parallel_loop3A_480 = tpu.vector_load %arg5[%parallel_loop3A_478, %parallel_loop3A_479] {strides = array<i32>} : memref<64x128xf32, #tpu.memory_space<vmem>>, vector<1x16xf32>,
      %parallel_loop3A_481 = vector.shape_cast %parallel_loop3A_480 : vector<1x16xf32> to vector<16xf32>
      %parallel_loop3A_482 = arith.constant 30 : i32
      %parallel_loop3A_483 = vector.broadcast %parallel_loop3A_482 : i32 to vector<16xi32>
      %parallel_loop3A_484 = arith.cmpf ogt, %parallel_loop3A_481, %parallel_loop3A_476 : vector<16xf32>
      %parallel_loop3A_485 = arith.cmpf ogt, %parallel_loop3A_481, %parallel_loop3A_474 : vector<16xf32>
      %parallel_loop3A_486 = arith.select %parallel_loop3A_485, %parallel_loop3A_483, %parallel_loop3A_472 : vector<16xi1>, vector<16xi32>
      %parallel_loop3A_487 = arith.select %parallel_loop3A_484, %parallel_loop3A_475, %parallel_loop3A_486 : vector<16xi1>, vector<16xi32>
      %parallel_loop3A_488 = arith.select %parallel_loop3A_485, %parallel_loop3A_481, %parallel_loop3A_474 : vector<16xi1>, vector<16xf32>
      %parallel_loop3A_489 = arith.select %parallel_loop3A_484, %parallel_loop3A_476, %parallel_loop3A_488 : vector<16xi1>, vector<16xf32>
      %parallel_loop3A_490 = arith.select %parallel_loop3A_484, %parallel_loop3A_483, %parallel_loop3A_475 : vector<16xi1>, vector<16xi32>
      %parallel_loop3A_491 = arith.select %parallel_loop3A_484, %parallel_loop3A_481, %parallel_loop3A_476 : vector<16xi1>, vector<16xf32>
      %parallel_loop3A_492 = arith.constant 31 : i32
      %parallel_loop3A_493 = arith.index_cast %parallel_loop3A_492 : i32 to index
      %parallel_loop3A_494 = arith.index_cast %parallel_loop3A_26 : i32 to index
      %parallel_loop3A_495 = tpu.vector_load %arg5[%parallel_loop3A_493, %parallel_loop3A_494] {strides = array<i32>} : memref<64x128xf32, #tpu.memory_space<vmem>>, vector<1x16xf32>,
      %parallel_loop3A_496 = vector.shape_cast %parallel_loop3A_495 : vector<1x16xf32> to vector<16xf32>
      %parallel_loop3A_497 = arith.constant 31 : i32
      %parallel_loop3A_498 = vector.broadcast %parallel_loop3A_497 : i32 to vector<16xi32>
      %parallel_loop3A_499 = arith.cmpf ogt, %parallel_loop3A_496, %parallel_loop3A_491 : vector<16xf32>
      %parallel_loop3A_500 = arith.cmpf ogt, %parallel_loop3A_496, %parallel_loop3A_489 : vector<16xf32>
      %parallel_loop3A_501 = arith.select %parallel_loop3A_500, %parallel_loop3A_498, %parallel_loop3A_487 : vector<16xi1>, vector<16xi32>
      %parallel_loop3A_502 = arith.select %parallel_loop3A_499, %parallel_loop3A_490, %parallel_loop3A_501 : vector<16xi1>, vector<16xi32>
      %parallel_loop3A_503 = arith.select %parallel_loop3A_500, %parallel_loop3A_496, %parallel_loop3A_489 : vector<16xi1>, vector<16xf32>
      %parallel_loop3A_504 = arith.select %parallel_loop3A_499, %parallel_loop3A_491, %parallel_loop3A_503 : vector<16xi1>, vector<16xf32>
      %parallel_loop3A_505 = arith.select %parallel_loop3A_499, %parallel_loop3A_498, %parallel_loop3A_490 : vector<16xi1>, vector<16xi32>
      %parallel_loop3A_506 = arith.select %parallel_loop3A_499, %parallel_loop3A_496, %parallel_loop3A_491 : vector<16xi1>, vector<16xf32>
      %parallel_loop3A_507 = arith.constant 32 : i32
      %parallel_loop3A_508 = arith.index_cast %parallel_loop3A_507 : i32 to index
      %parallel_loop3A_509 = arith.index_cast %parallel_loop3A_26 : i32 to index
      %parallel_loop3A_510 = tpu.vector_load %arg5[%parallel_loop3A_508, %parallel_loop3A_509] {strides = array<i32>} : memref<64x128xf32, #tpu.memory_space<vmem>>, vector<1x16xf32>,
      %parallel_loop3A_511 = vector.shape_cast %parallel_loop3A_510 : vector<1x16xf32> to vector<16xf32>
      %parallel_loop3A_512 = arith.constant 32 : i32
      %parallel_loop3A_513 = vector.broadcast %parallel_loop3A_512 : i32 to vector<16xi32>
      %parallel_loop3A_514 = arith.cmpf ogt, %parallel_loop3A_511, %parallel_loop3A_506 : vector<16xf32>
      %parallel_loop3A_515 = arith.cmpf ogt, %parallel_loop3A_511, %parallel_loop3A_504 : vector<16xf32>
      %parallel_loop3A_516 = arith.select %parallel_loop3A_515, %parallel_loop3A_513, %parallel_loop3A_502 : vector<16xi1>, vector<16xi32>
      %parallel_loop3A_517 = arith.select %parallel_loop3A_514, %parallel_loop3A_505, %parallel_loop3A_516 : vector<16xi1>, vector<16xi32>
      %parallel_loop3A_518 = arith.select %parallel_loop3A_515, %parallel_loop3A_511, %parallel_loop3A_504 : vector<16xi1>, vector<16xf32>
      %parallel_loop3A_519 = arith.select %parallel_loop3A_514, %parallel_loop3A_506, %parallel_loop3A_518 : vector<16xi1>, vector<16xf32>
      %parallel_loop3A_520 = arith.select %parallel_loop3A_514, %parallel_loop3A_513, %parallel_loop3A_505 : vector<16xi1>, vector<16xi32>
      %parallel_loop3A_521 = arith.select %parallel_loop3A_514, %parallel_loop3A_511, %parallel_loop3A_506 : vector<16xi1>, vector<16xf32>
      %parallel_loop3A_522 = arith.constant 33 : i32
      %parallel_loop3A_523 = arith.index_cast %parallel_loop3A_522 : i32 to index
      %parallel_loop3A_524 = arith.index_cast %parallel_loop3A_26 : i32 to index
      %parallel_loop3A_525 = tpu.vector_load %arg5[%parallel_loop3A_523, %parallel_loop3A_524] {strides = array<i32>} : memref<64x128xf32, #tpu.memory_space<vmem>>, vector<1x16xf32>,
      %parallel_loop3A_526 = vector.shape_cast %parallel_loop3A_525 : vector<1x16xf32> to vector<16xf32>
      %parallel_loop3A_527 = arith.constant 33 : i32
      %parallel_loop3A_528 = vector.broadcast %parallel_loop3A_527 : i32 to vector<16xi32>
      %parallel_loop3A_529 = arith.cmpf ogt, %parallel_loop3A_526, %parallel_loop3A_521 : vector<16xf32>
      %parallel_loop3A_530 = arith.cmpf ogt, %parallel_loop3A_526, %parallel_loop3A_519 : vector<16xf32>
      %parallel_loop3A_531 = arith.select %parallel_loop3A_530, %parallel_loop3A_528, %parallel_loop3A_517 : vector<16xi1>, vector<16xi32>
      %parallel_loop3A_532 = arith.select %parallel_loop3A_529, %parallel_loop3A_520, %parallel_loop3A_531 : vector<16xi1>, vector<16xi32>
      %parallel_loop3A_533 = arith.select %parallel_loop3A_530, %parallel_loop3A_526, %parallel_loop3A_519 : vector<16xi1>, vector<16xf32>
      %parallel_loop3A_534 = arith.select %parallel_loop3A_529, %parallel_loop3A_521, %parallel_loop3A_533 : vector<16xi1>, vector<16xf32>
      %parallel_loop3A_535 = arith.select %parallel_loop3A_529, %parallel_loop3A_528, %parallel_loop3A_520 : vector<16xi1>, vector<16xi32>
      %parallel_loop3A_536 = arith.select %parallel_loop3A_529, %parallel_loop3A_526, %parallel_loop3A_521 : vector<16xi1>, vector<16xf32>
      %parallel_loop3A_537 = arith.constant 34 : i32
      %parallel_loop3A_538 = arith.index_cast %parallel_loop3A_537 : i32 to index
      %parallel_loop3A_539 = arith.index_cast %parallel_loop3A_26 : i32 to index
      %parallel_loop3A_540 = tpu.vector_load %arg5[%parallel_loop3A_538, %parallel_loop3A_539] {strides = array<i32>} : memref<64x128xf32, #tpu.memory_space<vmem>>, vector<1x16xf32>,
      %parallel_loop3A_541 = vector.shape_cast %parallel_loop3A_540 : vector<1x16xf32> to vector<16xf32>
      %parallel_loop3A_542 = arith.constant 34 : i32
      %parallel_loop3A_543 = vector.broadcast %parallel_loop3A_542 : i32 to vector<16xi32>
      %parallel_loop3A_544 = arith.cmpf ogt, %parallel_loop3A_541, %parallel_loop3A_536 : vector<16xf32>
      %parallel_loop3A_545 = arith.cmpf ogt, %parallel_loop3A_541, %parallel_loop3A_534 : vector<16xf32>
      %parallel_loop3A_546 = arith.select %parallel_loop3A_545, %parallel_loop3A_543, %parallel_loop3A_532 : vector<16xi1>, vector<16xi32>
      %parallel_loop3A_547 = arith.select %parallel_loop3A_544, %parallel_loop3A_535, %parallel_loop3A_546 : vector<16xi1>, vector<16xi32>
      %parallel_loop3A_548 = arith.select %parallel_loop3A_545, %parallel_loop3A_541, %parallel_loop3A_534 : vector<16xi1>, vector<16xf32>
      %parallel_loop3A_549 = arith.select %parallel_loop3A_544, %parallel_loop3A_536, %parallel_loop3A_548 : vector<16xi1>, vector<16xf32>
      %parallel_loop3A_550 = arith.select %parallel_loop3A_544, %parallel_loop3A_543, %parallel_loop3A_535 : vector<16xi1>, vector<16xi32>
      %parallel_loop3A_551 = arith.select %parallel_loop3A_544, %parallel_loop3A_541, %parallel_loop3A_536 : vector<16xi1>, vector<16xf32>
      %parallel_loop3A_552 = arith.constant 35 : i32
      %parallel_loop3A_553 = arith.index_cast %parallel_loop3A_552 : i32 to index
      %parallel_loop3A_554 = arith.index_cast %parallel_loop3A_26 : i32 to index
      %parallel_loop3A_555 = tpu.vector_load %arg5[%parallel_loop3A_553, %parallel_loop3A_554] {strides = array<i32>} : memref<64x128xf32, #tpu.memory_space<vmem>>, vector<1x16xf32>,
      %parallel_loop3A_556 = vector.shape_cast %parallel_loop3A_555 : vector<1x16xf32> to vector<16xf32>
      %parallel_loop3A_557 = arith.constant 35 : i32
      %parallel_loop3A_558 = vector.broadcast %parallel_loop3A_557 : i32 to vector<16xi32>
      %parallel_loop3A_559 = arith.cmpf ogt, %parallel_loop3A_556, %parallel_loop3A_551 : vector<16xf32>
      %parallel_loop3A_560 = arith.cmpf ogt, %parallel_loop3A_556, %parallel_loop3A_549 : vector<16xf32>
      %parallel_loop3A_561 = arith.select %parallel_loop3A_560, %parallel_loop3A_558, %parallel_loop3A_547 : vector<16xi1>, vector<16xi32>
      %parallel_loop3A_562 = arith.select %parallel_loop3A_559, %parallel_loop3A_550, %parallel_loop3A_561 : vector<16xi1>, vector<16xi32>
      %parallel_loop3A_563 = arith.select %parallel_loop3A_560, %parallel_loop3A_556, %parallel_loop3A_549 : vector<16xi1>, vector<16xf32>
      %parallel_loop3A_564 = arith.select %parallel_loop3A_559, %parallel_loop3A_551, %parallel_loop3A_563 : vector<16xi1>, vector<16xf32>
      %parallel_loop3A_565 = arith.select %parallel_loop3A_559, %parallel_loop3A_558, %parallel_loop3A_550 : vector<16xi1>, vector<16xi32>
      %parallel_loop3A_566 = arith.select %parallel_loop3A_559, %parallel_loop3A_556, %parallel_loop3A_551 : vector<16xi1>, vector<16xf32>
      %parallel_loop3A_567 = arith.constant 36 : i32
      %parallel_loop3A_568 = arith.index_cast %parallel_loop3A_567 : i32 to index
      %parallel_loop3A_569 = arith.index_cast %parallel_loop3A_26 : i32 to index
      %parallel_loop3A_570 = tpu.vector_load %arg5[%parallel_loop3A_568, %parallel_loop3A_569] {strides = array<i32>} : memref<64x128xf32, #tpu.memory_space<vmem>>, vector<1x16xf32>,
      %parallel_loop3A_571 = vector.shape_cast %parallel_loop3A_570 : vector<1x16xf32> to vector<16xf32>
      %parallel_loop3A_572 = arith.constant 36 : i32
      %parallel_loop3A_573 = vector.broadcast %parallel_loop3A_572 : i32 to vector<16xi32>
      %parallel_loop3A_574 = arith.cmpf ogt, %parallel_loop3A_571, %parallel_loop3A_566 : vector<16xf32>
      %parallel_loop3A_575 = arith.cmpf ogt, %parallel_loop3A_571, %parallel_loop3A_564 : vector<16xf32>
      %parallel_loop3A_576 = arith.select %parallel_loop3A_575, %parallel_loop3A_573, %parallel_loop3A_562 : vector<16xi1>, vector<16xi32>
      %parallel_loop3A_577 = arith.select %parallel_loop3A_574, %parallel_loop3A_565, %parallel_loop3A_576 : vector<16xi1>, vector<16xi32>
      %parallel_loop3A_578 = arith.select %parallel_loop3A_575, %parallel_loop3A_571, %parallel_loop3A_564 : vector<16xi1>, vector<16xf32>
      %parallel_loop3A_579 = arith.select %parallel_loop3A_574, %parallel_loop3A_566, %parallel_loop3A_578 : vector<16xi1>, vector<16xf32>
      %parallel_loop3A_580 = arith.select %parallel_loop3A_574, %parallel_loop3A_573, %parallel_loop3A_565 : vector<16xi1>, vector<16xi32>
      %parallel_loop3A_581 = arith.select %parallel_loop3A_574, %parallel_loop3A_571, %parallel_loop3A_566 : vector<16xi1>, vector<16xf32>
      %parallel_loop3A_582 = arith.constant 37 : i32
      %parallel_loop3A_583 = arith.index_cast %parallel_loop3A_582 : i32 to index
      %parallel_loop3A_584 = arith.index_cast %parallel_loop3A_26 : i32 to index
      %parallel_loop3A_585 = tpu.vector_load %arg5[%parallel_loop3A_583, %parallel_loop3A_584] {strides = array<i32>} : memref<64x128xf32, #tpu.memory_space<vmem>>, vector<1x16xf32>,
      %parallel_loop3A_586 = vector.shape_cast %parallel_loop3A_585 : vector<1x16xf32> to vector<16xf32>
      %parallel_loop3A_587 = arith.constant 37 : i32
      %parallel_loop3A_588 = vector.broadcast %parallel_loop3A_587 : i32 to vector<16xi32>
      %parallel_loop3A_589 = arith.cmpf ogt, %parallel_loop3A_586, %parallel_loop3A_581 : vector<16xf32>
      %parallel_loop3A_590 = arith.cmpf ogt, %parallel_loop3A_586, %parallel_loop3A_579 : vector<16xf32>
      %parallel_loop3A_591 = arith.select %parallel_loop3A_590, %parallel_loop3A_588, %parallel_loop3A_577 : vector<16xi1>, vector<16xi32>
      %parallel_loop3A_592 = arith.select %parallel_loop3A_589, %parallel_loop3A_580, %parallel_loop3A_591 : vector<16xi1>, vector<16xi32>
      %parallel_loop3A_593 = arith.select %parallel_loop3A_590, %parallel_loop3A_586, %parallel_loop3A_579 : vector<16xi1>, vector<16xf32>
      %parallel_loop3A_594 = arith.select %parallel_loop3A_589, %parallel_loop3A_581, %parallel_loop3A_593 : vector<16xi1>, vector<16xf32>
      %parallel_loop3A_595 = arith.select %parallel_loop3A_589, %parallel_loop3A_588, %parallel_loop3A_580 : vector<16xi1>, vector<16xi32>
      %parallel_loop3A_596 = arith.select %parallel_loop3A_589, %parallel_loop3A_586, %parallel_loop3A_581 : vector<16xi1>, vector<16xf32>
      %parallel_loop3A_597 = arith.constant 38 : i32
      %parallel_loop3A_598 = arith.index_cast %parallel_loop3A_597 : i32 to index
      %parallel_loop3A_599 = arith.index_cast %parallel_loop3A_26 : i32 to index
      %parallel_loop3A_600 = tpu.vector_load %arg5[%parallel_loop3A_598, %parallel_loop3A_599] {strides = array<i32>} : memref<64x128xf32, #tpu.memory_space<vmem>>, vector<1x16xf32>,
      %parallel_loop3A_601 = vector.shape_cast %parallel_loop3A_600 : vector<1x16xf32> to vector<16xf32>
      %parallel_loop3A_602 = arith.constant 38 : i32
      %parallel_loop3A_603 = vector.broadcast %parallel_loop3A_602 : i32 to vector<16xi32>
      %parallel_loop3A_604 = arith.cmpf ogt, %parallel_loop3A_601, %parallel_loop3A_596 : vector<16xf32>
      %parallel_loop3A_605 = arith.cmpf ogt, %parallel_loop3A_601, %parallel_loop3A_594 : vector<16xf32>
      %parallel_loop3A_606 = arith.select %parallel_loop3A_605, %parallel_loop3A_603, %parallel_loop3A_592 : vector<16xi1>, vector<16xi32>
      %parallel_loop3A_607 = arith.select %parallel_loop3A_604, %parallel_loop3A_595, %parallel_loop3A_606 : vector<16xi1>, vector<16xi32>
      %parallel_loop3A_608 = arith.select %parallel_loop3A_605, %parallel_loop3A_601, %parallel_loop3A_594 : vector<16xi1>, vector<16xf32>
      %parallel_loop3A_609 = arith.select %parallel_loop3A_604, %parallel_loop3A_596, %parallel_loop3A_608 : vector<16xi1>, vector<16xf32>
      %parallel_loop3A_610 = arith.select %parallel_loop3A_604, %parallel_loop3A_603, %parallel_loop3A_595 : vector<16xi1>, vector<16xi32>
      %parallel_loop3A_611 = arith.select %parallel_loop3A_604, %parallel_loop3A_601, %parallel_loop3A_596 : vector<16xi1>, vector<16xf32>
      %parallel_loop3A_612 = arith.constant 39 : i32
      %parallel_loop3A_613 = arith.index_cast %parallel_loop3A_612 : i32 to index
      %parallel_loop3A_614 = arith.index_cast %parallel_loop3A_26 : i32 to index
      %parallel_loop3A_615 = tpu.vector_load %arg5[%parallel_loop3A_613, %parallel_loop3A_614] {strides = array<i32>} : memref<64x128xf32, #tpu.memory_space<vmem>>, vector<1x16xf32>,
      %parallel_loop3A_616 = vector.shape_cast %parallel_loop3A_615 : vector<1x16xf32> to vector<16xf32>
      %parallel_loop3A_617 = arith.constant 39 : i32
      %parallel_loop3A_618 = vector.broadcast %parallel_loop3A_617 : i32 to vector<16xi32>
      %parallel_loop3A_619 = arith.cmpf ogt, %parallel_loop3A_616, %parallel_loop3A_611 : vector<16xf32>
      %parallel_loop3A_620 = arith.cmpf ogt, %parallel_loop3A_616, %parallel_loop3A_609 : vector<16xf32>
      %parallel_loop3A_621 = arith.select %parallel_loop3A_620, %parallel_loop3A_618, %parallel_loop3A_607 : vector<16xi1>, vector<16xi32>
      %parallel_loop3A_622 = arith.select %parallel_loop3A_619, %parallel_loop3A_610, %parallel_loop3A_621 : vector<16xi1>, vector<16xi32>
      %parallel_loop3A_623 = arith.select %parallel_loop3A_620, %parallel_loop3A_616, %parallel_loop3A_609 : vector<16xi1>, vector<16xf32>
      %parallel_loop3A_624 = arith.select %parallel_loop3A_619, %parallel_loop3A_611, %parallel_loop3A_623 : vector<16xi1>, vector<16xf32>
      %parallel_loop3A_625 = arith.select %parallel_loop3A_619, %parallel_loop3A_618, %parallel_loop3A_610 : vector<16xi1>, vector<16xi32>
      %parallel_loop3A_626 = arith.select %parallel_loop3A_619, %parallel_loop3A_616, %parallel_loop3A_611 : vector<16xi1>, vector<16xf32>
      %parallel_loop3A_627 = arith.constant 40 : i32
      %parallel_loop3A_628 = arith.index_cast %parallel_loop3A_627 : i32 to index
      %parallel_loop3A_629 = arith.index_cast %parallel_loop3A_26 : i32 to index
      %parallel_loop3A_630 = tpu.vector_load %arg5[%parallel_loop3A_628, %parallel_loop3A_629] {strides = array<i32>} : memref<64x128xf32, #tpu.memory_space<vmem>>, vector<1x16xf32>,
      %parallel_loop3A_631 = vector.shape_cast %parallel_loop3A_630 : vector<1x16xf32> to vector<16xf32>
      %parallel_loop3A_632 = arith.constant 40 : i32
      %parallel_loop3A_633 = vector.broadcast %parallel_loop3A_632 : i32 to vector<16xi32>
      %parallel_loop3A_634 = arith.cmpf ogt, %parallel_loop3A_631, %parallel_loop3A_626 : vector<16xf32>
      %parallel_loop3A_635 = arith.cmpf ogt, %parallel_loop3A_631, %parallel_loop3A_624 : vector<16xf32>
      %parallel_loop3A_636 = arith.select %parallel_loop3A_635, %parallel_loop3A_633, %parallel_loop3A_622 : vector<16xi1>, vector<16xi32>
      %parallel_loop3A_637 = arith.select %parallel_loop3A_634, %parallel_loop3A_625, %parallel_loop3A_636 : vector<16xi1>, vector<16xi32>
      %parallel_loop3A_638 = arith.select %parallel_loop3A_635, %parallel_loop3A_631, %parallel_loop3A_624 : vector<16xi1>, vector<16xf32>
      %parallel_loop3A_639 = arith.select %parallel_loop3A_634, %parallel_loop3A_626, %parallel_loop3A_638 : vector<16xi1>, vector<16xf32>
      %parallel_loop3A_640 = arith.select %parallel_loop3A_634, %parallel_loop3A_633, %parallel_loop3A_625 : vector<16xi1>, vector<16xi32>
      %parallel_loop3A_641 = arith.select %parallel_loop3A_634, %parallel_loop3A_631, %parallel_loop3A_626 : vector<16xi1>, vector<16xf32>
      %parallel_loop3A_642 = arith.constant 41 : i32
      %parallel_loop3A_643 = arith.index_cast %parallel_loop3A_642 : i32 to index
      %parallel_loop3A_644 = arith.index_cast %parallel_loop3A_26 : i32 to index
      %parallel_loop3A_645 = tpu.vector_load %arg5[%parallel_loop3A_643, %parallel_loop3A_644] {strides = array<i32>} : memref<64x128xf32, #tpu.memory_space<vmem>>, vector<1x16xf32>,
      %parallel_loop3A_646 = vector.shape_cast %parallel_loop3A_645 : vector<1x16xf32> to vector<16xf32>
      %parallel_loop3A_647 = arith.constant 41 : i32
      %parallel_loop3A_648 = vector.broadcast %parallel_loop3A_647 : i32 to vector<16xi32>
      %parallel_loop3A_649 = arith.cmpf ogt, %parallel_loop3A_646, %parallel_loop3A_641 : vector<16xf32>
      %parallel_loop3A_650 = arith.cmpf ogt, %parallel_loop3A_646, %parallel_loop3A_639 : vector<16xf32>
      %parallel_loop3A_651 = arith.select %parallel_loop3A_650, %parallel_loop3A_648, %parallel_loop3A_637 : vector<16xi1>, vector<16xi32>
      %parallel_loop3A_652 = arith.select %parallel_loop3A_649, %parallel_loop3A_640, %parallel_loop3A_651 : vector<16xi1>, vector<16xi32>
      %parallel_loop3A_653 = arith.select %parallel_loop3A_650, %parallel_loop3A_646, %parallel_loop3A_639 : vector<16xi1>, vector<16xf32>
      %parallel_loop3A_654 = arith.select %parallel_loop3A_649, %parallel_loop3A_641, %parallel_loop3A_653 : vector<16xi1>, vector<16xf32>
      %parallel_loop3A_655 = arith.select %parallel_loop3A_649, %parallel_loop3A_648, %parallel_loop3A_640 : vector<16xi1>, vector<16xi32>
      %parallel_loop3A_656 = arith.select %parallel_loop3A_649, %parallel_loop3A_646, %parallel_loop3A_641 : vector<16xi1>, vector<16xf32>
      %parallel_loop3A_657 = arith.constant 42 : i32
      %parallel_loop3A_658 = arith.index_cast %parallel_loop3A_657 : i32 to index
      %parallel_loop3A_659 = arith.index_cast %parallel_loop3A_26 : i32 to index
      %parallel_loop3A_660 = tpu.vector_load %arg5[%parallel_loop3A_658, %parallel_loop3A_659] {strides = array<i32>} : memref<64x128xf32, #tpu.memory_space<vmem>>, vector<1x16xf32>,
      %parallel_loop3A_661 = vector.shape_cast %parallel_loop3A_660 : vector<1x16xf32> to vector<16xf32>
      %parallel_loop3A_662 = arith.constant 42 : i32
      %parallel_loop3A_663 = vector.broadcast %parallel_loop3A_662 : i32 to vector<16xi32>
      %parallel_loop3A_664 = arith.cmpf ogt, %parallel_loop3A_661, %parallel_loop3A_656 : vector<16xf32>
      %parallel_loop3A_665 = arith.cmpf ogt, %parallel_loop3A_661, %parallel_loop3A_654 : vector<16xf32>
      %parallel_loop3A_666 = arith.select %parallel_loop3A_665, %parallel_loop3A_663, %parallel_loop3A_652 : vector<16xi1>, vector<16xi32>
      %parallel_loop3A_667 = arith.select %parallel_loop3A_664, %parallel_loop3A_655, %parallel_loop3A_666 : vector<16xi1>, vector<16xi32>
      %parallel_loop3A_668 = arith.select %parallel_loop3A_665, %parallel_loop3A_661, %parallel_loop3A_654 : vector<16xi1>, vector<16xf32>
      %parallel_loop3A_669 = arith.select %parallel_loop3A_664, %parallel_loop3A_656, %parallel_loop3A_668 : vector<16xi1>, vector<16xf32>
      %parallel_loop3A_670 = arith.select %parallel_loop3A_664, %parallel_loop3A_663, %parallel_loop3A_655 : vector<16xi1>, vector<16xi32>
      %parallel_loop3A_671 = arith.select %parallel_loop3A_664, %parallel_loop3A_661, %parallel_loop3A_656 : vector<16xi1>, vector<16xf32>
      %parallel_loop3A_672 = arith.constant 43 : i32
      %parallel_loop3A_673 = arith.index_cast %parallel_loop3A_672 : i32 to index
      %parallel_loop3A_674 = arith.index_cast %parallel_loop3A_26 : i32 to index
      %parallel_loop3A_675 = tpu.vector_load %arg5[%parallel_loop3A_673, %parallel_loop3A_674] {strides = array<i32>} : memref<64x128xf32, #tpu.memory_space<vmem>>, vector<1x16xf32>,
      %parallel_loop3A_676 = vector.shape_cast %parallel_loop3A_675 : vector<1x16xf32> to vector<16xf32>
      %parallel_loop3A_677 = arith.constant 43 : i32
      %parallel_loop3A_678 = vector.broadcast %parallel_loop3A_677 : i32 to vector<16xi32>
      %parallel_loop3A_679 = arith.cmpf ogt, %parallel_loop3A_676, %parallel_loop3A_671 : vector<16xf32>
      %parallel_loop3A_680 = arith.cmpf ogt, %parallel_loop3A_676, %parallel_loop3A_669 : vector<16xf32>
      %parallel_loop3A_681 = arith.select %parallel_loop3A_680, %parallel_loop3A_678, %parallel_loop3A_667 : vector<16xi1>, vector<16xi32>
      %parallel_loop3A_682 = arith.select %parallel_loop3A_679, %parallel_loop3A_670, %parallel_loop3A_681 : vector<16xi1>, vector<16xi32>
      %parallel_loop3A_683 = arith.select %parallel_loop3A_680, %parallel_loop3A_676, %parallel_loop3A_669 : vector<16xi1>, vector<16xf32>
      %parallel_loop3A_684 = arith.select %parallel_loop3A_679, %parallel_loop3A_671, %parallel_loop3A_683 : vector<16xi1>, vector<16xf32>
      %parallel_loop3A_685 = arith.select %parallel_loop3A_679, %parallel_loop3A_678, %parallel_loop3A_670 : vector<16xi1>, vector<16xi32>
      %parallel_loop3A_686 = arith.select %parallel_loop3A_679, %parallel_loop3A_676, %parallel_loop3A_671 : vector<16xi1>, vector<16xf32>
      %parallel_loop3A_687 = arith.constant 44 : i32
      %parallel_loop3A_688 = arith.index_cast %parallel_loop3A_687 : i32 to index
      %parallel_loop3A_689 = arith.index_cast %parallel_loop3A_26 : i32 to index
      %parallel_loop3A_690 = tpu.vector_load %arg5[%parallel_loop3A_688, %parallel_loop3A_689] {strides = array<i32>} : memref<64x128xf32, #tpu.memory_space<vmem>>, vector<1x16xf32>,
      %parallel_loop3A_691 = vector.shape_cast %parallel_loop3A_690 : vector<1x16xf32> to vector<16xf32>
      %parallel_loop3A_692 = arith.constant 44 : i32
      %parallel_loop3A_693 = vector.broadcast %parallel_loop3A_692 : i32 to vector<16xi32>
      %parallel_loop3A_694 = arith.cmpf ogt, %parallel_loop3A_691, %parallel_loop3A_686 : vector<16xf32>
      %parallel_loop3A_695 = arith.cmpf ogt, %parallel_loop3A_691, %parallel_loop3A_684 : vector<16xf32>
      %parallel_loop3A_696 = arith.select %parallel_loop3A_695, %parallel_loop3A_693, %parallel_loop3A_682 : vector<16xi1>, vector<16xi32>
      %parallel_loop3A_697 = arith.select %parallel_loop3A_694, %parallel_loop3A_685, %parallel_loop3A_696 : vector<16xi1>, vector<16xi32>
      %parallel_loop3A_698 = arith.select %parallel_loop3A_695, %parallel_loop3A_691, %parallel_loop3A_684 : vector<16xi1>, vector<16xf32>
      %parallel_loop3A_699 = arith.select %parallel_loop3A_694, %parallel_loop3A_686, %parallel_loop3A_698 : vector<16xi1>, vector<16xf32>
      %parallel_loop3A_700 = arith.select %parallel_loop3A_694, %parallel_loop3A_693, %parallel_loop3A_685 : vector<16xi1>, vector<16xi32>
      %parallel_loop3A_701 = arith.select %parallel_loop3A_694, %parallel_loop3A_691, %parallel_loop3A_686 : vector<16xi1>, vector<16xf32>
      %parallel_loop3A_702 = arith.constant 45 : i32
      %parallel_loop3A_703 = arith.index_cast %parallel_loop3A_702 : i32 to index
      %parallel_loop3A_704 = arith.index_cast %parallel_loop3A_26 : i32 to index
      %parallel_loop3A_705 = tpu.vector_load %arg5[%parallel_loop3A_703, %parallel_loop3A_704] {strides = array<i32>} : memref<64x128xf32, #tpu.memory_space<vmem>>, vector<1x16xf32>,
      %parallel_loop3A_706 = vector.shape_cast %parallel_loop3A_705 : vector<1x16xf32> to vector<16xf32>
      %parallel_loop3A_707 = arith.constant 45 : i32
      %parallel_loop3A_708 = vector.broadcast %parallel_loop3A_707 : i32 to vector<16xi32>
      %parallel_loop3A_709 = arith.cmpf ogt, %parallel_loop3A_706, %parallel_loop3A_701 : vector<16xf32>
      %parallel_loop3A_710 = arith.cmpf ogt, %parallel_loop3A_706, %parallel_loop3A_699 : vector<16xf32>
      %parallel_loop3A_711 = arith.select %parallel_loop3A_710, %parallel_loop3A_708, %parallel_loop3A_697 : vector<16xi1>, vector<16xi32>
      %parallel_loop3A_712 = arith.select %parallel_loop3A_709, %parallel_loop3A_700, %parallel_loop3A_711 : vector<16xi1>, vector<16xi32>
      %parallel_loop3A_713 = arith.select %parallel_loop3A_710, %parallel_loop3A_706, %parallel_loop3A_699 : vector<16xi1>, vector<16xf32>
      %parallel_loop3A_714 = arith.select %parallel_loop3A_709, %parallel_loop3A_701, %parallel_loop3A_713 : vector<16xi1>, vector<16xf32>
      %parallel_loop3A_715 = arith.select %parallel_loop3A_709, %parallel_loop3A_708, %parallel_loop3A_700 : vector<16xi1>, vector<16xi32>
      %parallel_loop3A_716 = arith.select %parallel_loop3A_709, %parallel_loop3A_706, %parallel_loop3A_701 : vector<16xi1>, vector<16xf32>
      %parallel_loop3A_717 = arith.constant 46 : i32
      %parallel_loop3A_718 = arith.index_cast %parallel_loop3A_717 : i32 to index
      %parallel_loop3A_719 = arith.index_cast %parallel_loop3A_26 : i32 to index
      %parallel_loop3A_720 = tpu.vector_load %arg5[%parallel_loop3A_718, %parallel_loop3A_719] {strides = array<i32>} : memref<64x128xf32, #tpu.memory_space<vmem>>, vector<1x16xf32>,
      %parallel_loop3A_721 = vector.shape_cast %parallel_loop3A_720 : vector<1x16xf32> to vector<16xf32>
      %parallel_loop3A_722 = arith.constant 46 : i32
      %parallel_loop3A_723 = vector.broadcast %parallel_loop3A_722 : i32 to vector<16xi32>
      %parallel_loop3A_724 = arith.cmpf ogt, %parallel_loop3A_721, %parallel_loop3A_716 : vector<16xf32>
      %parallel_loop3A_725 = arith.cmpf ogt, %parallel_loop3A_721, %parallel_loop3A_714 : vector<16xf32>
      %parallel_loop3A_726 = arith.select %parallel_loop3A_725, %parallel_loop3A_723, %parallel_loop3A_712 : vector<16xi1>, vector<16xi32>
      %parallel_loop3A_727 = arith.select %parallel_loop3A_724, %parallel_loop3A_715, %parallel_loop3A_726 : vector<16xi1>, vector<16xi32>
      %parallel_loop3A_728 = arith.select %parallel_loop3A_725, %parallel_loop3A_721, %parallel_loop3A_714 : vector<16xi1>, vector<16xf32>
      %parallel_loop3A_729 = arith.select %parallel_loop3A_724, %parallel_loop3A_716, %parallel_loop3A_728 : vector<16xi1>, vector<16xf32>
      %parallel_loop3A_730 = arith.select %parallel_loop3A_724, %parallel_loop3A_723, %parallel_loop3A_715 : vector<16xi1>, vector<16xi32>
      %parallel_loop3A_731 = arith.select %parallel_loop3A_724, %parallel_loop3A_721, %parallel_loop3A_716 : vector<16xi1>, vector<16xf32>
      %parallel_loop3A_732 = arith.constant 47 : i32
      %parallel_loop3A_733 = arith.index_cast %parallel_loop3A_732 : i32 to index
      %parallel_loop3A_734 = arith.index_cast %parallel_loop3A_26 : i32 to index
      %parallel_loop3A_735 = tpu.vector_load %arg5[%parallel_loop3A_733, %parallel_loop3A_734] {strides = array<i32>} : memref<64x128xf32, #tpu.memory_space<vmem>>, vector<1x16xf32>,
      %parallel_loop3A_736 = vector.shape_cast %parallel_loop3A_735 : vector<1x16xf32> to vector<16xf32>
      %parallel_loop3A_737 = arith.constant 47 : i32
      %parallel_loop3A_738 = vector.broadcast %parallel_loop3A_737 : i32 to vector<16xi32>
      %parallel_loop3A_739 = arith.cmpf ogt, %parallel_loop3A_736, %parallel_loop3A_731 : vector<16xf32>
      %parallel_loop3A_740 = arith.cmpf ogt, %parallel_loop3A_736, %parallel_loop3A_729 : vector<16xf32>
      %parallel_loop3A_741 = arith.select %parallel_loop3A_740, %parallel_loop3A_738, %parallel_loop3A_727 : vector<16xi1>, vector<16xi32>
      %parallel_loop3A_742 = arith.select %parallel_loop3A_739, %parallel_loop3A_730, %parallel_loop3A_741 : vector<16xi1>, vector<16xi32>
      %parallel_loop3A_743 = arith.select %parallel_loop3A_740, %parallel_loop3A_736, %parallel_loop3A_729 : vector<16xi1>, vector<16xf32>
      %parallel_loop3A_744 = arith.select %parallel_loop3A_739, %parallel_loop3A_731, %parallel_loop3A_743 : vector<16xi1>, vector<16xf32>
      %parallel_loop3A_745 = arith.select %parallel_loop3A_739, %parallel_loop3A_738, %parallel_loop3A_730 : vector<16xi1>, vector<16xi32>
      %parallel_loop3A_746 = arith.select %parallel_loop3A_739, %parallel_loop3A_736, %parallel_loop3A_731 : vector<16xi1>, vector<16xf32>
      %parallel_loop3A_747 = arith.constant 48 : i32
      %parallel_loop3A_748 = arith.index_cast %parallel_loop3A_747 : i32 to index
      %parallel_loop3A_749 = arith.index_cast %parallel_loop3A_26 : i32 to index
      %parallel_loop3A_750 = tpu.vector_load %arg5[%parallel_loop3A_748, %parallel_loop3A_749] {strides = array<i32>} : memref<64x128xf32, #tpu.memory_space<vmem>>, vector<1x16xf32>,
      %parallel_loop3A_751 = vector.shape_cast %parallel_loop3A_750 : vector<1x16xf32> to vector<16xf32>
      %parallel_loop3A_752 = arith.constant 48 : i32
      %parallel_loop3A_753 = vector.broadcast %parallel_loop3A_752 : i32 to vector<16xi32>
      %parallel_loop3A_754 = arith.cmpf ogt, %parallel_loop3A_751, %parallel_loop3A_746 : vector<16xf32>
      %parallel_loop3A_755 = arith.cmpf ogt, %parallel_loop3A_751, %parallel_loop3A_744 : vector<16xf32>
      %parallel_loop3A_756 = arith.select %parallel_loop3A_755, %parallel_loop3A_753, %parallel_loop3A_742 : vector<16xi1>, vector<16xi32>
      %parallel_loop3A_757 = arith.select %parallel_loop3A_754, %parallel_loop3A_745, %parallel_loop3A_756 : vector<16xi1>, vector<16xi32>
      %parallel_loop3A_758 = arith.select %parallel_loop3A_755, %parallel_loop3A_751, %parallel_loop3A_744 : vector<16xi1>, vector<16xf32>
      %parallel_loop3A_759 = arith.select %parallel_loop3A_754, %parallel_loop3A_746, %parallel_loop3A_758 : vector<16xi1>, vector<16xf32>
      %parallel_loop3A_760 = arith.select %parallel_loop3A_754, %parallel_loop3A_753, %parallel_loop3A_745 : vector<16xi1>, vector<16xi32>
      %parallel_loop3A_761 = arith.select %parallel_loop3A_754, %parallel_loop3A_751, %parallel_loop3A_746 : vector<16xi1>, vector<16xf32>
      %parallel_loop3A_762 = arith.constant 49 : i32
      %parallel_loop3A_763 = arith.index_cast %parallel_loop3A_762 : i32 to index
      %parallel_loop3A_764 = arith.index_cast %parallel_loop3A_26 : i32 to index
      %parallel_loop3A_765 = tpu.vector_load %arg5[%parallel_loop3A_763, %parallel_loop3A_764] {strides = array<i32>} : memref<64x128xf32, #tpu.memory_space<vmem>>, vector<1x16xf32>,
      %parallel_loop3A_766 = vector.shape_cast %parallel_loop3A_765 : vector<1x16xf32> to vector<16xf32>
      %parallel_loop3A_767 = arith.constant 49 : i32
      %parallel_loop3A_768 = vector.broadcast %parallel_loop3A_767 : i32 to vector<16xi32>
      %parallel_loop3A_769 = arith.cmpf ogt, %parallel_loop3A_766, %parallel_loop3A_761 : vector<16xf32>
      %parallel_loop3A_770 = arith.cmpf ogt, %parallel_loop3A_766, %parallel_loop3A_759 : vector<16xf32>
      %parallel_loop3A_771 = arith.select %parallel_loop3A_770, %parallel_loop3A_768, %parallel_loop3A_757 : vector<16xi1>, vector<16xi32>
      %parallel_loop3A_772 = arith.select %parallel_loop3A_769, %parallel_loop3A_760, %parallel_loop3A_771 : vector<16xi1>, vector<16xi32>
      %parallel_loop3A_773 = arith.select %parallel_loop3A_770, %parallel_loop3A_766, %parallel_loop3A_759 : vector<16xi1>, vector<16xf32>
      %parallel_loop3A_774 = arith.select %parallel_loop3A_769, %parallel_loop3A_761, %parallel_loop3A_773 : vector<16xi1>, vector<16xf32>
      %parallel_loop3A_775 = arith.select %parallel_loop3A_769, %parallel_loop3A_768, %parallel_loop3A_760 : vector<16xi1>, vector<16xi32>
      %parallel_loop3A_776 = arith.select %parallel_loop3A_769, %parallel_loop3A_766, %parallel_loop3A_761 : vector<16xi1>, vector<16xf32>
      %parallel_loop3A_777 = arith.constant 50 : i32
      %parallel_loop3A_778 = arith.index_cast %parallel_loop3A_777 : i32 to index
      %parallel_loop3A_779 = arith.index_cast %parallel_loop3A_26 : i32 to index
      %parallel_loop3A_780 = tpu.vector_load %arg5[%parallel_loop3A_778, %parallel_loop3A_779] {strides = array<i32>} : memref<64x128xf32, #tpu.memory_space<vmem>>, vector<1x16xf32>,
      %parallel_loop3A_781 = vector.shape_cast %parallel_loop3A_780 : vector<1x16xf32> to vector<16xf32>
      %parallel_loop3A_782 = arith.constant 50 : i32
      %parallel_loop3A_783 = vector.broadcast %parallel_loop3A_782 : i32 to vector<16xi32>
      %parallel_loop3A_784 = arith.cmpf ogt, %parallel_loop3A_781, %parallel_loop3A_776 : vector<16xf32>
      %parallel_loop3A_785 = arith.cmpf ogt, %parallel_loop3A_781, %parallel_loop3A_774 : vector<16xf32>
      %parallel_loop3A_786 = arith.select %parallel_loop3A_785, %parallel_loop3A_783, %parallel_loop3A_772 : vector<16xi1>, vector<16xi32>
      %parallel_loop3A_787 = arith.select %parallel_loop3A_784, %parallel_loop3A_775, %parallel_loop3A_786 : vector<16xi1>, vector<16xi32>
      %parallel_loop3A_788 = arith.select %parallel_loop3A_785, %parallel_loop3A_781, %parallel_loop3A_774 : vector<16xi1>, vector<16xf32>
      %parallel_loop3A_789 = arith.select %parallel_loop3A_784, %parallel_loop3A_776, %parallel_loop3A_788 : vector<16xi1>, vector<16xf32>
      %parallel_loop3A_790 = arith.select %parallel_loop3A_784, %parallel_loop3A_783, %parallel_loop3A_775 : vector<16xi1>, vector<16xi32>
      %parallel_loop3A_791 = arith.select %parallel_loop3A_784, %parallel_loop3A_781, %parallel_loop3A_776 : vector<16xi1>, vector<16xf32>
      %parallel_loop3A_792 = arith.constant 51 : i32
      %parallel_loop3A_793 = arith.index_cast %parallel_loop3A_792 : i32 to index
      %parallel_loop3A_794 = arith.index_cast %parallel_loop3A_26 : i32 to index
      %parallel_loop3A_795 = tpu.vector_load %arg5[%parallel_loop3A_793, %parallel_loop3A_794] {strides = array<i32>} : memref<64x128xf32, #tpu.memory_space<vmem>>, vector<1x16xf32>,
      %parallel_loop3A_796 = vector.shape_cast %parallel_loop3A_795 : vector<1x16xf32> to vector<16xf32>
      %parallel_loop3A_797 = arith.constant 51 : i32
      %parallel_loop3A_798 = vector.broadcast %parallel_loop3A_797 : i32 to vector<16xi32>
      %parallel_loop3A_799 = arith.cmpf ogt, %parallel_loop3A_796, %parallel_loop3A_791 : vector<16xf32>
      %parallel_loop3A_800 = arith.cmpf ogt, %parallel_loop3A_796, %parallel_loop3A_789 : vector<16xf32>
      %parallel_loop3A_801 = arith.select %parallel_loop3A_800, %parallel_loop3A_798, %parallel_loop3A_787 : vector<16xi1>, vector<16xi32>
      %parallel_loop3A_802 = arith.select %parallel_loop3A_799, %parallel_loop3A_790, %parallel_loop3A_801 : vector<16xi1>, vector<16xi32>
      %parallel_loop3A_803 = arith.select %parallel_loop3A_800, %parallel_loop3A_796, %parallel_loop3A_789 : vector<16xi1>, vector<16xf32>
      %parallel_loop3A_804 = arith.select %parallel_loop3A_799, %parallel_loop3A_791, %parallel_loop3A_803 : vector<16xi1>, vector<16xf32>
      %parallel_loop3A_805 = arith.select %parallel_loop3A_799, %parallel_loop3A_798, %parallel_loop3A_790 : vector<16xi1>, vector<16xi32>
      %parallel_loop3A_806 = arith.select %parallel_loop3A_799, %parallel_loop3A_796, %parallel_loop3A_791 : vector<16xi1>, vector<16xf32>
      %parallel_loop3A_807 = arith.constant 52 : i32
      %parallel_loop3A_808 = arith.index_cast %parallel_loop3A_807 : i32 to index
      %parallel_loop3A_809 = arith.index_cast %parallel_loop3A_26 : i32 to index
      %parallel_loop3A_810 = tpu.vector_load %arg5[%parallel_loop3A_808, %parallel_loop3A_809] {strides = array<i32>} : memref<64x128xf32, #tpu.memory_space<vmem>>, vector<1x16xf32>,
      %parallel_loop3A_811 = vector.shape_cast %parallel_loop3A_810 : vector<1x16xf32> to vector<16xf32>
      %parallel_loop3A_812 = arith.constant 52 : i32
      %parallel_loop3A_813 = vector.broadcast %parallel_loop3A_812 : i32 to vector<16xi32>
      %parallel_loop3A_814 = arith.cmpf ogt, %parallel_loop3A_811, %parallel_loop3A_806 : vector<16xf32>
      %parallel_loop3A_815 = arith.cmpf ogt, %parallel_loop3A_811, %parallel_loop3A_804 : vector<16xf32>
      %parallel_loop3A_816 = arith.select %parallel_loop3A_815, %parallel_loop3A_813, %parallel_loop3A_802 : vector<16xi1>, vector<16xi32>
      %parallel_loop3A_817 = arith.select %parallel_loop3A_814, %parallel_loop3A_805, %parallel_loop3A_816 : vector<16xi1>, vector<16xi32>
      %parallel_loop3A_818 = arith.select %parallel_loop3A_815, %parallel_loop3A_811, %parallel_loop3A_804 : vector<16xi1>, vector<16xf32>
      %parallel_loop3A_819 = arith.select %parallel_loop3A_814, %parallel_loop3A_806, %parallel_loop3A_818 : vector<16xi1>, vector<16xf32>
      %parallel_loop3A_820 = arith.select %parallel_loop3A_814, %parallel_loop3A_813, %parallel_loop3A_805 : vector<16xi1>, vector<16xi32>
      %parallel_loop3A_821 = arith.select %parallel_loop3A_814, %parallel_loop3A_811, %parallel_loop3A_806 : vector<16xi1>, vector<16xf32>
      %parallel_loop3A_822 = arith.constant 53 : i32
      %parallel_loop3A_823 = arith.index_cast %parallel_loop3A_822 : i32 to index
      %parallel_loop3A_824 = arith.index_cast %parallel_loop3A_26 : i32 to index
      %parallel_loop3A_825 = tpu.vector_load %arg5[%parallel_loop3A_823, %parallel_loop3A_824] {strides = array<i32>} : memref<64x128xf32, #tpu.memory_space<vmem>>, vector<1x16xf32>,
      %parallel_loop3A_826 = vector.shape_cast %parallel_loop3A_825 : vector<1x16xf32> to vector<16xf32>
      %parallel_loop3A_827 = arith.constant 53 : i32
      %parallel_loop3A_828 = vector.broadcast %parallel_loop3A_827 : i32 to vector<16xi32>
      %parallel_loop3A_829 = arith.cmpf ogt, %parallel_loop3A_826, %parallel_loop3A_821 : vector<16xf32>
      %parallel_loop3A_830 = arith.cmpf ogt, %parallel_loop3A_826, %parallel_loop3A_819 : vector<16xf32>
      %parallel_loop3A_831 = arith.select %parallel_loop3A_830, %parallel_loop3A_828, %parallel_loop3A_817 : vector<16xi1>, vector<16xi32>
      %parallel_loop3A_832 = arith.select %parallel_loop3A_829, %parallel_loop3A_820, %parallel_loop3A_831 : vector<16xi1>, vector<16xi32>
      %parallel_loop3A_833 = arith.select %parallel_loop3A_830, %parallel_loop3A_826, %parallel_loop3A_819 : vector<16xi1>, vector<16xf32>
      %parallel_loop3A_834 = arith.select %parallel_loop3A_829, %parallel_loop3A_821, %parallel_loop3A_833 : vector<16xi1>, vector<16xf32>
      %parallel_loop3A_835 = arith.select %parallel_loop3A_829, %parallel_loop3A_828, %parallel_loop3A_820 : vector<16xi1>, vector<16xi32>
      %parallel_loop3A_836 = arith.select %parallel_loop3A_829, %parallel_loop3A_826, %parallel_loop3A_821 : vector<16xi1>, vector<16xf32>
      %parallel_loop3A_837 = arith.constant 54 : i32
      %parallel_loop3A_838 = arith.index_cast %parallel_loop3A_837 : i32 to index
      %parallel_loop3A_839 = arith.index_cast %parallel_loop3A_26 : i32 to index
      %parallel_loop3A_840 = tpu.vector_load %arg5[%parallel_loop3A_838, %parallel_loop3A_839] {strides = array<i32>} : memref<64x128xf32, #tpu.memory_space<vmem>>, vector<1x16xf32>,
      %parallel_loop3A_841 = vector.shape_cast %parallel_loop3A_840 : vector<1x16xf32> to vector<16xf32>
      %parallel_loop3A_842 = arith.constant 54 : i32
      %parallel_loop3A_843 = vector.broadcast %parallel_loop3A_842 : i32 to vector<16xi32>
      %parallel_loop3A_844 = arith.cmpf ogt, %parallel_loop3A_841, %parallel_loop3A_836 : vector<16xf32>
      %parallel_loop3A_845 = arith.cmpf ogt, %parallel_loop3A_841, %parallel_loop3A_834 : vector<16xf32>
      %parallel_loop3A_846 = arith.select %parallel_loop3A_845, %parallel_loop3A_843, %parallel_loop3A_832 : vector<16xi1>, vector<16xi32>
      %parallel_loop3A_847 = arith.select %parallel_loop3A_844, %parallel_loop3A_835, %parallel_loop3A_846 : vector<16xi1>, vector<16xi32>
      %parallel_loop3A_848 = arith.select %parallel_loop3A_845, %parallel_loop3A_841, %parallel_loop3A_834 : vector<16xi1>, vector<16xf32>
      %parallel_loop3A_849 = arith.select %parallel_loop3A_844, %parallel_loop3A_836, %parallel_loop3A_848 : vector<16xi1>, vector<16xf32>
      %parallel_loop3A_850 = arith.select %parallel_loop3A_844, %parallel_loop3A_843, %parallel_loop3A_835 : vector<16xi1>, vector<16xi32>
      %parallel_loop3A_851 = arith.select %parallel_loop3A_844, %parallel_loop3A_841, %parallel_loop3A_836 : vector<16xi1>, vector<16xf32>
      %parallel_loop3A_852 = arith.constant 55 : i32
      %parallel_loop3A_853 = arith.index_cast %parallel_loop3A_852 : i32 to index
      %parallel_loop3A_854 = arith.index_cast %parallel_loop3A_26 : i32 to index
      %parallel_loop3A_855 = tpu.vector_load %arg5[%parallel_loop3A_853, %parallel_loop3A_854] {strides = array<i32>} : memref<64x128xf32, #tpu.memory_space<vmem>>, vector<1x16xf32>,
      %parallel_loop3A_856 = vector.shape_cast %parallel_loop3A_855 : vector<1x16xf32> to vector<16xf32>
      %parallel_loop3A_857 = arith.constant 55 : i32
      %parallel_loop3A_858 = vector.broadcast %parallel_loop3A_857 : i32 to vector<16xi32>
      %parallel_loop3A_859 = arith.cmpf ogt, %parallel_loop3A_856, %parallel_loop3A_851 : vector<16xf32>
      %parallel_loop3A_860 = arith.cmpf ogt, %parallel_loop3A_856, %parallel_loop3A_849 : vector<16xf32>
      %parallel_loop3A_861 = arith.select %parallel_loop3A_860, %parallel_loop3A_858, %parallel_loop3A_847 : vector<16xi1>, vector<16xi32>
      %parallel_loop3A_862 = arith.select %parallel_loop3A_859, %parallel_loop3A_850, %parallel_loop3A_861 : vector<16xi1>, vector<16xi32>
      %parallel_loop3A_863 = arith.select %parallel_loop3A_860, %parallel_loop3A_856, %parallel_loop3A_849 : vector<16xi1>, vector<16xf32>
      %parallel_loop3A_864 = arith.select %parallel_loop3A_859, %parallel_loop3A_851, %parallel_loop3A_863 : vector<16xi1>, vector<16xf32>
      %parallel_loop3A_865 = arith.select %parallel_loop3A_859, %parallel_loop3A_858, %parallel_loop3A_850 : vector<16xi1>, vector<16xi32>
      %parallel_loop3A_866 = arith.select %parallel_loop3A_859, %parallel_loop3A_856, %parallel_loop3A_851 : vector<16xi1>, vector<16xf32>
      %parallel_loop3A_867 = arith.constant 56 : i32
      %parallel_loop3A_868 = arith.index_cast %parallel_loop3A_867 : i32 to index
      %parallel_loop3A_869 = arith.index_cast %parallel_loop3A_26 : i32 to index
      %parallel_loop3A_870 = tpu.vector_load %arg5[%parallel_loop3A_868, %parallel_loop3A_869] {strides = array<i32>} : memref<64x128xf32, #tpu.memory_space<vmem>>, vector<1x16xf32>,
      %parallel_loop3A_871 = vector.shape_cast %parallel_loop3A_870 : vector<1x16xf32> to vector<16xf32>
      %parallel_loop3A_872 = arith.constant 56 : i32
      %parallel_loop3A_873 = vector.broadcast %parallel_loop3A_872 : i32 to vector<16xi32>
      %parallel_loop3A_874 = arith.cmpf ogt, %parallel_loop3A_871, %parallel_loop3A_866 : vector<16xf32>
      %parallel_loop3A_875 = arith.cmpf ogt, %parallel_loop3A_871, %parallel_loop3A_864 : vector<16xf32>
      %parallel_loop3A_876 = arith.select %parallel_loop3A_875, %parallel_loop3A_873, %parallel_loop3A_862 : vector<16xi1>, vector<16xi32>
      %parallel_loop3A_877 = arith.select %parallel_loop3A_874, %parallel_loop3A_865, %parallel_loop3A_876 : vector<16xi1>, vector<16xi32>
      %parallel_loop3A_878 = arith.select %parallel_loop3A_875, %parallel_loop3A_871, %parallel_loop3A_864 : vector<16xi1>, vector<16xf32>
      %parallel_loop3A_879 = arith.select %parallel_loop3A_874, %parallel_loop3A_866, %parallel_loop3A_878 : vector<16xi1>, vector<16xf32>
      %parallel_loop3A_880 = arith.select %parallel_loop3A_874, %parallel_loop3A_873, %parallel_loop3A_865 : vector<16xi1>, vector<16xi32>
      %parallel_loop3A_881 = arith.select %parallel_loop3A_874, %parallel_loop3A_871, %parallel_loop3A_866 : vector<16xi1>, vector<16xf32>
      %parallel_loop3A_882 = arith.constant 57 : i32
      %parallel_loop3A_883 = arith.index_cast %parallel_loop3A_882 : i32 to index
      %parallel_loop3A_884 = arith.index_cast %parallel_loop3A_26 : i32 to index
      %parallel_loop3A_885 = tpu.vector_load %arg5[%parallel_loop3A_883, %parallel_loop3A_884] {strides = array<i32>} : memref<64x128xf32, #tpu.memory_space<vmem>>, vector<1x16xf32>,
      %parallel_loop3A_886 = vector.shape_cast %parallel_loop3A_885 : vector<1x16xf32> to vector<16xf32>
      %parallel_loop3A_887 = arith.constant 57 : i32
      %parallel_loop3A_888 = vector.broadcast %parallel_loop3A_887 : i32 to vector<16xi32>
      %parallel_loop3A_889 = arith.cmpf ogt, %parallel_loop3A_886, %parallel_loop3A_881 : vector<16xf32>
      %parallel_loop3A_890 = arith.cmpf ogt, %parallel_loop3A_886, %parallel_loop3A_879 : vector<16xf32>
      %parallel_loop3A_891 = arith.select %parallel_loop3A_890, %parallel_loop3A_888, %parallel_loop3A_877 : vector<16xi1>, vector<16xi32>
      %parallel_loop3A_892 = arith.select %parallel_loop3A_889, %parallel_loop3A_880, %parallel_loop3A_891 : vector<16xi1>, vector<16xi32>
      %parallel_loop3A_893 = arith.select %parallel_loop3A_890, %parallel_loop3A_886, %parallel_loop3A_879 : vector<16xi1>, vector<16xf32>
      %parallel_loop3A_894 = arith.select %parallel_loop3A_889, %parallel_loop3A_881, %parallel_loop3A_893 : vector<16xi1>, vector<16xf32>
      %parallel_loop3A_895 = arith.select %parallel_loop3A_889, %parallel_loop3A_888, %parallel_loop3A_880 : vector<16xi1>, vector<16xi32>
      %parallel_loop3A_896 = arith.select %parallel_loop3A_889, %parallel_loop3A_886, %parallel_loop3A_881 : vector<16xi1>, vector<16xf32>
      %parallel_loop3A_897 = arith.constant 58 : i32
      %parallel_loop3A_898 = arith.index_cast %parallel_loop3A_897 : i32 to index
      %parallel_loop3A_899 = arith.index_cast %parallel_loop3A_26 : i32 to index
      %parallel_loop3A_900 = tpu.vector_load %arg5[%parallel_loop3A_898, %parallel_loop3A_899] {strides = array<i32>} : memref<64x128xf32, #tpu.memory_space<vmem>>, vector<1x16xf32>,
      %parallel_loop3A_901 = vector.shape_cast %parallel_loop3A_900 : vector<1x16xf32> to vector<16xf32>
      %parallel_loop3A_902 = arith.constant 58 : i32
      %parallel_loop3A_903 = vector.broadcast %parallel_loop3A_902 : i32 to vector<16xi32>
      %parallel_loop3A_904 = arith.cmpf ogt, %parallel_loop3A_901, %parallel_loop3A_896 : vector<16xf32>
      %parallel_loop3A_905 = arith.cmpf ogt, %parallel_loop3A_901, %parallel_loop3A_894 : vector<16xf32>
      %parallel_loop3A_906 = arith.select %parallel_loop3A_905, %parallel_loop3A_903, %parallel_loop3A_892 : vector<16xi1>, vector<16xi32>
      %parallel_loop3A_907 = arith.select %parallel_loop3A_904, %parallel_loop3A_895, %parallel_loop3A_906 : vector<16xi1>, vector<16xi32>
      %parallel_loop3A_908 = arith.select %parallel_loop3A_905, %parallel_loop3A_901, %parallel_loop3A_894 : vector<16xi1>, vector<16xf32>
      %parallel_loop3A_909 = arith.select %parallel_loop3A_904, %parallel_loop3A_896, %parallel_loop3A_908 : vector<16xi1>, vector<16xf32>
      %parallel_loop3A_910 = arith.select %parallel_loop3A_904, %parallel_loop3A_903, %parallel_loop3A_895 : vector<16xi1>, vector<16xi32>
      %parallel_loop3A_911 = arith.select %parallel_loop3A_904, %parallel_loop3A_901, %parallel_loop3A_896 : vector<16xi1>, vector<16xf32>
      %parallel_loop3A_912 = arith.constant 59 : i32
      %parallel_loop3A_913 = arith.index_cast %parallel_loop3A_912 : i32 to index
      %parallel_loop3A_914 = arith.index_cast %parallel_loop3A_26 : i32 to index
      %parallel_loop3A_915 = tpu.vector_load %arg5[%parallel_loop3A_913, %parallel_loop3A_914] {strides = array<i32>} : memref<64x128xf32, #tpu.memory_space<vmem>>, vector<1x16xf32>,
      %parallel_loop3A_916 = vector.shape_cast %parallel_loop3A_915 : vector<1x16xf32> to vector<16xf32>
      %parallel_loop3A_917 = arith.constant 59 : i32
      %parallel_loop3A_918 = vector.broadcast %parallel_loop3A_917 : i32 to vector<16xi32>
      %parallel_loop3A_919 = arith.cmpf ogt, %parallel_loop3A_916, %parallel_loop3A_911 : vector<16xf32>
      %parallel_loop3A_920 = arith.cmpf ogt, %parallel_loop3A_916, %parallel_loop3A_909 : vector<16xf32>
      %parallel_loop3A_921 = arith.select %parallel_loop3A_920, %parallel_loop3A_918, %parallel_loop3A_907 : vector<16xi1>, vector<16xi32>
      %parallel_loop3A_922 = arith.select %parallel_loop3A_919, %parallel_loop3A_910, %parallel_loop3A_921 : vector<16xi1>, vector<16xi32>
      %parallel_loop3A_923 = arith.select %parallel_loop3A_920, %parallel_loop3A_916, %parallel_loop3A_909 : vector<16xi1>, vector<16xf32>
      %parallel_loop3A_924 = arith.select %parallel_loop3A_919, %parallel_loop3A_911, %parallel_loop3A_923 : vector<16xi1>, vector<16xf32>
      %parallel_loop3A_925 = arith.select %parallel_loop3A_919, %parallel_loop3A_918, %parallel_loop3A_910 : vector<16xi1>, vector<16xi32>
      %parallel_loop3A_926 = arith.select %parallel_loop3A_919, %parallel_loop3A_916, %parallel_loop3A_911 : vector<16xi1>, vector<16xf32>
      %parallel_loop3A_927 = arith.constant 60 : i32
      %parallel_loop3A_928 = arith.index_cast %parallel_loop3A_927 : i32 to index
      %parallel_loop3A_929 = arith.index_cast %parallel_loop3A_26 : i32 to index
      %parallel_loop3A_930 = tpu.vector_load %arg5[%parallel_loop3A_928, %parallel_loop3A_929] {strides = array<i32>} : memref<64x128xf32, #tpu.memory_space<vmem>>, vector<1x16xf32>,
      %parallel_loop3A_931 = vector.shape_cast %parallel_loop3A_930 : vector<1x16xf32> to vector<16xf32>
      %parallel_loop3A_932 = arith.constant 60 : i32
      %parallel_loop3A_933 = vector.broadcast %parallel_loop3A_932 : i32 to vector<16xi32>
      %parallel_loop3A_934 = arith.cmpf ogt, %parallel_loop3A_931, %parallel_loop3A_926 : vector<16xf32>
      %parallel_loop3A_935 = arith.cmpf ogt, %parallel_loop3A_931, %parallel_loop3A_924 : vector<16xf32>
      %parallel_loop3A_936 = arith.select %parallel_loop3A_935, %parallel_loop3A_933, %parallel_loop3A_922 : vector<16xi1>, vector<16xi32>
      %parallel_loop3A_937 = arith.select %parallel_loop3A_934, %parallel_loop3A_925, %parallel_loop3A_936 : vector<16xi1>, vector<16xi32>
      %parallel_loop3A_938 = arith.select %parallel_loop3A_935, %parallel_loop3A_931, %parallel_loop3A_924 : vector<16xi1>, vector<16xf32>
      %parallel_loop3A_939 = arith.select %parallel_loop3A_934, %parallel_loop3A_926, %parallel_loop3A_938 : vector<16xi1>, vector<16xf32>
      %parallel_loop3A_940 = arith.select %parallel_loop3A_934, %parallel_loop3A_933, %parallel_loop3A_925 : vector<16xi1>, vector<16xi32>
      %parallel_loop3A_941 = arith.select %parallel_loop3A_934, %parallel_loop3A_931, %parallel_loop3A_926 : vector<16xi1>, vector<16xf32>
      %parallel_loop3A_942 = arith.constant 61 : i32
      %parallel_loop3A_943 = arith.index_cast %parallel_loop3A_942 : i32 to index
      %parallel_loop3A_944 = arith.index_cast %parallel_loop3A_26 : i32 to index
      %parallel_loop3A_945 = tpu.vector_load %arg5[%parallel_loop3A_943, %parallel_loop3A_944] {strides = array<i32>} : memref<64x128xf32, #tpu.memory_space<vmem>>, vector<1x16xf32>,
      %parallel_loop3A_946 = vector.shape_cast %parallel_loop3A_945 : vector<1x16xf32> to vector<16xf32>
      %parallel_loop3A_947 = arith.constant 61 : i32
      %parallel_loop3A_948 = vector.broadcast %parallel_loop3A_947 : i32 to vector<16xi32>
      %parallel_loop3A_949 = arith.cmpf ogt, %parallel_loop3A_946, %parallel_loop3A_941 : vector<16xf32>
      %parallel_loop3A_950 = arith.cmpf ogt, %parallel_loop3A_946, %parallel_loop3A_939 : vector<16xf32>
      %parallel_loop3A_951 = arith.select %parallel_loop3A_950, %parallel_loop3A_948, %parallel_loop3A_937 : vector<16xi1>, vector<16xi32>
      %parallel_loop3A_952 = arith.select %parallel_loop3A_949, %parallel_loop3A_940, %parallel_loop3A_951 : vector<16xi1>, vector<16xi32>
      %parallel_loop3A_953 = arith.select %parallel_loop3A_950, %parallel_loop3A_946, %parallel_loop3A_939 : vector<16xi1>, vector<16xf32>
      %parallel_loop3A_954 = arith.select %parallel_loop3A_949, %parallel_loop3A_941, %parallel_loop3A_953 : vector<16xi1>, vector<16xf32>
      %parallel_loop3A_955 = arith.select %parallel_loop3A_949, %parallel_loop3A_948, %parallel_loop3A_940 : vector<16xi1>, vector<16xi32>
      %parallel_loop3A_956 = arith.select %parallel_loop3A_949, %parallel_loop3A_946, %parallel_loop3A_941 : vector<16xi1>, vector<16xf32>
      %parallel_loop3A_957 = arith.constant 62 : i32
      %parallel_loop3A_958 = arith.index_cast %parallel_loop3A_957 : i32 to index
      %parallel_loop3A_959 = arith.index_cast %parallel_loop3A_26 : i32 to index
      %parallel_loop3A_960 = tpu.vector_load %arg5[%parallel_loop3A_958, %parallel_loop3A_959] {strides = array<i32>} : memref<64x128xf32, #tpu.memory_space<vmem>>, vector<1x16xf32>,
      %parallel_loop3A_961 = vector.shape_cast %parallel_loop3A_960 : vector<1x16xf32> to vector<16xf32>
      %parallel_loop3A_962 = arith.constant 62 : i32
      %parallel_loop3A_963 = vector.broadcast %parallel_loop3A_962 : i32 to vector<16xi32>
      %parallel_loop3A_964 = arith.cmpf ogt, %parallel_loop3A_961, %parallel_loop3A_956 : vector<16xf32>
      %parallel_loop3A_965 = arith.cmpf ogt, %parallel_loop3A_961, %parallel_loop3A_954 : vector<16xf32>
      %parallel_loop3A_966 = arith.select %parallel_loop3A_965, %parallel_loop3A_963, %parallel_loop3A_952 : vector<16xi1>, vector<16xi32>
      %parallel_loop3A_967 = arith.select %parallel_loop3A_964, %parallel_loop3A_955, %parallel_loop3A_966 : vector<16xi1>, vector<16xi32>
      %parallel_loop3A_968 = arith.select %parallel_loop3A_965, %parallel_loop3A_961, %parallel_loop3A_954 : vector<16xi1>, vector<16xf32>
      %parallel_loop3A_969 = arith.select %parallel_loop3A_964, %parallel_loop3A_956, %parallel_loop3A_968 : vector<16xi1>, vector<16xf32>
      %parallel_loop3A_970 = arith.select %parallel_loop3A_964, %parallel_loop3A_963, %parallel_loop3A_955 : vector<16xi1>, vector<16xi32>
      %parallel_loop3A_971 = arith.select %parallel_loop3A_964, %parallel_loop3A_961, %parallel_loop3A_956 : vector<16xi1>, vector<16xf32>
      %parallel_loop3A_972 = arith.constant 63 : i32
      %parallel_loop3A_973 = arith.index_cast %parallel_loop3A_972 : i32 to index
      %parallel_loop3A_974 = arith.index_cast %parallel_loop3A_26 : i32 to index
      %parallel_loop3A_975 = tpu.vector_load %arg5[%parallel_loop3A_973, %parallel_loop3A_974] {strides = array<i32>} : memref<64x128xf32, #tpu.memory_space<vmem>>, vector<1x16xf32>,
      %parallel_loop3A_976 = vector.shape_cast %parallel_loop3A_975 : vector<1x16xf32> to vector<16xf32>
      %parallel_loop3A_977 = arith.constant 63 : i32
      %parallel_loop3A_978 = vector.broadcast %parallel_loop3A_977 : i32 to vector<16xi32>
      %parallel_loop3A_979 = arith.cmpf ogt, %parallel_loop3A_976, %parallel_loop3A_971 : vector<16xf32>
      %parallel_loop3A_980 = arith.cmpf ogt, %parallel_loop3A_976, %parallel_loop3A_969 : vector<16xf32>
      %parallel_loop3A_981 = arith.select %parallel_loop3A_980, %parallel_loop3A_978, %parallel_loop3A_967 : vector<16xi1>, vector<16xi32>
      %parallel_loop3A_982 = arith.select %parallel_loop3A_979, %parallel_loop3A_970, %parallel_loop3A_981 : vector<16xi1>, vector<16xi32>
      %parallel_loop3A_983 = arith.select %parallel_loop3A_980, %parallel_loop3A_976, %parallel_loop3A_969 : vector<16xi1>, vector<16xf32>
      %parallel_loop3A_984 = arith.select %parallel_loop3A_979, %parallel_loop3A_971, %parallel_loop3A_983 : vector<16xi1>, vector<16xf32>
      %parallel_loop3A_985 = arith.select %parallel_loop3A_979, %parallel_loop3A_978, %parallel_loop3A_970 : vector<16xi1>, vector<16xi32>
      %parallel_loop3A_986 = arith.select %parallel_loop3A_979, %parallel_loop3A_976, %parallel_loop3A_971 : vector<16xi1>, vector<16xf32>
      %parallel_loop3A_987 = arith.subf %parallel_loop3A_984, %parallel_loop3A_986 : vector<16xf32>
      %parallel_loop3A_988 = math.exp %parallel_loop3A_987 : vector<16xf32>
      %parallel_loop3A_989 = arith.constant 1.000000e+00 : f32
      %parallel_loop3A_990 = vector.broadcast %parallel_loop3A_989 : f32 to vector<16xf32>
      %parallel_loop3A_991 = arith.addf %parallel_loop3A_990, %parallel_loop3A_988 : vector<16xf32>
      %parallel_loop3A_992 = arith.constant 1.000000e+00 : f32
      %parallel_loop3A_993 = vector.broadcast %parallel_loop3A_992 : f32 to vector<16xf32>
      %parallel_loop3A_994 = arith.divf %parallel_loop3A_993, %parallel_loop3A_991 : vector<16xf32>
      %parallel_loop3A_995 = arith.constant 0 : i32
      %parallel_loop3A_996 = arith.index_cast %parallel_loop3A_995 : i32 to index
      %parallel_loop3A_997 = arith.index_cast %parallel_loop3A_30 : i32 to index
      %parallel_loop3A_998 = tpu.vector_load %arg7[%parallel_loop3A_996, %parallel_loop3A_997] {strides = array<i32>} : memref<2x512xf32, #tpu.memory_space<vmem>>, vector<1x16xf32>,
      %parallel_loop3A_999 = vector.shape_cast %parallel_loop3A_998 : vector<1x16xf32> to vector<16xf32>
      %parallel_loop3A_1000 = vector.shape_cast %parallel_loop3A_994 : vector<16xf32> to vector<1x16xf32>
      tpu.vector_store %arg7[%parallel_loop3A_996, %parallel_loop3A_997], %parallel_loop3A_1000 {strides = array<i32>} : memref<2x512xf32, #tpu.memory_space<vmem>>, vector<1x16xf32>,
      %parallel_loop3A_1001 = arith.mulf %parallel_loop3A_988, %parallel_loop3A_994 : vector<16xf32>
      %parallel_loop3A_1002 = arith.constant 1 : i32
      %parallel_loop3A_1003 = arith.index_cast %parallel_loop3A_1002 : i32 to index
      %parallel_loop3A_1004 = arith.index_cast %parallel_loop3A_30 : i32 to index
      %parallel_loop3A_1005 = tpu.vector_load %arg7[%parallel_loop3A_1003, %parallel_loop3A_1004] {strides = array<i32>} : memref<2x512xf32, #tpu.memory_space<vmem>>, vector<1x16xf32>,
      %parallel_loop3A_1006 = vector.shape_cast %parallel_loop3A_1005 : vector<1x16xf32> to vector<16xf32>
      %parallel_loop3A_1007 = vector.shape_cast %parallel_loop3A_1001 : vector<16xf32> to vector<1x16xf32>
      tpu.vector_store %arg7[%parallel_loop3A_1003, %parallel_loop3A_1004], %parallel_loop3A_1007 {strides = array<i32>} : memref<2x512xf32, #tpu.memory_space<vmem>>, vector<1x16xf32>,
      %parallel_loop3A_1008 = arith.constant 0 : i32
      %parallel_loop3A_1009 = arith.index_cast %parallel_loop3A_1008 : i32 to index
      %parallel_loop3A_1010 = arith.index_cast %parallel_loop3A_30 : i32 to index
      %parallel_loop3A_1011 = tpu.vector_load %arg8[%parallel_loop3A_1009, %parallel_loop3A_1010] {strides = array<i32>} : memref<2x512xi32, #tpu.memory_space<vmem>>, vector<1x16xi32>,
      %parallel_loop3A_1012 = vector.shape_cast %parallel_loop3A_1011 : vector<1x16xi32> to vector<16xi32>
      %parallel_loop3A_1013 = vector.shape_cast %parallel_loop3A_985 : vector<16xi32> to vector<1x16xi32>
      tpu.vector_store %arg8[%parallel_loop3A_1009, %parallel_loop3A_1010], %parallel_loop3A_1013 {strides = array<i32>} : memref<2x512xi32, #tpu.memory_space<vmem>>, vector<1x16xi32>,
      %parallel_loop3A_1014 = arith.constant 1 : i32
      %parallel_loop3A_1015 = arith.index_cast %parallel_loop3A_1014 : i32 to index
      %parallel_loop3A_1016 = arith.index_cast %parallel_loop3A_30 : i32 to index
      %parallel_loop3A_1017 = tpu.vector_load %arg8[%parallel_loop3A_1015, %parallel_loop3A_1016] {strides = array<i32>} : memref<2x512xi32, #tpu.memory_space<vmem>>, vector<1x16xi32>,
      %parallel_loop3A_1018 = vector.shape_cast %parallel_loop3A_1017 : vector<1x16xi32> to vector<16xi32>
      %parallel_loop3A_1019 = vector.shape_cast %parallel_loop3A_982 : vector<16xi32> to vector<1x16xi32>
      tpu.vector_store %arg8[%parallel_loop3A_1015, %parallel_loop3A_1016], %parallel_loop3A_1019 {strides = array<i32>} : memref<2x512xi32, #tpu.memory_space<vmem>>, vector<1x16xi32>,
    } {sc.loop_unroll_factor = 2 : i64, sc.parallel_access}
    %dma_wait3A_17 = arith.constant 0 : i32
    %dma_wait3A_18 = tpu.memref_slice %arg2[%dma_wait3A_17, %add3A_7] : memref<64x16384xf32, #tpu.memory_space<hbm>> -> memref<64x384xf32, #tpu.memory_space<hbm>>
    %dma_wait3A_19 = arith.constant 0 : i32
    %dma_wait3A_20 = tpu.memref_slice %arg2[%dma_wait3A_19, %add3A_7] : memref<64x16384xf32, #tpu.memory_space<hbm>> -> memref<64x384xf32, #tpu.memory_space<hbm>>
    tpu.wait_dma2 semaphore(%arg10 : memref<!tpu.dma_semaphore, #tpu.memory_space<semaphore_mem>>) src(%dma_wait3A_20 : memref<64x384xf32, #tpu.memory_space<hbm>>) dst(%arg6 : memref<64x384xf32, #tpu.memory_space<vmem>>)
    %parallel_loop3A_21 = arith.constant 0 : i32
    %parallel_loop3A_22 = arith.constant 24 : i32
    %parallel_loop3A_23 = arith.constant 1 : i32
    scf.for %parallel_loop3A_24 = %parallel_loop3A_21 to %parallel_loop3A_22 step %parallel_loop3A_23  : i32 {
      %parallel_loop3A_25 = arith.constant 16 : i32
      %parallel_loop3A_26 = arith.muli %parallel_loop3A_24, %parallel_loop3A_25 : i32
      %parallel_loop3A_27 = arith.constant 16 : i32
      %parallel_loop3A_28 = arith.muli %parallel_loop3A_24, %parallel_loop3A_27 : i32
      %parallel_loop3A_29 = arith.constant 128 : i32
      %parallel_loop3A_30 = arith.addi %parallel_loop3A_29, %parallel_loop3A_28 : i32
      %parallel_loop3A_31 = arith.constant 0 : i32
      %parallel_loop3A_32 = arith.index_cast %parallel_loop3A_31 : i32 to index
      %parallel_loop3A_33 = arith.index_cast %parallel_loop3A_26 : i32 to index
      %parallel_loop3A_34 = tpu.vector_load %arg6[%parallel_loop3A_32, %parallel_loop3A_33] {strides = array<i32>} : memref<64x384xf32, #tpu.memory_space<vmem>>, vector<1x16xf32>,
      %parallel_loop3A_35 = vector.shape_cast %parallel_loop3A_34 : vector<1x16xf32> to vector<16xf32>
      %parallel_loop3A_36 = arith.constant 0 : i32
      %parallel_loop3A_37 = vector.broadcast %parallel_loop3A_36 : i32 to vector<16xi32>
      %parallel_loop3A_38 = arith.constant 0xFF800000 : f32
      %parallel_loop3A_39 = vector.broadcast %parallel_loop3A_38 : f32 to vector<16xf32>
      %parallel_loop3A_40 = arith.constant 0 : i32
      %parallel_loop3A_41 = vector.broadcast %parallel_loop3A_40 : i32 to vector<16xi32>
      %parallel_loop3A_42 = arith.constant 1 : i32
      %parallel_loop3A_43 = arith.index_cast %parallel_loop3A_42 : i32 to index
      %parallel_loop3A_44 = arith.index_cast %parallel_loop3A_26 : i32 to index
      %parallel_loop3A_45 = tpu.vector_load %arg6[%parallel_loop3A_43, %parallel_loop3A_44] {strides = array<i32>} : memref<64x384xf32, #tpu.memory_space<vmem>>, vector<1x16xf32>,
      %parallel_loop3A_46 = vector.shape_cast %parallel_loop3A_45 : vector<1x16xf32> to vector<16xf32>
      %parallel_loop3A_47 = arith.constant 1 : i32
      %parallel_loop3A_48 = vector.broadcast %parallel_loop3A_47 : i32 to vector<16xi32>
      %parallel_loop3A_49 = arith.cmpf ogt, %parallel_loop3A_46, %parallel_loop3A_35 : vector<16xf32>
      %parallel_loop3A_50 = arith.cmpf ogt, %parallel_loop3A_46, %parallel_loop3A_39 : vector<16xf32>
      %parallel_loop3A_51 = arith.select %parallel_loop3A_50, %parallel_loop3A_48, %parallel_loop3A_41 : vector<16xi1>, vector<16xi32>
      %parallel_loop3A_52 = arith.select %parallel_loop3A_49, %parallel_loop3A_37, %parallel_loop3A_51 : vector<16xi1>, vector<16xi32>
      %parallel_loop3A_53 = arith.select %parallel_loop3A_50, %parallel_loop3A_46, %parallel_loop3A_39 : vector<16xi1>, vector<16xf32>
      %parallel_loop3A_54 = arith.select %parallel_loop3A_49, %parallel_loop3A_35, %parallel_loop3A_53 : vector<16xi1>, vector<16xf32>
      %parallel_loop3A_55 = arith.select %parallel_loop3A_49, %parallel_loop3A_48, %parallel_loop3A_37 : vector<16xi1>, vector<16xi32>
      %parallel_loop3A_56 = arith.select %parallel_loop3A_49, %parallel_loop3A_46, %parallel_loop3A_35 : vector<16xi1>, vector<16xf32>
      %parallel_loop3A_57 = arith.constant 2 : i32
      %parallel_loop3A_58 = arith.index_cast %parallel_loop3A_57 : i32 to index
      %parallel_loop3A_59 = arith.index_cast %parallel_loop3A_26 : i32 to index
      %parallel_loop3A_60 = tpu.vector_load %arg6[%parallel_loop3A_58, %parallel_loop3A_59] {strides = array<i32>} : memref<64x384xf32, #tpu.memory_space<vmem>>, vector<1x16xf32>,
      %parallel_loop3A_61 = vector.shape_cast %parallel_loop3A_60 : vector<1x16xf32> to vector<16xf32>
      %parallel_loop3A_62 = arith.constant 2 : i32
      %parallel_loop3A_63 = vector.broadcast %parallel_loop3A_62 : i32 to vector<16xi32>
      %parallel_loop3A_64 = arith.cmpf ogt, %parallel_loop3A_61, %parallel_loop3A_56 : vector<16xf32>
      %parallel_loop3A_65 = arith.cmpf ogt, %parallel_loop3A_61, %parallel_loop3A_54 : vector<16xf32>
      %parallel_loop3A_66 = arith.select %parallel_loop3A_65, %parallel_loop3A_63, %parallel_loop3A_52 : vector<16xi1>, vector<16xi32>
      %parallel_loop3A_67 = arith.select %parallel_loop3A_64, %parallel_loop3A_55, %parallel_loop3A_66 : vector<16xi1>, vector<16xi32>
      %parallel_loop3A_68 = arith.select %parallel_loop3A_65, %parallel_loop3A_61, %parallel_loop3A_54 : vector<16xi1>, vector<16xf32>
      %parallel_loop3A_69 = arith.select %parallel_loop3A_64, %parallel_loop3A_56, %parallel_loop3A_68 : vector<16xi1>, vector<16xf32>
      %parallel_loop3A_70 = arith.select %parallel_loop3A_64, %parallel_loop3A_63, %parallel_loop3A_55 : vector<16xi1>, vector<16xi32>
      %parallel_loop3A_71 = arith.select %parallel_loop3A_64, %parallel_loop3A_61, %parallel_loop3A_56 : vector<16xi1>, vector<16xf32>
      %parallel_loop3A_72 = arith.constant 3 : i32
      %parallel_loop3A_73 = arith.index_cast %parallel_loop3A_72 : i32 to index
      %parallel_loop3A_74 = arith.index_cast %parallel_loop3A_26 : i32 to index
      %parallel_loop3A_75 = tpu.vector_load %arg6[%parallel_loop3A_73, %parallel_loop3A_74] {strides = array<i32>} : memref<64x384xf32, #tpu.memory_space<vmem>>, vector<1x16xf32>,
      %parallel_loop3A_76 = vector.shape_cast %parallel_loop3A_75 : vector<1x16xf32> to vector<16xf32>
      %parallel_loop3A_77 = arith.constant 3 : i32
      %parallel_loop3A_78 = vector.broadcast %parallel_loop3A_77 : i32 to vector<16xi32>
      %parallel_loop3A_79 = arith.cmpf ogt, %parallel_loop3A_76, %parallel_loop3A_71 : vector<16xf32>
      %parallel_loop3A_80 = arith.cmpf ogt, %parallel_loop3A_76, %parallel_loop3A_69 : vector<16xf32>
      %parallel_loop3A_81 = arith.select %parallel_loop3A_80, %parallel_loop3A_78, %parallel_loop3A_67 : vector<16xi1>, vector<16xi32>
      %parallel_loop3A_82 = arith.select %parallel_loop3A_79, %parallel_loop3A_70, %parallel_loop3A_81 : vector<16xi1>, vector<16xi32>
      %parallel_loop3A_83 = arith.select %parallel_loop3A_80, %parallel_loop3A_76, %parallel_loop3A_69 : vector<16xi1>, vector<16xf32>
      %parallel_loop3A_84 = arith.select %parallel_loop3A_79, %parallel_loop3A_71, %parallel_loop3A_83 : vector<16xi1>, vector<16xf32>
      %parallel_loop3A_85 = arith.select %parallel_loop3A_79, %parallel_loop3A_78, %parallel_loop3A_70 : vector<16xi1>, vector<16xi32>
      %parallel_loop3A_86 = arith.select %parallel_loop3A_79, %parallel_loop3A_76, %parallel_loop3A_71 : vector<16xi1>, vector<16xf32>
      %parallel_loop3A_87 = arith.constant 4 : i32
      %parallel_loop3A_88 = arith.index_cast %parallel_loop3A_87 : i32 to index
      %parallel_loop3A_89 = arith.index_cast %parallel_loop3A_26 : i32 to index
      %parallel_loop3A_90 = tpu.vector_load %arg6[%parallel_loop3A_88, %parallel_loop3A_89] {strides = array<i32>} : memref<64x384xf32, #tpu.memory_space<vmem>>, vector<1x16xf32>,
      %parallel_loop3A_91 = vector.shape_cast %parallel_loop3A_90 : vector<1x16xf32> to vector<16xf32>
      %parallel_loop3A_92 = arith.constant 4 : i32
      %parallel_loop3A_93 = vector.broadcast %parallel_loop3A_92 : i32 to vector<16xi32>
      %parallel_loop3A_94 = arith.cmpf ogt, %parallel_loop3A_91, %parallel_loop3A_86 : vector<16xf32>
      %parallel_loop3A_95 = arith.cmpf ogt, %parallel_loop3A_91, %parallel_loop3A_84 : vector<16xf32>
      %parallel_loop3A_96 = arith.select %parallel_loop3A_95, %parallel_loop3A_93, %parallel_loop3A_82 : vector<16xi1>, vector<16xi32>
      %parallel_loop3A_97 = arith.select %parallel_loop3A_94, %parallel_loop3A_85, %parallel_loop3A_96 : vector<16xi1>, vector<16xi32>
      %parallel_loop3A_98 = arith.select %parallel_loop3A_95, %parallel_loop3A_91, %parallel_loop3A_84 : vector<16xi1>, vector<16xf32>
      %parallel_loop3A_99 = arith.select %parallel_loop3A_94, %parallel_loop3A_86, %parallel_loop3A_98 : vector<16xi1>, vector<16xf32>
      %parallel_loop3A_100 = arith.select %parallel_loop3A_94, %parallel_loop3A_93, %parallel_loop3A_85 : vector<16xi1>, vector<16xi32>
      %parallel_loop3A_101 = arith.select %parallel_loop3A_94, %parallel_loop3A_91, %parallel_loop3A_86 : vector<16xi1>, vector<16xf32>
      %parallel_loop3A_102 = arith.constant 5 : i32
      %parallel_loop3A_103 = arith.index_cast %parallel_loop3A_102 : i32 to index
      %parallel_loop3A_104 = arith.index_cast %parallel_loop3A_26 : i32 to index
      %parallel_loop3A_105 = tpu.vector_load %arg6[%parallel_loop3A_103, %parallel_loop3A_104] {strides = array<i32>} : memref<64x384xf32, #tpu.memory_space<vmem>>, vector<1x16xf32>,
      %parallel_loop3A_106 = vector.shape_cast %parallel_loop3A_105 : vector<1x16xf32> to vector<16xf32>
      %parallel_loop3A_107 = arith.constant 5 : i32
      %parallel_loop3A_108 = vector.broadcast %parallel_loop3A_107 : i32 to vector<16xi32>
      %parallel_loop3A_109 = arith.cmpf ogt, %parallel_loop3A_106, %parallel_loop3A_101 : vector<16xf32>
      %parallel_loop3A_110 = arith.cmpf ogt, %parallel_loop3A_106, %parallel_loop3A_99 : vector<16xf32>
      %parallel_loop3A_111 = arith.select %parallel_loop3A_110, %parallel_loop3A_108, %parallel_loop3A_97 : vector<16xi1>, vector<16xi32>
      %parallel_loop3A_112 = arith.select %parallel_loop3A_109, %parallel_loop3A_100, %parallel_loop3A_111 : vector<16xi1>, vector<16xi32>
      %parallel_loop3A_113 = arith.select %parallel_loop3A_110, %parallel_loop3A_106, %parallel_loop3A_99 : vector<16xi1>, vector<16xf32>
      %parallel_loop3A_114 = arith.select %parallel_loop3A_109, %parallel_loop3A_101, %parallel_loop3A_113 : vector<16xi1>, vector<16xf32>
      %parallel_loop3A_115 = arith.select %parallel_loop3A_109, %parallel_loop3A_108, %parallel_loop3A_100 : vector<16xi1>, vector<16xi32>
      %parallel_loop3A_116 = arith.select %parallel_loop3A_109, %parallel_loop3A_106, %parallel_loop3A_101 : vector<16xi1>, vector<16xf32>
      %parallel_loop3A_117 = arith.constant 6 : i32
      %parallel_loop3A_118 = arith.index_cast %parallel_loop3A_117 : i32 to index
      %parallel_loop3A_119 = arith.index_cast %parallel_loop3A_26 : i32 to index
      %parallel_loop3A_120 = tpu.vector_load %arg6[%parallel_loop3A_118, %parallel_loop3A_119] {strides = array<i32>} : memref<64x384xf32, #tpu.memory_space<vmem>>, vector<1x16xf32>,
      %parallel_loop3A_121 = vector.shape_cast %parallel_loop3A_120 : vector<1x16xf32> to vector<16xf32>
      %parallel_loop3A_122 = arith.constant 6 : i32
      %parallel_loop3A_123 = vector.broadcast %parallel_loop3A_122 : i32 to vector<16xi32>
      %parallel_loop3A_124 = arith.cmpf ogt, %parallel_loop3A_121, %parallel_loop3A_116 : vector<16xf32>
      %parallel_loop3A_125 = arith.cmpf ogt, %parallel_loop3A_121, %parallel_loop3A_114 : vector<16xf32>
      %parallel_loop3A_126 = arith.select %parallel_loop3A_125, %parallel_loop3A_123, %parallel_loop3A_112 : vector<16xi1>, vector<16xi32>
      %parallel_loop3A_127 = arith.select %parallel_loop3A_124, %parallel_loop3A_115, %parallel_loop3A_126 : vector<16xi1>, vector<16xi32>
      %parallel_loop3A_128 = arith.select %parallel_loop3A_125, %parallel_loop3A_121, %parallel_loop3A_114 : vector<16xi1>, vector<16xf32>
      %parallel_loop3A_129 = arith.select %parallel_loop3A_124, %parallel_loop3A_116, %parallel_loop3A_128 : vector<16xi1>, vector<16xf32>
      %parallel_loop3A_130 = arith.select %parallel_loop3A_124, %parallel_loop3A_123, %parallel_loop3A_115 : vector<16xi1>, vector<16xi32>
      %parallel_loop3A_131 = arith.select %parallel_loop3A_124, %parallel_loop3A_121, %parallel_loop3A_116 : vector<16xi1>, vector<16xf32>
      %parallel_loop3A_132 = arith.constant 7 : i32
      %parallel_loop3A_133 = arith.index_cast %parallel_loop3A_132 : i32 to index
      %parallel_loop3A_134 = arith.index_cast %parallel_loop3A_26 : i32 to index
      %parallel_loop3A_135 = tpu.vector_load %arg6[%parallel_loop3A_133, %parallel_loop3A_134] {strides = array<i32>} : memref<64x384xf32, #tpu.memory_space<vmem>>, vector<1x16xf32>,
      %parallel_loop3A_136 = vector.shape_cast %parallel_loop3A_135 : vector<1x16xf32> to vector<16xf32>
      %parallel_loop3A_137 = arith.constant 7 : i32
      %parallel_loop3A_138 = vector.broadcast %parallel_loop3A_137 : i32 to vector<16xi32>
      %parallel_loop3A_139 = arith.cmpf ogt, %parallel_loop3A_136, %parallel_loop3A_131 : vector<16xf32>
      %parallel_loop3A_140 = arith.cmpf ogt, %parallel_loop3A_136, %parallel_loop3A_129 : vector<16xf32>
      %parallel_loop3A_141 = arith.select %parallel_loop3A_140, %parallel_loop3A_138, %parallel_loop3A_127 : vector<16xi1>, vector<16xi32>
      %parallel_loop3A_142 = arith.select %parallel_loop3A_139, %parallel_loop3A_130, %parallel_loop3A_141 : vector<16xi1>, vector<16xi32>
      %parallel_loop3A_143 = arith.select %parallel_loop3A_140, %parallel_loop3A_136, %parallel_loop3A_129 : vector<16xi1>, vector<16xf32>
      %parallel_loop3A_144 = arith.select %parallel_loop3A_139, %parallel_loop3A_131, %parallel_loop3A_143 : vector<16xi1>, vector<16xf32>
      %parallel_loop3A_145 = arith.select %parallel_loop3A_139, %parallel_loop3A_138, %parallel_loop3A_130 : vector<16xi1>, vector<16xi32>
      %parallel_loop3A_146 = arith.select %parallel_loop3A_139, %parallel_loop3A_136, %parallel_loop3A_131 : vector<16xi1>, vector<16xf32>
      %parallel_loop3A_147 = arith.constant 8 : i32
      %parallel_loop3A_148 = arith.index_cast %parallel_loop3A_147 : i32 to index
      %parallel_loop3A_149 = arith.index_cast %parallel_loop3A_26 : i32 to index
      %parallel_loop3A_150 = tpu.vector_load %arg6[%parallel_loop3A_148, %parallel_loop3A_149] {strides = array<i32>} : memref<64x384xf32, #tpu.memory_space<vmem>>, vector<1x16xf32>,
      %parallel_loop3A_151 = vector.shape_cast %parallel_loop3A_150 : vector<1x16xf32> to vector<16xf32>
      %parallel_loop3A_152 = arith.constant 8 : i32
      %parallel_loop3A_153 = vector.broadcast %parallel_loop3A_152 : i32 to vector<16xi32>
      %parallel_loop3A_154 = arith.cmpf ogt, %parallel_loop3A_151, %parallel_loop3A_146 : vector<16xf32>
      %parallel_loop3A_155 = arith.cmpf ogt, %parallel_loop3A_151, %parallel_loop3A_144 : vector<16xf32>
      %parallel_loop3A_156 = arith.select %parallel_loop3A_155, %parallel_loop3A_153, %parallel_loop3A_142 : vector<16xi1>, vector<16xi32>
      %parallel_loop3A_157 = arith.select %parallel_loop3A_154, %parallel_loop3A_145, %parallel_loop3A_156 : vector<16xi1>, vector<16xi32>
      %parallel_loop3A_158 = arith.select %parallel_loop3A_155, %parallel_loop3A_151, %parallel_loop3A_144 : vector<16xi1>, vector<16xf32>
      %parallel_loop3A_159 = arith.select %parallel_loop3A_154, %parallel_loop3A_146, %parallel_loop3A_158 : vector<16xi1>, vector<16xf32>
      %parallel_loop3A_160 = arith.select %parallel_loop3A_154, %parallel_loop3A_153, %parallel_loop3A_145 : vector<16xi1>, vector<16xi32>
      %parallel_loop3A_161 = arith.select %parallel_loop3A_154, %parallel_loop3A_151, %parallel_loop3A_146 : vector<16xi1>, vector<16xf32>
      %parallel_loop3A_162 = arith.constant 9 : i32
      %parallel_loop3A_163 = arith.index_cast %parallel_loop3A_162 : i32 to index
      %parallel_loop3A_164 = arith.index_cast %parallel_loop3A_26 : i32 to index
      %parallel_loop3A_165 = tpu.vector_load %arg6[%parallel_loop3A_163, %parallel_loop3A_164] {strides = array<i32>} : memref<64x384xf32, #tpu.memory_space<vmem>>, vector<1x16xf32>,
      %parallel_loop3A_166 = vector.shape_cast %parallel_loop3A_165 : vector<1x16xf32> to vector<16xf32>
      %parallel_loop3A_167 = arith.constant 9 : i32
      %parallel_loop3A_168 = vector.broadcast %parallel_loop3A_167 : i32 to vector<16xi32>
      %parallel_loop3A_169 = arith.cmpf ogt, %parallel_loop3A_166, %parallel_loop3A_161 : vector<16xf32>
      %parallel_loop3A_170 = arith.cmpf ogt, %parallel_loop3A_166, %parallel_loop3A_159 : vector<16xf32>
      %parallel_loop3A_171 = arith.select %parallel_loop3A_170, %parallel_loop3A_168, %parallel_loop3A_157 : vector<16xi1>, vector<16xi32>
      %parallel_loop3A_172 = arith.select %parallel_loop3A_169, %parallel_loop3A_160, %parallel_loop3A_171 : vector<16xi1>, vector<16xi32>
      %parallel_loop3A_173 = arith.select %parallel_loop3A_170, %parallel_loop3A_166, %parallel_loop3A_159 : vector<16xi1>, vector<16xf32>
      %parallel_loop3A_174 = arith.select %parallel_loop3A_169, %parallel_loop3A_161, %parallel_loop3A_173 : vector<16xi1>, vector<16xf32>
      %parallel_loop3A_175 = arith.select %parallel_loop3A_169, %parallel_loop3A_168, %parallel_loop3A_160 : vector<16xi1>, vector<16xi32>
      %parallel_loop3A_176 = arith.select %parallel_loop3A_169, %parallel_loop3A_166, %parallel_loop3A_161 : vector<16xi1>, vector<16xf32>
      %parallel_loop3A_177 = arith.constant 10 : i32
      %parallel_loop3A_178 = arith.index_cast %parallel_loop3A_177 : i32 to index
      %parallel_loop3A_179 = arith.index_cast %parallel_loop3A_26 : i32 to index
      %parallel_loop3A_180 = tpu.vector_load %arg6[%parallel_loop3A_178, %parallel_loop3A_179] {strides = array<i32>} : memref<64x384xf32, #tpu.memory_space<vmem>>, vector<1x16xf32>,
      %parallel_loop3A_181 = vector.shape_cast %parallel_loop3A_180 : vector<1x16xf32> to vector<16xf32>
      %parallel_loop3A_182 = arith.constant 10 : i32
      %parallel_loop3A_183 = vector.broadcast %parallel_loop3A_182 : i32 to vector<16xi32>
      %parallel_loop3A_184 = arith.cmpf ogt, %parallel_loop3A_181, %parallel_loop3A_176 : vector<16xf32>
      %parallel_loop3A_185 = arith.cmpf ogt, %parallel_loop3A_181, %parallel_loop3A_174 : vector<16xf32>
      %parallel_loop3A_186 = arith.select %parallel_loop3A_185, %parallel_loop3A_183, %parallel_loop3A_172 : vector<16xi1>, vector<16xi32>
      %parallel_loop3A_187 = arith.select %parallel_loop3A_184, %parallel_loop3A_175, %parallel_loop3A_186 : vector<16xi1>, vector<16xi32>
      %parallel_loop3A_188 = arith.select %parallel_loop3A_185, %parallel_loop3A_181, %parallel_loop3A_174 : vector<16xi1>, vector<16xf32>
      %parallel_loop3A_189 = arith.select %parallel_loop3A_184, %parallel_loop3A_176, %parallel_loop3A_188 : vector<16xi1>, vector<16xf32>
      %parallel_loop3A_190 = arith.select %parallel_loop3A_184, %parallel_loop3A_183, %parallel_loop3A_175 : vector<16xi1>, vector<16xi32>
      %parallel_loop3A_191 = arith.select %parallel_loop3A_184, %parallel_loop3A_181, %parallel_loop3A_176 : vector<16xi1>, vector<16xf32>
      %parallel_loop3A_192 = arith.constant 11 : i32
      %parallel_loop3A_193 = arith.index_cast %parallel_loop3A_192 : i32 to index
      %parallel_loop3A_194 = arith.index_cast %parallel_loop3A_26 : i32 to index
      %parallel_loop3A_195 = tpu.vector_load %arg6[%parallel_loop3A_193, %parallel_loop3A_194] {strides = array<i32>} : memref<64x384xf32, #tpu.memory_space<vmem>>, vector<1x16xf32>,
      %parallel_loop3A_196 = vector.shape_cast %parallel_loop3A_195 : vector<1x16xf32> to vector<16xf32>
      %parallel_loop3A_197 = arith.constant 11 : i32
      %parallel_loop3A_198 = vector.broadcast %parallel_loop3A_197 : i32 to vector<16xi32>
      %parallel_loop3A_199 = arith.cmpf ogt, %parallel_loop3A_196, %parallel_loop3A_191 : vector<16xf32>
      %parallel_loop3A_200 = arith.cmpf ogt, %parallel_loop3A_196, %parallel_loop3A_189 : vector<16xf32>
      %parallel_loop3A_201 = arith.select %parallel_loop3A_200, %parallel_loop3A_198, %parallel_loop3A_187 : vector<16xi1>, vector<16xi32>
      %parallel_loop3A_202 = arith.select %parallel_loop3A_199, %parallel_loop3A_190, %parallel_loop3A_201 : vector<16xi1>, vector<16xi32>
      %parallel_loop3A_203 = arith.select %parallel_loop3A_200, %parallel_loop3A_196, %parallel_loop3A_189 : vector<16xi1>, vector<16xf32>
      %parallel_loop3A_204 = arith.select %parallel_loop3A_199, %parallel_loop3A_191, %parallel_loop3A_203 : vector<16xi1>, vector<16xf32>
      %parallel_loop3A_205 = arith.select %parallel_loop3A_199, %parallel_loop3A_198, %parallel_loop3A_190 : vector<16xi1>, vector<16xi32>
      %parallel_loop3A_206 = arith.select %parallel_loop3A_199, %parallel_loop3A_196, %parallel_loop3A_191 : vector<16xi1>, vector<16xf32>
      %parallel_loop3A_207 = arith.constant 12 : i32
      %parallel_loop3A_208 = arith.index_cast %parallel_loop3A_207 : i32 to index
      %parallel_loop3A_209 = arith.index_cast %parallel_loop3A_26 : i32 to index
      %parallel_loop3A_210 = tpu.vector_load %arg6[%parallel_loop3A_208, %parallel_loop3A_209] {strides = array<i32>} : memref<64x384xf32, #tpu.memory_space<vmem>>, vector<1x16xf32>,
      %parallel_loop3A_211 = vector.shape_cast %parallel_loop3A_210 : vector<1x16xf32> to vector<16xf32>
      %parallel_loop3A_212 = arith.constant 12 : i32
      %parallel_loop3A_213 = vector.broadcast %parallel_loop3A_212 : i32 to vector<16xi32>
      %parallel_loop3A_214 = arith.cmpf ogt, %parallel_loop3A_211, %parallel_loop3A_206 : vector<16xf32>
      %parallel_loop3A_215 = arith.cmpf ogt, %parallel_loop3A_211, %parallel_loop3A_204 : vector<16xf32>
      %parallel_loop3A_216 = arith.select %parallel_loop3A_215, %parallel_loop3A_213, %parallel_loop3A_202 : vector<16xi1>, vector<16xi32>
      %parallel_loop3A_217 = arith.select %parallel_loop3A_214, %parallel_loop3A_205, %parallel_loop3A_216 : vector<16xi1>, vector<16xi32>
      %parallel_loop3A_218 = arith.select %parallel_loop3A_215, %parallel_loop3A_211, %parallel_loop3A_204 : vector<16xi1>, vector<16xf32>
      %parallel_loop3A_219 = arith.select %parallel_loop3A_214, %parallel_loop3A_206, %parallel_loop3A_218 : vector<16xi1>, vector<16xf32>
      %parallel_loop3A_220 = arith.select %parallel_loop3A_214, %parallel_loop3A_213, %parallel_loop3A_205 : vector<16xi1>, vector<16xi32>
      %parallel_loop3A_221 = arith.select %parallel_loop3A_214, %parallel_loop3A_211, %parallel_loop3A_206 : vector<16xi1>, vector<16xf32>
      %parallel_loop3A_222 = arith.constant 13 : i32
      %parallel_loop3A_223 = arith.index_cast %parallel_loop3A_222 : i32 to index
      %parallel_loop3A_224 = arith.index_cast %parallel_loop3A_26 : i32 to index
      %parallel_loop3A_225 = tpu.vector_load %arg6[%parallel_loop3A_223, %parallel_loop3A_224] {strides = array<i32>} : memref<64x384xf32, #tpu.memory_space<vmem>>, vector<1x16xf32>,
      %parallel_loop3A_226 = vector.shape_cast %parallel_loop3A_225 : vector<1x16xf32> to vector<16xf32>
      %parallel_loop3A_227 = arith.constant 13 : i32
      %parallel_loop3A_228 = vector.broadcast %parallel_loop3A_227 : i32 to vector<16xi32>
      %parallel_loop3A_229 = arith.cmpf ogt, %parallel_loop3A_226, %parallel_loop3A_221 : vector<16xf32>
      %parallel_loop3A_230 = arith.cmpf ogt, %parallel_loop3A_226, %parallel_loop3A_219 : vector<16xf32>
      %parallel_loop3A_231 = arith.select %parallel_loop3A_230, %parallel_loop3A_228, %parallel_loop3A_217 : vector<16xi1>, vector<16xi32>
      %parallel_loop3A_232 = arith.select %parallel_loop3A_229, %parallel_loop3A_220, %parallel_loop3A_231 : vector<16xi1>, vector<16xi32>
      %parallel_loop3A_233 = arith.select %parallel_loop3A_230, %parallel_loop3A_226, %parallel_loop3A_219 : vector<16xi1>, vector<16xf32>
      %parallel_loop3A_234 = arith.select %parallel_loop3A_229, %parallel_loop3A_221, %parallel_loop3A_233 : vector<16xi1>, vector<16xf32>
      %parallel_loop3A_235 = arith.select %parallel_loop3A_229, %parallel_loop3A_228, %parallel_loop3A_220 : vector<16xi1>, vector<16xi32>
      %parallel_loop3A_236 = arith.select %parallel_loop3A_229, %parallel_loop3A_226, %parallel_loop3A_221 : vector<16xi1>, vector<16xf32>
      %parallel_loop3A_237 = arith.constant 14 : i32
      %parallel_loop3A_238 = arith.index_cast %parallel_loop3A_237 : i32 to index
      %parallel_loop3A_239 = arith.index_cast %parallel_loop3A_26 : i32 to index
      %parallel_loop3A_240 = tpu.vector_load %arg6[%parallel_loop3A_238, %parallel_loop3A_239] {strides = array<i32>} : memref<64x384xf32, #tpu.memory_space<vmem>>, vector<1x16xf32>,
      %parallel_loop3A_241 = vector.shape_cast %parallel_loop3A_240 : vector<1x16xf32> to vector<16xf32>
      %parallel_loop3A_242 = arith.constant 14 : i32
      %parallel_loop3A_243 = vector.broadcast %parallel_loop3A_242 : i32 to vector<16xi32>
      %parallel_loop3A_244 = arith.cmpf ogt, %parallel_loop3A_241, %parallel_loop3A_236 : vector<16xf32>
      %parallel_loop3A_245 = arith.cmpf ogt, %parallel_loop3A_241, %parallel_loop3A_234 : vector<16xf32>
      %parallel_loop3A_246 = arith.select %parallel_loop3A_245, %parallel_loop3A_243, %parallel_loop3A_232 : vector<16xi1>, vector<16xi32>
      %parallel_loop3A_247 = arith.select %parallel_loop3A_244, %parallel_loop3A_235, %parallel_loop3A_246 : vector<16xi1>, vector<16xi32>
      %parallel_loop3A_248 = arith.select %parallel_loop3A_245, %parallel_loop3A_241, %parallel_loop3A_234 : vector<16xi1>, vector<16xf32>
      %parallel_loop3A_249 = arith.select %parallel_loop3A_244, %parallel_loop3A_236, %parallel_loop3A_248 : vector<16xi1>, vector<16xf32>
      %parallel_loop3A_250 = arith.select %parallel_loop3A_244, %parallel_loop3A_243, %parallel_loop3A_235 : vector<16xi1>, vector<16xi32>
      %parallel_loop3A_251 = arith.select %parallel_loop3A_244, %parallel_loop3A_241, %parallel_loop3A_236 : vector<16xi1>, vector<16xf32>
      %parallel_loop3A_252 = arith.constant 15 : i32
      %parallel_loop3A_253 = arith.index_cast %parallel_loop3A_252 : i32 to index
      %parallel_loop3A_254 = arith.index_cast %parallel_loop3A_26 : i32 to index
      %parallel_loop3A_255 = tpu.vector_load %arg6[%parallel_loop3A_253, %parallel_loop3A_254] {strides = array<i32>} : memref<64x384xf32, #tpu.memory_space<vmem>>, vector<1x16xf32>,
      %parallel_loop3A_256 = vector.shape_cast %parallel_loop3A_255 : vector<1x16xf32> to vector<16xf32>
      %parallel_loop3A_257 = arith.constant 15 : i32
      %parallel_loop3A_258 = vector.broadcast %parallel_loop3A_257 : i32 to vector<16xi32>
      %parallel_loop3A_259 = arith.cmpf ogt, %parallel_loop3A_256, %parallel_loop3A_251 : vector<16xf32>
      %parallel_loop3A_260 = arith.cmpf ogt, %parallel_loop3A_256, %parallel_loop3A_249 : vector<16xf32>
      %parallel_loop3A_261 = arith.select %parallel_loop3A_260, %parallel_loop3A_258, %parallel_loop3A_247 : vector<16xi1>, vector<16xi32>
      %parallel_loop3A_262 = arith.select %parallel_loop3A_259, %parallel_loop3A_250, %parallel_loop3A_261 : vector<16xi1>, vector<16xi32>
      %parallel_loop3A_263 = arith.select %parallel_loop3A_260, %parallel_loop3A_256, %parallel_loop3A_249 : vector<16xi1>, vector<16xf32>
      %parallel_loop3A_264 = arith.select %parallel_loop3A_259, %parallel_loop3A_251, %parallel_loop3A_263 : vector<16xi1>, vector<16xf32>
      %parallel_loop3A_265 = arith.select %parallel_loop3A_259, %parallel_loop3A_258, %parallel_loop3A_250 : vector<16xi1>, vector<16xi32>
      %parallel_loop3A_266 = arith.select %parallel_loop3A_259, %parallel_loop3A_256, %parallel_loop3A_251 : vector<16xi1>, vector<16xf32>
      %parallel_loop3A_267 = arith.constant 16 : i32
      %parallel_loop3A_268 = arith.index_cast %parallel_loop3A_267 : i32 to index
      %parallel_loop3A_269 = arith.index_cast %parallel_loop3A_26 : i32 to index
      %parallel_loop3A_270 = tpu.vector_load %arg6[%parallel_loop3A_268, %parallel_loop3A_269] {strides = array<i32>} : memref<64x384xf32, #tpu.memory_space<vmem>>, vector<1x16xf32>,
      %parallel_loop3A_271 = vector.shape_cast %parallel_loop3A_270 : vector<1x16xf32> to vector<16xf32>
      %parallel_loop3A_272 = arith.constant 16 : i32
      %parallel_loop3A_273 = vector.broadcast %parallel_loop3A_272 : i32 to vector<16xi32>
      %parallel_loop3A_274 = arith.cmpf ogt, %parallel_loop3A_271, %parallel_loop3A_266 : vector<16xf32>
      %parallel_loop3A_275 = arith.cmpf ogt, %parallel_loop3A_271, %parallel_loop3A_264 : vector<16xf32>
      %parallel_loop3A_276 = arith.select %parallel_loop3A_275, %parallel_loop3A_273, %parallel_loop3A_262 : vector<16xi1>, vector<16xi32>
      %parallel_loop3A_277 = arith.select %parallel_loop3A_274, %parallel_loop3A_265, %parallel_loop3A_276 : vector<16xi1>, vector<16xi32>
      %parallel_loop3A_278 = arith.select %parallel_loop3A_275, %parallel_loop3A_271, %parallel_loop3A_264 : vector<16xi1>, vector<16xf32>
      %parallel_loop3A_279 = arith.select %parallel_loop3A_274, %parallel_loop3A_266, %parallel_loop3A_278 : vector<16xi1>, vector<16xf32>
      %parallel_loop3A_280 = arith.select %parallel_loop3A_274, %parallel_loop3A_273, %parallel_loop3A_265 : vector<16xi1>, vector<16xi32>
      %parallel_loop3A_281 = arith.select %parallel_loop3A_274, %parallel_loop3A_271, %parallel_loop3A_266 : vector<16xi1>, vector<16xf32>
      %parallel_loop3A_282 = arith.constant 17 : i32
      %parallel_loop3A_283 = arith.index_cast %parallel_loop3A_282 : i32 to index
      %parallel_loop3A_284 = arith.index_cast %parallel_loop3A_26 : i32 to index
      %parallel_loop3A_285 = tpu.vector_load %arg6[%parallel_loop3A_283, %parallel_loop3A_284] {strides = array<i32>} : memref<64x384xf32, #tpu.memory_space<vmem>>, vector<1x16xf32>,
      %parallel_loop3A_286 = vector.shape_cast %parallel_loop3A_285 : vector<1x16xf32> to vector<16xf32>
      %parallel_loop3A_287 = arith.constant 17 : i32
      %parallel_loop3A_288 = vector.broadcast %parallel_loop3A_287 : i32 to vector<16xi32>
      %parallel_loop3A_289 = arith.cmpf ogt, %parallel_loop3A_286, %parallel_loop3A_281 : vector<16xf32>
      %parallel_loop3A_290 = arith.cmpf ogt, %parallel_loop3A_286, %parallel_loop3A_279 : vector<16xf32>
      %parallel_loop3A_291 = arith.select %parallel_loop3A_290, %parallel_loop3A_288, %parallel_loop3A_277 : vector<16xi1>, vector<16xi32>
      %parallel_loop3A_292 = arith.select %parallel_loop3A_289, %parallel_loop3A_280, %parallel_loop3A_291 : vector<16xi1>, vector<16xi32>
      %parallel_loop3A_293 = arith.select %parallel_loop3A_290, %parallel_loop3A_286, %parallel_loop3A_279 : vector<16xi1>, vector<16xf32>
      %parallel_loop3A_294 = arith.select %parallel_loop3A_289, %parallel_loop3A_281, %parallel_loop3A_293 : vector<16xi1>, vector<16xf32>
      %parallel_loop3A_295 = arith.select %parallel_loop3A_289, %parallel_loop3A_288, %parallel_loop3A_280 : vector<16xi1>, vector<16xi32>
      %parallel_loop3A_296 = arith.select %parallel_loop3A_289, %parallel_loop3A_286, %parallel_loop3A_281 : vector<16xi1>, vector<16xf32>
      %parallel_loop3A_297 = arith.constant 18 : i32
      %parallel_loop3A_298 = arith.index_cast %parallel_loop3A_297 : i32 to index
      %parallel_loop3A_299 = arith.index_cast %parallel_loop3A_26 : i32 to index
      %parallel_loop3A_300 = tpu.vector_load %arg6[%parallel_loop3A_298, %parallel_loop3A_299] {strides = array<i32>} : memref<64x384xf32, #tpu.memory_space<vmem>>, vector<1x16xf32>,
      %parallel_loop3A_301 = vector.shape_cast %parallel_loop3A_300 : vector<1x16xf32> to vector<16xf32>
      %parallel_loop3A_302 = arith.constant 18 : i32
      %parallel_loop3A_303 = vector.broadcast %parallel_loop3A_302 : i32 to vector<16xi32>
      %parallel_loop3A_304 = arith.cmpf ogt, %parallel_loop3A_301, %parallel_loop3A_296 : vector<16xf32>
      %parallel_loop3A_305 = arith.cmpf ogt, %parallel_loop3A_301, %parallel_loop3A_294 : vector<16xf32>
      %parallel_loop3A_306 = arith.select %parallel_loop3A_305, %parallel_loop3A_303, %parallel_loop3A_292 : vector<16xi1>, vector<16xi32>
      %parallel_loop3A_307 = arith.select %parallel_loop3A_304, %parallel_loop3A_295, %parallel_loop3A_306 : vector<16xi1>, vector<16xi32>
      %parallel_loop3A_308 = arith.select %parallel_loop3A_305, %parallel_loop3A_301, %parallel_loop3A_294 : vector<16xi1>, vector<16xf32>
      %parallel_loop3A_309 = arith.select %parallel_loop3A_304, %parallel_loop3A_296, %parallel_loop3A_308 : vector<16xi1>, vector<16xf32>
      %parallel_loop3A_310 = arith.select %parallel_loop3A_304, %parallel_loop3A_303, %parallel_loop3A_295 : vector<16xi1>, vector<16xi32>
      %parallel_loop3A_311 = arith.select %parallel_loop3A_304, %parallel_loop3A_301, %parallel_loop3A_296 : vector<16xi1>, vector<16xf32>
      %parallel_loop3A_312 = arith.constant 19 : i32
      %parallel_loop3A_313 = arith.index_cast %parallel_loop3A_312 : i32 to index
      %parallel_loop3A_314 = arith.index_cast %parallel_loop3A_26 : i32 to index
      %parallel_loop3A_315 = tpu.vector_load %arg6[%parallel_loop3A_313, %parallel_loop3A_314] {strides = array<i32>} : memref<64x384xf32, #tpu.memory_space<vmem>>, vector<1x16xf32>,
      %parallel_loop3A_316 = vector.shape_cast %parallel_loop3A_315 : vector<1x16xf32> to vector<16xf32>
      %parallel_loop3A_317 = arith.constant 19 : i32
      %parallel_loop3A_318 = vector.broadcast %parallel_loop3A_317 : i32 to vector<16xi32>
      %parallel_loop3A_319 = arith.cmpf ogt, %parallel_loop3A_316, %parallel_loop3A_311 : vector<16xf32>
      %parallel_loop3A_320 = arith.cmpf ogt, %parallel_loop3A_316, %parallel_loop3A_309 : vector<16xf32>
      %parallel_loop3A_321 = arith.select %parallel_loop3A_320, %parallel_loop3A_318, %parallel_loop3A_307 : vector<16xi1>, vector<16xi32>
      %parallel_loop3A_322 = arith.select %parallel_loop3A_319, %parallel_loop3A_310, %parallel_loop3A_321 : vector<16xi1>, vector<16xi32>
      %parallel_loop3A_323 = arith.select %parallel_loop3A_320, %parallel_loop3A_316, %parallel_loop3A_309 : vector<16xi1>, vector<16xf32>
      %parallel_loop3A_324 = arith.select %parallel_loop3A_319, %parallel_loop3A_311, %parallel_loop3A_323 : vector<16xi1>, vector<16xf32>
      %parallel_loop3A_325 = arith.select %parallel_loop3A_319, %parallel_loop3A_318, %parallel_loop3A_310 : vector<16xi1>, vector<16xi32>
      %parallel_loop3A_326 = arith.select %parallel_loop3A_319, %parallel_loop3A_316, %parallel_loop3A_311 : vector<16xi1>, vector<16xf32>
      %parallel_loop3A_327 = arith.constant 20 : i32
      %parallel_loop3A_328 = arith.index_cast %parallel_loop3A_327 : i32 to index
      %parallel_loop3A_329 = arith.index_cast %parallel_loop3A_26 : i32 to index
      %parallel_loop3A_330 = tpu.vector_load %arg6[%parallel_loop3A_328, %parallel_loop3A_329] {strides = array<i32>} : memref<64x384xf32, #tpu.memory_space<vmem>>, vector<1x16xf32>,
      %parallel_loop3A_331 = vector.shape_cast %parallel_loop3A_330 : vector<1x16xf32> to vector<16xf32>
      %parallel_loop3A_332 = arith.constant 20 : i32
      %parallel_loop3A_333 = vector.broadcast %parallel_loop3A_332 : i32 to vector<16xi32>
      %parallel_loop3A_334 = arith.cmpf ogt, %parallel_loop3A_331, %parallel_loop3A_326 : vector<16xf32>
      %parallel_loop3A_335 = arith.cmpf ogt, %parallel_loop3A_331, %parallel_loop3A_324 : vector<16xf32>
      %parallel_loop3A_336 = arith.select %parallel_loop3A_335, %parallel_loop3A_333, %parallel_loop3A_322 : vector<16xi1>, vector<16xi32>
      %parallel_loop3A_337 = arith.select %parallel_loop3A_334, %parallel_loop3A_325, %parallel_loop3A_336 : vector<16xi1>, vector<16xi32>
      %parallel_loop3A_338 = arith.select %parallel_loop3A_335, %parallel_loop3A_331, %parallel_loop3A_324 : vector<16xi1>, vector<16xf32>
      %parallel_loop3A_339 = arith.select %parallel_loop3A_334, %parallel_loop3A_326, %parallel_loop3A_338 : vector<16xi1>, vector<16xf32>
      %parallel_loop3A_340 = arith.select %parallel_loop3A_334, %parallel_loop3A_333, %parallel_loop3A_325 : vector<16xi1>, vector<16xi32>
      %parallel_loop3A_341 = arith.select %parallel_loop3A_334, %parallel_loop3A_331, %parallel_loop3A_326 : vector<16xi1>, vector<16xf32>
      %parallel_loop3A_342 = arith.constant 21 : i32
      %parallel_loop3A_343 = arith.index_cast %parallel_loop3A_342 : i32 to index
      %parallel_loop3A_344 = arith.index_cast %parallel_loop3A_26 : i32 to index
      %parallel_loop3A_345 = tpu.vector_load %arg6[%parallel_loop3A_343, %parallel_loop3A_344] {strides = array<i32>} : memref<64x384xf32, #tpu.memory_space<vmem>>, vector<1x16xf32>,
      %parallel_loop3A_346 = vector.shape_cast %parallel_loop3A_345 : vector<1x16xf32> to vector<16xf32>
      %parallel_loop3A_347 = arith.constant 21 : i32
      %parallel_loop3A_348 = vector.broadcast %parallel_loop3A_347 : i32 to vector<16xi32>
      %parallel_loop3A_349 = arith.cmpf ogt, %parallel_loop3A_346, %parallel_loop3A_341 : vector<16xf32>
      %parallel_loop3A_350 = arith.cmpf ogt, %parallel_loop3A_346, %parallel_loop3A_339 : vector<16xf32>
      %parallel_loop3A_351 = arith.select %parallel_loop3A_350, %parallel_loop3A_348, %parallel_loop3A_337 : vector<16xi1>, vector<16xi32>
      %parallel_loop3A_352 = arith.select %parallel_loop3A_349, %parallel_loop3A_340, %parallel_loop3A_351 : vector<16xi1>, vector<16xi32>
      %parallel_loop3A_353 = arith.select %parallel_loop3A_350, %parallel_loop3A_346, %parallel_loop3A_339 : vector<16xi1>, vector<16xf32>
      %parallel_loop3A_354 = arith.select %parallel_loop3A_349, %parallel_loop3A_341, %parallel_loop3A_353 : vector<16xi1>, vector<16xf32>
      %parallel_loop3A_355 = arith.select %parallel_loop3A_349, %parallel_loop3A_348, %parallel_loop3A_340 : vector<16xi1>, vector<16xi32>
      %parallel_loop3A_356 = arith.select %parallel_loop3A_349, %parallel_loop3A_346, %parallel_loop3A_341 : vector<16xi1>, vector<16xf32>
      %parallel_loop3A_357 = arith.constant 22 : i32
      %parallel_loop3A_358 = arith.index_cast %parallel_loop3A_357 : i32 to index
      %parallel_loop3A_359 = arith.index_cast %parallel_loop3A_26 : i32 to index
      %parallel_loop3A_360 = tpu.vector_load %arg6[%parallel_loop3A_358, %parallel_loop3A_359] {strides = array<i32>} : memref<64x384xf32, #tpu.memory_space<vmem>>, vector<1x16xf32>,
      %parallel_loop3A_361 = vector.shape_cast %parallel_loop3A_360 : vector<1x16xf32> to vector<16xf32>
      %parallel_loop3A_362 = arith.constant 22 : i32
      %parallel_loop3A_363 = vector.broadcast %parallel_loop3A_362 : i32 to vector<16xi32>
      %parallel_loop3A_364 = arith.cmpf ogt, %parallel_loop3A_361, %parallel_loop3A_356 : vector<16xf32>
      %parallel_loop3A_365 = arith.cmpf ogt, %parallel_loop3A_361, %parallel_loop3A_354 : vector<16xf32>
      %parallel_loop3A_366 = arith.select %parallel_loop3A_365, %parallel_loop3A_363, %parallel_loop3A_352 : vector<16xi1>, vector<16xi32>
      %parallel_loop3A_367 = arith.select %parallel_loop3A_364, %parallel_loop3A_355, %parallel_loop3A_366 : vector<16xi1>, vector<16xi32>
      %parallel_loop3A_368 = arith.select %parallel_loop3A_365, %parallel_loop3A_361, %parallel_loop3A_354 : vector<16xi1>, vector<16xf32>
      %parallel_loop3A_369 = arith.select %parallel_loop3A_364, %parallel_loop3A_356, %parallel_loop3A_368 : vector<16xi1>, vector<16xf32>
      %parallel_loop3A_370 = arith.select %parallel_loop3A_364, %parallel_loop3A_363, %parallel_loop3A_355 : vector<16xi1>, vector<16xi32>
      %parallel_loop3A_371 = arith.select %parallel_loop3A_364, %parallel_loop3A_361, %parallel_loop3A_356 : vector<16xi1>, vector<16xf32>
      %parallel_loop3A_372 = arith.constant 23 : i32
      %parallel_loop3A_373 = arith.index_cast %parallel_loop3A_372 : i32 to index
      %parallel_loop3A_374 = arith.index_cast %parallel_loop3A_26 : i32 to index
      %parallel_loop3A_375 = tpu.vector_load %arg6[%parallel_loop3A_373, %parallel_loop3A_374] {strides = array<i32>} : memref<64x384xf32, #tpu.memory_space<vmem>>, vector<1x16xf32>,
      %parallel_loop3A_376 = vector.shape_cast %parallel_loop3A_375 : vector<1x16xf32> to vector<16xf32>
      %parallel_loop3A_377 = arith.constant 23 : i32
      %parallel_loop3A_378 = vector.broadcast %parallel_loop3A_377 : i32 to vector<16xi32>
      %parallel_loop3A_379 = arith.cmpf ogt, %parallel_loop3A_376, %parallel_loop3A_371 : vector<16xf32>
      %parallel_loop3A_380 = arith.cmpf ogt, %parallel_loop3A_376, %parallel_loop3A_369 : vector<16xf32>
      %parallel_loop3A_381 = arith.select %parallel_loop3A_380, %parallel_loop3A_378, %parallel_loop3A_367 : vector<16xi1>, vector<16xi32>
      %parallel_loop3A_382 = arith.select %parallel_loop3A_379, %parallel_loop3A_370, %parallel_loop3A_381 : vector<16xi1>, vector<16xi32>
      %parallel_loop3A_383 = arith.select %parallel_loop3A_380, %parallel_loop3A_376, %parallel_loop3A_369 : vector<16xi1>, vector<16xf32>
      %parallel_loop3A_384 = arith.select %parallel_loop3A_379, %parallel_loop3A_371, %parallel_loop3A_383 : vector<16xi1>, vector<16xf32>
      %parallel_loop3A_385 = arith.select %parallel_loop3A_379, %parallel_loop3A_378, %parallel_loop3A_370 : vector<16xi1>, vector<16xi32>
      %parallel_loop3A_386 = arith.select %parallel_loop3A_379, %parallel_loop3A_376, %parallel_loop3A_371 : vector<16xi1>, vector<16xf32>
      %parallel_loop3A_387 = arith.constant 24 : i32
      %parallel_loop3A_388 = arith.index_cast %parallel_loop3A_387 : i32 to index
      %parallel_loop3A_389 = arith.index_cast %parallel_loop3A_26 : i32 to index
      %parallel_loop3A_390 = tpu.vector_load %arg6[%parallel_loop3A_388, %parallel_loop3A_389] {strides = array<i32>} : memref<64x384xf32, #tpu.memory_space<vmem>>, vector<1x16xf32>,
      %parallel_loop3A_391 = vector.shape_cast %parallel_loop3A_390 : vector<1x16xf32> to vector<16xf32>
      %parallel_loop3A_392 = arith.constant 24 : i32
      %parallel_loop3A_393 = vector.broadcast %parallel_loop3A_392 : i32 to vector<16xi32>
      %parallel_loop3A_394 = arith.cmpf ogt, %parallel_loop3A_391, %parallel_loop3A_386 : vector<16xf32>
      %parallel_loop3A_395 = arith.cmpf ogt, %parallel_loop3A_391, %parallel_loop3A_384 : vector<16xf32>
      %parallel_loop3A_396 = arith.select %parallel_loop3A_395, %parallel_loop3A_393, %parallel_loop3A_382 : vector<16xi1>, vector<16xi32>
      %parallel_loop3A_397 = arith.select %parallel_loop3A_394, %parallel_loop3A_385, %parallel_loop3A_396 : vector<16xi1>, vector<16xi32>
      %parallel_loop3A_398 = arith.select %parallel_loop3A_395, %parallel_loop3A_391, %parallel_loop3A_384 : vector<16xi1>, vector<16xf32>
      %parallel_loop3A_399 = arith.select %parallel_loop3A_394, %parallel_loop3A_386, %parallel_loop3A_398 : vector<16xi1>, vector<16xf32>
      %parallel_loop3A_400 = arith.select %parallel_loop3A_394, %parallel_loop3A_393, %parallel_loop3A_385 : vector<16xi1>, vector<16xi32>
      %parallel_loop3A_401 = arith.select %parallel_loop3A_394, %parallel_loop3A_391, %parallel_loop3A_386 : vector<16xi1>, vector<16xf32>
      %parallel_loop3A_402 = arith.constant 25 : i32
      %parallel_loop3A_403 = arith.index_cast %parallel_loop3A_402 : i32 to index
      %parallel_loop3A_404 = arith.index_cast %parallel_loop3A_26 : i32 to index
      %parallel_loop3A_405 = tpu.vector_load %arg6[%parallel_loop3A_403, %parallel_loop3A_404] {strides = array<i32>} : memref<64x384xf32, #tpu.memory_space<vmem>>, vector<1x16xf32>,
      %parallel_loop3A_406 = vector.shape_cast %parallel_loop3A_405 : vector<1x16xf32> to vector<16xf32>
      %parallel_loop3A_407 = arith.constant 25 : i32
      %parallel_loop3A_408 = vector.broadcast %parallel_loop3A_407 : i32 to vector<16xi32>
      %parallel_loop3A_409 = arith.cmpf ogt, %parallel_loop3A_406, %parallel_loop3A_401 : vector<16xf32>
      %parallel_loop3A_410 = arith.cmpf ogt, %parallel_loop3A_406, %parallel_loop3A_399 : vector<16xf32>
      %parallel_loop3A_411 = arith.select %parallel_loop3A_410, %parallel_loop3A_408, %parallel_loop3A_397 : vector<16xi1>, vector<16xi32>
      %parallel_loop3A_412 = arith.select %parallel_loop3A_409, %parallel_loop3A_400, %parallel_loop3A_411 : vector<16xi1>, vector<16xi32>
      %parallel_loop3A_413 = arith.select %parallel_loop3A_410, %parallel_loop3A_406, %parallel_loop3A_399 : vector<16xi1>, vector<16xf32>
      %parallel_loop3A_414 = arith.select %parallel_loop3A_409, %parallel_loop3A_401, %parallel_loop3A_413 : vector<16xi1>, vector<16xf32>
      %parallel_loop3A_415 = arith.select %parallel_loop3A_409, %parallel_loop3A_408, %parallel_loop3A_400 : vector<16xi1>, vector<16xi32>
      %parallel_loop3A_416 = arith.select %parallel_loop3A_409, %parallel_loop3A_406, %parallel_loop3A_401 : vector<16xi1>, vector<16xf32>
      %parallel_loop3A_417 = arith.constant 26 : i32
      %parallel_loop3A_418 = arith.index_cast %parallel_loop3A_417 : i32 to index
      %parallel_loop3A_419 = arith.index_cast %parallel_loop3A_26 : i32 to index
      %parallel_loop3A_420 = tpu.vector_load %arg6[%parallel_loop3A_418, %parallel_loop3A_419] {strides = array<i32>} : memref<64x384xf32, #tpu.memory_space<vmem>>, vector<1x16xf32>,
      %parallel_loop3A_421 = vector.shape_cast %parallel_loop3A_420 : vector<1x16xf32> to vector<16xf32>
      %parallel_loop3A_422 = arith.constant 26 : i32
      %parallel_loop3A_423 = vector.broadcast %parallel_loop3A_422 : i32 to vector<16xi32>
      %parallel_loop3A_424 = arith.cmpf ogt, %parallel_loop3A_421, %parallel_loop3A_416 : vector<16xf32>
      %parallel_loop3A_425 = arith.cmpf ogt, %parallel_loop3A_421, %parallel_loop3A_414 : vector<16xf32>
      %parallel_loop3A_426 = arith.select %parallel_loop3A_425, %parallel_loop3A_423, %parallel_loop3A_412 : vector<16xi1>, vector<16xi32>
      %parallel_loop3A_427 = arith.select %parallel_loop3A_424, %parallel_loop3A_415, %parallel_loop3A_426 : vector<16xi1>, vector<16xi32>
      %parallel_loop3A_428 = arith.select %parallel_loop3A_425, %parallel_loop3A_421, %parallel_loop3A_414 : vector<16xi1>, vector<16xf32>
      %parallel_loop3A_429 = arith.select %parallel_loop3A_424, %parallel_loop3A_416, %parallel_loop3A_428 : vector<16xi1>, vector<16xf32>
      %parallel_loop3A_430 = arith.select %parallel_loop3A_424, %parallel_loop3A_423, %parallel_loop3A_415 : vector<16xi1>, vector<16xi32>
      %parallel_loop3A_431 = arith.select %parallel_loop3A_424, %parallel_loop3A_421, %parallel_loop3A_416 : vector<16xi1>, vector<16xf32>
      %parallel_loop3A_432 = arith.constant 27 : i32
      %parallel_loop3A_433 = arith.index_cast %parallel_loop3A_432 : i32 to index
      %parallel_loop3A_434 = arith.index_cast %parallel_loop3A_26 : i32 to index
      %parallel_loop3A_435 = tpu.vector_load %arg6[%parallel_loop3A_433, %parallel_loop3A_434] {strides = array<i32>} : memref<64x384xf32, #tpu.memory_space<vmem>>, vector<1x16xf32>,
      %parallel_loop3A_436 = vector.shape_cast %parallel_loop3A_435 : vector<1x16xf32> to vector<16xf32>
      %parallel_loop3A_437 = arith.constant 27 : i32
      %parallel_loop3A_438 = vector.broadcast %parallel_loop3A_437 : i32 to vector<16xi32>
      %parallel_loop3A_439 = arith.cmpf ogt, %parallel_loop3A_436, %parallel_loop3A_431 : vector<16xf32>
      %parallel_loop3A_440 = arith.cmpf ogt, %parallel_loop3A_436, %parallel_loop3A_429 : vector<16xf32>
      %parallel_loop3A_441 = arith.select %parallel_loop3A_440, %parallel_loop3A_438, %parallel_loop3A_427 : vector<16xi1>, vector<16xi32>
      %parallel_loop3A_442 = arith.select %parallel_loop3A_439, %parallel_loop3A_430, %parallel_loop3A_441 : vector<16xi1>, vector<16xi32>
      %parallel_loop3A_443 = arith.select %parallel_loop3A_440, %parallel_loop3A_436, %parallel_loop3A_429 : vector<16xi1>, vector<16xf32>
      %parallel_loop3A_444 = arith.select %parallel_loop3A_439, %parallel_loop3A_431, %parallel_loop3A_443 : vector<16xi1>, vector<16xf32>
      %parallel_loop3A_445 = arith.select %parallel_loop3A_439, %parallel_loop3A_438, %parallel_loop3A_430 : vector<16xi1>, vector<16xi32>
      %parallel_loop3A_446 = arith.select %parallel_loop3A_439, %parallel_loop3A_436, %parallel_loop3A_431 : vector<16xi1>, vector<16xf32>
      %parallel_loop3A_447 = arith.constant 28 : i32
      %parallel_loop3A_448 = arith.index_cast %parallel_loop3A_447 : i32 to index
      %parallel_loop3A_449 = arith.index_cast %parallel_loop3A_26 : i32 to index
      %parallel_loop3A_450 = tpu.vector_load %arg6[%parallel_loop3A_448, %parallel_loop3A_449] {strides = array<i32>} : memref<64x384xf32, #tpu.memory_space<vmem>>, vector<1x16xf32>,
      %parallel_loop3A_451 = vector.shape_cast %parallel_loop3A_450 : vector<1x16xf32> to vector<16xf32>
      %parallel_loop3A_452 = arith.constant 28 : i32
      %parallel_loop3A_453 = vector.broadcast %parallel_loop3A_452 : i32 to vector<16xi32>
      %parallel_loop3A_454 = arith.cmpf ogt, %parallel_loop3A_451, %parallel_loop3A_446 : vector<16xf32>
      %parallel_loop3A_455 = arith.cmpf ogt, %parallel_loop3A_451, %parallel_loop3A_444 : vector<16xf32>
      %parallel_loop3A_456 = arith.select %parallel_loop3A_455, %parallel_loop3A_453, %parallel_loop3A_442 : vector<16xi1>, vector<16xi32>
      %parallel_loop3A_457 = arith.select %parallel_loop3A_454, %parallel_loop3A_445, %parallel_loop3A_456 : vector<16xi1>, vector<16xi32>
      %parallel_loop3A_458 = arith.select %parallel_loop3A_455, %parallel_loop3A_451, %parallel_loop3A_444 : vector<16xi1>, vector<16xf32>
      %parallel_loop3A_459 = arith.select %parallel_loop3A_454, %parallel_loop3A_446, %parallel_loop3A_458 : vector<16xi1>, vector<16xf32>
      %parallel_loop3A_460 = arith.select %parallel_loop3A_454, %parallel_loop3A_453, %parallel_loop3A_445 : vector<16xi1>, vector<16xi32>
      %parallel_loop3A_461 = arith.select %parallel_loop3A_454, %parallel_loop3A_451, %parallel_loop3A_446 : vector<16xi1>, vector<16xf32>
      %parallel_loop3A_462 = arith.constant 29 : i32
      %parallel_loop3A_463 = arith.index_cast %parallel_loop3A_462 : i32 to index
      %parallel_loop3A_464 = arith.index_cast %parallel_loop3A_26 : i32 to index
      %parallel_loop3A_465 = tpu.vector_load %arg6[%parallel_loop3A_463, %parallel_loop3A_464] {strides = array<i32>} : memref<64x384xf32, #tpu.memory_space<vmem>>, vector<1x16xf32>,
      %parallel_loop3A_466 = vector.shape_cast %parallel_loop3A_465 : vector<1x16xf32> to vector<16xf32>
      %parallel_loop3A_467 = arith.constant 29 : i32
      %parallel_loop3A_468 = vector.broadcast %parallel_loop3A_467 : i32 to vector<16xi32>
      %parallel_loop3A_469 = arith.cmpf ogt, %parallel_loop3A_466, %parallel_loop3A_461 : vector<16xf32>
      %parallel_loop3A_470 = arith.cmpf ogt, %parallel_loop3A_466, %parallel_loop3A_459 : vector<16xf32>
      %parallel_loop3A_471 = arith.select %parallel_loop3A_470, %parallel_loop3A_468, %parallel_loop3A_457 : vector<16xi1>, vector<16xi32>
      %parallel_loop3A_472 = arith.select %parallel_loop3A_469, %parallel_loop3A_460, %parallel_loop3A_471 : vector<16xi1>, vector<16xi32>
      %parallel_loop3A_473 = arith.select %parallel_loop3A_470, %parallel_loop3A_466, %parallel_loop3A_459 : vector<16xi1>, vector<16xf32>
      %parallel_loop3A_474 = arith.select %parallel_loop3A_469, %parallel_loop3A_461, %parallel_loop3A_473 : vector<16xi1>, vector<16xf32>
      %parallel_loop3A_475 = arith.select %parallel_loop3A_469, %parallel_loop3A_468, %parallel_loop3A_460 : vector<16xi1>, vector<16xi32>
      %parallel_loop3A_476 = arith.select %parallel_loop3A_469, %parallel_loop3A_466, %parallel_loop3A_461 : vector<16xi1>, vector<16xf32>
      %parallel_loop3A_477 = arith.constant 30 : i32
      %parallel_loop3A_478 = arith.index_cast %parallel_loop3A_477 : i32 to index
      %parallel_loop3A_479 = arith.index_cast %parallel_loop3A_26 : i32 to index
      %parallel_loop3A_480 = tpu.vector_load %arg6[%parallel_loop3A_478, %parallel_loop3A_479] {strides = array<i32>} : memref<64x384xf32, #tpu.memory_space<vmem>>, vector<1x16xf32>,
      %parallel_loop3A_481 = vector.shape_cast %parallel_loop3A_480 : vector<1x16xf32> to vector<16xf32>
      %parallel_loop3A_482 = arith.constant 30 : i32
      %parallel_loop3A_483 = vector.broadcast %parallel_loop3A_482 : i32 to vector<16xi32>
      %parallel_loop3A_484 = arith.cmpf ogt, %parallel_loop3A_481, %parallel_loop3A_476 : vector<16xf32>
      %parallel_loop3A_485 = arith.cmpf ogt, %parallel_loop3A_481, %parallel_loop3A_474 : vector<16xf32>
      %parallel_loop3A_486 = arith.select %parallel_loop3A_485, %parallel_loop3A_483, %parallel_loop3A_472 : vector<16xi1>, vector<16xi32>
      %parallel_loop3A_487 = arith.select %parallel_loop3A_484, %parallel_loop3A_475, %parallel_loop3A_486 : vector<16xi1>, vector<16xi32>
      %parallel_loop3A_488 = arith.select %parallel_loop3A_485, %parallel_loop3A_481, %parallel_loop3A_474 : vector<16xi1>, vector<16xf32>
      %parallel_loop3A_489 = arith.select %parallel_loop3A_484, %parallel_loop3A_476, %parallel_loop3A_488 : vector<16xi1>, vector<16xf32>
      %parallel_loop3A_490 = arith.select %parallel_loop3A_484, %parallel_loop3A_483, %parallel_loop3A_475 : vector<16xi1>, vector<16xi32>
      %parallel_loop3A_491 = arith.select %parallel_loop3A_484, %parallel_loop3A_481, %parallel_loop3A_476 : vector<16xi1>, vector<16xf32>
      %parallel_loop3A_492 = arith.constant 31 : i32
      %parallel_loop3A_493 = arith.index_cast %parallel_loop3A_492 : i32 to index
      %parallel_loop3A_494 = arith.index_cast %parallel_loop3A_26 : i32 to index
      %parallel_loop3A_495 = tpu.vector_load %arg6[%parallel_loop3A_493, %parallel_loop3A_494] {strides = array<i32>} : memref<64x384xf32, #tpu.memory_space<vmem>>, vector<1x16xf32>,
      %parallel_loop3A_496 = vector.shape_cast %parallel_loop3A_495 : vector<1x16xf32> to vector<16xf32>
      %parallel_loop3A_497 = arith.constant 31 : i32
      %parallel_loop3A_498 = vector.broadcast %parallel_loop3A_497 : i32 to vector<16xi32>
      %parallel_loop3A_499 = arith.cmpf ogt, %parallel_loop3A_496, %parallel_loop3A_491 : vector<16xf32>
      %parallel_loop3A_500 = arith.cmpf ogt, %parallel_loop3A_496, %parallel_loop3A_489 : vector<16xf32>
      %parallel_loop3A_501 = arith.select %parallel_loop3A_500, %parallel_loop3A_498, %parallel_loop3A_487 : vector<16xi1>, vector<16xi32>
      %parallel_loop3A_502 = arith.select %parallel_loop3A_499, %parallel_loop3A_490, %parallel_loop3A_501 : vector<16xi1>, vector<16xi32>
      %parallel_loop3A_503 = arith.select %parallel_loop3A_500, %parallel_loop3A_496, %parallel_loop3A_489 : vector<16xi1>, vector<16xf32>
      %parallel_loop3A_504 = arith.select %parallel_loop3A_499, %parallel_loop3A_491, %parallel_loop3A_503 : vector<16xi1>, vector<16xf32>
      %parallel_loop3A_505 = arith.select %parallel_loop3A_499, %parallel_loop3A_498, %parallel_loop3A_490 : vector<16xi1>, vector<16xi32>
      %parallel_loop3A_506 = arith.select %parallel_loop3A_499, %parallel_loop3A_496, %parallel_loop3A_491 : vector<16xi1>, vector<16xf32>
      %parallel_loop3A_507 = arith.constant 32 : i32
      %parallel_loop3A_508 = arith.index_cast %parallel_loop3A_507 : i32 to index
      %parallel_loop3A_509 = arith.index_cast %parallel_loop3A_26 : i32 to index
      %parallel_loop3A_510 = tpu.vector_load %arg6[%parallel_loop3A_508, %parallel_loop3A_509] {strides = array<i32>} : memref<64x384xf32, #tpu.memory_space<vmem>>, vector<1x16xf32>,
      %parallel_loop3A_511 = vector.shape_cast %parallel_loop3A_510 : vector<1x16xf32> to vector<16xf32>
      %parallel_loop3A_512 = arith.constant 32 : i32
      %parallel_loop3A_513 = vector.broadcast %parallel_loop3A_512 : i32 to vector<16xi32>
      %parallel_loop3A_514 = arith.cmpf ogt, %parallel_loop3A_511, %parallel_loop3A_506 : vector<16xf32>
      %parallel_loop3A_515 = arith.cmpf ogt, %parallel_loop3A_511, %parallel_loop3A_504 : vector<16xf32>
      %parallel_loop3A_516 = arith.select %parallel_loop3A_515, %parallel_loop3A_513, %parallel_loop3A_502 : vector<16xi1>, vector<16xi32>
      %parallel_loop3A_517 = arith.select %parallel_loop3A_514, %parallel_loop3A_505, %parallel_loop3A_516 : vector<16xi1>, vector<16xi32>
      %parallel_loop3A_518 = arith.select %parallel_loop3A_515, %parallel_loop3A_511, %parallel_loop3A_504 : vector<16xi1>, vector<16xf32>
      %parallel_loop3A_519 = arith.select %parallel_loop3A_514, %parallel_loop3A_506, %parallel_loop3A_518 : vector<16xi1>, vector<16xf32>
      %parallel_loop3A_520 = arith.select %parallel_loop3A_514, %parallel_loop3A_513, %parallel_loop3A_505 : vector<16xi1>, vector<16xi32>
      %parallel_loop3A_521 = arith.select %parallel_loop3A_514, %parallel_loop3A_511, %parallel_loop3A_506 : vector<16xi1>, vector<16xf32>
      %parallel_loop3A_522 = arith.constant 33 : i32
      %parallel_loop3A_523 = arith.index_cast %parallel_loop3A_522 : i32 to index
      %parallel_loop3A_524 = arith.index_cast %parallel_loop3A_26 : i32 to index
      %parallel_loop3A_525 = tpu.vector_load %arg6[%parallel_loop3A_523, %parallel_loop3A_524] {strides = array<i32>} : memref<64x384xf32, #tpu.memory_space<vmem>>, vector<1x16xf32>,
      %parallel_loop3A_526 = vector.shape_cast %parallel_loop3A_525 : vector<1x16xf32> to vector<16xf32>
      %parallel_loop3A_527 = arith.constant 33 : i32
      %parallel_loop3A_528 = vector.broadcast %parallel_loop3A_527 : i32 to vector<16xi32>
      %parallel_loop3A_529 = arith.cmpf ogt, %parallel_loop3A_526, %parallel_loop3A_521 : vector<16xf32>
      %parallel_loop3A_530 = arith.cmpf ogt, %parallel_loop3A_526, %parallel_loop3A_519 : vector<16xf32>
      %parallel_loop3A_531 = arith.select %parallel_loop3A_530, %parallel_loop3A_528, %parallel_loop3A_517 : vector<16xi1>, vector<16xi32>
      %parallel_loop3A_532 = arith.select %parallel_loop3A_529, %parallel_loop3A_520, %parallel_loop3A_531 : vector<16xi1>, vector<16xi32>
      %parallel_loop3A_533 = arith.select %parallel_loop3A_530, %parallel_loop3A_526, %parallel_loop3A_519 : vector<16xi1>, vector<16xf32>
      %parallel_loop3A_534 = arith.select %parallel_loop3A_529, %parallel_loop3A_521, %parallel_loop3A_533 : vector<16xi1>, vector<16xf32>
      %parallel_loop3A_535 = arith.select %parallel_loop3A_529, %parallel_loop3A_528, %parallel_loop3A_520 : vector<16xi1>, vector<16xi32>
      %parallel_loop3A_536 = arith.select %parallel_loop3A_529, %parallel_loop3A_526, %parallel_loop3A_521 : vector<16xi1>, vector<16xf32>
      %parallel_loop3A_537 = arith.constant 34 : i32
      %parallel_loop3A_538 = arith.index_cast %parallel_loop3A_537 : i32 to index
      %parallel_loop3A_539 = arith.index_cast %parallel_loop3A_26 : i32 to index
      %parallel_loop3A_540 = tpu.vector_load %arg6[%parallel_loop3A_538, %parallel_loop3A_539] {strides = array<i32>} : memref<64x384xf32, #tpu.memory_space<vmem>>, vector<1x16xf32>,
      %parallel_loop3A_541 = vector.shape_cast %parallel_loop3A_540 : vector<1x16xf32> to vector<16xf32>
      %parallel_loop3A_542 = arith.constant 34 : i32
      %parallel_loop3A_543 = vector.broadcast %parallel_loop3A_542 : i32 to vector<16xi32>
      %parallel_loop3A_544 = arith.cmpf ogt, %parallel_loop3A_541, %parallel_loop3A_536 : vector<16xf32>
      %parallel_loop3A_545 = arith.cmpf ogt, %parallel_loop3A_541, %parallel_loop3A_534 : vector<16xf32>
      %parallel_loop3A_546 = arith.select %parallel_loop3A_545, %parallel_loop3A_543, %parallel_loop3A_532 : vector<16xi1>, vector<16xi32>
      %parallel_loop3A_547 = arith.select %parallel_loop3A_544, %parallel_loop3A_535, %parallel_loop3A_546 : vector<16xi1>, vector<16xi32>
      %parallel_loop3A_548 = arith.select %parallel_loop3A_545, %parallel_loop3A_541, %parallel_loop3A_534 : vector<16xi1>, vector<16xf32>
      %parallel_loop3A_549 = arith.select %parallel_loop3A_544, %parallel_loop3A_536, %parallel_loop3A_548 : vector<16xi1>, vector<16xf32>
      %parallel_loop3A_550 = arith.select %parallel_loop3A_544, %parallel_loop3A_543, %parallel_loop3A_535 : vector<16xi1>, vector<16xi32>
      %parallel_loop3A_551 = arith.select %parallel_loop3A_544, %parallel_loop3A_541, %parallel_loop3A_536 : vector<16xi1>, vector<16xf32>
      %parallel_loop3A_552 = arith.constant 35 : i32
      %parallel_loop3A_553 = arith.index_cast %parallel_loop3A_552 : i32 to index
      %parallel_loop3A_554 = arith.index_cast %parallel_loop3A_26 : i32 to index
      %parallel_loop3A_555 = tpu.vector_load %arg6[%parallel_loop3A_553, %parallel_loop3A_554] {strides = array<i32>} : memref<64x384xf32, #tpu.memory_space<vmem>>, vector<1x16xf32>,
      %parallel_loop3A_556 = vector.shape_cast %parallel_loop3A_555 : vector<1x16xf32> to vector<16xf32>
      %parallel_loop3A_557 = arith.constant 35 : i32
      %parallel_loop3A_558 = vector.broadcast %parallel_loop3A_557 : i32 to vector<16xi32>
      %parallel_loop3A_559 = arith.cmpf ogt, %parallel_loop3A_556, %parallel_loop3A_551 : vector<16xf32>
      %parallel_loop3A_560 = arith.cmpf ogt, %parallel_loop3A_556, %parallel_loop3A_549 : vector<16xf32>
      %parallel_loop3A_561 = arith.select %parallel_loop3A_560, %parallel_loop3A_558, %parallel_loop3A_547 : vector<16xi1>, vector<16xi32>
      %parallel_loop3A_562 = arith.select %parallel_loop3A_559, %parallel_loop3A_550, %parallel_loop3A_561 : vector<16xi1>, vector<16xi32>
      %parallel_loop3A_563 = arith.select %parallel_loop3A_560, %parallel_loop3A_556, %parallel_loop3A_549 : vector<16xi1>, vector<16xf32>
      %parallel_loop3A_564 = arith.select %parallel_loop3A_559, %parallel_loop3A_551, %parallel_loop3A_563 : vector<16xi1>, vector<16xf32>
      %parallel_loop3A_565 = arith.select %parallel_loop3A_559, %parallel_loop3A_558, %parallel_loop3A_550 : vector<16xi1>, vector<16xi32>
      %parallel_loop3A_566 = arith.select %parallel_loop3A_559, %parallel_loop3A_556, %parallel_loop3A_551 : vector<16xi1>, vector<16xf32>
      %parallel_loop3A_567 = arith.constant 36 : i32
      %parallel_loop3A_568 = arith.index_cast %parallel_loop3A_567 : i32 to index
      %parallel_loop3A_569 = arith.index_cast %parallel_loop3A_26 : i32 to index
      %parallel_loop3A_570 = tpu.vector_load %arg6[%parallel_loop3A_568, %parallel_loop3A_569] {strides = array<i32>} : memref<64x384xf32, #tpu.memory_space<vmem>>, vector<1x16xf32>,
      %parallel_loop3A_571 = vector.shape_cast %parallel_loop3A_570 : vector<1x16xf32> to vector<16xf32>
      %parallel_loop3A_572 = arith.constant 36 : i32
      %parallel_loop3A_573 = vector.broadcast %parallel_loop3A_572 : i32 to vector<16xi32>
      %parallel_loop3A_574 = arith.cmpf ogt, %parallel_loop3A_571, %parallel_loop3A_566 : vector<16xf32>
      %parallel_loop3A_575 = arith.cmpf ogt, %parallel_loop3A_571, %parallel_loop3A_564 : vector<16xf32>
      %parallel_loop3A_576 = arith.select %parallel_loop3A_575, %parallel_loop3A_573, %parallel_loop3A_562 : vector<16xi1>, vector<16xi32>
      %parallel_loop3A_577 = arith.select %parallel_loop3A_574, %parallel_loop3A_565, %parallel_loop3A_576 : vector<16xi1>, vector<16xi32>
      %parallel_loop3A_578 = arith.select %parallel_loop3A_575, %parallel_loop3A_571, %parallel_loop3A_564 : vector<16xi1>, vector<16xf32>
      %parallel_loop3A_579 = arith.select %parallel_loop3A_574, %parallel_loop3A_566, %parallel_loop3A_578 : vector<16xi1>, vector<16xf32>
      %parallel_loop3A_580 = arith.select %parallel_loop3A_574, %parallel_loop3A_573, %parallel_loop3A_565 : vector<16xi1>, vector<16xi32>
      %parallel_loop3A_581 = arith.select %parallel_loop3A_574, %parallel_loop3A_571, %parallel_loop3A_566 : vector<16xi1>, vector<16xf32>
      %parallel_loop3A_582 = arith.constant 37 : i32
      %parallel_loop3A_583 = arith.index_cast %parallel_loop3A_582 : i32 to index
      %parallel_loop3A_584 = arith.index_cast %parallel_loop3A_26 : i32 to index
      %parallel_loop3A_585 = tpu.vector_load %arg6[%parallel_loop3A_583, %parallel_loop3A_584] {strides = array<i32>} : memref<64x384xf32, #tpu.memory_space<vmem>>, vector<1x16xf32>,
      %parallel_loop3A_586 = vector.shape_cast %parallel_loop3A_585 : vector<1x16xf32> to vector<16xf32>
      %parallel_loop3A_587 = arith.constant 37 : i32
      %parallel_loop3A_588 = vector.broadcast %parallel_loop3A_587 : i32 to vector<16xi32>
      %parallel_loop3A_589 = arith.cmpf ogt, %parallel_loop3A_586, %parallel_loop3A_581 : vector<16xf32>
      %parallel_loop3A_590 = arith.cmpf ogt, %parallel_loop3A_586, %parallel_loop3A_579 : vector<16xf32>
      %parallel_loop3A_591 = arith.select %parallel_loop3A_590, %parallel_loop3A_588, %parallel_loop3A_577 : vector<16xi1>, vector<16xi32>
      %parallel_loop3A_592 = arith.select %parallel_loop3A_589, %parallel_loop3A_580, %parallel_loop3A_591 : vector<16xi1>, vector<16xi32>
      %parallel_loop3A_593 = arith.select %parallel_loop3A_590, %parallel_loop3A_586, %parallel_loop3A_579 : vector<16xi1>, vector<16xf32>
      %parallel_loop3A_594 = arith.select %parallel_loop3A_589, %parallel_loop3A_581, %parallel_loop3A_593 : vector<16xi1>, vector<16xf32>
      %parallel_loop3A_595 = arith.select %parallel_loop3A_589, %parallel_loop3A_588, %parallel_loop3A_580 : vector<16xi1>, vector<16xi32>
      %parallel_loop3A_596 = arith.select %parallel_loop3A_589, %parallel_loop3A_586, %parallel_loop3A_581 : vector<16xi1>, vector<16xf32>
      %parallel_loop3A_597 = arith.constant 38 : i32
      %parallel_loop3A_598 = arith.index_cast %parallel_loop3A_597 : i32 to index
      %parallel_loop3A_599 = arith.index_cast %parallel_loop3A_26 : i32 to index
      %parallel_loop3A_600 = tpu.vector_load %arg6[%parallel_loop3A_598, %parallel_loop3A_599] {strides = array<i32>} : memref<64x384xf32, #tpu.memory_space<vmem>>, vector<1x16xf32>,
      %parallel_loop3A_601 = vector.shape_cast %parallel_loop3A_600 : vector<1x16xf32> to vector<16xf32>
      %parallel_loop3A_602 = arith.constant 38 : i32
      %parallel_loop3A_603 = vector.broadcast %parallel_loop3A_602 : i32 to vector<16xi32>
      %parallel_loop3A_604 = arith.cmpf ogt, %parallel_loop3A_601, %parallel_loop3A_596 : vector<16xf32>
      %parallel_loop3A_605 = arith.cmpf ogt, %parallel_loop3A_601, %parallel_loop3A_594 : vector<16xf32>
      %parallel_loop3A_606 = arith.select %parallel_loop3A_605, %parallel_loop3A_603, %parallel_loop3A_592 : vector<16xi1>, vector<16xi32>
      %parallel_loop3A_607 = arith.select %parallel_loop3A_604, %parallel_loop3A_595, %parallel_loop3A_606 : vector<16xi1>, vector<16xi32>
      %parallel_loop3A_608 = arith.select %parallel_loop3A_605, %parallel_loop3A_601, %parallel_loop3A_594 : vector<16xi1>, vector<16xf32>
      %parallel_loop3A_609 = arith.select %parallel_loop3A_604, %parallel_loop3A_596, %parallel_loop3A_608 : vector<16xi1>, vector<16xf32>
      %parallel_loop3A_610 = arith.select %parallel_loop3A_604, %parallel_loop3A_603, %parallel_loop3A_595 : vector<16xi1>, vector<16xi32>
      %parallel_loop3A_611 = arith.select %parallel_loop3A_604, %parallel_loop3A_601, %parallel_loop3A_596 : vector<16xi1>, vector<16xf32>
      %parallel_loop3A_612 = arith.constant 39 : i32
      %parallel_loop3A_613 = arith.index_cast %parallel_loop3A_612 : i32 to index
      %parallel_loop3A_614 = arith.index_cast %parallel_loop3A_26 : i32 to index
      %parallel_loop3A_615 = tpu.vector_load %arg6[%parallel_loop3A_613, %parallel_loop3A_614] {strides = array<i32>} : memref<64x384xf32, #tpu.memory_space<vmem>>, vector<1x16xf32>,
      %parallel_loop3A_616 = vector.shape_cast %parallel_loop3A_615 : vector<1x16xf32> to vector<16xf32>
      %parallel_loop3A_617 = arith.constant 39 : i32
      %parallel_loop3A_618 = vector.broadcast %parallel_loop3A_617 : i32 to vector<16xi32>
      %parallel_loop3A_619 = arith.cmpf ogt, %parallel_loop3A_616, %parallel_loop3A_611 : vector<16xf32>
      %parallel_loop3A_620 = arith.cmpf ogt, %parallel_loop3A_616, %parallel_loop3A_609 : vector<16xf32>
      %parallel_loop3A_621 = arith.select %parallel_loop3A_620, %parallel_loop3A_618, %parallel_loop3A_607 : vector<16xi1>, vector<16xi32>
      %parallel_loop3A_622 = arith.select %parallel_loop3A_619, %parallel_loop3A_610, %parallel_loop3A_621 : vector<16xi1>, vector<16xi32>
      %parallel_loop3A_623 = arith.select %parallel_loop3A_620, %parallel_loop3A_616, %parallel_loop3A_609 : vector<16xi1>, vector<16xf32>
      %parallel_loop3A_624 = arith.select %parallel_loop3A_619, %parallel_loop3A_611, %parallel_loop3A_623 : vector<16xi1>, vector<16xf32>
      %parallel_loop3A_625 = arith.select %parallel_loop3A_619, %parallel_loop3A_618, %parallel_loop3A_610 : vector<16xi1>, vector<16xi32>
      %parallel_loop3A_626 = arith.select %parallel_loop3A_619, %parallel_loop3A_616, %parallel_loop3A_611 : vector<16xi1>, vector<16xf32>
      %parallel_loop3A_627 = arith.constant 40 : i32
      %parallel_loop3A_628 = arith.index_cast %parallel_loop3A_627 : i32 to index
      %parallel_loop3A_629 = arith.index_cast %parallel_loop3A_26 : i32 to index
      %parallel_loop3A_630 = tpu.vector_load %arg6[%parallel_loop3A_628, %parallel_loop3A_629] {strides = array<i32>} : memref<64x384xf32, #tpu.memory_space<vmem>>, vector<1x16xf32>,
      %parallel_loop3A_631 = vector.shape_cast %parallel_loop3A_630 : vector<1x16xf32> to vector<16xf32>
      %parallel_loop3A_632 = arith.constant 40 : i32
      %parallel_loop3A_633 = vector.broadcast %parallel_loop3A_632 : i32 to vector<16xi32>
      %parallel_loop3A_634 = arith.cmpf ogt, %parallel_loop3A_631, %parallel_loop3A_626 : vector<16xf32>
      %parallel_loop3A_635 = arith.cmpf ogt, %parallel_loop3A_631, %parallel_loop3A_624 : vector<16xf32>
      %parallel_loop3A_636 = arith.select %parallel_loop3A_635, %parallel_loop3A_633, %parallel_loop3A_622 : vector<16xi1>, vector<16xi32>
      %parallel_loop3A_637 = arith.select %parallel_loop3A_634, %parallel_loop3A_625, %parallel_loop3A_636 : vector<16xi1>, vector<16xi32>
      %parallel_loop3A_638 = arith.select %parallel_loop3A_635, %parallel_loop3A_631, %parallel_loop3A_624 : vector<16xi1>, vector<16xf32>
      %parallel_loop3A_639 = arith.select %parallel_loop3A_634, %parallel_loop3A_626, %parallel_loop3A_638 : vector<16xi1>, vector<16xf32>
      %parallel_loop3A_640 = arith.select %parallel_loop3A_634, %parallel_loop3A_633, %parallel_loop3A_625 : vector<16xi1>, vector<16xi32>
      %parallel_loop3A_641 = arith.select %parallel_loop3A_634, %parallel_loop3A_631, %parallel_loop3A_626 : vector<16xi1>, vector<16xf32>
      %parallel_loop3A_642 = arith.constant 41 : i32
      %parallel_loop3A_643 = arith.index_cast %parallel_loop3A_642 : i32 to index
      %parallel_loop3A_644 = arith.index_cast %parallel_loop3A_26 : i32 to index
      %parallel_loop3A_645 = tpu.vector_load %arg6[%parallel_loop3A_643, %parallel_loop3A_644] {strides = array<i32>} : memref<64x384xf32, #tpu.memory_space<vmem>>, vector<1x16xf32>,
      %parallel_loop3A_646 = vector.shape_cast %parallel_loop3A_645 : vector<1x16xf32> to vector<16xf32>
      %parallel_loop3A_647 = arith.constant 41 : i32
      %parallel_loop3A_648 = vector.broadcast %parallel_loop3A_647 : i32 to vector<16xi32>
      %parallel_loop3A_649 = arith.cmpf ogt, %parallel_loop3A_646, %parallel_loop3A_641 : vector<16xf32>
      %parallel_loop3A_650 = arith.cmpf ogt, %parallel_loop3A_646, %parallel_loop3A_639 : vector<16xf32>
      %parallel_loop3A_651 = arith.select %parallel_loop3A_650, %parallel_loop3A_648, %parallel_loop3A_637 : vector<16xi1>, vector<16xi32>
      %parallel_loop3A_652 = arith.select %parallel_loop3A_649, %parallel_loop3A_640, %parallel_loop3A_651 : vector<16xi1>, vector<16xi32>
      %parallel_loop3A_653 = arith.select %parallel_loop3A_650, %parallel_loop3A_646, %parallel_loop3A_639 : vector<16xi1>, vector<16xf32>
      %parallel_loop3A_654 = arith.select %parallel_loop3A_649, %parallel_loop3A_641, %parallel_loop3A_653 : vector<16xi1>, vector<16xf32>
      %parallel_loop3A_655 = arith.select %parallel_loop3A_649, %parallel_loop3A_648, %parallel_loop3A_640 : vector<16xi1>, vector<16xi32>
      %parallel_loop3A_656 = arith.select %parallel_loop3A_649, %parallel_loop3A_646, %parallel_loop3A_641 : vector<16xi1>, vector<16xf32>
      %parallel_loop3A_657 = arith.constant 42 : i32
      %parallel_loop3A_658 = arith.index_cast %parallel_loop3A_657 : i32 to index
      %parallel_loop3A_659 = arith.index_cast %parallel_loop3A_26 : i32 to index
      %parallel_loop3A_660 = tpu.vector_load %arg6[%parallel_loop3A_658, %parallel_loop3A_659] {strides = array<i32>} : memref<64x384xf32, #tpu.memory_space<vmem>>, vector<1x16xf32>,
      %parallel_loop3A_661 = vector.shape_cast %parallel_loop3A_660 : vector<1x16xf32> to vector<16xf32>
      %parallel_loop3A_662 = arith.constant 42 : i32
      %parallel_loop3A_663 = vector.broadcast %parallel_loop3A_662 : i32 to vector<16xi32>
      %parallel_loop3A_664 = arith.cmpf ogt, %parallel_loop3A_661, %parallel_loop3A_656 : vector<16xf32>
      %parallel_loop3A_665 = arith.cmpf ogt, %parallel_loop3A_661, %parallel_loop3A_654 : vector<16xf32>
      %parallel_loop3A_666 = arith.select %parallel_loop3A_665, %parallel_loop3A_663, %parallel_loop3A_652 : vector<16xi1>, vector<16xi32>
      %parallel_loop3A_667 = arith.select %parallel_loop3A_664, %parallel_loop3A_655, %parallel_loop3A_666 : vector<16xi1>, vector<16xi32>
      %parallel_loop3A_668 = arith.select %parallel_loop3A_665, %parallel_loop3A_661, %parallel_loop3A_654 : vector<16xi1>, vector<16xf32>
      %parallel_loop3A_669 = arith.select %parallel_loop3A_664, %parallel_loop3A_656, %parallel_loop3A_668 : vector<16xi1>, vector<16xf32>
      %parallel_loop3A_670 = arith.select %parallel_loop3A_664, %parallel_loop3A_663, %parallel_loop3A_655 : vector<16xi1>, vector<16xi32>
      %parallel_loop3A_671 = arith.select %parallel_loop3A_664, %parallel_loop3A_661, %parallel_loop3A_656 : vector<16xi1>, vector<16xf32>
      %parallel_loop3A_672 = arith.constant 43 : i32
      %parallel_loop3A_673 = arith.index_cast %parallel_loop3A_672 : i32 to index
      %parallel_loop3A_674 = arith.index_cast %parallel_loop3A_26 : i32 to index
      %parallel_loop3A_675 = tpu.vector_load %arg6[%parallel_loop3A_673, %parallel_loop3A_674] {strides = array<i32>} : memref<64x384xf32, #tpu.memory_space<vmem>>, vector<1x16xf32>,
      %parallel_loop3A_676 = vector.shape_cast %parallel_loop3A_675 : vector<1x16xf32> to vector<16xf32>
      %parallel_loop3A_677 = arith.constant 43 : i32
      %parallel_loop3A_678 = vector.broadcast %parallel_loop3A_677 : i32 to vector<16xi32>
      %parallel_loop3A_679 = arith.cmpf ogt, %parallel_loop3A_676, %parallel_loop3A_671 : vector<16xf32>
      %parallel_loop3A_680 = arith.cmpf ogt, %parallel_loop3A_676, %parallel_loop3A_669 : vector<16xf32>
      %parallel_loop3A_681 = arith.select %parallel_loop3A_680, %parallel_loop3A_678, %parallel_loop3A_667 : vector<16xi1>, vector<16xi32>
      %parallel_loop3A_682 = arith.select %parallel_loop3A_679, %parallel_loop3A_670, %parallel_loop3A_681 : vector<16xi1>, vector<16xi32>
      %parallel_loop3A_683 = arith.select %parallel_loop3A_680, %parallel_loop3A_676, %parallel_loop3A_669 : vector<16xi1>, vector<16xf32>
      %parallel_loop3A_684 = arith.select %parallel_loop3A_679, %parallel_loop3A_671, %parallel_loop3A_683 : vector<16xi1>, vector<16xf32>
      %parallel_loop3A_685 = arith.select %parallel_loop3A_679, %parallel_loop3A_678, %parallel_loop3A_670 : vector<16xi1>, vector<16xi32>
      %parallel_loop3A_686 = arith.select %parallel_loop3A_679, %parallel_loop3A_676, %parallel_loop3A_671 : vector<16xi1>, vector<16xf32>
      %parallel_loop3A_687 = arith.constant 44 : i32
      %parallel_loop3A_688 = arith.index_cast %parallel_loop3A_687 : i32 to index
      %parallel_loop3A_689 = arith.index_cast %parallel_loop3A_26 : i32 to index
      %parallel_loop3A_690 = tpu.vector_load %arg6[%parallel_loop3A_688, %parallel_loop3A_689] {strides = array<i32>} : memref<64x384xf32, #tpu.memory_space<vmem>>, vector<1x16xf32>,
      %parallel_loop3A_691 = vector.shape_cast %parallel_loop3A_690 : vector<1x16xf32> to vector<16xf32>
      %parallel_loop3A_692 = arith.constant 44 : i32
      %parallel_loop3A_693 = vector.broadcast %parallel_loop3A_692 : i32 to vector<16xi32>
      %parallel_loop3A_694 = arith.cmpf ogt, %parallel_loop3A_691, %parallel_loop3A_686 : vector<16xf32>
      %parallel_loop3A_695 = arith.cmpf ogt, %parallel_loop3A_691, %parallel_loop3A_684 : vector<16xf32>
      %parallel_loop3A_696 = arith.select %parallel_loop3A_695, %parallel_loop3A_693, %parallel_loop3A_682 : vector<16xi1>, vector<16xi32>
      %parallel_loop3A_697 = arith.select %parallel_loop3A_694, %parallel_loop3A_685, %parallel_loop3A_696 : vector<16xi1>, vector<16xi32>
      %parallel_loop3A_698 = arith.select %parallel_loop3A_695, %parallel_loop3A_691, %parallel_loop3A_684 : vector<16xi1>, vector<16xf32>
      %parallel_loop3A_699 = arith.select %parallel_loop3A_694, %parallel_loop3A_686, %parallel_loop3A_698 : vector<16xi1>, vector<16xf32>
      %parallel_loop3A_700 = arith.select %parallel_loop3A_694, %parallel_loop3A_693, %parallel_loop3A_685 : vector<16xi1>, vector<16xi32>
      %parallel_loop3A_701 = arith.select %parallel_loop3A_694, %parallel_loop3A_691, %parallel_loop3A_686 : vector<16xi1>, vector<16xf32>
      %parallel_loop3A_702 = arith.constant 45 : i32
      %parallel_loop3A_703 = arith.index_cast %parallel_loop3A_702 : i32 to index
      %parallel_loop3A_704 = arith.index_cast %parallel_loop3A_26 : i32 to index
      %parallel_loop3A_705 = tpu.vector_load %arg6[%parallel_loop3A_703, %parallel_loop3A_704] {strides = array<i32>} : memref<64x384xf32, #tpu.memory_space<vmem>>, vector<1x16xf32>,
      %parallel_loop3A_706 = vector.shape_cast %parallel_loop3A_705 : vector<1x16xf32> to vector<16xf32>
      %parallel_loop3A_707 = arith.constant 45 : i32
      %parallel_loop3A_708 = vector.broadcast %parallel_loop3A_707 : i32 to vector<16xi32>
      %parallel_loop3A_709 = arith.cmpf ogt, %parallel_loop3A_706, %parallel_loop3A_701 : vector<16xf32>
      %parallel_loop3A_710 = arith.cmpf ogt, %parallel_loop3A_706, %parallel_loop3A_699 : vector<16xf32>
      %parallel_loop3A_711 = arith.select %parallel_loop3A_710, %parallel_loop3A_708, %parallel_loop3A_697 : vector<16xi1>, vector<16xi32>
      %parallel_loop3A_712 = arith.select %parallel_loop3A_709, %parallel_loop3A_700, %parallel_loop3A_711 : vector<16xi1>, vector<16xi32>
      %parallel_loop3A_713 = arith.select %parallel_loop3A_710, %parallel_loop3A_706, %parallel_loop3A_699 : vector<16xi1>, vector<16xf32>
      %parallel_loop3A_714 = arith.select %parallel_loop3A_709, %parallel_loop3A_701, %parallel_loop3A_713 : vector<16xi1>, vector<16xf32>
      %parallel_loop3A_715 = arith.select %parallel_loop3A_709, %parallel_loop3A_708, %parallel_loop3A_700 : vector<16xi1>, vector<16xi32>
      %parallel_loop3A_716 = arith.select %parallel_loop3A_709, %parallel_loop3A_706, %parallel_loop3A_701 : vector<16xi1>, vector<16xf32>
      %parallel_loop3A_717 = arith.constant 46 : i32
      %parallel_loop3A_718 = arith.index_cast %parallel_loop3A_717 : i32 to index
      %parallel_loop3A_719 = arith.index_cast %parallel_loop3A_26 : i32 to index
      %parallel_loop3A_720 = tpu.vector_load %arg6[%parallel_loop3A_718, %parallel_loop3A_719] {strides = array<i32>} : memref<64x384xf32, #tpu.memory_space<vmem>>, vector<1x16xf32>,
      %parallel_loop3A_721 = vector.shape_cast %parallel_loop3A_720 : vector<1x16xf32> to vector<16xf32>
      %parallel_loop3A_722 = arith.constant 46 : i32
      %parallel_loop3A_723 = vector.broadcast %parallel_loop3A_722 : i32 to vector<16xi32>
      %parallel_loop3A_724 = arith.cmpf ogt, %parallel_loop3A_721, %parallel_loop3A_716 : vector<16xf32>
      %parallel_loop3A_725 = arith.cmpf ogt, %parallel_loop3A_721, %parallel_loop3A_714 : vector<16xf32>
      %parallel_loop3A_726 = arith.select %parallel_loop3A_725, %parallel_loop3A_723, %parallel_loop3A_712 : vector<16xi1>, vector<16xi32>
      %parallel_loop3A_727 = arith.select %parallel_loop3A_724, %parallel_loop3A_715, %parallel_loop3A_726 : vector<16xi1>, vector<16xi32>
      %parallel_loop3A_728 = arith.select %parallel_loop3A_725, %parallel_loop3A_721, %parallel_loop3A_714 : vector<16xi1>, vector<16xf32>
      %parallel_loop3A_729 = arith.select %parallel_loop3A_724, %parallel_loop3A_716, %parallel_loop3A_728 : vector<16xi1>, vector<16xf32>
      %parallel_loop3A_730 = arith.select %parallel_loop3A_724, %parallel_loop3A_723, %parallel_loop3A_715 : vector<16xi1>, vector<16xi32>
      %parallel_loop3A_731 = arith.select %parallel_loop3A_724, %parallel_loop3A_721, %parallel_loop3A_716 : vector<16xi1>, vector<16xf32>
      %parallel_loop3A_732 = arith.constant 47 : i32
      %parallel_loop3A_733 = arith.index_cast %parallel_loop3A_732 : i32 to index
      %parallel_loop3A_734 = arith.index_cast %parallel_loop3A_26 : i32 to index
      %parallel_loop3A_735 = tpu.vector_load %arg6[%parallel_loop3A_733, %parallel_loop3A_734] {strides = array<i32>} : memref<64x384xf32, #tpu.memory_space<vmem>>, vector<1x16xf32>,
      %parallel_loop3A_736 = vector.shape_cast %parallel_loop3A_735 : vector<1x16xf32> to vector<16xf32>
      %parallel_loop3A_737 = arith.constant 47 : i32
      %parallel_loop3A_738 = vector.broadcast %parallel_loop3A_737 : i32 to vector<16xi32>
      %parallel_loop3A_739 = arith.cmpf ogt, %parallel_loop3A_736, %parallel_loop3A_731 : vector<16xf32>
      %parallel_loop3A_740 = arith.cmpf ogt, %parallel_loop3A_736, %parallel_loop3A_729 : vector<16xf32>
      %parallel_loop3A_741 = arith.select %parallel_loop3A_740, %parallel_loop3A_738, %parallel_loop3A_727 : vector<16xi1>, vector<16xi32>
      %parallel_loop3A_742 = arith.select %parallel_loop3A_739, %parallel_loop3A_730, %parallel_loop3A_741 : vector<16xi1>, vector<16xi32>
      %parallel_loop3A_743 = arith.select %parallel_loop3A_740, %parallel_loop3A_736, %parallel_loop3A_729 : vector<16xi1>, vector<16xf32>
      %parallel_loop3A_744 = arith.select %parallel_loop3A_739, %parallel_loop3A_731, %parallel_loop3A_743 : vector<16xi1>, vector<16xf32>
      %parallel_loop3A_745 = arith.select %parallel_loop3A_739, %parallel_loop3A_738, %parallel_loop3A_730 : vector<16xi1>, vector<16xi32>
      %parallel_loop3A_746 = arith.select %parallel_loop3A_739, %parallel_loop3A_736, %parallel_loop3A_731 : vector<16xi1>, vector<16xf32>
      %parallel_loop3A_747 = arith.constant 48 : i32
      %parallel_loop3A_748 = arith.index_cast %parallel_loop3A_747 : i32 to index
      %parallel_loop3A_749 = arith.index_cast %parallel_loop3A_26 : i32 to index
      %parallel_loop3A_750 = tpu.vector_load %arg6[%parallel_loop3A_748, %parallel_loop3A_749] {strides = array<i32>} : memref<64x384xf32, #tpu.memory_space<vmem>>, vector<1x16xf32>,
      %parallel_loop3A_751 = vector.shape_cast %parallel_loop3A_750 : vector<1x16xf32> to vector<16xf32>
      %parallel_loop3A_752 = arith.constant 48 : i32
      %parallel_loop3A_753 = vector.broadcast %parallel_loop3A_752 : i32 to vector<16xi32>
      %parallel_loop3A_754 = arith.cmpf ogt, %parallel_loop3A_751, %parallel_loop3A_746 : vector<16xf32>
      %parallel_loop3A_755 = arith.cmpf ogt, %parallel_loop3A_751, %parallel_loop3A_744 : vector<16xf32>
      %parallel_loop3A_756 = arith.select %parallel_loop3A_755, %parallel_loop3A_753, %parallel_loop3A_742 : vector<16xi1>, vector<16xi32>
      %parallel_loop3A_757 = arith.select %parallel_loop3A_754, %parallel_loop3A_745, %parallel_loop3A_756 : vector<16xi1>, vector<16xi32>
      %parallel_loop3A_758 = arith.select %parallel_loop3A_755, %parallel_loop3A_751, %parallel_loop3A_744 : vector<16xi1>, vector<16xf32>
      %parallel_loop3A_759 = arith.select %parallel_loop3A_754, %parallel_loop3A_746, %parallel_loop3A_758 : vector<16xi1>, vector<16xf32>
      %parallel_loop3A_760 = arith.select %parallel_loop3A_754, %parallel_loop3A_753, %parallel_loop3A_745 : vector<16xi1>, vector<16xi32>
      %parallel_loop3A_761 = arith.select %parallel_loop3A_754, %parallel_loop3A_751, %parallel_loop3A_746 : vector<16xi1>, vector<16xf32>
      %parallel_loop3A_762 = arith.constant 49 : i32
      %parallel_loop3A_763 = arith.index_cast %parallel_loop3A_762 : i32 to index
      %parallel_loop3A_764 = arith.index_cast %parallel_loop3A_26 : i32 to index
      %parallel_loop3A_765 = tpu.vector_load %arg6[%parallel_loop3A_763, %parallel_loop3A_764] {strides = array<i32>} : memref<64x384xf32, #tpu.memory_space<vmem>>, vector<1x16xf32>,
      %parallel_loop3A_766 = vector.shape_cast %parallel_loop3A_765 : vector<1x16xf32> to vector<16xf32>
      %parallel_loop3A_767 = arith.constant 49 : i32
      %parallel_loop3A_768 = vector.broadcast %parallel_loop3A_767 : i32 to vector<16xi32>
      %parallel_loop3A_769 = arith.cmpf ogt, %parallel_loop3A_766, %parallel_loop3A_761 : vector<16xf32>
      %parallel_loop3A_770 = arith.cmpf ogt, %parallel_loop3A_766, %parallel_loop3A_759 : vector<16xf32>
      %parallel_loop3A_771 = arith.select %parallel_loop3A_770, %parallel_loop3A_768, %parallel_loop3A_757 : vector<16xi1>, vector<16xi32>
      %parallel_loop3A_772 = arith.select %parallel_loop3A_769, %parallel_loop3A_760, %parallel_loop3A_771 : vector<16xi1>, vector<16xi32>
      %parallel_loop3A_773 = arith.select %parallel_loop3A_770, %parallel_loop3A_766, %parallel_loop3A_759 : vector<16xi1>, vector<16xf32>
      %parallel_loop3A_774 = arith.select %parallel_loop3A_769, %parallel_loop3A_761, %parallel_loop3A_773 : vector<16xi1>, vector<16xf32>
      %parallel_loop3A_775 = arith.select %parallel_loop3A_769, %parallel_loop3A_768, %parallel_loop3A_760 : vector<16xi1>, vector<16xi32>
      %parallel_loop3A_776 = arith.select %parallel_loop3A_769, %parallel_loop3A_766, %parallel_loop3A_761 : vector<16xi1>, vector<16xf32>
      %parallel_loop3A_777 = arith.constant 50 : i32
      %parallel_loop3A_778 = arith.index_cast %parallel_loop3A_777 : i32 to index
      %parallel_loop3A_779 = arith.index_cast %parallel_loop3A_26 : i32 to index
      %parallel_loop3A_780 = tpu.vector_load %arg6[%parallel_loop3A_778, %parallel_loop3A_779] {strides = array<i32>} : memref<64x384xf32, #tpu.memory_space<vmem>>, vector<1x16xf32>,
      %parallel_loop3A_781 = vector.shape_cast %parallel_loop3A_780 : vector<1x16xf32> to vector<16xf32>
      %parallel_loop3A_782 = arith.constant 50 : i32
      %parallel_loop3A_783 = vector.broadcast %parallel_loop3A_782 : i32 to vector<16xi32>
      %parallel_loop3A_784 = arith.cmpf ogt, %parallel_loop3A_781, %parallel_loop3A_776 : vector<16xf32>
      %parallel_loop3A_785 = arith.cmpf ogt, %parallel_loop3A_781, %parallel_loop3A_774 : vector<16xf32>
      %parallel_loop3A_786 = arith.select %parallel_loop3A_785, %parallel_loop3A_783, %parallel_loop3A_772 : vector<16xi1>, vector<16xi32>
      %parallel_loop3A_787 = arith.select %parallel_loop3A_784, %parallel_loop3A_775, %parallel_loop3A_786 : vector<16xi1>, vector<16xi32>
      %parallel_loop3A_788 = arith.select %parallel_loop3A_785, %parallel_loop3A_781, %parallel_loop3A_774 : vector<16xi1>, vector<16xf32>
      %parallel_loop3A_789 = arith.select %parallel_loop3A_784, %parallel_loop3A_776, %parallel_loop3A_788 : vector<16xi1>, vector<16xf32>
      %parallel_loop3A_790 = arith.select %parallel_loop3A_784, %parallel_loop3A_783, %parallel_loop3A_775 : vector<16xi1>, vector<16xi32>
      %parallel_loop3A_791 = arith.select %parallel_loop3A_784, %parallel_loop3A_781, %parallel_loop3A_776 : vector<16xi1>, vector<16xf32>
      %parallel_loop3A_792 = arith.constant 51 : i32
      %parallel_loop3A_793 = arith.index_cast %parallel_loop3A_792 : i32 to index
      %parallel_loop3A_794 = arith.index_cast %parallel_loop3A_26 : i32 to index
      %parallel_loop3A_795 = tpu.vector_load %arg6[%parallel_loop3A_793, %parallel_loop3A_794] {strides = array<i32>} : memref<64x384xf32, #tpu.memory_space<vmem>>, vector<1x16xf32>,
      %parallel_loop3A_796 = vector.shape_cast %parallel_loop3A_795 : vector<1x16xf32> to vector<16xf32>
      %parallel_loop3A_797 = arith.constant 51 : i32
      %parallel_loop3A_798 = vector.broadcast %parallel_loop3A_797 : i32 to vector<16xi32>
      %parallel_loop3A_799 = arith.cmpf ogt, %parallel_loop3A_796, %parallel_loop3A_791 : vector<16xf32>
      %parallel_loop3A_800 = arith.cmpf ogt, %parallel_loop3A_796, %parallel_loop3A_789 : vector<16xf32>
      %parallel_loop3A_801 = arith.select %parallel_loop3A_800, %parallel_loop3A_798, %parallel_loop3A_787 : vector<16xi1>, vector<16xi32>
      %parallel_loop3A_802 = arith.select %parallel_loop3A_799, %parallel_loop3A_790, %parallel_loop3A_801 : vector<16xi1>, vector<16xi32>
      %parallel_loop3A_803 = arith.select %parallel_loop3A_800, %parallel_loop3A_796, %parallel_loop3A_789 : vector<16xi1>, vector<16xf32>
      %parallel_loop3A_804 = arith.select %parallel_loop3A_799, %parallel_loop3A_791, %parallel_loop3A_803 : vector<16xi1>, vector<16xf32>
      %parallel_loop3A_805 = arith.select %parallel_loop3A_799, %parallel_loop3A_798, %parallel_loop3A_790 : vector<16xi1>, vector<16xi32>
      %parallel_loop3A_806 = arith.select %parallel_loop3A_799, %parallel_loop3A_796, %parallel_loop3A_791 : vector<16xi1>, vector<16xf32>
      %parallel_loop3A_807 = arith.constant 52 : i32
      %parallel_loop3A_808 = arith.index_cast %parallel_loop3A_807 : i32 to index
      %parallel_loop3A_809 = arith.index_cast %parallel_loop3A_26 : i32 to index
      %parallel_loop3A_810 = tpu.vector_load %arg6[%parallel_loop3A_808, %parallel_loop3A_809] {strides = array<i32>} : memref<64x384xf32, #tpu.memory_space<vmem>>, vector<1x16xf32>,
      %parallel_loop3A_811 = vector.shape_cast %parallel_loop3A_810 : vector<1x16xf32> to vector<16xf32>
      %parallel_loop3A_812 = arith.constant 52 : i32
      %parallel_loop3A_813 = vector.broadcast %parallel_loop3A_812 : i32 to vector<16xi32>
      %parallel_loop3A_814 = arith.cmpf ogt, %parallel_loop3A_811, %parallel_loop3A_806 : vector<16xf32>
      %parallel_loop3A_815 = arith.cmpf ogt, %parallel_loop3A_811, %parallel_loop3A_804 : vector<16xf32>
      %parallel_loop3A_816 = arith.select %parallel_loop3A_815, %parallel_loop3A_813, %parallel_loop3A_802 : vector<16xi1>, vector<16xi32>
      %parallel_loop3A_817 = arith.select %parallel_loop3A_814, %parallel_loop3A_805, %parallel_loop3A_816 : vector<16xi1>, vector<16xi32>
      %parallel_loop3A_818 = arith.select %parallel_loop3A_815, %parallel_loop3A_811, %parallel_loop3A_804 : vector<16xi1>, vector<16xf32>
      %parallel_loop3A_819 = arith.select %parallel_loop3A_814, %parallel_loop3A_806, %parallel_loop3A_818 : vector<16xi1>, vector<16xf32>
      %parallel_loop3A_820 = arith.select %parallel_loop3A_814, %parallel_loop3A_813, %parallel_loop3A_805 : vector<16xi1>, vector<16xi32>
      %parallel_loop3A_821 = arith.select %parallel_loop3A_814, %parallel_loop3A_811, %parallel_loop3A_806 : vector<16xi1>, vector<16xf32>
      %parallel_loop3A_822 = arith.constant 53 : i32
      %parallel_loop3A_823 = arith.index_cast %parallel_loop3A_822 : i32 to index
      %parallel_loop3A_824 = arith.index_cast %parallel_loop3A_26 : i32 to index
      %parallel_loop3A_825 = tpu.vector_load %arg6[%parallel_loop3A_823, %parallel_loop3A_824] {strides = array<i32>} : memref<64x384xf32, #tpu.memory_space<vmem>>, vector<1x16xf32>,
      %parallel_loop3A_826 = vector.shape_cast %parallel_loop3A_825 : vector<1x16xf32> to vector<16xf32>
      %parallel_loop3A_827 = arith.constant 53 : i32
      %parallel_loop3A_828 = vector.broadcast %parallel_loop3A_827 : i32 to vector<16xi32>
      %parallel_loop3A_829 = arith.cmpf ogt, %parallel_loop3A_826, %parallel_loop3A_821 : vector<16xf32>
      %parallel_loop3A_830 = arith.cmpf ogt, %parallel_loop3A_826, %parallel_loop3A_819 : vector<16xf32>
      %parallel_loop3A_831 = arith.select %parallel_loop3A_830, %parallel_loop3A_828, %parallel_loop3A_817 : vector<16xi1>, vector<16xi32>
      %parallel_loop3A_832 = arith.select %parallel_loop3A_829, %parallel_loop3A_820, %parallel_loop3A_831 : vector<16xi1>, vector<16xi32>
      %parallel_loop3A_833 = arith.select %parallel_loop3A_830, %parallel_loop3A_826, %parallel_loop3A_819 : vector<16xi1>, vector<16xf32>
      %parallel_loop3A_834 = arith.select %parallel_loop3A_829, %parallel_loop3A_821, %parallel_loop3A_833 : vector<16xi1>, vector<16xf32>
      %parallel_loop3A_835 = arith.select %parallel_loop3A_829, %parallel_loop3A_828, %parallel_loop3A_820 : vector<16xi1>, vector<16xi32>
      %parallel_loop3A_836 = arith.select %parallel_loop3A_829, %parallel_loop3A_826, %parallel_loop3A_821 : vector<16xi1>, vector<16xf32>
      %parallel_loop3A_837 = arith.constant 54 : i32
      %parallel_loop3A_838 = arith.index_cast %parallel_loop3A_837 : i32 to index
      %parallel_loop3A_839 = arith.index_cast %parallel_loop3A_26 : i32 to index
      %parallel_loop3A_840 = tpu.vector_load %arg6[%parallel_loop3A_838, %parallel_loop3A_839] {strides = array<i32>} : memref<64x384xf32, #tpu.memory_space<vmem>>, vector<1x16xf32>,
      %parallel_loop3A_841 = vector.shape_cast %parallel_loop3A_840 : vector<1x16xf32> to vector<16xf32>
      %parallel_loop3A_842 = arith.constant 54 : i32
      %parallel_loop3A_843 = vector.broadcast %parallel_loop3A_842 : i32 to vector<16xi32>
      %parallel_loop3A_844 = arith.cmpf ogt, %parallel_loop3A_841, %parallel_loop3A_836 : vector<16xf32>
      %parallel_loop3A_845 = arith.cmpf ogt, %parallel_loop3A_841, %parallel_loop3A_834 : vector<16xf32>
      %parallel_loop3A_846 = arith.select %parallel_loop3A_845, %parallel_loop3A_843, %parallel_loop3A_832 : vector<16xi1>, vector<16xi32>
      %parallel_loop3A_847 = arith.select %parallel_loop3A_844, %parallel_loop3A_835, %parallel_loop3A_846 : vector<16xi1>, vector<16xi32>
      %parallel_loop3A_848 = arith.select %parallel_loop3A_845, %parallel_loop3A_841, %parallel_loop3A_834 : vector<16xi1>, vector<16xf32>
      %parallel_loop3A_849 = arith.select %parallel_loop3A_844, %parallel_loop3A_836, %parallel_loop3A_848 : vector<16xi1>, vector<16xf32>
      %parallel_loop3A_850 = arith.select %parallel_loop3A_844, %parallel_loop3A_843, %parallel_loop3A_835 : vector<16xi1>, vector<16xi32>
      %parallel_loop3A_851 = arith.select %parallel_loop3A_844, %parallel_loop3A_841, %parallel_loop3A_836 : vector<16xi1>, vector<16xf32>
      %parallel_loop3A_852 = arith.constant 55 : i32
      %parallel_loop3A_853 = arith.index_cast %parallel_loop3A_852 : i32 to index
      %parallel_loop3A_854 = arith.index_cast %parallel_loop3A_26 : i32 to index
      %parallel_loop3A_855 = tpu.vector_load %arg6[%parallel_loop3A_853, %parallel_loop3A_854] {strides = array<i32>} : memref<64x384xf32, #tpu.memory_space<vmem>>, vector<1x16xf32>,
      %parallel_loop3A_856 = vector.shape_cast %parallel_loop3A_855 : vector<1x16xf32> to vector<16xf32>
      %parallel_loop3A_857 = arith.constant 55 : i32
      %parallel_loop3A_858 = vector.broadcast %parallel_loop3A_857 : i32 to vector<16xi32>
      %parallel_loop3A_859 = arith.cmpf ogt, %parallel_loop3A_856, %parallel_loop3A_851 : vector<16xf32>
      %parallel_loop3A_860 = arith.cmpf ogt, %parallel_loop3A_856, %parallel_loop3A_849 : vector<16xf32>
      %parallel_loop3A_861 = arith.select %parallel_loop3A_860, %parallel_loop3A_858, %parallel_loop3A_847 : vector<16xi1>, vector<16xi32>
      %parallel_loop3A_862 = arith.select %parallel_loop3A_859, %parallel_loop3A_850, %parallel_loop3A_861 : vector<16xi1>, vector<16xi32>
      %parallel_loop3A_863 = arith.select %parallel_loop3A_860, %parallel_loop3A_856, %parallel_loop3A_849 : vector<16xi1>, vector<16xf32>
      %parallel_loop3A_864 = arith.select %parallel_loop3A_859, %parallel_loop3A_851, %parallel_loop3A_863 : vector<16xi1>, vector<16xf32>
      %parallel_loop3A_865 = arith.select %parallel_loop3A_859, %parallel_loop3A_858, %parallel_loop3A_850 : vector<16xi1>, vector<16xi32>
      %parallel_loop3A_866 = arith.select %parallel_loop3A_859, %parallel_loop3A_856, %parallel_loop3A_851 : vector<16xi1>, vector<16xf32>
      %parallel_loop3A_867 = arith.constant 56 : i32
      %parallel_loop3A_868 = arith.index_cast %parallel_loop3A_867 : i32 to index
      %parallel_loop3A_869 = arith.index_cast %parallel_loop3A_26 : i32 to index
      %parallel_loop3A_870 = tpu.vector_load %arg6[%parallel_loop3A_868, %parallel_loop3A_869] {strides = array<i32>} : memref<64x384xf32, #tpu.memory_space<vmem>>, vector<1x16xf32>,
      %parallel_loop3A_871 = vector.shape_cast %parallel_loop3A_870 : vector<1x16xf32> to vector<16xf32>
      %parallel_loop3A_872 = arith.constant 56 : i32
      %parallel_loop3A_873 = vector.broadcast %parallel_loop3A_872 : i32 to vector<16xi32>
      %parallel_loop3A_874 = arith.cmpf ogt, %parallel_loop3A_871, %parallel_loop3A_866 : vector<16xf32>
      %parallel_loop3A_875 = arith.cmpf ogt, %parallel_loop3A_871, %parallel_loop3A_864 : vector<16xf32>
      %parallel_loop3A_876 = arith.select %parallel_loop3A_875, %parallel_loop3A_873, %parallel_loop3A_862 : vector<16xi1>, vector<16xi32>
      %parallel_loop3A_877 = arith.select %parallel_loop3A_874, %parallel_loop3A_865, %parallel_loop3A_876 : vector<16xi1>, vector<16xi32>
      %parallel_loop3A_878 = arith.select %parallel_loop3A_875, %parallel_loop3A_871, %parallel_loop3A_864 : vector<16xi1>, vector<16xf32>
      %parallel_loop3A_879 = arith.select %parallel_loop3A_874, %parallel_loop3A_866, %parallel_loop3A_878 : vector<16xi1>, vector<16xf32>
      %parallel_loop3A_880 = arith.select %parallel_loop3A_874, %parallel_loop3A_873, %parallel_loop3A_865 : vector<16xi1>, vector<16xi32>
      %parallel_loop3A_881 = arith.select %parallel_loop3A_874, %parallel_loop3A_871, %parallel_loop3A_866 : vector<16xi1>, vector<16xf32>
      %parallel_loop3A_882 = arith.constant 57 : i32
      %parallel_loop3A_883 = arith.index_cast %parallel_loop3A_882 : i32 to index
      %parallel_loop3A_884 = arith.index_cast %parallel_loop3A_26 : i32 to index
      %parallel_loop3A_885 = tpu.vector_load %arg6[%parallel_loop3A_883, %parallel_loop3A_884] {strides = array<i32>} : memref<64x384xf32, #tpu.memory_space<vmem>>, vector<1x16xf32>,
      %parallel_loop3A_886 = vector.shape_cast %parallel_loop3A_885 : vector<1x16xf32> to vector<16xf32>
      %parallel_loop3A_887 = arith.constant 57 : i32
      %parallel_loop3A_888 = vector.broadcast %parallel_loop3A_887 : i32 to vector<16xi32>
      %parallel_loop3A_889 = arith.cmpf ogt, %parallel_loop3A_886, %parallel_loop3A_881 : vector<16xf32>
      %parallel_loop3A_890 = arith.cmpf ogt, %parallel_loop3A_886, %parallel_loop3A_879 : vector<16xf32>
      %parallel_loop3A_891 = arith.select %parallel_loop3A_890, %parallel_loop3A_888, %parallel_loop3A_877 : vector<16xi1>, vector<16xi32>
      %parallel_loop3A_892 = arith.select %parallel_loop3A_889, %parallel_loop3A_880, %parallel_loop3A_891 : vector<16xi1>, vector<16xi32>
      %parallel_loop3A_893 = arith.select %parallel_loop3A_890, %parallel_loop3A_886, %parallel_loop3A_879 : vector<16xi1>, vector<16xf32>
      %parallel_loop3A_894 = arith.select %parallel_loop3A_889, %parallel_loop3A_881, %parallel_loop3A_893 : vector<16xi1>, vector<16xf32>
      %parallel_loop3A_895 = arith.select %parallel_loop3A_889, %parallel_loop3A_888, %parallel_loop3A_880 : vector<16xi1>, vector<16xi32>
      %parallel_loop3A_896 = arith.select %parallel_loop3A_889, %parallel_loop3A_886, %parallel_loop3A_881 : vector<16xi1>, vector<16xf32>
      %parallel_loop3A_897 = arith.constant 58 : i32
      %parallel_loop3A_898 = arith.index_cast %parallel_loop3A_897 : i32 to index
      %parallel_loop3A_899 = arith.index_cast %parallel_loop3A_26 : i32 to index
      %parallel_loop3A_900 = tpu.vector_load %arg6[%parallel_loop3A_898, %parallel_loop3A_899] {strides = array<i32>} : memref<64x384xf32, #tpu.memory_space<vmem>>, vector<1x16xf32>,
      %parallel_loop3A_901 = vector.shape_cast %parallel_loop3A_900 : vector<1x16xf32> to vector<16xf32>
      %parallel_loop3A_902 = arith.constant 58 : i32
      %parallel_loop3A_903 = vector.broadcast %parallel_loop3A_902 : i32 to vector<16xi32>
      %parallel_loop3A_904 = arith.cmpf ogt, %parallel_loop3A_901, %parallel_loop3A_896 : vector<16xf32>
      %parallel_loop3A_905 = arith.cmpf ogt, %parallel_loop3A_901, %parallel_loop3A_894 : vector<16xf32>
      %parallel_loop3A_906 = arith.select %parallel_loop3A_905, %parallel_loop3A_903, %parallel_loop3A_892 : vector<16xi1>, vector<16xi32>
      %parallel_loop3A_907 = arith.select %parallel_loop3A_904, %parallel_loop3A_895, %parallel_loop3A_906 : vector<16xi1>, vector<16xi32>
      %parallel_loop3A_908 = arith.select %parallel_loop3A_905, %parallel_loop3A_901, %parallel_loop3A_894 : vector<16xi1>, vector<16xf32>
      %parallel_loop3A_909 = arith.select %parallel_loop3A_904, %parallel_loop3A_896, %parallel_loop3A_908 : vector<16xi1>, vector<16xf32>
      %parallel_loop3A_910 = arith.select %parallel_loop3A_904, %parallel_loop3A_903, %parallel_loop3A_895 : vector<16xi1>, vector<16xi32>
      %parallel_loop3A_911 = arith.select %parallel_loop3A_904, %parallel_loop3A_901, %parallel_loop3A_896 : vector<16xi1>, vector<16xf32>
      %parallel_loop3A_912 = arith.constant 59 : i32
      %parallel_loop3A_913 = arith.index_cast %parallel_loop3A_912 : i32 to index
      %parallel_loop3A_914 = arith.index_cast %parallel_loop3A_26 : i32 to index
      %parallel_loop3A_915 = tpu.vector_load %arg6[%parallel_loop3A_913, %parallel_loop3A_914] {strides = array<i32>} : memref<64x384xf32, #tpu.memory_space<vmem>>, vector<1x16xf32>,
      %parallel_loop3A_916 = vector.shape_cast %parallel_loop3A_915 : vector<1x16xf32> to vector<16xf32>
      %parallel_loop3A_917 = arith.constant 59 : i32
      %parallel_loop3A_918 = vector.broadcast %parallel_loop3A_917 : i32 to vector<16xi32>
      %parallel_loop3A_919 = arith.cmpf ogt, %parallel_loop3A_916, %parallel_loop3A_911 : vector<16xf32>
      %parallel_loop3A_920 = arith.cmpf ogt, %parallel_loop3A_916, %parallel_loop3A_909 : vector<16xf32>
      %parallel_loop3A_921 = arith.select %parallel_loop3A_920, %parallel_loop3A_918, %parallel_loop3A_907 : vector<16xi1>, vector<16xi32>
      %parallel_loop3A_922 = arith.select %parallel_loop3A_919, %parallel_loop3A_910, %parallel_loop3A_921 : vector<16xi1>, vector<16xi32>
      %parallel_loop3A_923 = arith.select %parallel_loop3A_920, %parallel_loop3A_916, %parallel_loop3A_909 : vector<16xi1>, vector<16xf32>
      %parallel_loop3A_924 = arith.select %parallel_loop3A_919, %parallel_loop3A_911, %parallel_loop3A_923 : vector<16xi1>, vector<16xf32>
      %parallel_loop3A_925 = arith.select %parallel_loop3A_919, %parallel_loop3A_918, %parallel_loop3A_910 : vector<16xi1>, vector<16xi32>
      %parallel_loop3A_926 = arith.select %parallel_loop3A_919, %parallel_loop3A_916, %parallel_loop3A_911 : vector<16xi1>, vector<16xf32>
      %parallel_loop3A_927 = arith.constant 60 : i32
      %parallel_loop3A_928 = arith.index_cast %parallel_loop3A_927 : i32 to index
      %parallel_loop3A_929 = arith.index_cast %parallel_loop3A_26 : i32 to index
      %parallel_loop3A_930 = tpu.vector_load %arg6[%parallel_loop3A_928, %parallel_loop3A_929] {strides = array<i32>} : memref<64x384xf32, #tpu.memory_space<vmem>>, vector<1x16xf32>,
      %parallel_loop3A_931 = vector.shape_cast %parallel_loop3A_930 : vector<1x16xf32> to vector<16xf32>
      %parallel_loop3A_932 = arith.constant 60 : i32
      %parallel_loop3A_933 = vector.broadcast %parallel_loop3A_932 : i32 to vector<16xi32>
      %parallel_loop3A_934 = arith.cmpf ogt, %parallel_loop3A_931, %parallel_loop3A_926 : vector<16xf32>
      %parallel_loop3A_935 = arith.cmpf ogt, %parallel_loop3A_931, %parallel_loop3A_924 : vector<16xf32>
      %parallel_loop3A_936 = arith.select %parallel_loop3A_935, %parallel_loop3A_933, %parallel_loop3A_922 : vector<16xi1>, vector<16xi32>
      %parallel_loop3A_937 = arith.select %parallel_loop3A_934, %parallel_loop3A_925, %parallel_loop3A_936 : vector<16xi1>, vector<16xi32>
      %parallel_loop3A_938 = arith.select %parallel_loop3A_935, %parallel_loop3A_931, %parallel_loop3A_924 : vector<16xi1>, vector<16xf32>
      %parallel_loop3A_939 = arith.select %parallel_loop3A_934, %parallel_loop3A_926, %parallel_loop3A_938 : vector<16xi1>, vector<16xf32>
      %parallel_loop3A_940 = arith.select %parallel_loop3A_934, %parallel_loop3A_933, %parallel_loop3A_925 : vector<16xi1>, vector<16xi32>
      %parallel_loop3A_941 = arith.select %parallel_loop3A_934, %parallel_loop3A_931, %parallel_loop3A_926 : vector<16xi1>, vector<16xf32>
      %parallel_loop3A_942 = arith.constant 61 : i32
      %parallel_loop3A_943 = arith.index_cast %parallel_loop3A_942 : i32 to index
      %parallel_loop3A_944 = arith.index_cast %parallel_loop3A_26 : i32 to index
      %parallel_loop3A_945 = tpu.vector_load %arg6[%parallel_loop3A_943, %parallel_loop3A_944] {strides = array<i32>} : memref<64x384xf32, #tpu.memory_space<vmem>>, vector<1x16xf32>,
      %parallel_loop3A_946 = vector.shape_cast %parallel_loop3A_945 : vector<1x16xf32> to vector<16xf32>
      %parallel_loop3A_947 = arith.constant 61 : i32
      %parallel_loop3A_948 = vector.broadcast %parallel_loop3A_947 : i32 to vector<16xi32>
      %parallel_loop3A_949 = arith.cmpf ogt, %parallel_loop3A_946, %parallel_loop3A_941 : vector<16xf32>
      %parallel_loop3A_950 = arith.cmpf ogt, %parallel_loop3A_946, %parallel_loop3A_939 : vector<16xf32>
      %parallel_loop3A_951 = arith.select %parallel_loop3A_950, %parallel_loop3A_948, %parallel_loop3A_937 : vector<16xi1>, vector<16xi32>
      %parallel_loop3A_952 = arith.select %parallel_loop3A_949, %parallel_loop3A_940, %parallel_loop3A_951 : vector<16xi1>, vector<16xi32>
      %parallel_loop3A_953 = arith.select %parallel_loop3A_950, %parallel_loop3A_946, %parallel_loop3A_939 : vector<16xi1>, vector<16xf32>
      %parallel_loop3A_954 = arith.select %parallel_loop3A_949, %parallel_loop3A_941, %parallel_loop3A_953 : vector<16xi1>, vector<16xf32>
      %parallel_loop3A_955 = arith.select %parallel_loop3A_949, %parallel_loop3A_948, %parallel_loop3A_940 : vector<16xi1>, vector<16xi32>
      %parallel_loop3A_956 = arith.select %parallel_loop3A_949, %parallel_loop3A_946, %parallel_loop3A_941 : vector<16xi1>, vector<16xf32>
      %parallel_loop3A_957 = arith.constant 62 : i32
      %parallel_loop3A_958 = arith.index_cast %parallel_loop3A_957 : i32 to index
      %parallel_loop3A_959 = arith.index_cast %parallel_loop3A_26 : i32 to index
      %parallel_loop3A_960 = tpu.vector_load %arg6[%parallel_loop3A_958, %parallel_loop3A_959] {strides = array<i32>} : memref<64x384xf32, #tpu.memory_space<vmem>>, vector<1x16xf32>,
      %parallel_loop3A_961 = vector.shape_cast %parallel_loop3A_960 : vector<1x16xf32> to vector<16xf32>
      %parallel_loop3A_962 = arith.constant 62 : i32
      %parallel_loop3A_963 = vector.broadcast %parallel_loop3A_962 : i32 to vector<16xi32>
      %parallel_loop3A_964 = arith.cmpf ogt, %parallel_loop3A_961, %parallel_loop3A_956 : vector<16xf32>
      %parallel_loop3A_965 = arith.cmpf ogt, %parallel_loop3A_961, %parallel_loop3A_954 : vector<16xf32>
      %parallel_loop3A_966 = arith.select %parallel_loop3A_965, %parallel_loop3A_963, %parallel_loop3A_952 : vector<16xi1>, vector<16xi32>
      %parallel_loop3A_967 = arith.select %parallel_loop3A_964, %parallel_loop3A_955, %parallel_loop3A_966 : vector<16xi1>, vector<16xi32>
      %parallel_loop3A_968 = arith.select %parallel_loop3A_965, %parallel_loop3A_961, %parallel_loop3A_954 : vector<16xi1>, vector<16xf32>
      %parallel_loop3A_969 = arith.select %parallel_loop3A_964, %parallel_loop3A_956, %parallel_loop3A_968 : vector<16xi1>, vector<16xf32>
      %parallel_loop3A_970 = arith.select %parallel_loop3A_964, %parallel_loop3A_963, %parallel_loop3A_955 : vector<16xi1>, vector<16xi32>
      %parallel_loop3A_971 = arith.select %parallel_loop3A_964, %parallel_loop3A_961, %parallel_loop3A_956 : vector<16xi1>, vector<16xf32>
      %parallel_loop3A_972 = arith.constant 63 : i32
      %parallel_loop3A_973 = arith.index_cast %parallel_loop3A_972 : i32 to index
      %parallel_loop3A_974 = arith.index_cast %parallel_loop3A_26 : i32 to index
      %parallel_loop3A_975 = tpu.vector_load %arg6[%parallel_loop3A_973, %parallel_loop3A_974] {strides = array<i32>} : memref<64x384xf32, #tpu.memory_space<vmem>>, vector<1x16xf32>,
      %parallel_loop3A_976 = vector.shape_cast %parallel_loop3A_975 : vector<1x16xf32> to vector<16xf32>
      %parallel_loop3A_977 = arith.constant 63 : i32
      %parallel_loop3A_978 = vector.broadcast %parallel_loop3A_977 : i32 to vector<16xi32>
      %parallel_loop3A_979 = arith.cmpf ogt, %parallel_loop3A_976, %parallel_loop3A_971 : vector<16xf32>
      %parallel_loop3A_980 = arith.cmpf ogt, %parallel_loop3A_976, %parallel_loop3A_969 : vector<16xf32>
      %parallel_loop3A_981 = arith.select %parallel_loop3A_980, %parallel_loop3A_978, %parallel_loop3A_967 : vector<16xi1>, vector<16xi32>
      %parallel_loop3A_982 = arith.select %parallel_loop3A_979, %parallel_loop3A_970, %parallel_loop3A_981 : vector<16xi1>, vector<16xi32>
      %parallel_loop3A_983 = arith.select %parallel_loop3A_980, %parallel_loop3A_976, %parallel_loop3A_969 : vector<16xi1>, vector<16xf32>
      %parallel_loop3A_984 = arith.select %parallel_loop3A_979, %parallel_loop3A_971, %parallel_loop3A_983 : vector<16xi1>, vector<16xf32>
      %parallel_loop3A_985 = arith.select %parallel_loop3A_979, %parallel_loop3A_978, %parallel_loop3A_970 : vector<16xi1>, vector<16xi32>
      %parallel_loop3A_986 = arith.select %parallel_loop3A_979, %parallel_loop3A_976, %parallel_loop3A_971 : vector<16xi1>, vector<16xf32>
      %parallel_loop3A_987 = arith.subf %parallel_loop3A_984, %parallel_loop3A_986 : vector<16xf32>
      %parallel_loop3A_988 = math.exp %parallel_loop3A_987 : vector<16xf32>
      %parallel_loop3A_989 = arith.constant 1.000000e+00 : f32
      %parallel_loop3A_990 = vector.broadcast %parallel_loop3A_989 : f32 to vector<16xf32>
      %parallel_loop3A_991 = arith.addf %parallel_loop3A_990, %parallel_loop3A_988 : vector<16xf32>
      %parallel_loop3A_992 = arith.constant 1.000000e+00 : f32
      %parallel_loop3A_993 = vector.broadcast %parallel_loop3A_992 : f32 to vector<16xf32>
      %parallel_loop3A_994 = arith.divf %parallel_loop3A_993, %parallel_loop3A_991 : vector<16xf32>
      %parallel_loop3A_995 = arith.constant 0 : i32
      %parallel_loop3A_996 = arith.index_cast %parallel_loop3A_995 : i32 to index
      %parallel_loop3A_997 = arith.index_cast %parallel_loop3A_30 : i32 to index
      %parallel_loop3A_998 = tpu.vector_load %arg7[%parallel_loop3A_996, %parallel_loop3A_997] {strides = array<i32>} : memref<2x512xf32, #tpu.memory_space<vmem>>, vector<1x16xf32>,
      %parallel_loop3A_999 = vector.shape_cast %parallel_loop3A_998 : vector<1x16xf32> to vector<16xf32>
      %parallel_loop3A_1000 = vector.shape_cast %parallel_loop3A_994 : vector<16xf32> to vector<1x16xf32>
      tpu.vector_store %arg7[%parallel_loop3A_996, %parallel_loop3A_997], %parallel_loop3A_1000 {strides = array<i32>} : memref<2x512xf32, #tpu.memory_space<vmem>>, vector<1x16xf32>,
      %parallel_loop3A_1001 = arith.mulf %parallel_loop3A_988, %parallel_loop3A_994 : vector<16xf32>
      %parallel_loop3A_1002 = arith.constant 1 : i32
      %parallel_loop3A_1003 = arith.index_cast %parallel_loop3A_1002 : i32 to index
      %parallel_loop3A_1004 = arith.index_cast %parallel_loop3A_30 : i32 to index
      %parallel_loop3A_1005 = tpu.vector_load %arg7[%parallel_loop3A_1003, %parallel_loop3A_1004] {strides = array<i32>} : memref<2x512xf32, #tpu.memory_space<vmem>>, vector<1x16xf32>,
      %parallel_loop3A_1006 = vector.shape_cast %parallel_loop3A_1005 : vector<1x16xf32> to vector<16xf32>
      %parallel_loop3A_1007 = vector.shape_cast %parallel_loop3A_1001 : vector<16xf32> to vector<1x16xf32>
      tpu.vector_store %arg7[%parallel_loop3A_1003, %parallel_loop3A_1004], %parallel_loop3A_1007 {strides = array<i32>} : memref<2x512xf32, #tpu.memory_space<vmem>>, vector<1x16xf32>,
      %parallel_loop3A_1008 = arith.constant 0 : i32
      %parallel_loop3A_1009 = arith.index_cast %parallel_loop3A_1008 : i32 to index
      %parallel_loop3A_1010 = arith.index_cast %parallel_loop3A_30 : i32 to index
      %parallel_loop3A_1011 = tpu.vector_load %arg8[%parallel_loop3A_1009, %parallel_loop3A_1010] {strides = array<i32>} : memref<2x512xi32, #tpu.memory_space<vmem>>, vector<1x16xi32>,
      %parallel_loop3A_1012 = vector.shape_cast %parallel_loop3A_1011 : vector<1x16xi32> to vector<16xi32>
      %parallel_loop3A_1013 = vector.shape_cast %parallel_loop3A_985 : vector<16xi32> to vector<1x16xi32>
      tpu.vector_store %arg8[%parallel_loop3A_1009, %parallel_loop3A_1010], %parallel_loop3A_1013 {strides = array<i32>} : memref<2x512xi32, #tpu.memory_space<vmem>>, vector<1x16xi32>,
      %parallel_loop3A_1014 = arith.constant 1 : i32
      %parallel_loop3A_1015 = arith.index_cast %parallel_loop3A_1014 : i32 to index
      %parallel_loop3A_1016 = arith.index_cast %parallel_loop3A_30 : i32 to index
      %parallel_loop3A_1017 = tpu.vector_load %arg8[%parallel_loop3A_1015, %parallel_loop3A_1016] {strides = array<i32>} : memref<2x512xi32, #tpu.memory_space<vmem>>, vector<1x16xi32>,
      %parallel_loop3A_1018 = vector.shape_cast %parallel_loop3A_1017 : vector<1x16xi32> to vector<16xi32>
      %parallel_loop3A_1019 = vector.shape_cast %parallel_loop3A_982 : vector<16xi32> to vector<1x16xi32>
      tpu.vector_store %arg8[%parallel_loop3A_1015, %parallel_loop3A_1016], %parallel_loop3A_1019 {strides = array<i32>} : memref<2x512xi32, #tpu.memory_space<vmem>>, vector<1x16xi32>,
    } {sc.loop_unroll_factor = 2 : i64, sc.parallel_access}
    "tpu.region"() ({
      %run_scoped3A = tpu.sem_alloc : memref<!tpu.dma_semaphore, #tpu.memory_space<semaphore_mem>>
      %dma_start3A_24 = arith.constant 0 : i32
      %dma_start3A_25 = tpu.memref_slice %arg3[%dma_start3A_24, %mul3A_2] : memref<2x16384xf32, #tpu.memory_space<hbm>> -> memref<2x512xf32, #tpu.memory_space<hbm>>
      %dma_start3A_26 = arith.constant 0 : i32
      %dma_start3A_27 = tpu.memref_slice %arg3[%dma_start3A_26, %mul3A_2] : memref<2x16384xf32, #tpu.memory_space<hbm>> -> memref<2x512xf32, #tpu.memory_space<hbm>>
      tpu.enqueue_dma source(%arg7 : memref<2x512xf32, #tpu.memory_space<vmem>>) target(%dma_start3A_27 : memref<2x512xf32, #tpu.memory_space<hbm>>) target_semaphore(%run_scoped3A : memref<!tpu.dma_semaphore, #tpu.memory_space<semaphore_mem>>)
      %dma_wait3A_28 = arith.constant 0 : i32
      %dma_wait3A_29 = tpu.memref_slice %arg3[%dma_wait3A_28, %mul3A_2] : memref<2x16384xf32, #tpu.memory_space<hbm>> -> memref<2x512xf32, #tpu.memory_space<hbm>>
      %dma_wait3A_30 = arith.constant 0 : i32
      %dma_wait3A_31 = tpu.memref_slice %arg3[%dma_wait3A_30, %mul3A_2] : memref<2x16384xf32, #tpu.memory_space<hbm>> -> memref<2x512xf32, #tpu.memory_space<hbm>>
      tpu.wait_dma2 semaphore(%run_scoped3A : memref<!tpu.dma_semaphore, #tpu.memory_space<semaphore_mem>>) src(%arg7 : memref<2x512xf32, #tpu.memory_space<vmem>>) dst(%dma_wait3A_31 : memref<2x512xf32, #tpu.memory_space<hbm>>)
      tpu.yield
    }) : () -> ()
    "tpu.region"() ({
      %run_scoped3A = tpu.sem_alloc : memref<!tpu.dma_semaphore, #tpu.memory_space<semaphore_mem>>
      %dma_start3A_24 = arith.constant 0 : i32
      %dma_start3A_25 = tpu.memref_slice %arg4[%dma_start3A_24, %mul3A_2] : memref<2x16384xi32, #tpu.memory_space<hbm>> -> memref<2x512xi32, #tpu.memory_space<hbm>>
      %dma_start3A_26 = arith.constant 0 : i32
      %dma_start3A_27 = tpu.memref_slice %arg4[%dma_start3A_26, %mul3A_2] : memref<2x16384xi32, #tpu.memory_space<hbm>> -> memref<2x512xi32, #tpu.memory_space<hbm>>
      tpu.enqueue_dma source(%arg8 : memref<2x512xi32, #tpu.memory_space<vmem>>) target(%dma_start3A_27 : memref<2x512xi32, #tpu.memory_space<hbm>>) target_semaphore(%run_scoped3A : memref<!tpu.dma_semaphore, #tpu.memory_space<semaphore_mem>>)
      %dma_wait3A_28 = arith.constant 0 : i32
      %dma_wait3A_29 = tpu.memref_slice %arg4[%dma_wait3A_28, %mul3A_2] : memref<2x16384xi32, #tpu.memory_space<hbm>> -> memref<2x512xi32, #tpu.memory_space<hbm>>
      %dma_wait3A_30 = arith.constant 0 : i32
      %dma_wait3A_31 = tpu.memref_slice %arg4[%dma_wait3A_30, %mul3A_2] : memref<2x16384xi32, #tpu.memory_space<hbm>> -> memref<2x512xi32, #tpu.memory_space<hbm>>
      tpu.wait_dma2 semaphore(%run_scoped3A : memref<!tpu.dma_semaphore, #tpu.memory_space<semaphore_mem>>) src(%arg8 : memref<2x512xi32, #tpu.memory_space<vmem>>) dst(%dma_wait3A_31 : memref<2x512xi32, #tpu.memory_space<hbm>>)
      tpu.yield
    }) : () -> ()
    return
  }
}

module attributes {stable_mosaic.version = 14 : i64} {
  func.func @_matmul_body(%arg0: i32, %arg1: memref<1024x2048xf32, #tpu.memory_space<vmem>>, %arg2: memref<64x2048xf32, #tpu.memory_space<vmem>>, %arg3: memref<64x1024xf32, #tpu.memory_space<vmem>>) attributes {dimension_semantics = [#tpu.dimension_semantics<arbitrary>], iteration_bounds = array<i64: 16>, scalar_prefetch = 0 : i64, scratch_operands = 0 : i64, tpu.core_type = #tpu.core_type<tc>, window_params = [{transform_indices = @transform_0, window_bounds = array<i64: 1024, 2048>}, {pipeline_mode = #tpu.pipeline_mode<synchronous>, transform_indices = @transform_1, window_bounds = array<i64: 64, 2048>}, {transform_indices = @transform_2, window_bounds = array<i64: 64, 1024>}]} {
    %get3A = arith.constant 0 : index
    %get3A_0 = arith.constant 0 : index
    %get3A_1 = vector.load %arg2[%get3A, %get3A_0] : memref<64x2048xf32, #tpu.memory_space<vmem>>, vector<64x2048xf32>
    %get3A_2 = arith.constant 0 : index
    %get3A_3 = arith.constant 0 : index
    %get3A_4 = vector.load %arg1[%get3A_2, %get3A_3] : memref<1024x2048xf32, #tpu.memory_space<vmem>>, vector<1024x2048xf32>
    %dot_general3A = arith.constant dense<0.000000e+00> : vector<64x1024xf32>
    %dot_general3A_5 = tpu.matmul %get3A_1, %get3A_4, %dot_general3A {dimension_numbers = #tpu.dot_dimension_numbers<[1], [1], [0], [0], [0, 0, 1, 0], [], []>, transpose_lhs_hint = false} : vector<64x2048xf32>, vector<1024x2048xf32>, vector<64x1024xf32> -> vector<64x1024xf32>
    %swap3A = arith.constant 0 : index
    %swap3A_6 = arith.constant 0 : index
    %swap3A_7 = vector.load %arg3[%swap3A, %swap3A_6] : memref<64x1024xf32, #tpu.memory_space<vmem>>, vector<64x1024xf32>
    tpu.vector_store %arg3[%swap3A, %swap3A_6], %dot_general3A_5 {strides = array<i32>} : memref<64x1024xf32, #tpu.memory_space<vmem>>, vector<64x1024xf32>,
    return
  }
  func.func @transform_0(%arg0: i32) -> (i32, i32) {
    %c0_i32 = arith.constant 0 : i32
    %c0_i32_0 = arith.constant 0 : i32
    return %arg0, %c0_i32 : i32, i32
  }
  func.func @transform_1(%arg0: i32) -> (i32, i32) {
    %c0_i32 = arith.constant 0 : i32
    %c0_i32_0 = arith.constant 0 : i32
    %c0_i32_1 = arith.constant 0 : i32
    return %c0_i32, %c0_i32_0 : i32, i32
  }
  func.func @transform_2(%arg0: i32) -> (i32, i32) {
    %c0_i32 = arith.constant 0 : i32
    %c0_i32_0 = arith.constant 0 : i32
    return %c0_i32, %arg0 : i32, i32
  }
}

</mosaic_0001>

<sc_bundles>
// kernel: kernel.4.cloned.1.call-start
scs
__scs_entry_jumppad:
0x0: {  	(pc) =	sbr.rel $0x88, $3  }
0x1: {  	(tag) =	ssettag $0x0;
	lr =	simm.s32 $0x1  }
0x2: {  	[smem:$0x3F9F] =	sst lr;
	_ =	strace $0xD0000000  }
0x3: {  	_ = 	snop  }
0x4: {  	_ = 	snop  }
0x5: {  	_ = 	snop  }
0x6: {  	_ = 	snop  }
0x7: {  	_ = 	snop  }
__scs_overlays_trampoline_lowered:
0x8: {  	[smem:$0x3FAE] =	sst s0  }
0x9: {  	[smem:$0x3FAF] =	sst s1  }
0xa: {  	[smem:$0x3FB0] =	sst s2  }
0xb: {  	[smem:$0x3FB1] =	sst s3  }
0xc: {  	[smem:$0x3FB2] =	sst s4  }
0xd: {  	[smem:$0x3FB3] =	sst s5  }
0xe: {  	[smem:$0x3FB4] =	sst s6  }
0xf: {  	[smem:$0x3FB5] =	sst s7  }
0x10: {  	[smem:$0x3FB6] =	sst s8  }
0x11: {  	[smem:$0x3FB7] =	sst s9;
	s0 =	simm.s32 @!p0 $0x0  }
0x12: {  	s1 =	sld [smem:$0x3F9D];
	s0 =	simm.s32 @p0 $0x1  }
0x13: {  	[smem:$0x3FB8] =	sst s0;
	s0 =	simm.s32 @!p1 $0x0  }
0x14: {  	s2 =	sld [smem:$0x3F9C];
	s0 =	simm.s32 @p1 $0x1  }
0x15: {  	[smem:$0x3FB9] =	sst s0;
	s0 =	simm.s32 @!p2 $0x0  }
0x16: {  	s3 =	sld [smem:$0x3FDB];
	s0 =	simm.s32 @p2 $0x1  }
0x17: {  	s4 =	simm.s32 $0x1BF5;
	[smem:$0x3FBB] =	sst s0  }
0x18: {  	s0 =	sld [smem:$0x3F9E];
	_ =	swait.ge [sflag:s4], $0x0  }
0x19: {  	s7 =	sld [smem:$0x3F9F]  }
0x1a: {  	s8 =	sadd.s32 $0xFFFFE003, lr  }
0x1b: {  	s9 =	sadd.s32 $0xFFFFFEF7, lr;
	s5 =	simm.s32 $0xFFFFFFFF;
	p2 =	slt.u32 s8, $0xFFFFF086  }
0x1c: {  	p1 =	slt.u32 s9, $0xF7A;
	s5 =	simm.s32 @!p2 $0x0  }
0x1d: {  	s5 =	simm.s32 @p1 $0x1;
	p0 =	seq.s32 s7, s2  }
0x1e: {  	s7 =	smul.u32 @!p0 $0xF7A, s2;
	p2 =	seq.s32 @!p0 s5, $0x0  }
0x1f: {  	s9 =	smul.u32 $0xF7A, s1;
	s8 =	simm.s32 @!p0 $0x1BF5;
	p2 =	por !p2, p0  }
0x20: {  	[sflag:s8] =	ssyncset.s32 @!p0 $0xFFFFF086;
	s6 =	sadd.s32 @!p0 s3, s7;
	s7 =	simm.s32 @!p0 $0x108  }
0x21: {  	s3 =	sadd.s32 s3, s9;
	s6 =	sadd.s32 @!p0 $0x88, s6;
	s7 =	simm.s32 @p2 $0x1082  }
0x22: {  	[simem:s7], [sflag:s8] =	dma.local @!p0 [hbm:s6], $0xF7A  }
0x23: {  	s9 =	sor.u32 $0xD0000000, s2;
	s6 =	simm.s32 $0x108;
	_ =	swait.ge @!p0 [sflag:s8], $0x0  }
0x24: {  	s3 =	sadd.s32 $0x88, s3;
	s6 =	simm.s32 @!p1 $0x1082;
	[sflag:s4] =	ssyncset.s32 $0xFFFFF086  }
0x25: {  	[simem:s6], [sflag:s4] =	dma.local [hbm:s3], $0xF7A  }
0x26: {  	[smem:$0x3F9F] =	sst s1;
	(tag) =	ssettag s2;
	_ =	strace s9  }
0x27: {  	s1 =	sld [smem:$0x3FAF]  }
0x28: {  	s2 =	sld [smem:$0x3FB0]  }
0x29: {  	s4 =	sld [smem:$0x3FB2]  }
0x2a: {  	p0 =	seq.s32 s5, $0x0;
	s5 =	sld [smem:$0x3FB3]  }
0x2b: {  	s6 =	sld [smem:$0x3FB4]  }
0x2c: {  	s7 =	sld [smem:$0x3FB5]  }
0x2d: {  	s3 =	simm.s32 $0x108;
	s8 =	sld [smem:$0x3FB6]  }
0x2e: {  	s3 =	simm.s32 @!p0 $0x1082;
	s9 =	sld [smem:$0x3FB7]  }
0x2f: {  	lr =	sadd.s32 s0, s3;
	s0 =	sld [smem:$0x3FAE]  }
0x30: {  	s3 =	sld [smem:$0x3FB1]  }
0x31: {  	[smem:$0x3FBA] =	sst s10  }
0x32: {  	s10 =	sld [smem:$0x3FB8];
	_ =	sdelay $0x3  }
0x33: {  	p0 =	seq.s32 s10, $0x1;
	s10 =	sld [smem:$0x3FBA];
	_ =	sdelay $0x3  }
0x34: {  	[smem:$0x3FBA] =	sst s10  }
0x35: {  	s10 =	sld [smem:$0x3FB9];
	_ =	sdelay $0x3  }
0x36: {  	p1 =	seq.s32 s10, $0x1;
	s10 =	sld [smem:$0x3FBA];
	_ =	sdelay $0x3  }
0x37: {  	[smem:$0x3FBA] =	sst s10  }
0x38: {  	s10 =	sld [smem:$0x3FBB]  }
0x39: {  	_ = 	snop;
	(pc) =	sbr.ind lr, $3  }
0x3a: {  	_ = 	snop  }
0x3b: {  	_ = 	snop  }
0x3c: {  	p2 =	seq.s32 s10, $0x1;
	s10 =	sld [smem:$0x3FBA]  }
0x3d: {  	_ =	shalt  }
0x3e: {  	_ =	shalt  }
0x3f: {  	_ =	shalt  }
0x40: {  	_ =	shalt  }
0x41: {  	_ =	shalt  }
0x42: {  	_ =	shalt  }
0x43: {  	_ =	shalt  }
0x44: {  	_ =	shalt  }
0x45: {  	_ =	shalt  }
0x46: {  	_ =	shalt  }
0x47: {  	_ =	shalt  }
0x48: {  	_ =	shalt  }
0x49: {  	_ =	shalt  }
0x4a: {  	_ =	shalt  }
0x4b: {  	_ =	shalt  }
0x4c: {  	_ =	shalt  }
0x4d: {  	_ =	shalt  }
0x4e: {  	_ =	shalt  }
0x4f: {  	_ =	shalt  }
0x50: {  	_ =	shalt  }
0x51: {  	_ =	shalt  }
0x52: {  	_ =	shalt  }
0x53: {  	_ =	shalt  }
0x54: {  	_ =	shalt  }
0x55: {  	_ =	shalt  }
0x56: {  	_ =	shalt  }
0x57: {  	_ =	shalt  }
0x58: {  	_ =	shalt  }
0x59: {  	_ =	shalt  }
0x5a: {  	_ =	shalt  }
0x5b: {  	_ =	shalt  }
0x5c: {  	_ =	shalt  }
0x5d: {  	_ =	shalt  }
0x5e: {  	_ =	shalt  }
0x5f: {  	_ =	shalt  }
0x60: {  	_ =	shalt  }
0x61: {  	_ =	shalt  }
0x62: {  	_ =	shalt  }
0x63: {  	_ =	shalt  }
0x64: {  	_ =	shalt  }
0x65: {  	_ =	shalt  }
0x66: {  	_ =	shalt  }
0x67: {  	_ =	shalt  }
0x68: {  	_ =	shalt  }
0x69: {  	_ =	shalt  }
0x6a: {  	_ =	shalt  }
0x6b: {  	_ =	shalt  }
0x6c: {  	_ =	shalt  }
0x6d: {  	_ =	shalt  }
0x6e: {  	_ =	shalt  }
0x6f: {  	_ =	shalt  }
0x70: {  	_ =	shalt  }
0x71: {  	_ =	shalt  }
0x72: {  	_ =	shalt  }
0x73: {  	_ =	shalt  }
0x74: {  	_ =	shalt  }
0x75: {  	_ =	shalt  }
0x76: {  	_ =	shalt  }
0x77: {  	_ =	shalt  }
0x78: {  	_ =	shalt  }
0x79: {  	_ =	shalt  }
0x7a: {  	_ =	shalt  }
0x7b: {  	_ =	shalt  }
0x7c: {  	_ =	shalt  }
0x7d: {  	_ =	shalt  }
0x7e: {  	_ =	shalt  }
0x7f: {  	_ =	shalt  }
0x80: {  	_ =	shalt  }
0x81: {  	_ =	shalt  }
0x82: {  	_ =	shalt  }
0x83: {  	_ =	shalt  }
0x84: {  	_ =	shalt  }
0x85: {  	_ =	shalt  }
0x86: {  	_ =	shalt  }
0x87: {  	_ =	shalt  }
.Lfunc_end0:
.L_simem_size_0:
called_computation_lowered:
.L_overlay_start_0:
0x88: {  	s2 =	sld [smem:$0x3FD9]  }
0x89: {  	s3 =	sld [smem:$0x3FFE];
	_ =	sdelay $0x1  }
0x8a: {  	s1 =	srdreg.scid  }
0x8b: {  	s0 =	sand.u32 $0x1, s1  }
0x8c: {  	s14 =	sshll.u32 s0, $0xA;
	s2 =	sadd.s32 s3, s2  }
0x8d: {  	s2 =	sadd.s32 s2, s14  }
0x8e: {  	[smem:$0x3FC6] =	sst s2  }
0x8f: {  	_ = 	snop  }
0x90: {  	s2 =	sld [smem:$0x3FD0];
	_ =	sdelay $0x2  }
0x91: {  	s15 =	simm.s32 $0xA;
	s4 =	simm.s32 $0x10  }
0x92: {  	[smem:s4], [sflag:s15] =	dma.local [hbm:s2], $0x1  }
0x93: {  	_ =	swait.eq [sflag:s15], $0x1  }
0x94: {  	[sflag:s15] =	ssyncset.done $0x0  }
0x95: {  	s16 =	sld [smem:$0x10];
	[sflag:s15] =	ssyncadd.s32 $0xFFFFFFFF  }
0x96: {  	s17 =	sld [smem:$0x11];
	(tm) =	ssettm $0x1  }
0x97: {  	s18 =	sld [smem:$0x3FFB];
	_ =	sdelay $0x3  }
0x98: {  	_ =	strace s18  }
0x99: {  	s4 =	sld [smem:$0x3FFC];
	_ =	sdelay $0x3  }
0x9a: {  	_ =	strace s4  }
0x9b: {  	s4 =	sld [smem:$0x3FFD];
	_ =	sdelay $0x3  }
0x9c: {  	_ =	strace s4  }
0x9d: {  	_ =	strace $0x8FFFFFFF  }
0x9e: {  	s19 =	sld [smem:$0x3FDB];
	_ =	sdelay $0x1  }
0x9f: {  	s5 =	simm.s32 $_scs_section_size  }
0xa0: {  	s6 =	simm.s32 $_size__tile_overlayer_lowered;
	s7 =	simm.s32 $_tile_overlayer_lowered  }
0xa1: {  	s22 =	simm.s32 $0x1BFF;
	s21 =	sshll.u32 s7, $0x1;
	s4 =	sadd.s32 s5, s19  }
0xa2: {  	s8 =	simm.s32 $0x0;
	s20 =	sshll.u32 s6, $0x1;
	s6 =	sadd.s32 s21, s4  }
0xa3: {  	[timem:s8], [sflag:s22] =	dma.local [hbm:s6], s20  }
0xa4: {  	_ =	swait.ge [sflag:s22], s20  }
0xa5: {  	s5 =	ssub.s32 $0x0, s20;
	[sflag:s22] =	ssyncset.done $0x0  }
0xa6: {  	[sflag:s22] =	ssyncadd.s32 s5;
	_ =	sdelay $0x1  }
0xa7: {  	s23 =	simm.s32 $0x1B8B  }
0xa8: {  	_ =	swait.ge [sflag:s23], $0x1  }
0xa9: {  	[sflag:s23] =	ssyncset.done $0x0  }
0xaa: {  	s25 =	simm.s32 $0x1B8E;
	s24 =	sld [smem:$0x3FFE];
	[sflag:s23] =	ssyncadd.s32 $0xFFFFFFFF  }
0xab: {  	s26 =	simm.s32 $execute0_lowered;
	[smem:$0x3FD2] =	sst s25  }
0xac: {  	s6 =	sshll.u32 s26, $0x1;
	_ =	strace $0x80000046;
	[dreg:$0x1] =	wrdreg $0xFFFFFFFF  }
0xad: {  	s28 =	simm.s32 $_size_execute0_lowered;
	s4 =	sadd.s32 s4, s6;
	[dreg:$0x0] =	wrdreg $0x0  }
0xae: {  	s6 =	sshll.u32 s28, $0x1;
	[dreg:$0x2] =	wrdreg s4  }
0xaf: {  	[dreg:$0x3] =	wrdreg s6  }
0xb0: {  	[dreg:$0x4] =	wrdreg $0xC0  }
0xb1: {  	_ =	task [dreg:s8], $0x5FFFF  }
0xb2: {  	[dreg:$0x1] =	wrdreg $0xFFFFFFFF  }
0xb3: {  	[dreg:$0x0] =	wrdreg $0x60  }
0xb4: {  	[dreg:$0x2] =	wrdreg s24  }
0xb5: {  	[dreg:$0x3] =	wrdreg s16  }
0xb6: {  	[dreg:$0x4] =	wrdreg s17  }
0xb7: {  	[dreg:$0x5] =	wrdreg $0x9  }
0xb8: {  	_ =	task.clear_ibuf [dreg:s8], $0x6FFFF;
	_ =	strace $0x90000046  }
0xb9: {  	s29 =	simm.s32 $0x9;
	_ =	strace $0x80000048  }
0xba: {  	_ =	swait.ge [sflag:s29], $0x1  }
0xbb: {  	[sflag:s29] =	ssyncadd.s32 $0xFFFFFFFF  }
0xbc: {  	_ =	strace $0x90000048  }
0xbd: {  	_ =	sfence  }
0xbe: {  	s30 =	sld [smem:$0x0];
	_ =	sdelay $0x2  }
0xbf: {  	s31 =	sshll.u32 s1, $0xD;
	s1 =	sshrl.u32 s1, $0x2  }
0xc0: {  	s3 =	sand.u32 $0x4000, s31;
	s1 =	sadd.s32 s1, s30  }
0xc1: {  	s0 =	sor.u32 s3, s0;
	s1 =	sshll.u32 s1, $0x11  }
0xc2: {  	s0 =	sor.u32 s1, s0  }
0xc3: {  	s0 =	sadd.s32 $0x8F2B, s0  }
0xc4: {  	[sflag:s0] =	ssyncadd.remote.s32 $0x1  }
0xc5: {  	_ =	sfence.sel $0xFFFF  }
0xc6: {  	[dreg:$0x0] =	wrdreg $0xFFFFFFFF;
	(pc) =	sbr.abs _section_cstart, $3  }
0xc7: {  	[dreg:$0x1] =	wrdreg $0xFFFFFFFF  }
0xc8: {  	_ =	task.clear_ibuf [dreg:s8], $0x2FFFF;
	_ =	strace $0x9FFFFFFF  }
0xc9: {  	(tm) =	ssettm $0x7FFFFFFF  }
tec
execute0_lowered:
.L_overlay_start_1:
0x0: {  	(tag) =	ssettag $0x1  }
0x1: {  	s3 =	srdreg.scid  }
0x2: {  	s0 =	rddreg [dreg:$0x0];
	s4 =	stileid.u32;
	s3 =	sand.u32 $0x1, s3  }
0x3: {  	s1 =	rddreg [dreg:$0x1];
	s4 =	sshll.u32 s4, $0xA;
	s5 =	sshll.u32 s3, $0x9  }
0x4: {  	s2 =	rddreg [dreg:$0x2];
	s6 =	simm.s32 $0x0;
	s4 =	sor.u32 s5, s4  }
0x5: {  	[smem:$0x7FF] =	sst s6;
	s0 =	sadd.s32 s4, s0  }
0x6: {  	s3 =	ssub.s32 $0x2, s3;
	_ =	strace $0x80000047;
	s28 =	sadd.s32 $0xC00, s0  }
0x7: {  	s4 =	sshrl.u32 s4, $0x2;
	s0 =	sadd.s32 $0xC80, s0;
	[dreg:$0x4] =	wrdreg s28  }
0x8: {  	s26 =	sshrl.u32 s3, $0x1;
	s29 =	sadd.s32 s1, s4;
	[dreg:$0x5] =	wrdreg s0  }
0x9: {  	s3 =	ssub.s32 s3, s26;
	s30 =	sadd.s32 s2, s4;
	[dreg:$0x6] =	wrdreg s29  }
0xa: {  	s31 =	smax.u32 s3, $0x1;
	[dreg:$0x7] =	wrdreg s30  }
0xb: {  	v0 =	vimm.s32 $0x0;
	s2 =	simm.s32 $0x0;
	[dreg:$0x8] =	wrdreg s31  }
.LBB2_1:
0xc: {  	[dreg:$0x9] =	wrdreg s2  }
0xd: {  	s0 =	rddreg [dreg:$0x4]  }
0xe: {  	s1 =	simm.s32 $0x400;
	s28 =	simm.s32 $0x20000;
	s29 =	rddreg [dreg:$0x5]  }
0xf: {  	[tilespmem:s6], [sflag:$0x1] =	stream.strided.gather [hbm4b:s0+s1], $0x2000, s28, s1, $0x38;
	[tilespmem:$0x8800] =	vst v63  }
0x10: {  	s30 =	simm.s32 $0xC00;
	s3 =	simm.s32 $0x2000;
	s31 =	simm.s32 $0x1  }
0x11: {  	[tilespmem:s3], [sflag:$0x2] =	stream.strided.gather [hbm4b:s29+s30], $0x6000, s28, s30, $0x38;
	[tilespmem:$0x8800] =	vst v63  }
0x12: {  	_ =	swait.ge [sflag:s31], $0x2000  }
0x13: {  	s18 =	simm.s32 $0xFFFFFFFE;
	s19 =	simm.s32 $0x8090;
	[sflag:s31] =	ssyncset.done $0x0  }
0x14: {  	s20 =	simm.s32 $0x8490;
	s21 =	simm.s32 $0x1000;
	[sflag:s31] =	ssyncadd.s32 $0xFFFFE000  }
.LBB2_2:
0x15: {  	v2 =	vld [tilespmem:s21+$0xFFFFF080]  }
0x16: {  	v1 =	vld [tilespmem:s21+$0xFFFFF000];
	_ =	sdelay $0x2  }
0x17: {  	v3 =	vld [tilespmem:s21+$0xFFFFF100]  }
0x18: {  	vm1 =	vlt.f32 v2, $-Inf;
	vm2 =	vgt.f32 v2, $-Inf  }
0x19: {  	vm0 =	vgt.f32 v2, v1;
	vm1 =	vmor vm2, vm1  }
0x1a: {  	v5 =	vld [tilespmem:s21+$0xFFFFF180];
	vm3 =	vmneg vm0;
	v4 =	vnsel vm1, $0xFF800000, v2  }
0x1b: {  	v4 =	vsel vm3, v4, v1  }
0x1c: {  	v1 =	vsel vm3, v1, v2;
	vm13 =	vgt.f32 v3, v4  }
0x1d: {  	v39 =	vld [tilespmem:s21+$0xFFFFF200];
	vm2 =	vmand vm3, vm1;
	vm14 =	vgt.f32 v3, v1;
	v4 =	vsel vm13, v3, v4  }
0x1e: {  	v7 =	vsel vm0, $0x1, v0;
	v6 =	vsel vm2, $0x1, v0;
	v4 =	vsel vm14, v1, v4  }
0x1f: {  	v2 =	vsel vm13, $0x2, v6;
	v1 =	vsel vm14, v3, v1;
	vm15 =	vgt.f32 v5, v4  }
0x20: {  	v40 =	vld [tilespmem:s21+$0xFFFFF280];
	v2 =	vsel vm14, v7, v2;
	vm1 =	vgt.f32 v5, v1;
	v3 =	vsel vm15, v5, v4  }
0x21: {  	v7 =	vsel vm14, $0x2, v7;
	v2 =	vsel vm15, $0x3, v2;
	v3 =	vsel vm1, v1, v3  }
0x22: {  	v2 =	vsel vm1, v7, v2;
	v1 =	vsel vm1, v5, v1;
	vm4 =	vgt.f32 v39, v3  }
0x23: {  	v41 =	vld [tilespmem:s21+$0xFFFFF300];
	v7 =	vsel vm1, $0x3, v7;
	vm1 =	vgt.f32 v39, v1;
	v3 =	vsel vm4, v39, v3  }
0x24: {  	v2 =	vsel vm4, $0x4, v2;
	v3 =	vsel vm1, v1, v3  }
0x25: {  	v2 =	vsel vm1, v7, v2;
	v1 =	vsel vm1, v39, v1;
	vm5 =	vgt.f32 v40, v3  }
0x26: {  	v42 =	vld [tilespmem:s21+$0xFFFFF380];
	v7 =	vsel vm1, $0x4, v7;
	vm1 =	vgt.f32 v40, v1;
	v3 =	vsel vm5, v40, v3  }
0x27: {  	v2 =	vsel vm5, $0x5, v2;
	v3 =	vsel vm1, v1, v3  }
0x28: {  	v2 =	vsel vm1, v7, v2;
	v1 =	vsel vm1, v40, v1;
	vm6 =	vgt.f32 v41, v3  }
0x29: {  	v43 =	vld [tilespmem:s21+$0xFFFFF400];
	v7 =	vsel vm1, $0x5, v7;
	vm1 =	vgt.f32 v41, v1;
	v3 =	vsel vm6, v41, v3  }
0x2a: {  	v2 =	vsel vm6, $0x6, v2;
	v3 =	vsel vm1, v1, v3  }
0x2b: {  	v2 =	vsel vm1, v7, v2;
	v1 =	vsel vm1, v41, v1;
	vm7 =	vgt.f32 v42, v3  }
0x2c: {  	v44 =	vld [tilespmem:s21+$0xFFFFF480];
	v7 =	vsel vm1, $0x6, v7;
	vm1 =	vgt.f32 v42, v1;
	v3 =	vsel vm7, v42, v3  }
0x2d: {  	v2 =	vsel vm7, $0x7, v2;
	v3 =	vsel vm1, v1, v3  }
0x2e: {  	v2 =	vsel vm1, v7, v2;
	v1 =	vsel vm1, v42, v1;
	vm8 =	vgt.f32 v43, v3  }
0x2f: {  	v45 =	vld [tilespmem:s21+$0xFFFFF500];
	v7 =	vsel vm1, $0x7, v7;
	vm1 =	vgt.f32 v43, v1;
	v3 =	vsel vm8, v43, v3  }
0x30: {  	v2 =	vsel vm8, $0x8, v2;
	v3 =	vsel vm1, v1, v3  }
0x31: {  	v2 =	vsel vm1, v7, v2;
	v1 =	vsel vm1, v43, v1;
	vm9 =	vgt.f32 v44, v3  }
0x32: {  	v46 =	vld [tilespmem:s21+$0xFFFFF580];
	v7 =	vsel vm1, $0x8, v7;
	vm1 =	vgt.f32 v44, v1;
	v3 =	vsel vm9, v44, v3  }
0x33: {  	v2 =	vsel vm9, $0x9, v2;
	v3 =	vsel vm1, v1, v3  }
0x34: {  	v2 =	vsel vm1, v7, v2;
	v1 =	vsel vm1, v44, v1;
	vm10 =	vgt.f32 v45, v3  }
0x35: {  	v47 =	vld [tilespmem:s21+$0xFFFFF600];
	v7 =	vsel vm1, $0x9, v7;
	vm1 =	vgt.f32 v45, v1;
	v3 =	vsel vm10, v45, v3  }
0x36: {  	v2 =	vsel vm10, $0xA, v2;
	v3 =	vsel vm1, v1, v3  }
0x37: {  	v2 =	vsel vm1, v7, v2;
	v1 =	vsel vm1, v45, v1;
	vm11 =	vgt.f32 v46, v3  }
0x38: {  	v48 =	vld [tilespmem:s21+$0xFFFFF680];
	v7 =	vsel vm1, $0xA, v7;
	vm1 =	vgt.f32 v46, v1;
	v3 =	vsel vm11, v46, v3  }
0x39: {  	v2 =	vsel vm11, $0xB, v2;
	v3 =	vsel vm1, v1, v3  }
0x3a: {  	v2 =	vsel vm1, v7, v2;
	v1 =	vsel vm1, v46, v1;
	vm12 =	vgt.f32 v47, v3  }
0x3b: {  	v49 =	vld [tilespmem:s21+$0xFFFFF700];
	v7 =	vsel vm1, $0xB, v7;
	vm1 =	vgt.f32 v47, v1;
	v3 =	vsel vm12, v47, v3  }
0x3c: {  	v2 =	vsel vm12, $0xC, v2;
	v3 =	vsel vm1, v1, v3  }
0x3d: {  	v2 =	vsel vm1, v7, v2;
	v1 =	vsel vm1, v47, v1;
	vm13 =	vgt.f32 v48, v3  }
0x3e: {  	v50 =	vld [tilespmem:s21+$0xFFFFF780];
	v7 =	vsel vm1, $0xC, v7;
	vm1 =	vgt.f32 v48, v1;
	v3 =	vsel vm13, v48, v3  }
0x3f: {  	v2 =	vsel vm13, $0xD, v2;
	v3 =	vsel vm1, v1, v3  }
0x40: {  	v2 =	vsel vm1, v7, v2;
	v1 =	vsel vm1, v48, v1;
	vm14 =	vgt.f32 v49, v3  }
0x41: {  	v51 =	vld [tilespmem:s21+$0xFFFFF800];
	v7 =	vsel vm1, $0xD, v7;
	vm1 =	vgt.f32 v49, v1;
	v3 =	vsel vm14, v49, v3  }
0x42: {  	v2 =	vsel vm14, $0xE, v2;
	v3 =	vsel vm1, v1, v3  }
0x43: {  	v2 =	vsel vm1, v7, v2;
	v1 =	vsel vm1, v49, v1;
	vm15 =	vgt.f32 v50, v3  }
0x44: {  	v52 =	vld [tilespmem:s21+$0xFFFFF880];
	v7 =	vsel vm1, $0xE, v7;
	vm1 =	vgt.f32 v50, v1;
	v3 =	vsel vm15, v50, v3  }
0x45: {  	v2 =	vsel vm15, $0xF, v2;
	v3 =	vsel vm1, v1, v3  }
0x46: {  	v2 =	vsel vm1, v7, v2;
	v1 =	vsel vm1, v50, v1;
	vm4 =	vgt.f32 v51, v3  }
0x47: {  	v53 =	vld [tilespmem:s21+$0xFFFFF900];
	v7 =	vsel vm1, $0xF, v7;
	vm1 =	vgt.f32 v51, v1;
	v3 =	vsel vm4, v51, v3  }
0x48: {  	v2 =	vsel vm4, $0x10, v2;
	v3 =	vsel vm1, v1, v3  }
0x49: {  	v2 =	vsel vm1, v7, v2;
	v1 =	vsel vm1, v51, v1;
	vm5 =	vgt.f32 v52, v3  }
0x4a: {  	v54 =	vld [tilespmem:s21+$0xFFFFF980];
	v7 =	vsel vm1, $0x10, v7;
	vm1 =	vgt.f32 v52, v1;
	v3 =	vsel vm5, v52, v3  }
0x4b: {  	v2 =	vsel vm5, $0x11, v2;
	v3 =	vsel vm1, v1, v3  }
0x4c: {  	v2 =	vsel vm1, v7, v2;
	v1 =	vsel vm1, v52, v1;
	vm6 =	vgt.f32 v53, v3  }
0x4d: {  	v55 =	vld [tilespmem:s21+$0xFFFFFA00];
	v7 =	vsel vm1, $0x11, v7;
	vm1 =	vgt.f32 v53, v1;
	v3 =	vsel vm6, v53, v3  }
0x4e: {  	v2 =	vsel vm6, $0x12, v2;
	v3 =	vsel vm1, v1, v3  }
0x4f: {  	v2 =	vsel vm1, v7, v2;
	v1 =	vsel vm1, v53, v1;
	vm7 =	vgt.f32 v54, v3  }
0x50: {  	v56 =	vld [tilespmem:s21+$0xFFFFFA80];
	v7 =	vsel vm1, $0x12, v7;
	vm1 =	vgt.f32 v54, v1;
	v3 =	vsel vm7, v54, v3  }
0x51: {  	v2 =	vsel vm7, $0x13, v2;
	v3 =	vsel vm1, v1, v3  }
0x52: {  	v2 =	vsel vm1, v7, v2;
	v1 =	vsel vm1, v54, v1;
	vm8 =	vgt.f32 v55, v3  }
0x53: {  	v57 =	vld [tilespmem:s21+$0xFFFFFB00];
	v7 =	vsel vm1, $0x13, v7;
	vm1 =	vgt.f32 v55, v1;
	v3 =	vsel vm8, v55, v3  }
0x54: {  	v2 =	vsel vm8, $0x14, v2;
	v3 =	vsel vm1, v1, v3  }
0x55: {  	v2 =	vsel vm1, v7, v2;
	v1 =	vsel vm1, v55, v1;
	vm9 =	vgt.f32 v56, v3  }
0x56: {  	v58 =	vld [tilespmem:s21+$0xFFFFFB80];
	v7 =	vsel vm1, $0x14, v7;
	vm1 =	vgt.f32 v56, v1;
	v3 =	vsel vm9, v56, v3  }
0x57: {  	v2 =	vsel vm9, $0x15, v2;
	v3 =	vsel vm1, v1, v3  }
0x58: {  	v2 =	vsel vm1, v7, v2;
	v1 =	vsel vm1, v56, v1;
	vm10 =	vgt.f32 v57, v3  }
0x59: {  	v59 =	vld [tilespmem:s21+$0xFFFFFC00];
	v7 =	vsel vm1, $0x15, v7;
	vm1 =	vgt.f32 v57, v1;
	v3 =	vsel vm10, v57, v3  }
0x5a: {  	v2 =	vsel vm10, $0x16, v2;
	v3 =	vsel vm1, v1, v3  }
0x5b: {  	v2 =	vsel vm1, v7, v2;
	v1 =	vsel vm1, v57, v1;
	vm11 =	vgt.f32 v58, v3  }
0x5c: {  	v60 =	vld [tilespmem:s21+$0xFFFFFC80];
	v7 =	vsel vm1, $0x16, v7;
	vm1 =	vgt.f32 v58, v1;
	v3 =	vsel vm11, v58, v3  }
0x5d: {  	v2 =	vsel vm11, $0x17, v2;
	v3 =	vsel vm1, v1, v3  }
0x5e: {  	v2 =	vsel vm1, v7, v2;
	v1 =	vsel vm1, v58, v1;
	vm12 =	vgt.f32 v59, v3  }
0x5f: {  	v61 =	vld [tilespmem:s21+$0xFFFFFD00];
	v7 =	vsel vm1, $0x17, v7;
	vm1 =	vgt.f32 v59, v1;
	v3 =	vsel vm12, v59, v3  }
0x60: {  	v2 =	vsel vm12, $0x18, v2;
	v3 =	vsel vm1, v1, v3  }
0x61: {  	v2 =	vsel vm1, v7, v2;
	v1 =	vsel vm1, v59, v1;
	vm13 =	vgt.f32 v60, v3  }
0x62: {  	v62 =	vld [tilespmem:s21+$0xFFFFFD80];
	v7 =	vsel vm1, $0x18, v7;
	vm1 =	vgt.f32 v60, v1;
	v3 =	vsel vm13, v60, v3  }
0x63: {  	v2 =	vsel vm13, $0x19, v2;
	v3 =	vsel vm1, v1, v3  }
0x64: {  	v2 =	vsel vm1, v7, v2;
	v1 =	vsel vm1, v60, v1;
	vm14 =	vgt.f32 v61, v3  }
0x65: {  	v63 =	vld [tilespmem:s21+$0xFFFFFE00];
	v7 =	vsel vm1, $0x19, v7;
	vm1 =	vgt.f32 v61, v1;
	v3 =	vsel vm14, v61, v3  }
0x66: {  	v2 =	vsel vm14, $0x1A, v2;
	v3 =	vsel vm1, v1, v3  }
0x67: {  	v2 =	vsel vm1, v7, v2;
	v1 =	vsel vm1, v61, v1;
	vm15 =	vgt.f32 v62, v3  }
0x68: {  	v9 =	vld [tilespmem:s21+$0xFFFFFE80];
	v7 =	vsel vm1, $0x1A, v7;
	vm1 =	vgt.f32 v62, v1;
	v3 =	vsel vm15, v62, v3  }
0x69: {  	v2 =	vsel vm15, $0x1B, v2;
	v3 =	vsel vm1, v1, v3  }
0x6a: {  	v2 =	vsel vm1, v7, v2;
	v1 =	vsel vm1, v62, v1;
	vm4 =	vgt.f32 v63, v3  }
0x6b: {  	v10 =	vld [tilespmem:s21+$0xFFFFFF00];
	v7 =	vsel vm1, $0x1B, v7;
	vm1 =	vgt.f32 v63, v1;
	v3 =	vsel vm4, v63, v3  }
0x6c: {  	v2 =	vsel vm4, $0x1C, v2;
	v3 =	vsel vm1, v1, v3  }
0x6d: {  	v2 =	vsel vm1, v7, v2;
	v1 =	vsel vm1, v63, v1;
	vm5 =	vgt.f32 v9, v3  }
0x6e: {  	v11 =	vld [tilespmem:s21+$0xFFFFFF80];
	v7 =	vsel vm1, $0x1C, v7;
	vm1 =	vgt.f32 v9, v1;
	v3 =	vsel vm5, v9, v3  }
0x6f: {  	v2 =	vsel vm5, $0x1D, v2;
	v3 =	vsel vm1, v1, v3  }
0x70: {  	v2 =	vsel vm1, v7, v2;
	v1 =	vsel vm1, v9, v1;
	vm6 =	vgt.f32 v10, v3  }
0x71: {  	v12 =	vld [tilespmem:s21+$0x0];
	v7 =	vsel vm1, $0x1D, v7;
	vm1 =	vgt.f32 v10, v1;
	v3 =	vsel vm6, v10, v3  }
0x72: {  	v2 =	vsel vm6, $0x1E, v2;
	v3 =	vsel vm1, v1, v3  }
0x73: {  	v2 =	vsel vm1, v7, v2;
	v1 =	vsel vm1, v10, v1;
	vm7 =	vgt.f32 v11, v3  }
0x74: {  	v13 =	vld [tilespmem:s21+$0x80];
	v7 =	vsel vm1, $0x1E, v7;
	vm1 =	vgt.f32 v11, v1;
	v3 =	vsel vm7, v11, v3  }
0x75: {  	v2 =	vsel vm7, $0x1F, v2;
	v3 =	vsel vm1, v1, v3  }
0x76: {  	v2 =	vsel vm1, v7, v2;
	v1 =	vsel vm1, v11, v1;
	vm8 =	vgt.f32 v12, v3  }
0x77: {  	v14 =	vld [tilespmem:s21+$0x100];
	v7 =	vsel vm1, $0x1F, v7;
	vm1 =	vgt.f32 v12, v1;
	v3 =	vsel vm8, v12, v3  }
0x78: {  	v2 =	vsel vm8, $0x20, v2;
	v3 =	vsel vm1, v1, v3  }
0x79: {  	v2 =	vsel vm1, v7, v2;
	v1 =	vsel vm1, v12, v1;
	vm9 =	vgt.f32 v13, v3  }
0x7a: {  	v15 =	vld [tilespmem:s21+$0x180];
	v7 =	vsel vm1, $0x20, v7;
	vm1 =	vgt.f32 v13, v1;
	v3 =	vsel vm9, v13, v3  }
0x7b: {  	v2 =	vsel vm9, $0x21, v2;
	v3 =	vsel vm1, v1, v3  }
0x7c: {  	v2 =	vsel vm1, v7, v2;
	v1 =	vsel vm1, v13, v1;
	vm10 =	vgt.f32 v14, v3  }
0x7d: {  	v16 =	vld [tilespmem:s21+$0x200];
	v7 =	vsel vm1, $0x21, v7;
	vm1 =	vgt.f32 v14, v1;
	v3 =	vsel vm10, v14, v3  }
0x7e: {  	v2 =	vsel vm10, $0x22, v2;
	v3 =	vsel vm1, v1, v3  }
0x7f: {  	v2 =	vsel vm1, v7, v2;
	v1 =	vsel vm1, v14, v1;
	vm11 =	vgt.f32 v15, v3  }
0x80: {  	v17 =	vld [tilespmem:s21+$0x280];
	v7 =	vsel vm1, $0x22, v7;
	vm1 =	vgt.f32 v15, v1;
	v3 =	vsel vm11, v15, v3  }
0x81: {  	v2 =	vsel vm11, $0x23, v2;
	v3 =	vsel vm1, v1, v3  }
0x82: {  	v2 =	vsel vm1, v7, v2;
	v1 =	vsel vm1, v15, v1;
	vm12 =	vgt.f32 v16, v3  }
0x83: {  	v18 =	vld [tilespmem:s21+$0x300];
	v7 =	vsel vm1, $0x23, v7;
	vm1 =	vgt.f32 v16, v1;
	v3 =	vsel vm12, v16, v3  }
0x84: {  	v2 =	vsel vm12, $0x24, v2;
	v3 =	vsel vm1, v1, v3  }
0x85: {  	v2 =	vsel vm1, v7, v2;
	v1 =	vsel vm1, v16, v1;
	vm13 =	vgt.f32 v17, v3  }
0x86: {  	v19 =	vld [tilespmem:s21+$0x380];
	v7 =	vsel vm1, $0x24, v7;
	vm1 =	vgt.f32 v17, v1;
	v3 =	vsel vm13, v17, v3  }
0x87: {  	v2 =	vsel vm13, $0x25, v2;
	v3 =	vsel vm1, v1, v3  }
0x88: {  	v2 =	vsel vm1, v7, v2;
	v1 =	vsel vm1, v17, v1;
	vm14 =	vgt.f32 v18, v3  }
0x89: {  	v20 =	vld [tilespmem:s21+$0x400];
	v7 =	vsel vm1, $0x25, v7;
	vm1 =	vgt.f32 v18, v1;
	v3 =	vsel vm14, v18, v3  }
0x8a: {  	v2 =	vsel vm14, $0x26, v2;
	v3 =	vsel vm1, v1, v3  }
0x8b: {  	v2 =	vsel vm1, v7, v2;
	v1 =	vsel vm1, v18, v1;
	vm15 =	vgt.f32 v19, v3  }
0x8c: {  	v21 =	vld [tilespmem:s21+$0x480];
	v7 =	vsel vm1, $0x26, v7;
	vm1 =	vgt.f32 v19, v1;
	v3 =	vsel vm15, v19, v3  }
0x8d: {  	v63 =	vimm.s32 $0x0;
	v2 =	vsel vm15, $0x27, v2;
	v3 =	vsel vm1, v1, v3  }
0x8e: {  	v8 =	vld [tilespmem:s21+$0xFFFFF090];
	v2 =	vsel vm1, v7, v2;
	v1 =	vsel vm1, v19, v1;
	vm4 =	vgt.f32 v20, v3  }
0x8f: {  	v22 =	vld [tilespmem:s21+$0x500];
	v7 =	vsel vm1, $0x27, v7;
	vm1 =	vgt.f32 v20, v1;
	v3 =	vsel vm4, v20, v3  }
0x90: {  	v14 =	vimm.s32 $0x0;
	v2 =	vsel vm4, $0x28, v2;
	v3 =	vsel vm1, v1, v3  }
0x91: {  	v2 =	vsel vm1, v7, v2;
	v1 =	vsel vm1, v20, v1;
	vm5 =	vgt.f32 v21, v3  }
0x92: {  	v23 =	vld [tilespmem:s21+$0x580];
	v7 =	vsel vm1, $0x28, v7;
	vm1 =	vgt.f32 v21, v1;
	v3 =	vsel vm5, v21, v3  }
0x93: {  	vm13 =	vlt.f32 v8, $-Inf;
	v2 =	vsel vm5, $0x29, v2;
	v3 =	vsel vm1, v1, v3  }
0x94: {  	v2 =	vsel vm1, v7, v2;
	v1 =	vsel vm1, v21, v1;
	vm6 =	vgt.f32 v22, v3  }
0x95: {  	v24 =	vld [tilespmem:s21+$0x600];
	v7 =	vsel vm1, $0x29, v7;
	vm1 =	vgt.f32 v22, v1;
	v3 =	vsel vm6, v22, v3  }
0x96: {  	v18 =	vimm.s32 $0x0;
	v2 =	vsel vm6, $0x2A, v2;
	v3 =	vsel vm1, v1, v3  }
0x97: {  	v2 =	vsel vm1, v7, v2;
	v1 =	vsel vm1, v22, v1;
	vm7 =	vgt.f32 v23, v3  }
0x98: {  	v25 =	vld [tilespmem:s21+$0x680];
	v7 =	vsel vm1, $0x2A, v7;
	vm1 =	vgt.f32 v23, v1;
	v3 =	vsel vm7, v23, v3  }
0x99: {  	vm4 =	vgt.f32 v8, $-Inf;
	v2 =	vsel vm7, $0x2B, v2;
	v3 =	vsel vm1, v1, v3  }
0x9a: {  	v2 =	vsel vm1, v7, v2;
	v1 =	vsel vm1, v23, v1;
	vm8 =	vgt.f32 v24, v3  }
0x9b: {  	v26 =	vld [tilespmem:s21+$0x700];
	v7 =	vsel vm1, $0x2B, v7;
	vm1 =	vgt.f32 v24, v1;
	v3 =	vsel vm8, v24, v3  }
0x9c: {  	vm0 =	vmor vm4, vm13;
	v2 =	vsel vm8, $0x2C, v2;
	v3 =	vsel vm1, v1, v3  }
0x9d: {  	v2 =	vsel vm1, v7, v2;
	v1 =	vsel vm1, v24, v1;
	vm9 =	vgt.f32 v25, v3  }
0x9e: {  	v28 =	vld [tilespmem:s21+$0xFFFFF010];
	v7 =	vsel vm1, $0x2C, v7;
	vm1 =	vgt.f32 v25, v1;
	v3 =	vsel vm9, v25, v3  }
0x9f: {  	v27 =	vld [tilespmem:s21+$0x780];
	v10 =	vnsel vm0, $0xFF800000, v8;
	v2 =	vsel vm9, $0x2D, v2;
	v3 =	vsel vm1, v1, v3  }
0xa0: {  	v2 =	vsel vm1, v7, v2;
	v1 =	vsel vm1, v25, v1;
	vm10 =	vgt.f32 v26, v3  }
0xa1: {  	v7 =	vsel vm1, $0x2D, v7;
	vm1 =	vgt.f32 v26, v1;
	v2 =	vsel vm10, $0x2E, v2  }
0xa2: {  	v3 =	vsel vm10, v26, v3;
	v29 =	vsel vm1, $0x2E, v7;
	v2 =	vsel vm1, v7, v2  }
0xa3: {  	v30 =	vld [tilespmem:s21+$0xFFFFF110];
	v3 =	vsel vm1, v1, v3;
	v1 =	vsel vm1, v26, v1;
	vm1 =	vgt.f32 v8, v28  }
0xa4: {  	v9 =	vld [tilespmem:s21+$0x800];
	vm11 =	vgt.f32 v27, v1;
	vm12 =	vgt.f32 v27, v3;
	vm6 =	vmneg vm1  }
0xa5: {  	v12 =	vsel vm1, $0x1, v0;
	v2 =	vsel vm12, $0x2F, v2;
	v3 =	vsel vm12, v27, v3  }
0xa6: {  	v6 =	vsel vm11, $0x2F, v29;
	v10 =	vsel vm6, v10, v28;
	v31 =	vsel vm6, v28, v8  }
0xa7: {  	v11 =	vld [tilespmem:s21+$0xFFFFF190];
	vm12 =	vmand vm6, vm0;
	v2 =	vsel vm11, v29, v2;
	v3 =	vsel vm11, v1, v3  }
0xa8: {  	v1 =	vsel vm11, v27, v1;
	vm7 =	vgt.f32 v30, v10;
	vm2 =	vgt.f32 v30, v31  }
0xa9: {  	v40 =	vsel vm12, $0x1, v0;
	vm14 =	vgt.f32 v9, v3;
	v32 =	vsel vm7, v30, v10  }
0xaa: {  	v34 =	vld [tilespmem:s21+$0x880];
	vm15 =	vgt.f32 v9, v1;
	v4 =	vsel vm2, v30, v31;
	v41 =	vsel vm7, $0x2, v40  }
0xab: {  	v2 =	vsel vm14, $0x30, v2;
	v5 =	vsel vm2, v31, v32;
	v3 =	vsel vm14, v9, v3  }
0xac: {  	vm3 =	vgt.f32 v11, v4;
	v2 =	vsel vm15, v6, v2;
	vm8 =	vgt.f32 v11, v5  }
0xad: {  	v33 =	vld [tilespmem:s21+$0xFFFFF210];
	v3 =	vsel vm15, v1, v3;
	v6 =	vsel vm15, $0x30, v6;
	v1 =	vsel vm15, v9, v1  }
0xae: {  	v9 =	vsel vm2, v12, v41;
	v12 =	vsel vm2, $0x2, v12;
	v5 =	vsel vm8, v11, v5  }
0xaf: {  	v37 =	vld [tilespmem:s21+$0x900];
	vm5 =	vgt.f32 v34, v3;
	vm11 =	vgt.f32 v34, v1;
	v43 =	vsel vm8, $0x3, v9  }
0xb0: {  	v5 =	vsel vm3, v4, v5;
	v4 =	vsel vm3, v11, v4;
	v2 =	vsel vm5, $0x31, v2  }
0xb1: {  	v3 =	vsel vm5, v34, v3;
	v8 =	vsel vm3, v12, v43;
	v12 =	vsel vm3, $0x3, v12  }
0xb2: {  	v35 =	vld [tilespmem:s21+$0xFFFFF290];
	vm9 =	vgt.f32 v33, v5;
	vm4 =	vgt.f32 v33, v4;
	v2 =	vsel vm11, v6, v2  }
0xb3: {  	v3 =	vsel vm11, v1, v3;
	v6 =	vsel vm11, $0x31, v6;
	v1 =	vsel vm11, v34, v1  }
0xb4: {  	v5 =	vsel vm9, v33, v5;
	vm0 =	vgt.f32 v37, v1;
	vm13 =	vgt.f32 v37, v3  }
0xb5: {  	v13 =	vld [tilespmem:s21+$0x980];
	v45 =	vsel vm9, $0x4, v8;
	v5 =	vsel vm4, v4, v5;
	v4 =	vsel vm4, v33, v4  }
0xb6: {  	v2 =	vsel vm13, $0x32, v2;
	v7 =	vsel vm4, v12, v45;
	v12 =	vsel vm4, $0x4, v12  }
0xb7: {  	v36 =	vld [tilespmem:s21+$0xFFFFF310];
	v3 =	vsel vm13, v37, v3;
	vm10 =	vgt.f32 v35, v5;
	vm5 =	vgt.f32 v35, v4  }
0xb8: {  	v2 =	vsel vm0, v6, v2;
	v3 =	vsel vm0, v1, v3;
	v6 =	vsel vm0, $0x32, v6  }
0xb9: {  	v1 =	vsel vm0, v37, v1;
	v5 =	vsel vm10, v35, v5;
	v7 =	vsel vm10, $0x5, v7  }
0xba: {  	v59 =	vld [tilespmem:s21+$0xA00];
	vm0 =	vgt.f32 v13, v1;
	vm15 =	vgt.f32 v13, v3;
	v5 =	vsel vm5, v4, v5  }
0xbb: {  	v38 =	vld [tilespmem:s21+$0xFFFFF390];
	v4 =	vsel vm5, v35, v4;
	v7 =	vsel vm5, v12, v7;
	v12 =	vsel vm5, $0x5, v12  }
0xbc: {  	v2 =	vsel vm15, $0x33, v2;
	v3 =	vsel vm15, v13, v3;
	vm11 =	vgt.f32 v36, v5  }
0xbd: {  	vm6 =	vgt.f32 v36, v4;
	v2 =	vsel vm0, v6, v2;
	v3 =	vsel vm0, v1, v3  }
0xbe: {  	v39 =	vld [tilespmem:s21+$0xFFFFF410];
	v6 =	vsel vm0, $0x33, v6;
	v1 =	vsel vm0, v13, v1;
	v5 =	vsel vm11, v36, v5  }
0xbf: {  	v7 =	vsel vm11, $0x6, v7;
	vm0 =	vgt.f32 v59, v3;
	v5 =	vsel vm6, v4, v5  }
0xc0: {  	v4 =	vsel vm6, v36, v4;
	v7 =	vsel vm6, v12, v7;
	vm12 =	vgt.f32 v38, v5  }
0xc1: {  	v42 =	vld [tilespmem:s21+$0xFFFFF490];
	v12 =	vsel vm6, $0x6, v12;
	vm1 =	vgt.f32 v38, v4;
	v5 =	vsel vm12, v38, v5  }
0xc2: {  	v2 =	vsel vm0, $0x34, v2;
	v3 =	vsel vm0, v59, v3;
	v5 =	vsel vm1, v4, v5  }
0xc3: {  	v7 =	vsel vm12, $0x7, v7;
	v4 =	vsel vm1, v38, v4;
	vm7 =	vgt.f32 v39, v5  }
0xc4: {  	v44 =	vld [tilespmem:s21+$0xFFFFF510];
	v7 =	vsel vm1, v12, v7;
	vm2 =	vgt.f32 v39, v4;
	v5 =	vsel vm7, v39, v5  }
0xc5: {  	v12 =	vsel vm1, $0x7, v12;
	v7 =	vsel vm7, $0x8, v7;
	v5 =	vsel vm2, v4, v5  }
0xc6: {  	v51 =	vsel vm2, $0x8, v12;
	v4 =	vsel vm2, v39, v4;
	vm8 =	vgt.f32 v42, v5  }
0xc7: {  	v46 =	vld [tilespmem:s21+$0xFFFFF590];
	v7 =	vsel vm2, v12, v7;
	vm3 =	vgt.f32 v42, v4;
	v5 =	vsel vm8, v42, v5  }
0xc8: {  	v39 =	vimm.s32 $0x0;
	v7 =	vsel vm8, $0x9, v7;
	v5 =	vsel vm3, v4, v5  }
0xc9: {  	v11 =	vsel vm3, $0x9, v51;
	v4 =	vsel vm3, v42, v4;
	vm9 =	vgt.f32 v44, v5  }
0xca: {  	v47 =	vld [tilespmem:s21+$0xFFFFF610];
	v7 =	vsel vm3, v51, v7;
	vm4 =	vgt.f32 v44, v4;
	v5 =	vsel vm9, v44, v5  }
0xcb: {  	v42 =	vimm.s32 $0x0;
	v51 =	vimm.s32 $0x0;
	v5 =	vsel vm4, v4, v5  }
0xcc: {  	v7 =	vsel vm9, $0xA, v7;
	v4 =	vsel vm4, v44, v4;
	vm10 =	vgt.f32 v46, v5  }
0xcd: {  	v48 =	vld [tilespmem:s21+$0xFFFFF690];
	v7 =	vsel vm4, v11, v7;
	vm5 =	vgt.f32 v46, v4;
	v5 =	vsel vm10, v46, v5  }
0xce: {  	v11 =	vsel vm4, $0xA, v11;
	v7 =	vsel vm10, $0xB, v7;
	v5 =	vsel vm5, v4, v5  }
0xcf: {  	v4 =	vsel vm5, v46, v4;
	v7 =	vsel vm5, v11, v7;
	vm11 =	vgt.f32 v47, v5  }
0xd0: {  	v49 =	vld [tilespmem:s21+$0xFFFFF710];
	v11 =	vsel vm5, $0xB, v11;
	vm6 =	vgt.f32 v47, v4;
	v5 =	vsel vm11, v47, v5  }
0xd1: {  	v46 =	vimm.s32 $0x0;
	v7 =	vsel vm11, $0xC, v7;
	v5 =	vsel vm6, v4, v5  }
0xd2: {  	v4 =	vsel vm6, v47, v4;
	v7 =	vsel vm6, v11, v7;
	vm12 =	vgt.f32 v48, v5  }
0xd3: {  	v50 =	vld [tilespmem:s21+$0xFFFFF790];
	v11 =	vsel vm6, $0xC, v11;
	vm7 =	vgt.f32 v48, v4;
	v5 =	vsel vm12, v48, v5  }
0xd4: {  	v47 =	vimm.s32 $0x0;
	v7 =	vsel vm12, $0xD, v7;
	v5 =	vsel vm7, v4, v5  }
0xd5: {  	v4 =	vsel vm7, v48, v4;
	v7 =	vsel vm7, v11, v7;
	vm13 =	vgt.f32 v49, v5  }
0xd6: {  	v52 =	vld [tilespmem:s21+$0xFFFFF810];
	v11 =	vsel vm7, $0xD, v11;
	vm8 =	vgt.f32 v49, v4;
	v5 =	vsel vm13, v49, v5  }
0xd7: {  	v7 =	vsel vm13, $0xE, v7;
	v5 =	vsel vm8, v4, v5;
	v4 =	vsel vm8, v49, v4  }
0xd8: {  	v7 =	vsel vm8, v11, v7;
	v11 =	vsel vm8, $0xE, v11;
	vm14 =	vgt.f32 v50, v5  }
0xd9: {  	v53 =	vld [tilespmem:s21+$0xFFFFF890];
	v49 =	vimm.s32 $0x0;
	vm1 =	vgt.f32 v50, v4;
	v5 =	vsel vm14, v50, v5  }
0xda: {  	v7 =	vsel vm14, $0xF, v7;
	v5 =	vsel vm1, v4, v5;
	v4 =	vsel vm1, v50, v4  }
0xdb: {  	v7 =	vsel vm1, v11, v7;
	v11 =	vsel vm1, $0xF, v11;
	vm9 =	vgt.f32 v52, v5  }
0xdc: {  	v54 =	vld [tilespmem:s21+$0xFFFFF910];
	v50 =	vimm.s32 $0x0;
	vm2 =	vgt.f32 v52, v4;
	v5 =	vsel vm9, v52, v5  }
0xdd: {  	v7 =	vsel vm9, $0x10, v7;
	vm9 =	vgt.f32 v59, v1;
	v5 =	vsel vm2, v4, v5  }
0xde: {  	v20 =	vld [tilespmem:s21+$0xA80];
	v4 =	vsel vm2, v52, v4;
	v7 =	vsel vm2, v11, v7;
	vm10 =	vgt.f32 v53, v5  }
0xdf: {  	v55 =	vld [tilespmem:s21+$0xFFFFF990];
	v11 =	vsel vm2, $0x10, v11;
	vm3 =	vgt.f32 v53, v4;
	v5 =	vsel vm10, v53, v5  }
0xe0: {  	v2 =	vsel vm9, v6, v2;
	v3 =	vsel vm9, v1, v3;
	v5 =	vsel vm3, v4, v5  }
0xe1: {  	v6 =	vsel vm9, $0x34, v6;
	v4 =	vsel vm3, v53, v4;
	vm11 =	vgt.f32 v54, v5  }
0xe2: {  	v56 =	vld [tilespmem:s21+$0xFFFFFA10];
	v12 =	vsel vm9, v59, v1;
	vm4 =	vgt.f32 v54, v4;
	v5 =	vsel vm11, v54, v5  }
0xe3: {  	vm0 =	vgt.f32 v20, v3;
	v7 =	vsel vm10, $0x11, v7;
	v5 =	vsel vm4, v4, v5  }
0xe4: {  	v2 =	vsel vm0, $0x35, v2;
	v4 =	vsel vm4, v54, v4;
	vm12 =	vgt.f32 v55, v5  }
0xe5: {  	v57 =	vld [tilespmem:s21+$0xFFFFFA90];
	v3 =	vsel vm0, v20, v3;
	vm5 =	vgt.f32 v55, v4;
	v5 =	vsel vm12, v55, v5  }
0xe6: {  	v7 =	vsel vm3, v11, v7;
	v11 =	vsel vm3, $0x11, v11;
	v5 =	vsel vm5, v4, v5  }
0xe7: {  	v53 =	vimm.s32 $0x0;
	v4 =	vsel vm5, v55, v4;
	vm13 =	vgt.f32 v56, v5  }
0xe8: {  	v58 =	vld [tilespmem:s21+$0xFFFFFB10];
	v7 =	vsel vm11, $0x12, v7;
	vm6 =	vgt.f32 v56, v4;
	v5 =	vsel vm13, v56, v5  }
0xe9: {  	v7 =	vsel vm4, v11, v7;
	v11 =	vsel vm4, $0x12, v11;
	v5 =	vsel vm6, v4, v5  }
0xea: {  	v54 =	vimm.s32 $0x0;
	v4 =	vsel vm6, v56, v4;
	vm14 =	vgt.f32 v57, v5  }
0xeb: {  	v60 =	vld [tilespmem:s21+$0xFFFFFB90];
	v7 =	vsel vm12, $0x13, v7;
	vm7 =	vgt.f32 v57, v4;
	v5 =	vsel vm14, v57, v5  }
0xec: {  	v7 =	vsel vm5, v11, v7;
	v11 =	vsel vm5, $0x13, v11;
	v5 =	vsel vm7, v4, v5  }
0xed: {  	v7 =	vsel vm13, $0x14, v7;
	v4 =	vsel vm7, v57, v4;
	vm15 =	vgt.f32 v58, v5  }
0xee: {  	v61 =	vld [tilespmem:s21+$0xFFFFFC10];
	v7 =	vsel vm6, v11, v7;
	vm8 =	vgt.f32 v58, v4;
	v5 =	vsel vm15, v58, v5  }
0xef: {  	v11 =	vsel vm6, $0x14, v11;
	v56 =	vimm.s32 $0x0;
	v5 =	vsel vm8, v4, v5  }
0xf0: {  	v7 =	vsel vm14, $0x15, v7;
	v4 =	vsel vm8, v58, v4;
	vm10 =	vgt.f32 v60, v5  }
0xf1: {  	v62 =	vld [tilespmem:s21+$0xFFFFFC90];
	v7 =	vsel vm7, v11, v7;
	vm1 =	vgt.f32 v60, v4;
	v5 =	vsel vm10, v60, v5  }
0xf2: {  	v11 =	vsel vm7, $0x15, v11;
	v7 =	vsel vm15, $0x16, v7;
	v5 =	vsel vm1, v4, v5  }
0xf3: {  	v7 =	vsel vm8, v11, v7;
	v4 =	vsel vm1, v60, v4;
	vm11 =	vgt.f32 v61, v5  }
0xf4: {  	v13 =	vld [tilespmem:s21+$0xFFFFFD10];
	v11 =	vsel vm8, $0x16, v11;
	vm2 =	vgt.f32 v61, v4;
	v5 =	vsel vm11, v61, v5  }
0xf5: {  	v7 =	vsel vm10, $0x17, v7;
	v8 =	vsel vm11, $0xFFFFFFFF, v63;
	v5 =	vsel vm2, v4, v5  }
0xf6: {  	v15 =	vld [tilespmem:s21+$0xFFFFFD90];
	v7 =	vsel vm1, v11, v7;
	[tilespmem:$0x1FCF0] =	vst v8;
	v4 =	vsel vm2, v61, v4;
	vm12 =	vgt.f32 v62, v5  }
0xf7: {  	v11 =	vsel vm1, $0x17, v11;
	vm3 =	vgt.f32 v62, v4;
	v21 =	vld [tilespmem:$0x1FCF0];
	v5 =	vsel vm12, v62, v5  }
0xf8: {  	v58 =	vimm.s32 $0x0;
	v23 =	vsel vm2, $0x18, v11;
	v5 =	vsel vm3, v4, v5  }
0xf9: {  	v10 =	vsel vm12, $0xFFFFFFFF, v14;
	v4 =	vsel vm3, v62, v4;
	vm11 =	vgt.f32 v13, v5  }
0xfa: {  	v61 =	vimm.s32 $0x0;
	[tilespmem:$0x1FD00] =	vst v10;
	vm4 =	vgt.f32 v13, v4;
	v5 =	vsel vm11, v13, v5  }
0xfb: {  	v14 =	vimm.s32 $0x0;
	v62 =	vimm.s32 $0x0;
	v24 =	vld [tilespmem:$0x1FD00];
	v5 =	vsel vm4, v4, v5  }
0xfc: {  	v16 =	vld [tilespmem:s21+$0xFFFFFE10];
	v4 =	vsel vm4, v13, v4;
	vm8 =	vnez.u8 v21;
	vm12 =	vgt.f32 v15, v5  }
0xfd: {  	vm5 =	vgt.f32 v15, v4;
	v7 =	vsel vm8, $0x18, v7;
	vm8 =	vgt.f32 v20, v12  }
0xfe: {  	v5 =	vsel vm12, v15, v5;
	v1 =	vsel vm2, v11, v7;
	v7 =	vsel vm3, $0x19, v23  }
0xff: {  	v3 =	vsel vm8, v12, v3;
	v12 =	vsel vm8, v20, v12;
	v20 =	vimm.s32 $0x0  }
0x100: {  	v17 =	vld [tilespmem:s21+$0xFFFFFE90];
	v5 =	vsel vm5, v4, v5;
	v4 =	vsel vm5, v15, v4;
	vm10 =	vnez.u8 v24  }
0x101: {  	v15 =	vimm.s32 $0x0;
	v24 =	vimm.s32 $0x0;
	vm15 =	vgt.f32 v16, v5  }
0x102: {  	vm6 =	vgt.f32 v16, v4;
	v1 =	vsel vm10, $0x19, v1;
	v10 =	vsel vm15, $0xFFFFFFFF, v18  }
0x103: {  	v19 =	vld [tilespmem:s21+$0xFFFFFF10];
	v5 =	vsel vm15, v16, v5;
	v1 =	vsel vm3, v23, v1;
	v18 =	vimm.s32 $0x0  }
0x104: {  	v23 =	vimm.s32 $0x0;
	[tilespmem:$0x1FD10] =	vst v10;
	v5 =	vsel vm6, v4, v5;
	v4 =	vsel vm6, v16, v4  }
0x105: {  	v1 =	vsel vm11, $0x1A, v1;
	vm13 =	vgt.f32 v17, v5;
	vm1 =	vgt.f32 v17, v4;
	v28 =	vld [tilespmem:$0x1FD10]  }
0x106: {  	v22 =	vld [tilespmem:s21+$0xFFFFFF90];
	v1 =	vsel vm4, v7, v1;
	v7 =	vsel vm4, $0x1A, v7;
	v5 =	vsel vm13, v17, v5  }
0x107: {  	v1 =	vsel vm12, $0x1B, v1;
	v5 =	vsel vm1, v4, v5;
	v4 =	vsel vm1, v17, v4  }
0x108: {  	v1 =	vsel vm5, v7, v1;
	v7 =	vsel vm5, $0x1B, v7;
	vm14 =	vgt.f32 v19, v5  }
0x109: {  	v17 =	vimm.s32 $0x0;
	vm7 =	vgt.f32 v19, v4;
	v5 =	vsel vm14, v19, v5  }
0x10a: {  	v25 =	vld [tilespmem:s21+$0x10];
	v5 =	vsel vm7, v4, v5;
	v4 =	vsel vm7, v19, v4;
	vm12 =	vnez.u8 v28  }
0x10b: {  	v28 =	vimm.s32 $0x0;
	vm15 =	vgt.f32 v22, v5;
	vm2 =	vgt.f32 v22, v4  }
0x10c: {  	v8 =	vsel vm12, $0x1C, v1;
	v1 =	vsel vm8, v6, v2;
	v5 =	vsel vm15, v22, v5  }
0x10d: {  	v26 =	vld [tilespmem:s21+$0x90];
	v2 =	vsel vm6, v7, v8;
	v7 =	vsel vm6, $0x1C, v7;
	v5 =	vsel vm2, v4, v5  }
0x10e: {  	v35 =	vld [tilespmem:s21+$0xB00];
	v4 =	vsel vm2, v22, v4;
	v2 =	vsel vm13, $0x1D, v2;
	v22 =	vimm.s32 $0x0  }
0x10f: {  	vm9 =	vgt.f32 v25, v5;
	vm3 =	vgt.f32 v25, v4;
	v2 =	vsel vm1, v7, v2  }
0x110: {  	v7 =	vsel vm1, $0x1D, v7;
	v5 =	vsel vm9, v25, v5;
	v2 =	vsel vm14, $0x1E, v2  }
0x111: {  	v5 =	vsel vm3, v4, v5;
	v4 =	vsel vm3, v25, v4;
	v2 =	vsel vm7, v7, v2  }
0x112: {  	v27 =	vld [tilespmem:s21+$0x110];
	v7 =	vsel vm7, $0x1E, v7;
	vm10 =	vgt.f32 v26, v5;
	vm4 =	vgt.f32 v26, v4  }
0x113: {  	v32 =	vsel vm15, $0x1F, v2;
	v2 =	vsel vm8, $0x35, v6;
	vm15 =	vgt.f32 v35, v3  }
0x114: {  	v5 =	vsel vm10, v26, v5;
	v34 =	vsel vm2, v7, v32;
	v7 =	vsel vm2, $0x1F, v7  }
0x115: {  	v13 =	vsel vm15, $0xFFFFFFFF, v39;
	v3 =	vsel vm15, v35, v3;
	v32 =	vimm.s32 $0x0  }
0x116: {  	v5 =	vsel vm4, v4, v5;
	v4 =	vsel vm4, v26, v4;
	v6 =	vsel vm9, $0x20, v34  }
0x117: {  	v29 =	vld [tilespmem:s21+$0x190];
	v26 =	vimm.s32 $0x0;
	v34 =	vimm.s32 $0x0;
	vm11 =	vgt.f32 v27, v5  }
0x118: {  	vm5 =	vgt.f32 v27, v4;
	v6 =	vsel vm3, v7, v6;
	v7 =	vsel vm3, $0x20, v7  }
0x119: {  	vm3 =	vgt.f32 v35, v12;
	v5 =	vsel vm11, v27, v5;
	v6 =	vsel vm10, $0x21, v6  }
0x11a: {  	[tilespmem:$0x1FD70] =	vst v13;
	v13 =	vsel vm3, $0xFFFFFFFF, v42;
	v3 =	vsel vm3, v12, v3;
	v42 =	vimm.s32 $0x0  }
0x11b: {  	v30 =	vld [tilespmem:s21+$0x210];
	v5 =	vsel vm5, v4, v5;
	v4 =	vsel vm5, v27, v4;
	v6 =	vsel vm4, v7, v6  }
0x11c: {  	v7 =	vsel vm4, $0x21, v7;
	vm12 =	vgt.f32 v29, v5;
	v6 =	vsel vm11, $0x22, v6  }
0x11d: {  	v43 =	vld [tilespmem:s21+$0xB80];
	vm6 =	vgt.f32 v29, v4;
	v5 =	vsel vm12, v29, v5;
	v6 =	vsel vm5, v7, v6  }
0x11e: {  	v7 =	vsel vm5, $0x22, v7;
	v5 =	vsel vm6, v4, v5;
	v4 =	vsel vm6, v29, v4  }
0x11f: {  	v31 =	vld [tilespmem:s21+$0x290];
	v6 =	vsel vm12, $0x23, v6;
	vm12 =	vmmov vm3;
	v29 =	vimm.s32 $0x0  }
0x120: {  	vm13 =	vgt.f32 v30, v5;
	vm1 =	vgt.f32 v30, v4;
	v6 =	vsel vm6, v7, v6  }
0x121: {  	v7 =	vsel vm6, $0x23, v7;
	v10 =	vsel vm12, v35, v12;
	v5 =	vsel vm13, v30, v5  }
0x122: {  	v6 =	vsel vm13, $0x24, v6;
	vm13 =	vgt.f32 v43, v3;
	v5 =	vsel vm1, v4, v5  }
0x123: {  	v33 =	vld [tilespmem:s21+$0x310];
	v4 =	vsel vm1, v30, v4;
	v6 =	vsel vm1, v7, v6;
	v7 =	vsel vm1, $0x24, v7  }
0x124: {  	v12 =	vsel vm13, $0xFFFFFFFF, v49;
	v3 =	vsel vm13, v43, v3;
	vm14 =	vgt.f32 v31, v5  }
0x125: {  	v49 =	vimm.s32 $0x0;
	vm7 =	vgt.f32 v31, v4;
	v5 =	vsel vm14, v31, v5  }
0x126: {  	v57 =	vld [tilespmem:s21+$0xC00];
	v6 =	vsel vm14, $0x25, v6;
	v5 =	vsel vm7, v4, v5;
	v4 =	vsel vm7, v31, v4  }
0x127: {  	v36 =	vld [tilespmem:s21+$0x390];
	v6 =	vsel vm7, v7, v6;
	v7 =	vsel vm7, $0x25, v7;
	vm7 =	vgt.f32 v43, v10  }
0x128: {  	v31 =	vimm.s32 $0x0;
	vm0 =	vgt.f32 v33, v5;
	vm8 =	vgt.f32 v33, v4  }
0x129: {  	[tilespmem:$0x1FE10] =	vst v12;
	v12 =	vsel vm7, $0xFFFFFFFF, v56;
	v3 =	vsel vm7, v10, v3;
	v10 =	vsel vm7, v43, v10  }
0x12a: {  	v37 =	vld [tilespmem:s21+$0x410];
	v56 =	vimm.s32 $0x0;
	v5 =	vsel vm0, v33, v5;
	v6 =	vsel vm0, $0x26, v6  }
0x12b: {  	vm13 =	vgt.f32 v57, v3;
	v5 =	vsel vm8, v4, v5;
	v4 =	vsel vm8, v33, v4  }
0x12c: {  	v6 =	vsel vm8, v7, v6;
	v7 =	vsel vm8, $0x26, v7;
	vm9 =	vgt.f32 v36, v5  }
0x12d: {  	v38 =	vld [tilespmem:s21+$0x490];
	v3 =	vsel vm13, v57, v3;
	vm4 =	vgt.f32 v36, v4;
	v5 =	vsel vm9, v36, v5  }
0x12e: {  	v6 =	vsel vm9, $0x27, v6;
	v5 =	vsel vm4, v4, v5;
	v4 =	vsel vm4, v36, v4  }
0x12f: {  	v6 =	vsel vm4, v7, v6;
	v7 =	vsel vm4, $0x27, v7;
	vm10 =	vgt.f32 v37, v5  }
0x130: {  	v40 =	vld [tilespmem:s21+$0x510];
	v36 =	vimm.s32 $0x0;
	vm5 =	vgt.f32 v37, v4;
	v5 =	vsel vm10, v37, v5  }
0x131: {  	v6 =	vsel vm10, $0x28, v6;
	v5 =	vsel vm5, v4, v5;
	v4 =	vsel vm5, v37, v4  }
0x132: {  	v6 =	vsel vm5, v7, v6;
	v7 =	vsel vm5, $0x28, v7;
	vm6 =	vgt.f32 v38, v5  }
0x133: {  	v41 =	vld [tilespmem:s21+$0x590];
	v37 =	vimm.s32 $0x0;
	vm2 =	vgt.f32 v38, v4;
	v5 =	vsel vm6, v38, v5  }
0x134: {  	v6 =	vsel vm6, $0x29, v6;
	v5 =	vsel vm2, v4, v5;
	v4 =	vsel vm2, v38, v4  }
0x135: {  	v6 =	vsel vm2, v7, v6;
	v7 =	vsel vm2, $0x29, v7;
	vm11 =	vgt.f32 v40, v5  }
0x136: {  	v44 =	vld [tilespmem:s21+$0x610];
	v38 =	vimm.s32 $0x0;
	vm3 =	vgt.f32 v40, v4;
	v5 =	vsel vm11, v40, v5  }
0x137: {  	v6 =	vsel vm11, $0x2A, v6;
	v5 =	vsel vm3, v4, v5;
	v4 =	vsel vm3, v40, v4  }
0x138: {  	v6 =	vsel vm3, v7, v6;
	v7 =	vsel vm3, $0x2A, v7;
	vm1 =	vgt.f32 v41, v5  }
0x139: {  	v45 =	vld [tilespmem:s21+$0x690];
	v40 =	vimm.s32 $0x0;
	vm0 =	vgt.f32 v41, v4;
	v5 =	vsel vm1, v41, v5  }
0x13a: {  	v6 =	vsel vm1, $0x2B, v6;
	v5 =	vsel vm0, v4, v5;
	v4 =	vsel vm0, v41, v4  }
0x13b: {  	v6 =	vsel vm0, v7, v6;
	v7 =	vsel vm0, $0x2B, v7;
	vm15 =	vgt.f32 v44, v5  }
0x13c: {  	v48 =	vld [tilespmem:s21+$0x710];
	vm12 =	vgt.f32 v44, v4;
	v9 =	vsel vm15, $0xFFFFFFFF, v46;
	v5 =	vsel vm15, v44, v5  }
0x13d: {  	v46 =	vimm.s32 $0x0;
	[tilespmem:$0x1FD20] =	vst v9;
	v9 =	vsel vm12, $0xFFFFFFFF, v47;
	v5 =	vsel vm12, v4, v5  }
0x13e: {  	v4 =	vsel vm12, v44, v4;
	v44 =	vimm.s32 $0x0;
	vm14 =	vgt.f32 v45, v5  }
0x13f: {  	v60 =	vld [tilespmem:s21+$0xC80];
	vm15 =	vgt.f32 v45, v4;
	v11 =	vsel vm14, $0xFFFFFFFF, v50;
	v5 =	vsel vm14, v45, v5  }
0x140: {  	[tilespmem:$0x1FD40] =	vst v11;
	v11 =	vsel vm15, $0xFFFFFFFF, v51;
	v5 =	vsel vm15, v4, v5;
	v4 =	vsel vm15, v45, v4  }
0x141: {  	vm15 =	vgt.f32 v57, v10;
	v51 =	vimm.s32 $0x0;
	vm9 =	vgt.f32 v48, v5  }
0x142: {  	v52 =	vld [tilespmem:s21+$0x790];
	vm4 =	vgt.f32 v48, v4;
	v3 =	vsel vm15, v10, v3;
	v10 =	vsel vm15, v57, v10  }
0x143: {  	v57 =	vimm.s32 $0x0;
	v8 =	vsel vm9, $0xFFFFFFFF, v53;
	v5 =	vsel vm9, v48, v5  }
0x144: {  	vm9 =	vgt.f32 v60, v3;
	vm2 =	vgt.f32 v60, v10;
	v53 =	vimm.s32 $0x0  }
0x145: {  	v55 =	vld [tilespmem:s21+$0x810];
	[tilespmem:$0x1FD60] =	vst v8;
	v8 =	vsel vm4, $0xFFFFFFFF, v54;
	v5 =	vsel vm4, v4, v5;
	v4 =	vsel vm4, v48, v4  }
0x146: {  	v15 =	vsel vm9, $0xFFFFFFFF, v15;
	v3 =	vsel vm9, v60, v3;
	v48 =	vimm.s32 $0x0  }
0x147: {  	v54 =	vimm.s32 $0x0;
	vm10 =	vgt.f32 v52, v5;
	vm11 =	vgt.f32 v52, v4  }
0x148: {  	v59 =	vld [tilespmem:s21+$0x890];
	[tilespmem:$0x1FD30] =	vst v9;
	v3 =	vsel vm2, v10, v3;
	v10 =	vsel vm2, v60, v10;
	v5 =	vsel vm10, v52, v5  }
0x149: {  	v19 =	vld [tilespmem:s21+$0xD00];
	[tilespmem:$0x1FD50] =	vst v11;
	v60 =	vimm.s32 $0x0;
	v9 =	vsel vm10, $0xFFFFFFFF, v58;
	v5 =	vsel vm11, v4, v5  }
0x14a: {  	v14 =	vsel vm11, $0xFFFFFFFF, v14;
	[tilespmem:$0x1FD90] =	vst v9;
	v4 =	vsel vm11, v52, v4;
	vm12 =	vgt.f32 v55, v5  }
0x14b: {  	[tilespmem:$0x1FDA0] =	vst v14;
	v9 =	vsel vm2, $0xFFFFFFFF, v23;
	vm14 =	vgt.f32 v55, v4;
	v11 =	vsel vm12, $0xFFFFFFFF, v61  }
0x14c: {  	v5 =	vsel vm12, v55, v5;
	v14 =	vsel vm14, $0xFFFFFFFF, v17;
	[tilespmem:$0x1FDB0] =	vst v11;
	v11 =	vsel vm13, $0xFFFFFFFF, v62  }
0x14d: {  	v63 =	vld [tilespmem:s21+$0x910];
	[tilespmem:$0x1FDC0] =	vst v14;
	v5 =	vsel vm14, v4, v5;
	v14 =	vsel vm15, $0xFFFFFFFF, v18;
	v4 =	vsel vm14, v55, v4  }
0x14e: {  	[tilespmem:$0x1FDE0] =	vst v13;
	v27 =	vld [tilespmem:s21+$0xD80];
	vm13 =	vgt.f32 v19, v3;
	vm15 =	vgt.f32 v19, v10;
	vm8 =	vgt.f32 v59, v5  }
0x14f: {  	[tilespmem:$0x1FE40] =	vst v12;
	vm10 =	vgt.f32 v59, v4;
	v13 =	vsel vm13, $0xFFFFFFFF, v28;
	v3 =	vsel vm13, v19, v3  }
0x150: {  	[tilespmem:$0x1FD80] =	vst v8;
	v61 =	vld [tilespmem:$0x1FD30];
	v8 =	vsel vm8, $0xFFFFFFFF, v20;
	v5 =	vsel vm8, v59, v5;
	v12 =	vsel vm10, $0xFFFFFFFF, v22  }
0x151: {  	[tilespmem:$0x1FEC0] =	vst v13;
	v13 =	vsel vm15, $0xFFFFFFFF, v31;
	v3 =	vsel vm15, v10, v3;
	v10 =	vsel vm15, v19, v10  }
0x152: {  	v21 =	vld [tilespmem:s21+$0x990];
	v20 =	vimm.s32 $0x0;
	v5 =	vsel vm10, v4, v5;
	v4 =	vsel vm10, v59, v4  }
0x153: {  	v33 =	vld [tilespmem:s21+$0xE00];
	[tilespmem:$0x1FEB0] =	vst v9;
	vm7 =	vgt.f32 v27, v3;
	vm8 =	vgt.f32 v27, v10;
	vm11 =	vgt.f32 v63, v5  }
0x154: {  	[tilespmem:$0x1FE80] =	vst v14;
	vm12 =	vgt.f32 v63, v4;
	v14 =	vsel vm7, $0xFFFFFFFF, v36;
	v3 =	vsel vm7, v27, v3  }
0x155: {  	[tilespmem:$0x1FDF0] =	vst v12;
	vm0 =	vnez.u8 v61;
	v9 =	vsel vm11, $0xFFFFFFFF, v24;
	v5 =	vsel vm11, v63, v5  }
0x156: {  	v12 =	vsel vm12, $0xFFFFFFFF, v26;
	[tilespmem:$0x1FF00] =	vst v14;
	v14 =	vsel vm8, $0xFFFFFFFF, v37;
	v3 =	vsel vm8, v10, v3  }
0x157: {  	v41 =	vld [tilespmem:s21+$0xE80];
	v10 =	vsel vm8, v27, v10;
	v5 =	vsel vm12, v4, v5;
	v4 =	vsel vm12, v63, v4  }
0x158: {  	v25 =	vld [tilespmem:s21+$0xA10];
	[tilespmem:$0x1FE60] =	vst v11;
	vm10 =	vgt.f32 v33, v3;
	vm12 =	vgt.f32 v33, v10;
	vm14 =	vgt.f32 v21, v5  }
0x159: {  	[tilespmem:$0x1FF20] =	vst v14;
	vm3 =	vgt.f32 v21, v4;
	v14 =	vsel vm10, $0xFFFFFFFF, v40;
	v3 =	vsel vm10, v33, v3  }
0x15a: {  	v30 =	vld [tilespmem:s21+$0xA90];
	[tilespmem:$0x1FEE0] =	vst v13;
	v11 =	vsel vm14, $0xFFFFFFFF, v29;
	v5 =	vsel vm14, v21, v5;
	v13 =	vsel vm3, $0xFFFFFFFF, v32  }
0x15b: {  	v59 =	vld [tilespmem:$0x1FD20];
	[tilespmem:$0x1FF30] =	vst v14;
	v14 =	vsel vm12, $0xFFFFFFFF, v44;
	v3 =	vsel vm12, v10, v3;
	v10 =	vsel vm12, v33, v10  }
0x15c: {  	v45 =	vld [tilespmem:s21+$0xF00];
	v5 =	vsel vm3, v4, v5;
	v4 =	vsel vm3, v21, v4;
	vm4 =	vgt.f32 v41, v3  }
0x15d: {  	[tilespmem:$0x1FDD0] =	vst v8;
	vm5 =	vgt.f32 v41, v10;
	vm6 =	vgt.f32 v25, v5;
	vm15 =	vgt.f32 v25, v4  }
0x15e: {  	[tilespmem:$0x1FE50] =	vst v13;
	v13 =	vsel vm4, $0xFFFFFFFF, v48;
	v3 =	vsel vm4, v41, v3;
	v8 =	vsel vm6, $0xFFFFFFFF, v34  }
0x15f: {  	v35 =	vld [tilespmem:s21+$0xB10];
	v5 =	vsel vm6, v25, v5;
	[tilespmem:$0x1FF60] =	vst v13;
	v13 =	vsel vm5, $0xFFFFFFFF, v49;
	v3 =	vsel vm5, v10, v3  }
0x160: {  	v10 =	vsel vm5, v41, v10;
	vm5 =	vnez.u8 v59;
	v5 =	vsel vm15, v4, v5  }
0x161: {  	v18 =	vld [tilespmem:$0x1FD70];
	v4 =	vsel vm15, v25, v4;
	vm7 =	vgt.f32 v45, v3;
	vm9 =	vgt.f32 v30, v5  }
0x162: {  	v39 =	vld [tilespmem:s21+$0xB90];
	v6 =	vsel vm5, $0x2C, v6;
	vm13 =	vgt.f32 v30, v4;
	v5 =	vsel vm9, v30, v5  }
0x163: {  	[tilespmem:$0x1FE90] =	vst v15;
	v15 =	vsel vm7, $0xFFFFFFFF, v53;
	v3 =	vsel vm7, v45, v3;
	v5 =	vsel vm13, v4, v5  }
0x164: {  	v6 =	vsel vm0, v7, v6;
	v4 =	vsel vm13, v30, v4;
	vm11 =	vgt.f32 v35, v5  }
0x165: {  	v43 =	vld [tilespmem:s21+$0xC10];
	[tilespmem:$0x1FE30] =	vst v11;
	v11 =	vsel vm11, $0xFFFFFFFF, v42;
	v5 =	vsel vm11, v35, v5;
	vm11 =	vgt.f32 v35, v4  }
0x166: {  	v50 =	vld [tilespmem:s21+$0xF80];
	v7 =	vsel vm0, $0x2C, v7;
	vm0 =	vnez.u8 v18;
	v5 =	vsel vm11, v4, v5  }
0x167: {  	[tilespmem:$0x1FE00] =	vst v9;
	v9 =	vsel vm9, $0xFFFFFFFF, v38;
	v4 =	vsel vm11, v35, v4;
	vm14 =	vgt.f32 v39, v5  }
0x168: {  	[tilespmem:$0x1FE70] =	vst v8;
	vm10 =	vgt.f32 v39, v4;
	v8 =	vsel vm14, $0xFFFFFFFF, v46;
	v5 =	vsel vm14, v39, v5  }
0x169: {  	v47 =	vld [tilespmem:s21+$0xC90];
	vm14 =	vgt.f32 v45, v10;
	v5 =	vsel vm10, v4, v5;
	v4 =	vsel vm10, v39, v4  }
0x16a: {  	v3 =	vsel vm14, v10, v3;
	v10 =	vsel vm14, v45, v10;
	vm6 =	vgt.f32 v43, v5  }
0x16b: {  	vm9 =	vgt.f32 v43, v4;
	vm12 =	vgt.f32 v50, v3;
	v5 =	vsel vm6, v43, v5  }
0x16c: {  	v52 =	vld [tilespmem:s21+$0xD10];
	[tilespmem:$0x1FE20] =	vst v12;
	v12 =	vsel vm12, $0xFFFFFFFF, v56;
	v3 =	vsel vm12, v50, v3;
	vm12 =	vgt.f32 v50, v10  }
0x16d: {  	v5 =	vsel vm9, v4, v5;
	v3 =	vsel vm12, v10, v3;
	v10 =	vsel vm12, v50, v10  }
0x16e: {  	v55 =	vld [tilespmem:s21+$0xD90];
	v4 =	vsel vm9, v43, v4;
	vm8 =	vgt.f32 v47, v5;
	v3 =	vsub.f32 v3, v10  }
0x16f: {  	v63 =	vld [tilespmem:$0x1FD40];
	[tilespmem:$0x1FED0] =	vst v11;
	v11 =	vsel vm8, $0xFFFFFFFF, v54;
	v5 =	vsel vm8, v47, v5;
	vm8 =	vgt.f32 v47, v4  }
0x170: {  	[tilespmem:$0x1FFA0] =	vst v15;
	v15 =	vimm.s32 $0x0;
	v5 =	vsel vm8, v4, v5;
	v3 =	vmul.f32 $1.442695020e+00, v3  }
0x171: {  	v58 =	vld [tilespmem:s21+$0xE10];
	[tilespmem:$0x1FF50] =	vst v14;
	v1 =	vsel vm0, $0x36, v1;
	v4 =	vsel vm8, v47, v4;
	vm4 =	vgt.f32 v52, v5  }
0x172: {  	v14 =	vld [tilespmem:$0x1FD50];
	[tilespmem:$0x1FEA0] =	vst v9;
	vm7 =	vgt.f32 v52, v4;
	v5 =	vsel vm4, v52, v5;
	(erf) = vpow2.f32 v3  }
0x173: {  	v16 =	vld [tilespmem:$0x1FD60];
	[tilespmem:$0x1FEF0] =	vst v8;
	v9 =	vsel vm6, $0xFFFFFFFF, v51;
	v8 =	vsel vm4, $0xFFFFFFFF, v57;
	v5 =	vsel vm7, v4, v5  }
0x174: {  	v19 =	vld [tilespmem:$0x1FD80];
	vm4 =	vnez.u8 v63;
	v4 =	vsel vm7, v52, v4;
	vm6 =	vgt.f32 v55, v5  }
0x175: {  	v62 =	vld [tilespmem:s21+$0xE90];
	[tilespmem:$0x1FF10] =	vst v9;
	v9 =	vsel vm6, $0xFFFFFFFF, v60;
	v5 =	vsel vm6, v55, v5;
	vm6 =	vgt.f32 v55, v4  }
0x176: {  	[tilespmem:$0x1FFC0] =	vst v12;
	v12 =	vimm.s32 $0x0;
	v6 =	vsel vm4, $0x2D, v6;
	v5 =	vsel vm6, v4, v5  }
0x177: {  	vm4 =	vnez.u8 v14;
	v4 =	vsel vm6, v55, v4;
	vm5 =	vgt.f32 v58, v5  }
0x178: {  	v21 =	vld [tilespmem:$0x1FD90];
	v10 =	vsel vm5, $0xFFFFFFFF, v12;
	v5 =	vsel vm5, v58, v5;
	vm5 =	vgt.f32 v58, v4  }
0x179: {  	[tilespmem:$0x1FF80] =	vst v13;
	v13 =	vld [tilespmem:s21+$0xF10];
	vm0 =	vnez.u8 v19;
	v6 =	vsel vm4, v7, v6;
	v5 =	vsel vm5, v4, v5  }
0x17a: {  	v7 =	vsel vm4, $0x2D, v7;
	vm4 =	vnez.u8 v16;
	vm1 =	vgt.f32 v62, v5  }
0x17b: {  	v22 =	vld [tilespmem:$0x1FDA0];
	v3 =	vsel vm5, v58, v4;
	v4 =	vsel vm1, $0xFFFFFFFF, v15;
	v5 =	vsel vm1, v62, v5;
	v28 =	vpop (erf)  }
0x17c: {  	v17 =	vld [tilespmem:s21+$0xF90];
	[tilespmem:$0x1FFD0] =	vst v4;
	v4 =	vsel vm4, $0x2E, v6;
	vm4 =	vgt.f32 v62, v3;
	v29 =	vadd.f32 $1.000000000e+00, v28  }
0x17d: {  	v4 =	vsel vm0, v7, v4;
	v5 =	vsel vm4, v3, v5;
	v7 =	vsel vm0, $0x2E, v7  }
0x17e: {  	v23 =	vld [tilespmem:$0x1FDB0];
	v3 =	vsel vm4, v62, v3;
	vm0 =	vnez.u8 v21;
	vm1 =	vgt.f32 v13, v5  }
0x17f: {  	v25 =	vld [tilespmem:$0x1FDC0];
	v4 =	vsel vm0, $0x2F, v4;
	vm3 =	vgt.f32 v13, v3;
	v5 =	vsel vm1, v13, v5  }
0x180: {  	v26 =	vld [tilespmem:$0x1FDD0];
	[tilespmem:$0x1FF70] =	vst v8;
	vm0 =	vnez.u8 v22;
	v8 =	vsel vm1, $0xFFFFFFFF, v20;
	v5 =	vsel vm3, v3, v5  }
0x181: {  	v27 =	vld [tilespmem:$0x1FDE0];
	v4 =	vsel vm0, v7, v4;
	v3 =	vsel vm3, v13, v3;
	vm1 =	vgt.f32 v17, v5  }
0x182: {  	v7 =	vsel vm0, $0x2F, v7;
	vm2 =	vgt.f32 v17, v3;
	v5 =	vsel vm1, v17, v5  }
0x183: {  	v30 =	vld [tilespmem:$0x1FDF0];
	vm0 =	vnez.u8 v23;
	v5 =	vsel vm2, v3, v5;
	v3 =	vsel vm2, v17, v3  }
0x184: {  	v31 =	vld [tilespmem:$0x1FE00];
	v4 =	vsel vm0, $0x30, v4;
	vm0 =	vnez.u8 v25;
	v3 =	vsub.f32 v5, v3  }
0x185: {  	v32 =	vld [tilespmem:$0x1FE10];
	v4 =	vsel vm0, v7, v4;
	v7 =	vsel vm0, $0x30, v7;
	vm0 =	vnez.u8 v26  }
0x186: {  	v33 =	vld [tilespmem:$0x1FE20];
	v4 =	vsel vm0, $0x31, v4;
	vm0 =	vnez.u8 v27;
	v3 =	vmul.f32 $1.442695020e+00, v3  }
0x187: {  	v34 =	vld [tilespmem:$0x1FE30];
	(erf) = vrcp.f32 v29;
	v1 =	vsel vm0, v2, v1  }
0x188: {  	v2 =	vsel vm0, $0x36, v2;
	vm0 =	vnez.u8 v30;
	(erf) = vpow2.f32 v3;
	v3 =	vld [tilespmem:$0x1FE40]  }
0x189: {  	v4 =	vsel vm0, v7, v4;
	v7 =	vsel vm0, $0x31, v7;
	vm0 =	vnez.u8 v31  }
0x18a: {  	v4 =	vsel vm0, $0x32, v4;
	vm0 =	vnez.u8 v32  }
0x18b: {  	v44 =	vld [tilespmem:$0x1FEE0];
	v1 =	vsel vm0, $0x37, v1;
	vm0 =	vnez.u8 v33  }
0x18c: {  	v35 =	vld [tilespmem:$0x1FE60];
	v4 =	vsel vm0, v7, v4;
	v6 =	vsel vm0, $0x32, v7;
	vm0 =	vnez.u8 v34  }
0x18d: {  	v4 =	vsel vm0, $0x33, v4;
	vm0 =	vnez.u8 v3;
	v3 =	vld [tilespmem:$0x1FE50]  }
0x18e: {  	v37 =	vld [tilespmem:$0x1FE70]  }
0x18f: {  	v38 =	vld [tilespmem:$0x1FE80]  }
0x190: {  	v24 =	vimm.s32 $0x0;
	v40 =	vld [tilespmem:$0x1FEA0]  }
0x191: {  	v39 =	vld [tilespmem:$0x1FE90];
	v46 =	vpop (erf);
	v1 =	vsel vm0, v2, v1;
	v2 =	vsel vm0, $0x37, v2;
	vm0 =	vnez.u8 v35  }
0x192: {  	v41 =	vld [tilespmem:$0x1FEB0];
	[tilespmem:$0x1FFE0] =	vst v8;
	v8 =	vsel vm1, $0xFFFFFFFF, v24;
	v1 =	vsel vm0, $0x38, v1;
	v48 =	vpop (erf);
	vm1 =	vnez.u8 v3  }
0x193: {  	v42 =	vld [tilespmem:$0x1FEC0];
	vm0 =	vnez.u8 v37;
	v51 =	vadd.f32 $1.000000000e+00, v48;
	v3 =	vsel vm1, v6, v4  }
0x194: {  	v45 =	vld [tilespmem:$0x1FEF0];
	v36 =	vsel vm1, $0x33, v6;
	v3 =	vsel vm0, $0x34, v3;
	vm0 =	vnez.u8 v38  }
0x195: {  	v43 =	vld [tilespmem:$0x1FED0];
	v4 =	vsel vm15, $0x34, v36;
	v1 =	vsel vm0, v2, v1;
	v2 =	vsel vm0, $0x38, v2  }
0x196: {  	v50 =	vld [tilespmem:$0x1FF20];
	v3 =	vsel vm15, v36, v3;
	vm0 =	vnez.u8 v39;
	vm15 =	vnez.u8 v40  }
0x197: {  	v49 =	vld [tilespmem:$0x1FF10];
	v1 =	vsel vm0, $0x39, v1;
	v3 =	vsel vm15, $0x35, v3;
	vm15 =	vnez.u8 v41  }
0x198: {  	v47 =	vld [tilespmem:$0x1FF00];
	v5 =	vmul.f32 v46, v28;
	(erf) = vrcp.f32 v51;
	v1 =	vsel vm15, v2, v1  }
0x199: {  	v54 =	vld [tilespmem:$0x1FF50];
	v2 =	vsel vm15, $0x39, v2;
	v3 =	vsel vm13, v4, v3;
	vm15 =	vnez.u8 v42  }
0x19a: {  	v52 =	vld [tilespmem:$0x1FF30];
	v4 =	vsel vm13, $0x35, v4;
	vm13 =	vnez.u8 v43;
	v1 =	vsel vm15, $0x3A, v1  }
0x19b: {  	v57 =	vld [tilespmem:$0x1FF80];
	v3 =	vsel vm13, $0x36, v3;
	vm15 =	vnez.u8 v44;
	vm13 =	vnez.u8 v45  }
0x19c: {  	v56 =	vld [tilespmem:$0x1FF70];
	v1 =	vsel vm15, v2, v1;
	v3 =	vsel vm11, v4, v3;
	v2 =	vsel vm15, $0x3A, v2  }
0x19d: {  	[tilespmem:$0x1FF40] =	vst v11;
	v55 =	vld [tilespmem:$0x1FF60];
	v4 =	vsel vm11, $0x36, v4;
	vm15 =	vnez.u8 v47;
	vm11 =	vnez.u8 v49  }
0x19e: {  	v53 =	vld [tilespmem:$0x1FF40];
	v3 =	vsel vm13, $0x37, v3;
	v1 =	vsel vm15, $0x3B, v1;
	vm13 =	vnez.u8 v50  }
0x19f: {  	v59 =	vld [tilespmem:$0x1FFA0];
	vm15 =	vnez.u8 v52;
	v3 =	vsel vm10, v4, v3;
	v4 =	vsel vm10, $0x37, v4  }
0x1a0: {  	v61 =	vld [tilespmem:$0x1FFC0];
	v1 =	vsel vm13, v2, v1;
	v2 =	vsel vm13, $0x3B, v2;
	vm10 =	vnez.u8 v54  }
0x1a1: {  	[tilespmem:$0x1FF90] =	vst v9;
	vm13 =	vnez.u8 v56;
	v3 =	vsel vm11, $0x38, v3;
	v1 =	vsel vm15, $0x3C, v1  }
0x1a2: {  	v58 =	vld [tilespmem:$0x1FF90];
	vm11 =	vnez.u8 v55;
	vm15 =	vnez.u8 v57;
	v3 =	vsel vm9, v4, v3  }
0x1a3: {  	v4 =	vsel vm9, $0x38, v4;
	vm9 =	vnez.u8 v53;
	v1 =	vsel vm10, v2, v1  }
0x1a4: {  	[tilespmem:$0x1FFB0] =	vst v10;
	v2 =	vsel vm10, $0x3C, v2;
	v3 =	vsel vm9, $0x39, v3;
	v1 =	vsel vm11, $0x3D, v1  }
0x1a5: {  	v60 =	vld [tilespmem:$0x1FFB0];
	vm9 =	vnez.u8 v59;
	vm11 =	vnez.u8 v61;
	v3 =	vsel vm8, v4, v3  }
0x1a6: {  	v4 =	vsel vm8, $0x39, v4;
	v1 =	vsel vm15, v2, v1;
	v2 =	vsel vm15, $0x3D, v2  }
0x1a7: {  	v62 =	vld [tilespmem:$0x1FFD0];
	vm8 =	vnez.u8 v58;
	v3 =	vsel vm13, $0x3A, v3;
	v1 =	vsel vm9, $0x3E, v1  }
0x1a8: {  	v3 =	vsel vm7, v4, v3;
	v4 =	vsel vm7, $0x3A, v4;
	v1 =	vsel vm14, v2, v1  }
0x1a9: {  	[tilespmem:s19+$0xFFFFFF70] =	vst v46;
	v2 =	vsel vm14, $0x3E, v2;
	v3 =	vsel vm8, $0x3B, v3;
	v1 =	vsel vm11, $0x3F, v1  }
0x1aa: {  	[tilespmem:s19+$0xFFFFFFF0] =	vst v5;
	vm10 =	vnez.u8 v60;
	v3 =	vsel vm6, v4, v3;
	v1 =	vsel vm12, v2, v1  }
0x1ab: {  	v4 =	vsel vm6, $0x3B, v4;
	v3 =	vsel vm10, $0x3C, v3;
	[tilespmem:s20+$0xFFFFFFF0] =	vst v1;
	v1 =	vld [tilespmem:$0x1FFE0]  }
0x1ac: {  	vm13 =	vnez.u8 v62;
	v3 =	vsel vm5, v4, v3  }
0x1ad: {  	v3 =	vsel vm13, $0x3D, v3;
	_ =	sdelay $0x1  }
0x1ae: {  	v4 =	vsel vm5, $0x3C, v4  }
0x1af: {  	[tilespmem:$0x1FFF0] =	vst v8;
	v63 =	vsel vm12, $0x3F, v2;
	v2 =	vsel vm4, v4, v3;
	v3 =	vpop (erf);
	vm14 =	vnez.u8 v1  }
0x1b0: {  	v1 =	vsel vm14, $0x3E, v2;
	v2 =	vmul.f32 v3, v48;
	[tilespmem:s19+$0xFFFFFF80] =	vst v3;
	v3 =	vld [tilespmem:$0x1FFF0];
	_ =	sdelay $0x1  }
0x1b1: {  	s18 =	sadd.s32 $0x2, s18  }
0x1b2: {  	p0 =	slt.u32 s18, $0x6  }
.Ltmp0:
0x1b3: {  	v4 =	vsel vm4, $0x3D, v4;
	(pc) =	sbr.rel @p0 .LBB2_2-.Ltmp0, $4  }
0x1b4: {  	[tilespmem:s20+$0xFFFFFF70] =	vst v63;
	v1 =	vsel vm3, v4, v1;
	v4 =	vsel vm3, $0x3E, v4;
	vm15 =	vnez.u8 v3  }
0x1b5: {  	[tilespmem:s19+$0x0] =	vst v2;
	v3 =	vsel vm2, $0x3F, v4;
	v1 =	vsel vm15, $0x3F, v1  }
0x1b6: {  	[tilespmem:s20+$0xFFFFFF80] =	vst v3;
	v1 =	vsel vm2, v4, v1  }
0x1b7: {  	s21 =	sadd.s32 $0x20, s21;
	s19 =	sadd.s32 $0x20, s19;
	[tilespmem:s20+$0x0] =	vst v1;
	s20 =	sadd.s32 $0x20, s20  }
0x1b8: {  	s0 =	simm.s32 $0x2  }
0x1b9: {  	s1 =	simm.s32 $0xFFFFFFFE;
	_ =	swait.ge [sflag:s0], $0x6000  }
0x1ba: {  	s19 =	simm.s32 $0x0;
	s2 =	simm.s32 $0x0;
	[sflag:s0] =	ssyncset.done $0x0  }
0x1bb: {  	s21 =	simm.s32 $0x0;
	s22 =	simm.s32 $0x0;
	[sflag:s0] =	ssyncadd.s32 $0xFFFFA000  }
.LBB2_4:
0x1bc: {  	s24 =	sand.u32 $0xC00, s21  }
0x1bd: {  	[dreg:$0xa] =	wrdreg s1;
	s23 =	sand.u32 $0x60, s19;
	s1 =	sor.u32 $0x2000, s24  }
0x1be: {  	s0 =	sor.u32 s23, s1  }
0x1bf: {  	v2 =	vld [tilespmem:s0+$0x80]  }
0x1c0: {  	v1 =	vld [tilespmem:s0+$0x0];
	_ =	sdelay $0x2  }
0x1c1: {  	v3 =	vld [tilespmem:s0+$0x100]  }
0x1c2: {  	vm1 =	vlt.f32 v2, $-Inf;
	vm2 =	vgt.f32 v2, $-Inf  }
0x1c3: {  	vm0 =	vgt.f32 v2, v1;
	vm1 =	vmor vm2, vm1  }
0x1c4: {  	v5 =	vld [tilespmem:s0+$0x180];
	vm3 =	vmneg vm0;
	v4 =	vnsel vm1, $0xFF800000, v2  }
0x1c5: {  	v7 =	vsel vm0, $0x1, v0;
	vm2 =	vmand vm3, vm1;
	v4 =	vsel vm3, v4, v1  }
0x1c6: {  	v6 =	vsel vm2, $0x1, v0;
	v1 =	vsel vm3, v1, v2;
	vm14 =	vgt.f32 v3, v4  }
0x1c7: {  	[dreg:$0xb] =	wrdreg s2;
	v31 =	vld [tilespmem:s0+$0x200];
	vm15 =	vgt.f32 v3, v1;
	v2 =	vsel vm14, $0x2, v6;
	v4 =	vsel vm14, v3, v4  }
0x1c8: {  	s2 =	rddreg [dreg:$0xb];
	v2 =	vsel vm15, v7, v2;
	v4 =	vsel vm15, v1, v4  }
0x1c9: {  	s2 =	sand.u32 $0x3, s2;
	v7 =	vsel vm15, $0x2, v7;
	v1 =	vsel vm15, v3, v1;
	vm4 =	vgt.f32 v5, v4  }
0x1ca: {  	s2 =	sshll.u32 s2, $0x5;
	v32 =	vld [tilespmem:s0+$0x280];
	vm1 =	vgt.f32 v5, v1;
	v2 =	vsel vm4, $0x3, v2;
	v3 =	vsel vm4, v5, v4  }
0x1cb: {  	s7 =	sadd.s32 s2, s21;
	v2 =	vsel vm1, v7, v2;
	v3 =	vsel vm1, v1, v3  }
0x1cc: {  	s2 =	sor.u32 $0x300, s7;
	v7 =	vsel vm1, $0x3, v7;
	v1 =	vsel vm1, v5, v1;
	vm5 =	vgt.f32 v31, v3  }
0x1cd: {  	v33 =	vld [tilespmem:s2+$0x2000];
	vm1 =	vgt.f32 v31, v1;
	v2 =	vsel vm5, $0x4, v2;
	v3 =	vsel vm5, v31, v3  }
0x1ce: {  	s18 =	sor.u32 s21, s19;
	v2 =	vsel vm1, v7, v2;
	v3 =	vsel vm1, v1, v3  }
0x1cf: {  	s2 =	sor.u32 $0x380, s18;
	v7 =	vsel vm1, $0x4, v7;
	v1 =	vsel vm1, v31, v1;
	vm6 =	vgt.f32 v32, v3  }
0x1d0: {  	v34 =	vld [tilespmem:s2+$0x2000];
	vm1 =	vgt.f32 v32, v1;
	v2 =	vsel vm6, $0x5, v2;
	v3 =	vsel vm6, v32, v3  }
0x1d1: {  	s18 =	sadd.s32 $0x2C00, s24;
	v2 =	vsel vm1, v7, v2;
	v3 =	vsel vm1, v1, v3  }
0x1d2: {  	s20 =	sor.u32 s23, s18;
	v7 =	vsel vm1, $0x5, v7;
	v1 =	vsel vm1, v32, v1;
	vm7 =	vgt.f32 v33, v3  }
0x1d3: {  	v35 =	vld [tilespmem:s20+$0x0];
	vm1 =	vgt.f32 v33, v1;
	v2 =	vsel vm7, $0x6, v2;
	v3 =	vsel vm7, v33, v3  }
0x1d4: {  	s8 =	sadd.s32 $0x2C80, s24;
	v2 =	vsel vm1, v7, v2;
	v3 =	vsel vm1, v1, v3  }
0x1d5: {  	s25 =	sor.u32 s23, s8;
	v7 =	vsel vm1, $0x6, v7;
	v1 =	vsel vm1, v33, v1;
	vm8 =	vgt.f32 v34, v3  }
0x1d6: {  	v36 =	vld [tilespmem:s25+$0x0];
	vm1 =	vgt.f32 v34, v1;
	v2 =	vsel vm8, $0x7, v2;
	v3 =	vsel vm8, v34, v3  }
0x1d7: {  	s2 =	sadd.s32 $0x2D00, s24;
	v2 =	vsel vm1, v7, v2;
	v3 =	vsel vm1, v1, v3  }
0x1d8: {  	s3 =	sor.u32 s23, s2;
	v7 =	vsel vm1, $0x7, v7;
	v1 =	vsel vm1, v34, v1;
	vm9 =	vgt.f32 v35, v3  }
0x1d9: {  	v37 =	vld [tilespmem:s3+$0x0];
	vm1 =	vgt.f32 v35, v1;
	v2 =	vsel vm9, $0x8, v2;
	v3 =	vsel vm9, v35, v3  }
0x1da: {  	s3 =	sadd.s32 $0x2D80, s24;
	v2 =	vsel vm1, v7, v2;
	v3 =	vsel vm1, v1, v3  }
0x1db: {  	s4 =	sor.u32 s23, s3;
	v7 =	vsel vm1, $0x8, v7;
	v1 =	vsel vm1, v35, v1;
	vm10 =	vgt.f32 v36, v3  }
0x1dc: {  	v38 =	vld [tilespmem:s4+$0x0];
	vm1 =	vgt.f32 v36, v1;
	v2 =	vsel vm10, $0x9, v2;
	v3 =	vsel vm10, v36, v3  }
0x1dd: {  	s4 =	sadd.s32 $0x2E00, s24;
	v2 =	vsel vm1, v7, v2;
	v3 =	vsel vm1, v1, v3  }
0x1de: {  	s5 =	sor.u32 s23, s4;
	v7 =	vsel vm1, $0x9, v7;
	v1 =	vsel vm1, v36, v1;
	vm11 =	vgt.f32 v37, v3  }
0x1df: {  	v39 =	vld [tilespmem:s5+$0x0];
	vm1 =	vgt.f32 v37, v1;
	v2 =	vsel vm11, $0xA, v2;
	v3 =	vsel vm11, v37, v3  }
0x1e0: {  	s5 =	sadd.s32 $0x2E80, s24;
	v2 =	vsel vm1, v7, v2;
	v3 =	vsel vm1, v1, v3  }
0x1e1: {  	s6 =	sor.u32 s23, s5;
	v7 =	vsel vm1, $0xA, v7;
	v1 =	vsel vm1, v37, v1;
	vm12 =	vgt.f32 v38, v3  }
0x1e2: {  	v40 =	vld [tilespmem:s6+$0x0];
	vm1 =	vgt.f32 v38, v1;
	v2 =	vsel vm12, $0xB, v2;
	v3 =	vsel vm12, v38, v3  }
0x1e3: {  	s6 =	sadd.s32 $0x2F00, s24;
	v2 =	vsel vm1, v7, v2;
	v3 =	vsel vm1, v1, v3  }
0x1e4: {  	s9 =	sor.u32 s23, s6;
	v7 =	vsel vm1, $0xB, v7;
	v1 =	vsel vm1, v38, v1;
	vm13 =	vgt.f32 v39, v3  }
0x1e5: {  	v41 =	vld [tilespmem:s9+$0x0];
	vm1 =	vgt.f32 v39, v1;
	v2 =	vsel vm13, $0xC, v2;
	v3 =	vsel vm13, v39, v3  }
0x1e6: {  	s9 =	sadd.s32 $0x2F80, s24;
	v2 =	vsel vm1, v7, v2;
	v3 =	vsel vm1, v1, v3  }
0x1e7: {  	s10 =	sor.u32 s23, s9;
	v7 =	vsel vm1, $0xC, v7;
	v1 =	vsel vm1, v39, v1;
	vm14 =	vgt.f32 v40, v3  }
0x1e8: {  	v42 =	vld [tilespmem:s10+$0x0];
	vm1 =	vgt.f32 v40, v1;
	v2 =	vsel vm14, $0xD, v2;
	v3 =	vsel vm14, v40, v3  }
0x1e9: {  	s10 =	sadd.s32 $0x3800, s24;
	v2 =	vsel vm1, v7, v2;
	v3 =	vsel vm1, v1, v3  }
0x1ea: {  	s11 =	sor.u32 s23, s10;
	v7 =	vsel vm1, $0xD, v7;
	v1 =	vsel vm1, v40, v1;
	vm15 =	vgt.f32 v41, v3  }
0x1eb: {  	v43 =	vld [tilespmem:s11+$0x0];
	vm1 =	vgt.f32 v41, v1;
	v2 =	vsel vm15, $0xE, v2;
	v3 =	vsel vm15, v41, v3  }
0x1ec: {  	s11 =	sadd.s32 $0x3880, s24;
	v2 =	vsel vm1, v7, v2;
	v3 =	vsel vm1, v1, v3  }
0x1ed: {  	s12 =	sor.u32 s23, s11;
	v7 =	vsel vm1, $0xE, v7;
	v1 =	vsel vm1, v41, v1;
	vm4 =	vgt.f32 v42, v3  }
0x1ee: {  	v44 =	vld [tilespmem:s12+$0x0];
	vm1 =	vgt.f32 v42, v1;
	v2 =	vsel vm4, $0xF, v2;
	v3 =	vsel vm4, v42, v3  }
0x1ef: {  	s12 =	sadd.s32 $0x3900, s24;
	v2 =	vsel vm1, v7, v2;
	v3 =	vsel vm1, v1, v3  }
0x1f0: {  	s13 =	sor.u32 s23, s12;
	v7 =	vsel vm1, $0xF, v7;
	v1 =	vsel vm1, v42, v1;
	vm5 =	vgt.f32 v43, v3  }
0x1f1: {  	v45 =	vld [tilespmem:s13+$0x0];
	vm1 =	vgt.f32 v43, v1;
	v2 =	vsel vm5, $0x10, v2;
	v3 =	vsel vm5, v43, v3  }
0x1f2: {  	s13 =	sadd.s32 $0x3980, s24;
	v2 =	vsel vm1, v7, v2;
	v3 =	vsel vm1, v1, v3  }
0x1f3: {  	s14 =	sor.u32 s23, s13;
	v7 =	vsel vm1, $0x10, v7;
	v1 =	vsel vm1, v43, v1;
	vm6 =	vgt.f32 v44, v3  }
0x1f4: {  	v46 =	vld [tilespmem:s14+$0x0];
	vm1 =	vgt.f32 v44, v1;
	v2 =	vsel vm6, $0x11, v2;
	v3 =	vsel vm6, v44, v3  }
0x1f5: {  	s14 =	sadd.s32 $0x3A00, s24;
	v2 =	vsel vm1, v7, v2;
	v3 =	vsel vm1, v1, v3  }
0x1f6: {  	s15 =	sor.u32 s23, s14;
	v7 =	vsel vm1, $0x11, v7;
	v1 =	vsel vm1, v44, v1;
	vm7 =	vgt.f32 v45, v3  }
0x1f7: {  	v47 =	vld [tilespmem:s15+$0x0];
	vm1 =	vgt.f32 v45, v1;
	v2 =	vsel vm7, $0x12, v2;
	v3 =	vsel vm7, v45, v3  }
0x1f8: {  	s15 =	sadd.s32 $0x3A80, s24;
	v2 =	vsel vm1, v7, v2;
	v3 =	vsel vm1, v1, v3  }
0x1f9: {  	s16 =	sor.u32 s23, s15;
	v7 =	vsel vm1, $0x12, v7;
	v1 =	vsel vm1, v45, v1;
	vm8 =	vgt.f32 v46, v3  }
0x1fa: {  	v48 =	vld [tilespmem:s16+$0x0];
	vm1 =	vgt.f32 v46, v1;
	v2 =	vsel vm8, $0x13, v2;
	v3 =	vsel vm8, v46, v3  }
0x1fb: {  	s16 =	sadd.s32 $0x3B00, s24;
	v2 =	vsel vm1, v7, v2;
	v3 =	vsel vm1, v1, v3  }
0x1fc: {  	s17 =	sor.u32 s23, s16;
	v7 =	vsel vm1, $0x13, v7;
	v1 =	vsel vm1, v46, v1;
	vm9 =	vgt.f32 v47, v3  }
0x1fd: {  	v49 =	vld [tilespmem:s17+$0x0];
	vm1 =	vgt.f32 v47, v1;
	v2 =	vsel vm9, $0x14, v2;
	v3 =	vsel vm9, v47, v3  }
0x1fe: {  	s31 =	sadd.s32 $0x3B80, s24;
	v2 =	vsel vm1, v7, v2;
	v3 =	vsel vm1, v1, v3  }
0x1ff: {  	s26 =	sor.u32 s23, s31;
	v7 =	vsel vm1, $0x14, v7;
	v1 =	vsel vm1, v47, v1;
	vm10 =	vgt.f32 v48, v3  }
0x200: {  	v50 =	vld [tilespmem:s26+$0x0];
	vm1 =	vgt.f32 v48, v1;
	v2 =	vsel vm10, $0x15, v2;
	v3 =	vsel vm10, v48, v3  }
0x201: {  	s26 =	sadd.s32 $0x4400, s24;
	v2 =	vsel vm1, v7, v2;
	v3 =	vsel vm1, v1, v3  }
0x202: {  	s28 =	sor.u32 s23, s26;
	v7 =	vsel vm1, $0x15, v7;
	v1 =	vsel vm1, v48, v1;
	vm11 =	vgt.f32 v49, v3  }
0x203: {  	v51 =	vld [tilespmem:s28+$0x0];
	vm1 =	vgt.f32 v49, v1;
	v2 =	vsel vm11, $0x16, v2;
	v3 =	vsel vm11, v49, v3  }
0x204: {  	s28 =	sadd.s32 $0x4480, s24;
	v2 =	vsel vm1, v7, v2;
	v3 =	vsel vm1, v1, v3  }
0x205: {  	s29 =	sor.u32 s23, s28;
	v7 =	vsel vm1, $0x16, v7;
	v1 =	vsel vm1, v49, v1;
	vm12 =	vgt.f32 v50, v3  }
0x206: {  	v52 =	vld [tilespmem:s29+$0x0];
	vm1 =	vgt.f32 v50, v1;
	v2 =	vsel vm12, $0x17, v2;
	v3 =	vsel vm12, v50, v3  }
0x207: {  	s29 =	sadd.s32 $0x4500, s24;
	v2 =	vsel vm1, v7, v2;
	v3 =	vsel vm1, v1, v3  }
0x208: {  	s30 =	sor.u32 s23, s29;
	v7 =	vsel vm1, $0x17, v7;
	v1 =	vsel vm1, v50, v1;
	vm13 =	vgt.f32 v51, v3  }
0x209: {  	v53 =	vld [tilespmem:s30+$0x0];
	vm1 =	vgt.f32 v51, v1;
	v2 =	vsel vm13, $0x18, v2;
	v3 =	vsel vm13, v51, v3  }
0x20a: {  	s30 =	sadd.s32 $0x4580, s24;
	v2 =	vsel vm1, v7, v2;
	v3 =	vsel vm1, v1, v3  }
0x20b: {  	s0 =	sor.u32 s23, s30;
	v7 =	vsel vm1, $0x18, v7;
	v1 =	vsel vm1, v51, v1;
	vm14 =	vgt.f32 v52, v3  }
0x20c: {  	v54 =	vld [tilespmem:s0+$0x0];
	vm1 =	vgt.f32 v52, v1;
	v2 =	vsel vm14, $0x19, v2;
	v3 =	vsel vm14, v52, v3  }
0x20d: {  	s17 =	sadd.s32 $0x4600, s24;
	v2 =	vsel vm1, v7, v2;
	v3 =	vsel vm1, v1, v3  }
0x20e: {  	s20 =	sor.u32 s23, s17;
	v7 =	vsel vm1, $0x19, v7;
	v1 =	vsel vm1, v52, v1;
	vm15 =	vgt.f32 v53, v3  }
0x20f: {  	v55 =	vld [tilespmem:s20+$0x0];
	vm1 =	vgt.f32 v53, v1;
	v2 =	vsel vm15, $0x1A, v2;
	v3 =	vsel vm15, v53, v3  }
0x210: {  	s25 =	sadd.s32 $0x4680, s24;
	v2 =	vsel vm1, v7, v2;
	v3 =	vsel vm1, v1, v3  }
0x211: {  	s0 =	sor.u32 s23, s25;
	v7 =	vsel vm1, $0x1A, v7;
	v1 =	vsel vm1, v53, v1;
	vm4 =	vgt.f32 v54, v3  }
0x212: {  	v56 =	vld [tilespmem:s0+$0x0];
	vm1 =	vgt.f32 v54, v1;
	v2 =	vsel vm4, $0x1B, v2;
	v3 =	vsel vm4, v54, v3  }
0x213: {  	[dreg:$0x1d] =	wrdreg s17;
	s17 =	sadd.s32 $0x4700, s24;
	v2 =	vsel vm1, v7, v2;
	v3 =	vsel vm1, v1, v3  }
0x214: {  	s20 =	sor.u32 s23, s17;
	v7 =	vsel vm1, $0x1B, v7;
	v1 =	vsel vm1, v54, v1;
	vm5 =	vgt.f32 v55, v3  }
0x215: {  	v57 =	vld [tilespmem:s20+$0x0];
	vm1 =	vgt.f32 v55, v1;
	v2 =	vsel vm5, $0x1C, v2;
	v3 =	vsel vm5, v55, v3  }
0x216: {  	[dreg:$0x1e] =	wrdreg s25;
	s25 =	sadd.s32 $0x4780, s24;
	v2 =	vsel vm1, v7, v2;
	v3 =	vsel vm1, v1, v3  }
0x217: {  	s0 =	sor.u32 s23, s25;
	v7 =	vsel vm1, $0x1C, v7;
	v1 =	vsel vm1, v55, v1;
	vm6 =	vgt.f32 v56, v3  }
0x218: {  	v58 =	vld [tilespmem:s0+$0x0];
	vm1 =	vgt.f32 v56, v1;
	v2 =	vsel vm6, $0x1D, v2;
	v3 =	vsel vm6, v56, v3  }
0x219: {  	[dreg:$0x1f] =	wrdreg s17;
	s17 =	sor.u32 $0x5000, s24;
	v2 =	vsel vm1, v7, v2;
	v3 =	vsel vm1, v1, v3  }
0x21a: {  	s20 =	sor.u32 s23, s17;
	v7 =	vsel vm1, $0x1D, v7;
	v1 =	vsel vm1, v56, v1;
	vm7 =	vgt.f32 v57, v3  }
0x21b: {  	v59 =	vld [tilespmem:s20+$0x0];
	vm1 =	vgt.f32 v57, v1;
	v2 =	vsel vm7, $0x1E, v2;
	v3 =	vsel vm7, v57, v3  }
0x21c: {  	[dreg:$0x15] =	wrdreg s25;
	s25 =	sor.u32 $0x5080, s24;
	v2 =	vsel vm1, v7, v2;
	v3 =	vsel vm1, v1, v3  }
0x21d: {  	s0 =	sor.u32 s23, s25;
	v7 =	vsel vm1, $0x1E, v7;
	v1 =	vsel vm1, v57, v1;
	vm8 =	vgt.f32 v58, v3  }
0x21e: {  	v60 =	vld [tilespmem:s0+$0x0];
	vm1 =	vgt.f32 v58, v1;
	v2 =	vsel vm8, $0x1F, v2;
	v3 =	vsel vm8, v58, v3  }
0x21f: {  	[dreg:$0x16] =	wrdreg s17;
	s17 =	sor.u32 $0x5100, s24;
	v2 =	vsel vm1, v7, v2;
	v3 =	vsel vm1, v1, v3  }
0x220: {  	s20 =	sor.u32 s23, s17;
	v7 =	vsel vm1, $0x1F, v7;
	v1 =	vsel vm1, v58, v1;
	vm9 =	vgt.f32 v59, v3  }
0x221: {  	v61 =	vld [tilespmem:s20+$0x0];
	vm1 =	vgt.f32 v59, v1;
	v2 =	vsel vm9, $0x20, v2;
	v3 =	vsel vm9, v59, v3  }
0x222: {  	[dreg:$0x17] =	wrdreg s25;
	s25 =	sor.u32 $0x5180, s24;
	v2 =	vsel vm1, v7, v2;
	v3 =	vsel vm1, v1, v3  }
0x223: {  	s0 =	sor.u32 s23, s25;
	v7 =	vsel vm1, $0x20, v7;
	v1 =	vsel vm1, v59, v1;
	vm10 =	vgt.f32 v60, v3  }
0x224: {  	v62 =	vld [tilespmem:s0+$0x0];
	vm1 =	vgt.f32 v60, v1;
	v2 =	vsel vm10, $0x21, v2;
	v3 =	vsel vm10, v60, v3  }
0x225: {  	[dreg:$0x18] =	wrdreg s17;
	s17 =	sor.u32 $0x5200, s24;
	v2 =	vsel vm1, v7, v2;
	v3 =	vsel vm1, v1, v3  }
0x226: {  	s20 =	sor.u32 s23, s17;
	v7 =	vsel vm1, $0x21, v7;
	v1 =	vsel vm1, v60, v1;
	vm11 =	vgt.f32 v61, v3  }
0x227: {  	v63 =	vld [tilespmem:s20+$0x0];
	vm1 =	vgt.f32 v61, v1;
	v2 =	vsel vm11, $0x22, v2;
	v3 =	vsel vm11, v61, v3  }
0x228: {  	[dreg:$0x19] =	wrdreg s25;
	s25 =	sor.u32 $0x5280, s24;
	v2 =	vsel vm1, v7, v2;
	v3 =	vsel vm1, v1, v3  }
0x229: {  	s0 =	sor.u32 s23, s25;
	v7 =	vsel vm1, $0x22, v7;
	v1 =	vsel vm1, v61, v1;
	vm12 =	vgt.f32 v62, v3  }
0x22a: {  	v9 =	vld [tilespmem:s0+$0x0];
	vm1 =	vgt.f32 v62, v1;
	v2 =	vsel vm12, $0x23, v2;
	v3 =	vsel vm12, v62, v3  }
0x22b: {  	[dreg:$0x1a] =	wrdreg s17;
	s17 =	sor.u32 $0x5300, s24;
	v2 =	vsel vm1, v7, v2;
	v3 =	vsel vm1, v1, v3  }
0x22c: {  	s20 =	sor.u32 s23, s17;
	v7 =	vsel vm1, $0x23, v7;
	v1 =	vsel vm1, v62, v1;
	vm13 =	vgt.f32 v63, v3  }
0x22d: {  	v10 =	vld [tilespmem:s20+$0x0];
	vm1 =	vgt.f32 v63, v1;
	v2 =	vsel vm13, $0x24, v2;
	v3 =	vsel vm13, v63, v3  }
0x22e: {  	[dreg:$0x1b] =	wrdreg s25;
	s25 =	sor.u32 $0x5380, s24;
	v36 =	vimm.s32 $0x0;
	v2 =	vsel vm1, v7, v2;
	v3 =	vsel vm1, v1, v3  }
0x22f: {  	s0 =	sor.u32 s23, s25;
	v7 =	vsel vm1, $0x24, v7;
	v1 =	vsel vm1, v63, v1;
	vm14 =	vgt.f32 v9, v3  }
0x230: {  	v11 =	vld [tilespmem:s0+$0x0];
	vm1 =	vgt.f32 v9, v1;
	v2 =	vsel vm14, $0x25, v2;
	v3 =	vsel vm14, v9, v3  }
0x231: {  	[dreg:$0x1c] =	wrdreg s17;
	s17 =	sadd.s32 $0x5C00, s24;
	v45 =	vimm.s32 $0x0;
	v2 =	vsel vm1, v7, v2;
	v3 =	vsel vm1, v1, v3  }
0x232: {  	[dreg:$0x10] =	wrdreg s25;
	s25 =	sadd.s32 $0x5C80, s24;
	s20 =	sor.u32 s23, s17;
	v7 =	vsel vm1, $0x25, v7;
	v1 =	vsel vm1, v9, v1;
	vm15 =	vgt.f32 v10, v3  }
0x233: {  	[dreg:$0x12] =	wrdreg s25;
	s0 =	sor.u32 s23, s25;
	s25 =	sadd.s32 $0x5D80, s24;
	v12 =	vld [tilespmem:s20+$0x0];
	vm1 =	vgt.f32 v10, v1;
	v2 =	vsel vm15, $0x26, v2;
	v3 =	vsel vm15, v10, v3  }
0x234: {  	v13 =	vld [tilespmem:s0+$0x0];
	[dreg:$0x14] =	wrdreg s25;
	s0 =	sor.u32 s23, s25;
	s25 =	sadd.s32 $0x5E80, s24;
	v47 =	vimm.s32 $0x0;
	v2 =	vsel vm1, v7, v2;
	v3 =	vsel vm1, v1, v3  }
0x235: {  	v15 =	vld [tilespmem:s0+$0x0];
	[dreg:$0xd] =	wrdreg s25;
	s0 =	sor.u32 s23, s25;
	s25 =	sadd.s32 $0x5F80, s24;
	v7 =	vsel vm1, $0x26, v7;
	v1 =	vsel vm1, v10, v1;
	vm4 =	vgt.f32 v11, v3  }
0x236: {  	v17 =	vld [tilespmem:s0+$0x0];
	[dreg:$0xf] =	wrdreg s25;
	s0 =	sor.u32 s23, s25;
	s25 =	sor.u32 $0x10, s23;
	vm1 =	vgt.f32 v11, v1;
	v2 =	vsel vm4, $0x27, v2;
	v3 =	vsel vm4, v11, v3  }
0x237: {  	v19 =	vld [tilespmem:s0+$0x0];
	s0 =	sor.u32 s25, s1;
	[dreg:$0x11] =	wrdreg s17;
	s17 =	sadd.s32 $0x5D00, s24;
	v57 =	vimm.s32 $0x0;
	v2 =	vsel vm1, v7, v2;
	v3 =	vsel vm1, v1, v3  }
0x238: {  	v8 =	vld [tilespmem:s0+$0x80];
	s20 =	sor.u32 s23, s17;
	v7 =	vsel vm1, $0x27, v7;
	v1 =	vsel vm1, v11, v1;
	vm5 =	vgt.f32 v12, v3  }
0x239: {  	v14 =	vld [tilespmem:s20+$0x0];
	vm1 =	vgt.f32 v12, v1;
	v2 =	vsel vm5, $0x28, v2;
	v3 =	vsel vm5, v12, v3  }
0x23a: {  	v59 =	vimm.s32 $0x0;
	v2 =	vsel vm1, v7, v2;
	v3 =	vsel vm1, v1, v3  }
0x23b: {  	v7 =	vsel vm1, $0x28, v7;
	v1 =	vsel vm1, v12, v1;
	vm6 =	vgt.f32 v13, v3  }
0x23c: {  	vm1 =	vgt.f32 v13, v1;
	v2 =	vsel vm6, $0x29, v2;
	v3 =	vsel vm6, v13, v3  }
0x23d: {  	[dreg:$0x13] =	wrdreg s17;
	s17 =	sadd.s32 $0x5E00, s24;
	vm14 =	vlt.f32 v8, $-Inf;
	v2 =	vsel vm1, v7, v2;
	v3 =	vsel vm1, v1, v3  }
0x23e: {  	s20 =	sor.u32 s23, s17;
	v7 =	vsel vm1, $0x29, v7;
	v1 =	vsel vm1, v13, v1;
	vm7 =	vgt.f32 v14, v3  }
0x23f: {  	v16 =	vld [tilespmem:s20+$0x0];
	vm1 =	vgt.f32 v14, v1;
	v2 =	vsel vm7, $0x2A, v2;
	v3 =	vsel vm7, v14, v3  }
0x240: {  	vm4 =	vgt.f32 v8, $-Inf;
	v2 =	vsel vm1, v7, v2;
	v3 =	vsel vm1, v1, v3  }
0x241: {  	v7 =	vsel vm1, $0x2A, v7;
	v1 =	vsel vm1, v14, v1;
	vm8 =	vgt.f32 v15, v3  }
0x242: {  	vm1 =	vgt.f32 v15, v1;
	v2 =	vsel vm8, $0x2B, v2;
	v3 =	vsel vm8, v15, v3  }
0x243: {  	[dreg:$0xc] =	wrdreg s17;
	s17 =	sadd.s32 $0x5F00, s24;
	vm0 =	vmor vm4, vm14;
	v2 =	vsel vm1, v7, v2;
	v3 =	vsel vm1, v1, v3  }
0x244: {  	s20 =	sor.u32 s23, s17;
	v7 =	vsel vm1, $0x2B, v7;
	v1 =	vsel vm1, v15, v1;
	vm9 =	vgt.f32 v16, v3  }
0x245: {  	v18 =	vld [tilespmem:s20+$0x0];
	vm1 =	vgt.f32 v16, v1;
	v2 =	vsel vm9, $0x2C, v2;
	v3 =	vsel vm9, v16, v3  }
0x246: {  	v10 =	vnsel vm0, $0xFF800000, v8;
	v2 =	vsel vm1, v7, v2;
	v3 =	vsel vm1, v1, v3  }
0x247: {  	v7 =	vsel vm1, $0x2C, v7;
	v1 =	vsel vm1, v16, v1;
	vm10 =	vgt.f32 v17, v3  }
0x248: {  	v20 =	vld [tilespmem:s0+$0x0];
	vm1 =	vgt.f32 v17, v1;
	v2 =	vsel vm10, $0x2D, v2;
	v3 =	vsel vm10, v17, v3  }
0x249: {  	v15 =	vimm.s32 $0x0;
	v2 =	vsel vm1, v7, v2;
	v3 =	vsel vm1, v1, v3  }
0x24a: {  	v7 =	vsel vm1, $0x2D, v7;
	v1 =	vsel vm1, v17, v1;
	vm11 =	vgt.f32 v18, v3  }
0x24b: {  	vm1 =	vgt.f32 v18, v1;
	v2 =	vsel vm11, $0x2E, v2;
	v3 =	vsel vm11, v18, v3  }
0x24c: {  	[dreg:$0xe] =	wrdreg s17;
	s17 =	sadd.s32 $0x6800, s24;
	v21 =	vsel vm1, $0x2E, v7;
	v3 =	vsel vm1, v1, v3;
	v1 =	vsel vm1, v18, v1  }
0x24d: {  	v22 =	vld [tilespmem:s0+$0x100];
	s20 =	sor.u32 s23, s17;
	v2 =	vsel vm1, v7, v2;
	vm1 =	vgt.f32 v8, v20;
	vm12 =	vgt.f32 v19, v1  }
0x24e: {  	v9 =	vld [tilespmem:s20+$0x0];
	vm13 =	vgt.f32 v19, v3;
	vm8 =	vmneg vm1;
	v12 =	vsel vm1, $0x1, v0  }
0x24f: {  	v2 =	vsel vm13, $0x2F, v2;
	v3 =	vsel vm13, v19, v3;
	v6 =	vsel vm12, $0x2F, v21  }
0x250: {  	v11 =	vld [tilespmem:s0+$0x180];
	v10 =	vsel vm8, v10, v20;
	v23 =	vsel vm8, v20, v8;
	vm8 =	vmand vm8, vm0  }
0x251: {  	s1 =	sadd.s32 $0x6880, s24;
	v2 =	vsel vm12, v21, v2;
	v3 =	vsel vm12, v1, v3;
	v1 =	vsel vm12, v19, v1  }
0x252: {  	s20 =	sor.u32 s23, s1;
	vm4 =	vgt.f32 v22, v10;
	vm2 =	vgt.f32 v22, v23;
	v32 =	vsel vm8, $0x1, v0  }
0x253: {  	v26 =	vld [tilespmem:s20+$0x0];
	vm15 =	vgt.f32 v9, v3;
	v24 =	vsel vm4, v22, v10;
	vm5 =	vgt.f32 v9, v1  }
0x254: {  	v4 =	vsel vm2, v22, v23;
	v10 =	vsel vm4, $0x2, v32;
	v2 =	vsel vm15, $0x30, v2  }
0x255: {  	v5 =	vsel vm2, v23, v24;
	v3 =	vsel vm15, v9, v3;
	vm3 =	vgt.f32 v11, v4  }
0x256: {  	s7 =	sadd.s32 $0x10, s7;
	v25 =	vld [tilespmem:s0+$0x200];
	v10 =	vsel vm2, v12, v10;
	v12 =	vsel vm2, $0x2, v12;
	v2 =	vsel vm5, v6, v2  }
0x257: {  	v27 =	vld [tilespmem:s0+$0x280];
	s20 =	sor.u32 $0x300, s7;
	s0 =	sadd.s32 $0x6900, s24;
	vm6 =	vgt.f32 v11, v5;
	v3 =	vsel vm5, v1, v3;
	v6 =	vsel vm5, $0x30, v6  }
0x258: {  	v28 =	vld [tilespmem:s20+$0x2000];
	s20 =	sor.u32 s23, s0;
	v1 =	vsel vm5, v9, v1;
	v5 =	vsel vm6, v11, v5;
	vm9 =	vgt.f32 v26, v3  }
0x259: {  	v29 =	vld [tilespmem:s20+$0x0];
	vm11 =	vgt.f32 v26, v1;
	v10 =	vsel vm6, $0x3, v10;
	v5 =	vsel vm3, v4, v5  }
0x25a: {  	v4 =	vsel vm3, v11, v4;
	v2 =	vsel vm9, $0x31, v2;
	v3 =	vsel vm9, v26, v3  }
0x25b: {  	v10 =	vsel vm3, v12, v10;
	v12 =	vsel vm3, $0x3, v12;
	vm7 =	vgt.f32 v25, v5  }
0x25c: {  	s2 =	sor.u32 s25, s2;
	vm5 =	vgt.f32 v25, v4;
	v2 =	vsel vm11, v6, v2;
	v3 =	vsel vm11, v1, v3  }
0x25d: {  	v34 =	vld [tilespmem:s2+$0x0];
	s2 =	sadd.s32 $0x6980, s24;
	s20 =	sor.u32 s25, s18;
	v6 =	vsel vm11, $0x31, v6;
	v1 =	vsel vm11, v26, v1;
	v5 =	vsel vm7, v25, v5  }
0x25e: {  	s18 =	sor.u32 s25, s3;
	s3 =	sor.u32 s25, s5;
	s5 =	sor.u32 s23, s2;
	vm0 =	vgt.f32 v29, v1;
	vm15 =	vgt.f32 v29, v3;
	v10 =	vsel vm7, $0x4, v10  }
0x25f: {  	v13 =	vld [tilespmem:s5+$0x0];
	v5 =	vsel vm5, v4, v5;
	v4 =	vsel vm5, v25, v4;
	v2 =	vsel vm15, $0x32, v2  }
0x260: {  	v10 =	vsel vm5, v12, v10;
	v12 =	vsel vm5, $0x4, v12;
	v3 =	vsel vm15, v29, v3  }
0x261: {  	s7 =	sor.u32 $0x380, s7;
	vm12 =	vgt.f32 v27, v5;
	vm10 =	vgt.f32 v27, v4;
	v2 =	vsel vm0, v6, v2  }
0x262: {  	v30 =	vld [tilespmem:s7+$0x2000];
	v3 =	vsel vm0, v1, v3;
	v6 =	vsel vm0, $0x32, v6;
	v5 =	vsel vm12, v27, v5  }
0x263: {  	v1 =	vsel vm0, v29, v1;
	v10 =	vsel vm12, $0x5, v10;
	v5 =	vsel vm10, v4, v5  }
0x264: {  	v31 =	vld [tilespmem:s20+$0x0];
	vm7 =	vgt.f32 v13, v1;
	v4 =	vsel vm10, v27, v4;
	vm13 =	vgt.f32 v28, v5  }
0x265: {  	s8 =	sor.u32 s25, s8;
	v38 =	vld [tilespmem:s3+$0x0];
	s3 =	sadd.s32 $0x6A00, s24;
	vm0 =	vgt.f32 v13, v3;
	vm11 =	vgt.f32 v28, v4;
	v5 =	vsel vm13, v28, v5  }
0x266: {  	v33 =	vld [tilespmem:s8+$0x0];
	s8 =	sor.u32 s25, s11;
	s11 =	sor.u32 s25, s14;
	s14 =	sor.u32 s23, s3;
	v10 =	vsel vm10, v12, v10;
	v12 =	vsel vm10, $0x5, v12;
	v5 =	vsel vm11, v4, v5  }
0x267: {  	v52 =	vld [tilespmem:s14+$0x0];
	v2 =	vsel vm0, $0x33, v2;
	v4 =	vsel vm11, v28, v4;
	vm14 =	vgt.f32 v30, v5  }
0x268: {  	v3 =	vsel vm0, v13, v3;
	vm1 =	vgt.f32 v30, v4;
	v5 =	vsel vm14, v30, v5  }
0x269: {  	v2 =	vsel vm7, v6, v2;
	v3 =	vsel vm7, v1, v3;
	v5 =	vsel vm1, v4, v5  }
0x26a: {  	v6 =	vsel vm7, $0x33, v6;
	v4 =	vsel vm1, v30, v4;
	vm8 =	vgt.f32 v31, v5  }
0x26b: {  	v1 =	vsel vm7, v13, v1;
	vm2 =	vgt.f32 v31, v4;
	v5 =	vsel vm8, v31, v5  }
0x26c: {  	v10 =	vsel vm13, $0x6, v10;
	vm0 =	vgt.f32 v52, v3;
	v5 =	vsel vm2, v4, v5  }
0x26d: {  	v10 =	vsel vm11, v12, v10;
	v4 =	vsel vm2, v31, v4;
	vm9 =	vgt.f32 v33, v5  }
0x26e: {  	v35 =	vld [tilespmem:s18+$0x0];
	v12 =	vsel vm11, $0x6, v12;
	vm3 =	vgt.f32 v33, v4;
	v5 =	vsel vm9, v33, v5  }
0x26f: {  	v2 =	vsel vm0, $0x34, v2;
	v3 =	vsel vm0, v52, v3;
	v5 =	vsel vm3, v4, v5  }
0x270: {  	s20 =	sor.u32 s25, s4;
	v10 =	vsel vm14, $0x7, v10;
	v4 =	vsel vm3, v33, v4;
	vm5 =	vgt.f32 v34, v5  }
0x271: {  	v37 =	vld [tilespmem:s20+$0x0];
	v10 =	vsel vm1, v12, v10;
	vm4 =	vgt.f32 v34, v4;
	v5 =	vsel vm5, v34, v5  }
0x272: {  	v12 =	vsel vm1, $0x7, v12;
	v9 =	vsel vm5, $0xFFFFFFFF, v36;
	v5 =	vsel vm4, v4, v5  }
0x273: {  	v10 =	vsel vm8, $0x8, v10;
	[tilespmem:$0x1F9C0] =	vst v9;
	v4 =	vsel vm4, v34, v4;
	vm10 =	vgt.f32 v35, v5  }
0x274: {  	v10 =	vsel vm2, v12, v10;
	vm5 =	vgt.f32 v35, v4;
	v44 =	vld [tilespmem:$0x1F9C0];
	v5 =	vsel vm10, v35, v5  }
0x275: {  	v41 =	vsel vm2, $0x8, v12;
	v10 =	vsel vm9, $0x9, v10;
	v5 =	vsel vm5, v4, v5  }
0x276: {  	s4 =	sor.u32 s25, s6;
	v11 =	vsel vm3, $0x9, v41;
	v4 =	vsel vm5, v35, v4;
	vm11 =	vgt.f32 v37, v5  }
0x277: {  	v39 =	vld [tilespmem:s4+$0x0];
	v10 =	vsel vm3, v41, v10;
	vm6 =	vgt.f32 v37, v4;
	v5 =	vsel vm11, v37, v5  }
0x278: {  	v35 =	vimm.s32 $0x0;
	v5 =	vsel vm6, v4, v5;
	v4 =	vsel vm6, v37, v4  }
0x279: {  	s6 =	sor.u32 s25, s9;
	vm9 =	vnez.u8 v44;
	v44 =	vimm.s32 $0x0;
	vm14 =	vgt.f32 v38, v5  }
0x27a: {  	v40 =	vld [tilespmem:s6+$0x0];
	vm12 =	vgt.f32 v38, v4;
	v10 =	vsel vm9, $0xA, v10;
	v5 =	vsel vm14, v38, v5  }
0x27b: {  	v10 =	vsel vm4, v11, v10;
	v11 =	vsel vm4, $0xA, v11;
	v5 =	vsel vm12, v4, v5  }
0x27c: {  	s7 =	sor.u32 s25, s10;
	v4 =	vsel vm12, v38, v4;
	v10 =	vsel vm10, $0xB, v10;
	vm15 =	vgt.f32 v39, v5  }
0x27d: {  	v42 =	vld [tilespmem:s7+$0x0];
	v38 =	vimm.s32 $0x0;
	vm13 =	vgt.f32 v39, v4;
	v5 =	vsel vm15, v39, v5  }
0x27e: {  	v10 =	vsel vm5, v11, v10;
	v11 =	vsel vm5, $0xB, v11;
	v5 =	vsel vm13, v4, v5  }
0x27f: {  	v10 =	vsel vm11, $0xC, v10;
	v4 =	vsel vm13, v39, v4;
	vm8 =	vgt.f32 v40, v5  }
0x280: {  	v43 =	vld [tilespmem:s8+$0x0];
	v10 =	vsel vm6, v11, v10;
	vm1 =	vgt.f32 v40, v4;
	v5 =	vsel vm8, v40, v5  }
0x281: {  	v11 =	vsel vm6, $0xC, v11;
	v10 =	vsel vm14, $0xD, v10;
	v5 =	vsel vm1, v4, v5  }
0x282: {  	s9 =	sor.u32 s25, s12;
	v10 =	vsel vm12, v11, v10;
	v4 =	vsel vm1, v40, v4;
	vm9 =	vgt.f32 v42, v5  }
0x283: {  	v46 =	vld [tilespmem:s9+$0x0];
	v11 =	vsel vm12, $0xD, v11;
	vm2 =	vgt.f32 v42, v4;
	v5 =	vsel vm9, v42, v5  }
0x284: {  	v10 =	vsel vm15, $0xE, v10;
	v9 =	vsel vm9, $0xFFFFFFFF, v45;
	v5 =	vsel vm2, v4, v5  }
0x285: {  	v10 =	vsel vm13, v11, v10;
	[tilespmem:$0x1F9D0] =	vst v9;
	v4 =	vsel vm2, v42, v4;
	vm10 =	vgt.f32 v43, v5  }
0x286: {  	s10 =	sor.u32 s25, s13;
	v11 =	vsel vm13, $0xE, v11;
	vm3 =	vgt.f32 v43, v4;
	v14 =	vld [tilespmem:$0x1F9D0];
	v5 =	vsel vm10, v43, v5  }
0x287: {  	v48 =	vld [tilespmem:s10+$0x0];
	v10 =	vsel vm8, $0xF, v10;
	v8 =	vsel vm10, $0xFFFFFFFF, v47;
	v5 =	vsel vm3, v4, v5  }
0x288: {  	s13 =	sor.u32 s25, s16;
	v45 =	vimm.s32 $0x0;
	[tilespmem:$0x1F9E0] =	vst v8;
	v4 =	vsel vm3, v43, v4;
	vm9 =	vgt.f32 v46, v5  }
0x289: {  	s16 =	sor.u32 s25, s26;
	s18 =	sor.u32 s25, s28;
	s28 =	rddreg [dreg:$0x1d];
	v10 =	vsel vm1, v11, v10;
	vm4 =	vgt.f32 v46, v4;
	v55 =	vld [tilespmem:$0x1F9E0];
	v5 =	vsel vm9, v46, v5  }
0x28a: {  	v49 =	vld [tilespmem:s11+$0x0];
	s20 =	sor.u32 s25, s29;
	s4 =	sor.u32 s25, s28;
	s29 =	rddreg [dreg:$0x1e];
	v11 =	vsel vm1, $0xF, v11;
	v42 =	vimm.s32 $0x0;
	v5 =	vsel vm4, v4, v5  }
0x28b: {  	s26 =	sor.u32 s25, s30;
	s30 =	rddreg [dreg:$0x1f];
	v61 =	vld [tilespmem:s4+$0x0];
	s4 =	sor.u32 s25, s29;
	v4 =	vsel vm4, v46, v4;
	vm14 =	vnez.u8 v14;
	v46 =	vimm.s32 $0x0  }
0x28c: {  	v62 =	vld [tilespmem:s4+$0x0];
	s4 =	sor.u32 s25, s30;
	vm10 =	vgt.f32 v48, v5;
	vm5 =	vgt.f32 v48, v4;
	v10 =	vsel vm14, $0x10, v10  }
0x28d: {  	v63 =	vld [tilespmem:s4+$0x0];
	s4 =	sadd.s32 $0x6A80, s24;
	v5 =	vsel vm10, v48, v5;
	v10 =	vsel vm2, v11, v10;
	v11 =	vsel vm2, $0x10, v11  }
0x28e: {  	s12 =	sor.u32 s25, s15;
	s15 =	sor.u32 s25, s31;
	s31 =	sor.u32 s23, s4;
	v5 =	vsel vm5, v4, v5;
	v4 =	vsel vm5, v48, v4;
	vm7 =	vnez.u8 v55  }
0x28f: {  	v16 =	vld [tilespmem:s31+$0x0];
	v48 =	vimm.s32 $0x0;
	vm11 =	vgt.f32 v49, v5;
	vm6 =	vgt.f32 v49, v4  }
0x290: {  	v50 =	vld [tilespmem:s12+$0x0];
	v10 =	vsel vm7, $0x11, v10;
	vm7 =	vgt.f32 v52, v1;
	v5 =	vsel vm11, v49, v5  }
0x291: {  	v10 =	vsel vm3, v11, v10;
	v11 =	vsel vm3, $0x11, v11;
	v2 =	vsel vm7, v6, v2  }
0x292: {  	v3 =	vsel vm7, v1, v3;
	v6 =	vsel vm7, $0x34, v6;
	v12 =	vsel vm7, v52, v1  }
0x293: {  	v51 =	vld [tilespmem:s13+$0x0];
	v52 =	vimm.s32 $0x0;
	v5 =	vsel vm6, v4, v5;
	v4 =	vsel vm6, v49, v4  }
0x294: {  	v10 =	vsel vm9, $0x12, v10;
	vm0 =	vgt.f32 v16, v12;
	v49 =	vimm.s32 $0x0  }
0x295: {  	vm15 =	vgt.f32 v50, v5;
	vm12 =	vgt.f32 v50, v4;
	v10 =	vsel vm4, v11, v10  }
0x296: {  	v11 =	vsel vm4, $0x12, v11;
	v5 =	vsel vm15, v50, v5;
	v10 =	vsel vm10, $0x13, v10  }
0x297: {  	v53 =	vld [tilespmem:s15+$0x0];
	v5 =	vsel vm12, v4, v5;
	v4 =	vsel vm12, v50, v4;
	v10 =	vsel vm5, v11, v10  }
0x298: {  	v11 =	vsel vm5, $0x13, v11;
	vm8 =	vgt.f32 v51, v5;
	v10 =	vsel vm11, $0x14, v10  }
0x299: {  	vm13 =	vgt.f32 v51, v4;
	v5 =	vsel vm8, v51, v5;
	v10 =	vsel vm6, v11, v10  }
0x29a: {  	v11 =	vsel vm6, $0x14, v11;
	v5 =	vsel vm13, v4, v5;
	v4 =	vsel vm13, v51, v4  }
0x29b: {  	v54 =	vld [tilespmem:s16+$0x0];
	v10 =	vsel vm15, $0x15, v10;
	vm15 =	vgt.f32 v16, v3;
	v51 =	vimm.s32 $0x0  }
0x29c: {  	vm14 =	vgt.f32 v53, v5;
	vm1 =	vgt.f32 v53, v4;
	v10 =	vsel vm12, v11, v10  }
0x29d: {  	v11 =	vsel vm12, $0x15, v11;
	v2 =	vsel vm15, $0x35, v2;
	v3 =	vsel vm15, v16, v3  }
0x29e: {  	v56 =	vld [tilespmem:s18+$0x0];
	v5 =	vsel vm14, v53, v5;
	v10 =	vsel vm8, $0x16, v10;
	v3 =	vsel vm0, v12, v3  }
0x29f: {  	v5 =	vsel vm1, v4, v5;
	v4 =	vsel vm1, v53, v4;
	v10 =	vsel vm13, v11, v10  }
0x2a0: {  	v11 =	vsel vm13, $0x16, v11;
	vm9 =	vgt.f32 v54, v5;
	vm2 =	vgt.f32 v54, v4  }
0x2a1: {  	v58 =	vld [tilespmem:s20+$0x0];
	v10 =	vsel vm14, $0x17, v10;
	v7 =	vsel vm9, $0xFFFFFFFF, v57;
	v5 =	vsel vm9, v54, v5  }
0x2a2: {  	v12 =	vsel vm0, v16, v12;
	v10 =	vsel vm1, v11, v10;
	[tilespmem:$0x1F9F0] =	vst v7;
	v5 =	vsel vm2, v4, v5  }
0x2a3: {  	v11 =	vsel vm1, $0x17, v11;
	v4 =	vsel vm2, v54, v4;
	vm10 =	vgt.f32 v56, v5;
	v18 =	vld [tilespmem:$0x1F9F0]  }
0x2a4: {  	v60 =	vld [tilespmem:s26+$0x0];
	v57 =	vimm.s32 $0x0;
	vm3 =	vgt.f32 v56, v4;
	v5 =	vsel vm10, v56, v5  }
0x2a5: {  	v19 =	vsel vm2, $0x18, v11;
	v9 =	vsel vm10, $0xFFFFFFFF, v59;
	v5 =	vsel vm3, v4, v5  }
0x2a6: {  	v54 =	vimm.s32 $0x0;
	[tilespmem:$0x1FA00] =	vst v9;
	v4 =	vsel vm3, v56, v4;
	vm9 =	vgt.f32 v58, v5  }
0x2a7: {  	v59 =	vimm.s32 $0x0;
	vm4 =	vgt.f32 v58, v4;
	v21 =	vld [tilespmem:$0x1FA00];
	v5 =	vsel vm9, v58, v5  }
0x2a8: {  	v5 =	vsel vm4, v4, v5;
	v4 =	vsel vm4, v58, v4;
	vm8 =	vnez.u8 v18  }
0x2a9: {  	v58 =	vimm.s32 $0x0;
	v18 =	vimm.s32 $0x0;
	vm10 =	vgt.f32 v60, v5  }
0x2aa: {  	vm5 =	vgt.f32 v60, v4;
	v10 =	vsel vm8, $0x18, v10;
	v5 =	vsel vm10, v60, v5  }
0x2ab: {  	v1 =	vsel vm2, v11, v10;
	v10 =	vsel vm3, $0x19, v19;
	v5 =	vsel vm5, v4, v5  }
0x2ac: {  	s6 =	rddreg [dreg:$0x15];
	v4 =	vsel vm5, v60, v4;
	vm12 =	vnez.u8 v21;
	vm11 =	vgt.f32 v61, v5  }
0x2ad: {  	s7 =	rddreg [dreg:$0x16];
	s5 =	sor.u32 s25, s6;
	vm6 =	vgt.f32 v61, v4;
	v1 =	vsel vm12, $0x19, v1;
	v5 =	vsel vm11, v61, v5  }
0x2ae: {  	s8 =	rddreg [dreg:$0x17];
	v17 =	vld [tilespmem:s5+$0x0];
	s5 =	sor.u32 s25, s7;
	v21 =	vimm.s32 $0x0;
	v1 =	vsel vm3, v19, v1;
	v5 =	vsel vm6, v4, v5  }
0x2af: {  	s9 =	rddreg [dreg:$0x18];
	v20 =	vld [tilespmem:s5+$0x0];
	s5 =	sor.u32 s25, s8;
	v4 =	vsel vm6, v61, v4;
	v1 =	vsel vm9, $0x1A, v1;
	v61 =	vimm.s32 $0x0  }
0x2b0: {  	s10 =	rddreg [dreg:$0x19];
	v22 =	vld [tilespmem:s5+$0x0];
	s5 =	sor.u32 s25, s9;
	vm13 =	vgt.f32 v62, v5;
	vm1 =	vgt.f32 v62, v4;
	v1 =	vsel vm4, v10, v1  }
0x2b1: {  	s11 =	rddreg [dreg:$0x1a];
	v23 =	vld [tilespmem:s5+$0x0];
	s5 =	sor.u32 s25, s10;
	v10 =	vsel vm4, $0x1A, v10;
	v5 =	vsel vm13, v62, v5;
	v1 =	vsel vm10, $0x1B, v1  }
0x2b2: {  	s12 =	rddreg [dreg:$0x1b];
	v24 =	vld [tilespmem:s5+$0x0];
	s5 =	sor.u32 s25, s11;
	v5 =	vsel vm1, v4, v5;
	v4 =	vsel vm1, v62, v4;
	v1 =	vsel vm5, v10, v1  }
0x2b3: {  	v26 =	vld [tilespmem:s5+$0x0];
	s5 =	sor.u32 s25, s12;
	v10 =	vsel vm5, $0x1B, v10;
	v62 =	vimm.s32 $0x0;
	vm2 =	vgt.f32 v63, v5  }
0x2b4: {  	v27 =	vld [tilespmem:s5+$0x0];
	s5 =	sadd.s32 $0x6B00, s24;
	vm12 =	vgt.f32 v63, v4;
	v25 =	vsel vm11, $0x1C, v1;
	v1 =	vsel vm0, v6, v2  }
0x2b5: {  	s15 =	sor.u32 s23, s5;
	v5 =	vsel vm2, v63, v5;
	v2 =	vsel vm6, v10, v25;
	v10 =	vsel vm6, $0x1C, v10  }
0x2b6: {  	v31 =	vld [tilespmem:s15+$0x0];
	v5 =	vsel vm12, v4, v5;
	v4 =	vsel vm12, v63, v4;
	v2 =	vsel vm13, $0x1D, v2  }
0x2b7: {  	vm14 =	vgt.f32 v17, v5;
	vm3 =	vgt.f32 v17, v4;
	v2 =	vsel vm1, v10, v2  }
0x2b8: {  	v10 =	vsel vm1, $0x1D, v10;
	v5 =	vsel vm14, v17, v5;
	v2 =	vsel vm2, $0x1E, v2  }
0x2b9: {  	v5 =	vsel vm3, v4, v5;
	v4 =	vsel vm3, v17, v4;
	v2 =	vsel vm12, v10, v2  }
0x2ba: {  	v10 =	vsel vm12, $0x1E, v10;
	vm7 =	vgt.f32 v20, v5;
	vm4 =	vgt.f32 v20, v4  }
0x2bb: {  	v28 =	vsel vm14, $0x1F, v2;
	v2 =	vsel vm0, $0x35, v6;
	vm14 =	vgt.f32 v31, v12  }
0x2bc: {  	s16 =	rddreg [dreg:$0x10];
	v5 =	vsel vm7, v20, v5;
	v30 =	vsel vm3, v10, v28;
	v10 =	vsel vm3, $0x1F, v10  }
0x2bd: {  	s18 =	rddreg [dreg:$0x11];
	s6 =	sor.u32 s25, s16;
	v7 =	vsel vm14, v31, v12;
	v5 =	vsel vm4, v4, v5;
	v4 =	vsel vm4, v20, v4  }
0x2be: {  	s20 =	rddreg [dreg:$0x12];
	v32 =	vld [tilespmem:s6+$0x0];
	s6 =	sor.u32 s25, s18;
	v6 =	vsel vm7, $0x20, v30;
	v20 =	vimm.s32 $0x0;
	v30 =	vimm.s32 $0x0  }
0x2bf: {  	s26 =	rddreg [dreg:$0x13];
	v33 =	vld [tilespmem:s6+$0x0];
	s6 =	sor.u32 s25, s20;
	vm8 =	vgt.f32 v22, v5;
	vm5 =	vgt.f32 v22, v4;
	v6 =	vsel vm4, v10, v6  }
0x2c0: {  	v34 =	vld [tilespmem:s6+$0x0];
	s6 =	sor.u32 s25, s26;
	v10 =	vsel vm4, $0x20, v10;
	v5 =	vsel vm8, v22, v5;
	v6 =	vsel vm8, $0x21, v6  }
0x2c1: {  	v36 =	vld [tilespmem:s6+$0x0];
	s6 =	sadd.s32 $0x6B80, s24;
	v5 =	vsel vm5, v4, v5;
	v4 =	vsel vm5, v22, v4;
	v6 =	vsel vm5, v10, v6  }
0x2c2: {  	s30 =	sor.u32 s23, s6;
	v10 =	vsel vm5, $0x21, v10;
	v22 =	vimm.s32 $0x0;
	vm9 =	vgt.f32 v23, v5  }
0x2c3: {  	v39 =	vld [tilespmem:s30+$0x0];
	vm6 =	vgt.f32 v23, v4;
	v5 =	vsel vm9, v23, v5;
	v6 =	vsel vm9, $0x22, v6  }
0x2c4: {  	vm9 =	vgt.f32 v31, v3;
	v5 =	vsel vm6, v4, v5;
	v4 =	vsel vm6, v23, v4  }
0x2c5: {  	v13 =	vsel vm9, $0xFFFFFFFF, v35;
	v6 =	vsel vm6, v10, v6;
	v10 =	vsel vm6, $0x22, v10  }
0x2c6: {  	v3 =	vsel vm9, v31, v3;
	v35 =	vimm.s32 $0x0;
	vm13 =	vgt.f32 v24, v5  }
0x2c7: {  	vm2 =	vgt.f32 v24, v4;
	[tilespmem:$0x1FA60] =	vst v13;
	v13 =	vsel vm14, $0xFFFFFFFF, v38;
	v3 =	vsel vm14, v12, v3  }
0x2c8: {  	v5 =	vsel vm13, v24, v5;
	v6 =	vsel vm13, $0x23, v6;
	vm15 =	vgt.f32 v39, v3  }
0x2c9: {  	v5 =	vsel vm2, v4, v5;
	v4 =	vsel vm2, v24, v4;
	v6 =	vsel vm2, v10, v6  }
0x2ca: {  	s13 =	rddreg [dreg:$0x1c];
	v10 =	vsel vm2, $0x23, v10;
	v3 =	vsel vm15, v39, v3;
	vm10 =	vgt.f32 v26, v5  }
0x2cb: {  	s14 =	sor.u32 s25, s13;
	v24 =	vimm.s32 $0x0;
	vm1 =	vgt.f32 v26, v4;
	v5 =	vsel vm10, v26, v5  }
0x2cc: {  	v29 =	vld [tilespmem:s14+$0x0];
	v6 =	vsel vm10, $0x24, v6;
	v5 =	vsel vm1, v4, v5;
	v4 =	vsel vm1, v26, v4  }
0x2cd: {  	v6 =	vsel vm1, v10, v6;
	v10 =	vsel vm1, $0x24, v10;
	vm3 =	vgt.f32 v27, v5  }
0x2ce: {  	v26 =	vimm.s32 $0x0;
	vm7 =	vgt.f32 v27, v4;
	v5 =	vsel vm3, v27, v5  }
0x2cf: {  	v6 =	vsel vm3, $0x25, v6;
	v5 =	vsel vm7, v4, v5;
	v4 =	vsel vm7, v27, v4  }
0x2d0: {  	v6 =	vsel vm7, v10, v6;
	v10 =	vsel vm7, $0x25, v10;
	vm7 =	vgt.f32 v39, v7  }
0x2d1: {  	v27 =	vimm.s32 $0x0;
	vm0 =	vgt.f32 v29, v5;
	vm8 =	vgt.f32 v29, v4  }
0x2d2: {  	v3 =	vsel vm7, v7, v3;
	v7 =	vsel vm7, v39, v7;
	v5 =	vsel vm0, v29, v5  }
0x2d3: {  	v39 =	vimm.s32 $0x0;
	v6 =	vsel vm0, $0x26, v6;
	v5 =	vsel vm8, v4, v5  }
0x2d4: {  	v4 =	vsel vm8, v29, v4;
	v6 =	vsel vm8, v10, v6;
	vm11 =	vgt.f32 v32, v5  }
0x2d5: {  	v10 =	vsel vm8, $0x26, v10;
	vm5 =	vgt.f32 v32, v4;
	v5 =	vsel vm11, v32, v5  }
0x2d6: {  	v29 =	vimm.s32 $0x0;
	v6 =	vsel vm11, $0x27, v6;
	v5 =	vsel vm5, v4, v5  }
0x2d7: {  	v4 =	vsel vm5, v32, v4;
	v6 =	vsel vm5, v10, v6;
	vm12 =	vgt.f32 v33, v5  }
0x2d8: {  	v10 =	vsel vm5, $0x27, v10;
	vm4 =	vgt.f32 v33, v4;
	v5 =	vsel vm12, v33, v5  }
0x2d9: {  	s28 =	rddreg [dreg:$0x14];
	v32 =	vimm.s32 $0x0;
	v6 =	vsel vm12, $0x28, v6;
	v5 =	vsel vm4, v4, v5  }
0x2da: {  	s29 =	sor.u32 s25, s28;
	v4 =	vsel vm4, v33, v4;
	v6 =	vsel vm4, v10, v6;
	vm6 =	vgt.f32 v34, v5  }
0x2db: {  	v37 =	vld [tilespmem:s29+$0x0];
	v10 =	vsel vm4, $0x28, v10;
	vm2 =	vgt.f32 v34, v4;
	v5 =	vsel vm6, v34, v5  }
0x2dc: {  	s31 =	rddreg [dreg:$0xc];
	v6 =	vsel vm6, $0x29, v6;
	v5 =	vsel vm2, v4, v5;
	v4 =	vsel vm2, v34, v4  }
0x2dd: {  	s7 =	sor.u32 s25, s31;
	s8 =	rddreg [dreg:$0xd];
	v6 =	vsel vm2, v10, v6;
	v10 =	vsel vm2, $0x29, v10;
	vm9 =	vgt.f32 v36, v5  }
0x2de: {  	s9 =	rddreg [dreg:$0xe];
	v40 =	vld [tilespmem:s7+$0x0];
	s7 =	sor.u32 s25, s8;
	v34 =	vimm.s32 $0x0;
	vm3 =	vgt.f32 v36, v4;
	v5 =	vsel vm9, v36, v5  }
0x2df: {  	s10 =	rddreg [dreg:$0xf];
	v41 =	vld [tilespmem:s7+$0x0];
	s7 =	sor.u32 s25, s9;
	v6 =	vsel vm9, $0x2A, v6;
	v5 =	vsel vm3, v4, v5;
	v4 =	vsel vm3, v36, v4  }
0x2e0: {  	v43 =	vld [tilespmem:s7+$0x0];
	s7 =	sor.u32 s25, s10;
	v6 =	vsel vm3, v10, v6;
	v10 =	vsel vm3, $0x2A, v10;
	vm1 =	vgt.f32 v37, v5  }
0x2e1: {  	v47 =	vld [tilespmem:s7+$0x0];
	s7 =	sadd.s32 $0x7400, s24;
	v36 =	vimm.s32 $0x0;
	vm0 =	vgt.f32 v37, v4;
	v5 =	vsel vm1, v37, v5  }
0x2e2: {  	s12 =	sor.u32 s23, s7;
	v6 =	vsel vm1, $0x2B, v6;
	v5 =	vsel vm0, v4, v5;
	v4 =	vsel vm0, v37, v4  }
0x2e3: {  	v53 =	vld [tilespmem:s12+$0x0];
	v37 =	vimm.s32 $0x0;
	v6 =	vsel vm0, v10, v6;
	vm13 =	vgt.f32 v40, v5  }
0x2e4: {  	v10 =	vsel vm0, $0x2B, v10;
	vm14 =	vgt.f32 v40, v4;
	v5 =	vsel vm13, v40, v5  }
0x2e5: {  	v8 =	vsel vm13, $0xFFFFFFFF, v42;
	v12 =	vsel vm14, $0xFFFFFFFF, v44;
	v5 =	vsel vm14, v4, v5  }
0x2e6: {  	[tilespmem:$0x1FA20] =	vst v12;
	v12 =	vsel vm15, $0xFFFFFFFF, v45;
	v4 =	vsel vm14, v40, v4;
	vm13 =	vgt.f32 v41, v5  }
0x2e7: {  	v45 =	vimm.s32 $0x0;
	vm14 =	vgt.f32 v41, v4;
	v11 =	vsel vm13, $0xFFFFFFFF, v46  }
0x2e8: {  	[tilespmem:$0x1FB00] =	vst v12;
	v5 =	vsel vm13, v41, v5;
	v12 =	vsel vm14, $0xFFFFFFFF, v48;
	vm13 =	vgt.f32 v53, v3  }
0x2e9: {  	s8 =	sadd.s32 $0x7480, s24;
	v5 =	vsel vm14, v4, v5;
	v4 =	vsel vm14, v41, v4;
	v3 =	vsel vm13, v53, v3  }
0x2ea: {  	s13 =	sor.u32 s23, s8;
	v41 =	vimm.s32 $0x0;
	vm15 =	vgt.f32 v43, v5;
	vm10 =	vgt.f32 v43, v4  }
0x2eb: {  	v56 =	vld [tilespmem:s13+$0x0];
	[tilespmem:$0x1FA40] =	vst v12;
	v9 =	vsel vm15, $0xFFFFFFFF, v49;
	v12 =	vsel vm10, $0xFFFFFFFF, v51;
	v5 =	vsel vm15, v43, v5  }
0x2ec: {  	vm15 =	vgt.f32 v53, v7;
	v49 =	vimm.s32 $0x0;
	v51 =	vimm.s32 $0x0  }
0x2ed: {  	[tilespmem:$0x1FA70] =	vst v12;
	v12 =	vsel vm7, $0xFFFFFFFF, v52;
	v5 =	vsel vm10, v4, v5;
	v4 =	vsel vm10, v43, v4  }
0x2ee: {  	s11 =	sor.u32 s25, s17;
	v3 =	vsel vm15, v7, v3;
	v7 =	vsel vm15, v53, v7;
	v43 =	vimm.s32 $0x0  }
0x2ef: {  	v50 =	vld [tilespmem:s11+$0x0];
	v52 =	vimm.s32 $0x0;
	vm11 =	vgt.f32 v47, v5;
	vm4 =	vgt.f32 v47, v4  }
0x2f0: {  	[tilespmem:$0x1FA10] =	vst v8;
	vm9 =	vgt.f32 v56, v3;
	vm2 =	vgt.f32 v56, v7;
	v8 =	vsel vm11, $0xFFFFFFFF, v54  }
0x2f1: {  	s14 =	sor.u32 s25, s0;
	s0 =	sadd.s32 $0x7500, s24;
	v5 =	vsel vm11, v47, v5;
	v14 =	vsel vm4, $0xFFFFFFFF, v57;
	v15 =	vsel vm9, $0xFFFFFFFF, v15  }
0x2f2: {  	s15 =	sor.u32 s23, s0;
	v3 =	vsel vm9, v56, v3;
	v54 =	vimm.s32 $0x0;
	v5 =	vsel vm4, v4, v5  }
0x2f3: {  	s1 =	sor.u32 s25, s1;
	v63 =	vld [tilespmem:s15+$0x0];
	[tilespmem:$0x1FA80] =	vst v8;
	v4 =	vsel vm4, v47, v4;
	v8 =	vsel vm2, $0xFFFFFFFF, v21;
	v3 =	vsel vm2, v7, v3  }
0x2f4: {  	v55 =	vld [tilespmem:s1+$0x0];
	[tilespmem:$0x1FA30] =	vst v11;
	v7 =	vsel vm2, v56, v7;
	v47 =	vimm.s32 $0x0;
	vm12 =	vgt.f32 v50, v5  }
0x2f5: {  	[tilespmem:$0x1FA90] =	vst v14;
	vm14 =	vgt.f32 v50, v4;
	v11 =	vsel vm12, $0xFFFFFFFF, v58;
	v5 =	vsel vm12, v50, v5  }
0x2f6: {  	s17 =	sadd.s32 $0x7580, s24;
	v14 =	vsel vm14, $0xFFFFFFFF, v61;
	v58 =	vimm.s32 $0x0;
	[tilespmem:$0x1FAA0] =	vst v11;
	v11 =	vsel vm13, $0xFFFFFFFF, v59  }
0x2f7: {  	s20 =	sor.u32 s23, s17;
	[tilespmem:$0x1FAB0] =	vst v14;
	v5 =	vsel vm14, v4, v5;
	v14 =	vsel vm15, $0xFFFFFFFF, v62;
	v4 =	vsel vm14, v50, v4  }
0x2f8: {  	v25 =	vld [tilespmem:s20+$0x0];
	[tilespmem:$0x1FAD0] =	vst v13;
	vm13 =	vgt.f32 v63, v3;
	vm15 =	vgt.f32 v63, v7;
	v62 =	vimm.s32 $0x0  }
0x2f9: {  	v60 =	vld [tilespmem:s14+$0x0];
	[tilespmem:$0x1FA50] =	vst v9;
	vm8 =	vgt.f32 v55, v5;
	vm10 =	vgt.f32 v55, v4;
	v13 =	vsel vm13, $0xFFFFFFFF, v26  }
0x2fa: {  	[tilespmem:$0x1FB30] =	vst v12;
	v3 =	vsel vm13, v63, v3;
	v9 =	vsel vm8, $0xFFFFFFFF, v18;
	v5 =	vsel vm8, v55, v5  }
0x2fb: {  	s16 =	sor.u32 s25, s2;
	s26 =	sadd.s32 $0x7600, s24;
	v12 =	vsel vm10, $0xFFFFFFFF, v20;
	[tilespmem:$0x1FBC0] =	vst v13;
	v13 =	vsel vm15, $0xFFFFFFFF, v29;
	v3 =	vsel vm15, v7, v3  }
0x2fc: {  	s29 =	sor.u32 s23, s26;
	v19 =	vld [tilespmem:s16+$0x0];
	v7 =	vsel vm15, v63, v7;
	v18 =	vimm.s32 $0x0;
	v5 =	vsel vm10, v4, v5  }
0x2fd: {  	v31 =	vld [tilespmem:s29+$0x0];
	v4 =	vsel vm10, v55, v4;
	vm5 =	vgt.f32 v25, v3;
	vm7 =	vgt.f32 v25, v7  }
0x2fe: {  	[tilespmem:$0x1FBB0] =	vst v8;
	v55 =	vimm.s32 $0x0;
	vm11 =	vgt.f32 v60, v5;
	vm12 =	vgt.f32 v60, v4  }
0x2ff: {  	s31 =	sadd.s32 $0x7680, s24;
	s18 =	sor.u32 s25, s3;
	[tilespmem:$0x1FB70] =	vst v14;
	v14 =	vsel vm5, $0xFFFFFFFF, v34;
	v3 =	vsel vm5, v25, v3;
	v8 =	vsel vm11, $0xFFFFFFFF, v22  }
0x300: {  	s9 =	sor.u32 s23, s31;
	v23 =	vld [tilespmem:s18+$0x0];
	[tilespmem:$0x1FAE0] =	vst v12;
	v5 =	vsel vm11, v60, v5;
	v12 =	vsel vm12, $0xFFFFFFFF, v24;
	v3 =	vsel vm7, v7, v3  }
0x301: {  	v40 =	vld [tilespmem:s9+$0x0];
	v7 =	vsel vm7, v25, v7;
	v5 =	vsel vm12, v4, v5;
	v4 =	vsel vm12, v60, v4  }
0x302: {  	vm9 =	vgt.f32 v31, v3;
	vm11 =	vgt.f32 v31, v7;
	vm14 =	vgt.f32 v19, v5  }
0x303: {  	s28 =	sor.u32 s25, s4;
	[tilespmem:$0x1FB50] =	vst v11;
	vm3 =	vgt.f32 v19, v4;
	v3 =	vsel vm9, v31, v3;
	v11 =	vsel vm14, $0xFFFFFFFF, v27  }
0x304: {  	v28 =	vld [tilespmem:s28+$0x0];
	[tilespmem:$0x1FBE0] =	vst v13;
	v5 =	vsel vm14, v19, v5;
	v13 =	vsel vm3, $0xFFFFFFFF, v30;
	v3 =	vsel vm11, v7, v3  }
0x305: {  	s10 =	sadd.s32 $0x7700, s24;
	v60 =	vld [tilespmem:$0x1FA20];
	v7 =	vsel vm11, v31, v7;
	v5 =	vsel vm3, v4, v5;
	v4 =	vsel vm3, v19, v4  }
0x306: {  	s12 =	sor.u32 s23, s10;
	[tilespmem:$0x1FAC0] =	vst v9;
	vm14 =	vgt.f32 v40, v3;
	vm4 =	vgt.f32 v23, v5;
	vm6 =	vgt.f32 v23, v4  }
0x307: {  	s30 =	sor.u32 s25, s5;
	v44 =	vld [tilespmem:s12+$0x0];
	[tilespmem:$0x1FB40] =	vst v13;
	v13 =	vsel vm14, $0xFFFFFFFF, v47;
	v3 =	vsel vm14, v40, v3;
	vm14 =	vgt.f32 v40, v7  }
0x308: {  	v33 =	vld [tilespmem:s30+$0x0];
	[tilespmem:$0x1FC00] =	vst v14;
	v9 =	vsel vm4, $0xFFFFFFFF, v32;
	v5 =	vsel vm4, v23, v5;
	v14 =	vsel vm6, $0xFFFFFFFF, v35  }
0x309: {  	v3 =	vsel vm14, v7, v3;
	v7 =	vsel vm14, v40, v7;
	v5 =	vsel vm6, v4, v5  }
0x30a: {  	s6 =	sor.u32 s25, s6;
	vm0 =	vnez.u8 v60;
	v4 =	vsel vm6, v23, v4;
	vm8 =	vgt.f32 v28, v5  }
0x30b: {  	v38 =	vld [tilespmem:s6+$0x0];
	[tilespmem:$0x1FC60] =	vst v13;
	v13 =	vimm.s32 $0x0;
	vm15 =	vgt.f32 v28, v4;
	v5 =	vsel vm8, v28, v5  }
0x30c: {  	[tilespmem:$0x1FB80] =	vst v14;
	v14 =	vsel vm7, $0xFFFFFFFF, v36;
	vm5 =	vgt.f32 v44, v3;
	v5 =	vsel vm15, v4, v5  }
0x30d: {  	s11 =	sor.u32 s25, s7;
	s14 =	sadd.s32 $0x7780, s24;
	[tilespmem:$0x1FC20] =	vst v14;
	v14 =	vsel vm9, $0xFFFFFFFF, v39;
	v4 =	vsel vm15, v28, v4;
	vm10 =	vgt.f32 v33, v5  }
0x30e: {  	s15 =	sor.u32 s23, s14;
	v42 =	vld [tilespmem:s11+$0x0];
	[tilespmem:$0x1FB90] =	vst v15;
	v15 =	vsel vm5, $0xFFFFFFFF, v51;
	vm12 =	vgt.f32 v33, v4;
	v5 =	vsel vm10, v33, v5  }
0x30f: {  	v48 =	vld [tilespmem:s15+$0x0];
	[tilespmem:$0x1FAF0] =	vst v8;
	v3 =	vsel vm5, v44, v3;
	v8 =	vsel vm8, $0xFFFFFFFF, v37;
	v5 =	vsel vm12, v4, v5  }
0x310: {  	[tilespmem:$0x1FC30] =	vst v14;
	v14 =	vsel vm11, $0xFFFFFFFF, v43;
	v4 =	vsel vm12, v33, v4;
	vm13 =	vgt.f32 v38, v5  }
0x311: {  	s13 =	sor.u32 s25, s8;
	v57 =	vld [tilespmem:$0x1FA10];
	[tilespmem:$0x1FB20] =	vst v11;
	v11 =	vsel vm10, $0xFFFFFFFF, v41;
	vm10 =	vgt.f32 v38, v4;
	v5 =	vsel vm13, v38, v5  }
0x312: {  	v46 =	vld [tilespmem:s13+$0x0];
	[tilespmem:$0x1FB60] =	vst v9;
	v9 =	vsel vm13, $0xFFFFFFFF, v45;
	vm13 =	vgt.f32 v44, v7;
	v5 =	vsel vm10, v4, v5  }
0x313: {  	v16 =	vld [tilespmem:$0x1FA60];
	v4 =	vsel vm10, v38, v4;
	v3 =	vsel vm13, v7, v3;
	v7 =	vsel vm13, v44, v7  }
0x314: {  	v17 =	vld [tilespmem:$0x1FA70];
	[tilespmem:$0x1FB10] =	vst v12;
	vm4 =	vgt.f32 v42, v5;
	vm9 =	vgt.f32 v42, v4;
	vm7 =	vgt.f32 v48, v3  }
0x315: {  	s0 =	sor.u32 s25, s0;
	v61 =	vld [tilespmem:$0x1FA30];
	[tilespmem:$0x1FBA0] =	vst v8;
	v8 =	vsel vm4, $0xFFFFFFFF, v49;
	v5 =	vsel vm4, v42, v5;
	v12 =	vsel vm7, $0xFFFFFFFF, v54  }
0x316: {  	v50 =	vld [tilespmem:s0+$0x0];
	v3 =	vsel vm7, v48, v3;
	vm4 =	vnez.u8 v57;
	v5 =	vsel vm9, v4, v5  }
0x317: {  	s16 =	sor.u32 s25, s17;
	v4 =	vsel vm9, v42, v4;
	v6 =	vsel vm4, $0x2C, v6;
	vm6 =	vgt.f32 v46, v5  }
0x318: {  	v53 =	vld [tilespmem:s16+$0x0];
	[tilespmem:$0x1FBD0] =	vst v11;
	vm8 =	vgt.f32 v46, v4;
	v6 =	vsel vm0, v10, v6;
	v10 =	vsel vm0, $0x2C, v10  }
0x319: {  	[tilespmem:$0x1FCB0] =	vst v12;
	v12 =	vld [tilespmem:$0x1FA40];
	vm0 =	vnez.u8 v16;
	v11 =	vsel vm6, $0xFFFFFFFF, v52;
	v5 =	vsel vm6, v46, v5  }
0x31a: {  	vm6 =	vnez.u8 v61;
	v1 =	vsel vm0, $0x36, v1;
	v5 =	vsel vm8, v4, v5  }
0x31b: {  	s17 =	sor.u32 s25, s26;
	vm0 =	vnez.u8 v17;
	v4 =	vsel vm8, v46, v4;
	vm11 =	vgt.f32 v50, v5  }
0x31c: {  	v56 =	vld [tilespmem:s17+$0x0];
	v6 =	vsel vm6, $0x2D, v6;
	vm7 =	vgt.f32 v50, v4;
	v5 =	vsel vm11, v50, v5  }
0x31d: {  	s18 =	sor.u32 s25, s31;
	[tilespmem:$0x1FBF0] =	vst v9;
	v9 =	vsel vm11, $0xFFFFFFFF, v55;
	vm11 =	vgt.f32 v48, v7;
	v5 =	vsel vm7, v4, v5  }
0x31e: {  	v59 =	vld [tilespmem:s18+$0x0];
	[tilespmem:$0x1FC50] =	vst v14;
	vm6 =	vnez.u8 v12;
	v4 =	vsel vm7, v50, v4;
	vm5 =	vgt.f32 v53, v5  }
0x31f: {  	v14 =	vld [tilespmem:$0x1FA50];
	[tilespmem:$0x1FC10] =	vst v8;
	v8 =	vsel vm5, $0xFFFFFFFF, v58;
	v5 =	vsel vm5, v53, v5;
	vm5 =	vgt.f32 v53, v4  }
0x320: {  	v3 =	vsel vm11, v7, v3;
	v7 =	vsel vm11, v48, v7;
	v5 =	vsel vm5, v4, v5  }
0x321: {  	v3 =	vsub.f32 v3, v7;
	v4 =	vsel vm5, v53, v4;
	vm4 =	vgt.f32 v56, v5  }
0x322: {  	v7 =	vsel vm4, $0xFFFFFFFF, v62;
	v5 =	vsel vm4, v56, v5;
	vm4 =	vgt.f32 v56, v4  }
0x323: {  	s20 =	sor.u32 s25, s10;
	v19 =	vld [tilespmem:$0x1FA80];
	v6 =	vsel vm6, v10, v6;
	v3 =	vmul.f32 $1.442695020e+00, v3;
	v5 =	vsel vm4, v4, v5  }
0x324: {  	v63 =	vld [tilespmem:s20+$0x0];
	v10 =	vsel vm6, $0x2D, v10;
	vm6 =	vnez.u8 v14;
	vm1 =	vgt.f32 v59, v5  }
0x325: {  	v20 =	vld [tilespmem:$0x1FA90];
	[tilespmem:$0x1FC70] =	vst v9;
	(erf) = vpow2.f32 v3;
	v3 =	vsel vm4, v56, v4;
	v4 =	vsel vm1, $0xFFFFFFFF, v13  }
0x326: {  	s24 =	sor.u32 s25, s14;
	v21 =	vld [tilespmem:$0x1FAA0];
	v22 =	vimm.s32 $0x0;
	v9 =	vsel vm0, $0x2E, v10;
	[tilespmem:$0x1FCC0] =	vst v4;
	v4 =	vsel vm6, $0x2E, v6  }
0x327: {  	[tilespmem:$0x1FC90] =	vst v15;
	v15 =	vld [tilespmem:s24+$0x0];
	v5 =	vsel vm1, v59, v5;
	vm6 =	vgt.f32 v59, v3;
	v4 =	vsel vm0, v10, v4  }
0x328: {  	v5 =	vsel vm6, v3, v5;
	v3 =	vsel vm6, v59, v3;
	vm0 =	vnez.u8 v19  }
0x329: {  	v23 =	vld [tilespmem:$0x1FAB0];
	vm1 =	vgt.f32 v63, v5;
	v4 =	vsel vm0, $0x2F, v4;
	vm3 =	vgt.f32 v63, v3  }
0x32a: {  	[tilespmem:$0x1FC80] =	vst v8;
	vm0 =	vnez.u8 v20;
	v8 =	vsel vm1, $0xFFFFFFFF, v18;
	v5 =	vsel vm1, v63, v5  }
0x32b: {  	v24 =	vld [tilespmem:$0x1FAC0];
	v4 =	vsel vm0, v9, v4;
	[tilespmem:$0x1FCD0] =	vst v8;
	v8 =	vsel vm0, $0x2F, v9;
	v5 =	vsel vm3, v3, v5  }
0x32c: {  	v25 =	vld [tilespmem:$0x1FAD0];
	vm0 =	vnez.u8 v21;
	v3 =	vsel vm3, v63, v3;
	vm1 =	vgt.f32 v15, v5  }
0x32d: {  	v4 =	vsel vm0, $0x30, v4;
	vm2 =	vgt.f32 v15, v3;
	v5 =	vsel vm1, v15, v5  }
0x32e: {  	v28 =	vld [tilespmem:$0x1FAE0];
	vm0 =	vnez.u8 v23;
	v5 =	vsel vm2, v3, v5;
	v3 =	vsel vm2, v15, v3  }
0x32f: {  	v29 =	vld [tilespmem:$0x1FAF0];
	[tilespmem:$0x1FCA0] =	vst v7;
	v26 =	vpop (erf);
	v7 =	vsel vm1, $0xFFFFFFFF, v22;
	v4 =	vsel vm0, v8, v4;
	v3 =	vsub.f32 v5, v3  }
0x330: {  	v30 =	vld [tilespmem:$0x1FB00];
	v27 =	vadd.f32 $1.000000000e+00, v26;
	[tilespmem:$0x1FCE0] =	vst v7;
	v7 =	vsel vm0, $0x30, v8;
	vm0 =	vnez.u8 v24  }
0x331: {  	v31 =	vld [tilespmem:$0x1FB10];
	v4 =	vsel vm0, $0x31, v4;
	vm0 =	vnez.u8 v25;
	v3 =	vmul.f32 $1.442695020e+00, v3  }
0x332: {  	v32 =	vld [tilespmem:$0x1FB20];
	(erf) = vrcp.f32 v27;
	v1 =	vsel vm0, v2, v1  }
0x333: {  	v2 =	vsel vm0, $0x36, v2;
	vm0 =	vnez.u8 v28;
	(erf) = vpow2.f32 v3;
	v3 =	vld [tilespmem:$0x1FB30]  }
0x334: {  	v4 =	vsel vm0, v7, v4;
	v7 =	vsel vm0, $0x31, v7;
	vm0 =	vnez.u8 v29  }
0x335: {  	v4 =	vsel vm0, $0x32, v4;
	vm0 =	vnez.u8 v30  }
0x336: {  	v35 =	vld [tilespmem:$0x1FB60];
	v1 =	vsel vm0, $0x37, v1;
	vm0 =	vnez.u8 v31  }
0x337: {  	v33 =	vld [tilespmem:$0x1FB50];
	v4 =	vsel vm0, v7, v4;
	v6 =	vsel vm0, $0x32, v7;
	vm0 =	vnez.u8 v32  }
0x338: {  	v4 =	vsel vm0, $0x33, v4;
	vm0 =	vnez.u8 v3;
	v3 =	vld [tilespmem:$0x1FB40]  }
0x339: {  	v36 =	vld [tilespmem:$0x1FB70]  }
0x33a: {  	v37 =	vld [tilespmem:$0x1FB80]  }
0x33b: {  	v38 =	vld [tilespmem:$0x1FB90]  }
0x33c: {  	v39 =	vld [tilespmem:$0x1FBA0];
	v45 =	vpop (erf);
	v1 =	vsel vm0, v2, v1;
	v2 =	vsel vm0, $0x37, v2;
	vm0 =	vnez.u8 v33  }
0x33d: {  	v40 =	vld [tilespmem:$0x1FBB0];
	v1 =	vsel vm0, $0x38, v1;
	vm0 =	vnez.u8 v35;
	v47 =	vpop (erf);
	vm1 =	vnez.u8 v3  }
0x33e: {  	v41 =	vld [tilespmem:$0x1FBC0];
	v50 =	vadd.f32 $1.000000000e+00, v47;
	v3 =	vsel vm1, v6, v4;
	v34 =	vsel vm1, $0x33, v6  }
0x33f: {  	v42 =	vld [tilespmem:$0x1FBD0];
	vm1 =	vnez.u8 v37;
	v3 =	vsel vm0, $0x34, v3;
	vm0 =	vnez.u8 v36  }
0x340: {  	v43 =	vld [tilespmem:$0x1FBE0];
	v1 =	vsel vm0, v2, v1;
	v2 =	vsel vm0, $0x38, v2;
	vm0 =	vnez.u8 v38  }
0x341: {  	v51 =	vld [tilespmem:$0x1FC30];
	v3 =	vsel vm1, v34, v3;
	v1 =	vsel vm0, $0x39, v1;
	vm0 =	vnez.u8 v39  }
0x342: {  	v44 =	vld [tilespmem:$0x1FBF0];
	v4 =	vsel vm1, $0x34, v34;
	v3 =	vsel vm0, $0x35, v3;
	vm0 =	vnez.u8 v40  }
0x343: {  	v46 =	vld [tilespmem:$0x1FC00];
	v1 =	vsel vm0, v2, v1;
	v2 =	vsel vm0, $0x39, v2;
	v3 =	vsel vm15, v4, v3  }
0x344: {  	v49 =	vld [tilespmem:$0x1FC20];
	vm0 =	vnez.u8 v41;
	v4 =	vsel vm15, $0x35, v4;
	vm15 =	vnez.u8 v42  }
0x345: {  	v48 =	vld [tilespmem:$0x1FC10];
	v1 =	vsel vm0, $0x3A, v1;
	v3 =	vsel vm15, $0x36, v3;
	vm15 =	vnez.u8 v43  }
0x346: {  	v54 =	vld [tilespmem:$0x1FC60];
	(erf) = vrcp.f32 v50;
	v1 =	vsel vm15, v2, v1  }
0x347: {  	[tilespmem:$0x1FC40] =	vst v11;
	v53 =	vld [tilespmem:$0x1FC50];
	v3 =	vsel vm12, v4, v3;
	v4 =	vsel vm12, $0x36, v4;
	vm12 =	vnez.u8 v44  }
0x348: {  	v52 =	vld [tilespmem:$0x1FC40];
	v2 =	vsel vm15, $0x3A, v2;
	vm15 =	vnez.u8 v46;
	v3 =	vsel vm12, $0x37, v3  }
0x349: {  	v55 =	vld [tilespmem:$0x1FC70];
	v1 =	vsel vm15, $0x3B, v1;
	vm12 =	vnez.u8 v49;
	vm15 =	vnez.u8 v51  }
0x34a: {  	v58 =	vld [tilespmem:$0x1FCA0];
	v3 =	vsel vm10, v4, v3;
	v4 =	vsel vm10, $0x37, v4;
	vm10 =	vnez.u8 v48  }
0x34b: {  	v57 =	vld [tilespmem:$0x1FC90];
	v1 =	vsel vm12, v2, v1;
	v2 =	vsel vm12, $0x3B, v2;
	vm12 =	vnez.u8 v54  }
0x34c: {  	v56 =	vld [tilespmem:$0x1FC80];
	v3 =	vsel vm10, $0x38, v3;
	v1 =	vsel vm15, $0x3C, v1;
	vm10 =	vnez.u8 v53  }
0x34d: {  	v3 =	vsel vm9, v4, v3;
	v4 =	vsel vm9, $0x38, v4;
	vm9 =	vnez.u8 v52  }
0x34e: {  	vm15 =	vnez.u8 v55;
	v1 =	vsel vm10, v2, v1;
	v3 =	vsel vm9, $0x39, v3  }
0x34f: {  	v2 =	vsel vm10, $0x3C, v2;
	vm10 =	vnez.u8 v58;
	v3 =	vsel vm8, v4, v3  }
0x350: {  	v60 =	vld [tilespmem:$0x1FCC0];
	v1 =	vsel vm12, $0x3D, v1;
	v4 =	vsel vm8, $0x39, v4;
	v3 =	vsel vm15, $0x3A, v3  }
0x351: {  	vm9 =	vnez.u8 v57;
	vm8 =	vnez.u8 v56;
	v3 =	vsel vm7, v4, v3  }
0x352: {  	v59 =	vld [tilespmem:$0x1FCB0];
	v1 =	vsel vm14, v2, v1;
	v4 =	vsel vm7, $0x3A, v4;
	v3 =	vsel vm8, $0x3B, v3  }
0x353: {  	v2 =	vsel vm14, $0x3D, v2;
	v1 =	vsel vm9, $0x3E, v1;
	v3 =	vsel vm5, v4, v3  }
0x354: {  	v1 =	vsel vm13, v2, v1;
	v4 =	vsel vm5, $0x3B, v4;
	v3 =	vsel vm10, $0x3C, v3  }
0x355: {  	v2 =	vsel vm13, $0x3E, v2;
	vm13 =	vnez.u8 v60;
	v3 =	vsel vm4, v4, v3  }
0x356: {  	v3 =	vsel vm13, $0x3D, v3  }
0x357: {  	s26 =	sadd.s32 $0x90, s19;
	s28 =	sadd.s32 $0x120, s22;
	vm12 =	vnez.u8 v59  }
0x358: {  	s1 =	sand.u32 $0x70, s26;
	s2 =	sand.u32 $0x700, s28;
	v62 =	vld [tilespmem:$0x1FCD0];
	v1 =	vsel vm12, $0x3F, v1;
	v4 =	vsel vm4, $0x3C, v4  }
0x359: {  	s29 =	sor.u32 s1, s2;
	v61 =	vsel vm11, $0x3F, v2;
	v1 =	vsel vm11, v2, v1;
	v2 =	vsel vm6, v4, v3;
	v3 =	vpop (erf)  }
0x35a: {  	s25 =	sand.u32 $0x300, s22;
	v63 =	vmul.f32 v3, v47;
	[tilespmem:s29+$0x8000] =	vst v3;
	v3 =	vld [tilespmem:$0x1FCE0]  }
0x35b: {  	s31 =	rddreg [dreg:$0xa];
	s0 =	sor.u32 s23, s25;
	v5 =	vmul.f32 v45, v26  }
0x35c: {  	s1 =	sadd.s32 $0x2, s31;
	[tilespmem:s0+$0x8100] =	vst v45  }
0x35d: {  	p0 =	slt.u32 s1, $0x16;
	[tilespmem:s0+$0x8180] =	vst v5;
	vm14 =	vnez.u8 v62  }
.Ltmp1:
0x35e: {  	[tilespmem:s0+$0x8580] =	vst v1;
	v1 =	vsel vm6, $0x3D, v4;
	v2 =	vsel vm14, $0x3E, v2;
	(pc) =	sbr.rel @p0 .LBB2_4-.Ltmp1, $4  }
0x35f: {  	[tilespmem:s0+$0x8500] =	vst v61;
	v2 =	vsel vm3, v1, v2;
	v1 =	vsel vm3, $0x3E, v1;
	vm15 =	vnez.u8 v3  }
0x360: {  	[tilespmem:s29+$0x8080] =	vst v63;
	v3 =	vsel vm2, $0x3F, v1;
	v2 =	vsel vm15, $0x3F, v2  }
0x361: {  	s21 =	sadd.s32 $0x100, s21;
	s30 =	rddreg [dreg:$0xb];
	[tilespmem:s29+$0x8400] =	vst v3;
	v1 =	vsel vm2, v1, v2  }
0x362: {  	s19 =	sadd.s32 $0x20, s19;
	s22 =	sadd.s32 $0x40, s22;
	s2 =	sadd.s32 $0x1, s30;
	[tilespmem:s29+$0x8480] =	vst v1  }
0x363: {  	s6 =	simm.s32 $0x0  }
0x364: {  	s0 =	rddreg [dreg:$0x6];
	s1 =	simm.s32 $0x8000;
	s28 =	simm.s32 $0x3  }
0x365: {  	[hbm4b:s0+s6] =	stream.linear.scatter [tilespmem:s1], [sflag:$0x3], $0x400, $0x38;
	[tilespmem:$0x8800] =	vst v63  }
0x366: {  	_ =	swait.ge [sflag:s28], $0x400  }
0x367: {  	[sflag:s28] =	ssyncset.done $0x0  }
0x368: {  	s2 =	simm.s32 $0x8400;
	s29 =	rddreg [dreg:$0x7];
	[sflag:s28] =	ssyncadd.s32 $0xFFFFFC00  }
0x369: {  	[hbm4b:s29+s6] =	stream.linear.scatter [tilespmem:s2], [sflag:$0x3], $0x400, $0x38;
	[tilespmem:$0x8800] =	vst v63  }
0x36a: {  	_ =	swait.ge [sflag:s28], $0x400  }
0x36b: {  	s30 =	rddreg [dreg:$0x9]  }
0x36c: {  	s31 =	rddreg [dreg:$0x8];
	s2 =	sadd.s32 $0x1, s30  }
0x36d: {  	p0 =	sne.s32 s2, s31  }
.Ltmp2:
0x36e: {  	_ = 	snop;
	(pc) =	sbr.rel @p0 .LBB2_1-.Ltmp2, $3  }
0x36f: {  	_ =	sdelay $0x1  }
0x370: {  	[sflag:s28] =	ssyncset.done $0x0  }
0x371: {  	[sflag:s28] =	ssyncadd.s32 $0xFFFFFC00  }
0x372: {  	_ =	sfence.sel $0x180000  }
0x373: {  	[bflag:$0x0] =	sbarrier.arrive $0xFFFF  }
0x374: {  	_ =	strace $0x90000047  }
0x375: {  	s0 =	stileid.u32;
	[bflag:$0x2] =	sbarrier.arrive $0xFFFF  }
0x376: {  	p0 =	sne.s32 s0, $0x0;
	s0 =	rddreg [dreg:$0x3]  }
0x377: {  	s0 =	sadd.s32 @!p0 $0x100000, s0  }
0x378: {  	[sflag:s0] =	ssyncadd.tile.s32 @!p0 $0x1;
	_ =	shalt  }
.Lfunc_end2:
_tile_overlayer_lowered:
.L_overlay_start_2:
0x379: {  	(tag) =	ssettag $0x2  }
0x37a: {  	s0 =	rddreg [dreg:$0x0];
	s2 =	stileid.u32  }
0x37b: {  	s1 =	rddreg [dreg:$0x1];
	p0 =	sne.s32 s2, $0x0  }
0x37c: {  	s3 =	rddreg [dreg:$0x2];
	[bflag:$0x3] =	sbarrier.arrive $0xFFFF;
	s2 =	simm.s32 @!p0 $0x1C03  }
0x37d: {  	[timem:s3], [sflag:s2] =	dma.local @!p0 [hbm:s0], s1  }
0x37e: {  	s0 =	simm.s32 @!p0 $0x3  }
0x37f: {  	_ =	swait.ge @!p0 [sflag:s0], s1  }
0x380: {  	s1 =	ssub.s32 @!p0 $0x0, s1;
	[sflag:s0] =	ssyncset.done @!p0 $0x0  }
0x381: {  	[sflag:s0] =	ssyncadd.s32 @!p0 s1  }
0x382: {  	[bflag:$0x3] =	sbarrier.arrive $0xFFFF  }
0x383: {  	_ =	shalt  }

</sc_bundles>
